<compile_context>
chip_gen: v7x
topology: tpu7x:2x2x1
jax: 0.10.2.dev20260603
libtpu: 0.0.44.dev20260713+nightly
codegen_flags: <defaults>
</compile_context>

<pallas_src>
import functools

import jax
import jax.numpy as jnp
from jax import lax
from jax.experimental import pallas as pl
from jax.experimental.pallas import tpu as pltpu
from jax.experimental.pallas import tpu_sc as plsc

N = 10000
E_RAW = 320000
E_TOT = E_RAW + N
NUM_TYPES = 64
HID = 128
NUM_GRAPHS = 16

NC = 2
NS = 16
HH = HID // NC
K = 128
CHUNKS = -(-E_TOT // (NS * K))
EPT = CHUNKS * K
E_PAD = NS * EPT
N_PAD = 10240
ROWS_PER_TILE = N_PAD // NS
BN = N
GRID = N // BN


def _node1_body(pos_ref, z_ref, emb_ref, w1a_ref, w1b_ref, asw_ref, adw_ref,
                h_ref, as_ref, ad_ref):
    zb = z_ref[0, 0, :]
    oh = (zb[:, None] == lax.broadcasted_iota(jnp.int32, (BN, NUM_TYPES), 1))
    oh = oh.astype(jnp.float32)
    m = jnp.dot(emb_ref[...], w1b_ref[...], preferred_element_type=jnp.float32)
    h = jnp.dot(pos_ref[...], w1a_ref[...], preferred_element_type=jnp.float32)
    h = h + jnp.dot(oh, m, preferred_element_type=jnp.float32)
    h_ref[0] = h[:, :HH].astype(jnp.bfloat16)
    h_ref[1] = h[:, HH:].astype(jnp.bfloat16)
    as_ref[0, 0, :] = jnp.sum(h * asw_ref[...], axis=1)
    ad_ref[0, 0, :] = jnp.sum(h * adw_ref[...], axis=1)


_node1 = pl.pallas_call(
    _node1_body,
    grid=(GRID,),
    in_specs=[
        pl.BlockSpec((BN, 3), lambda i: (i, 0)),
        pl.BlockSpec((1, 1, BN), lambda i: (i, 0, 0)),
        pl.BlockSpec((NUM_TYPES, HID), lambda i: (0, 0)),
        pl.BlockSpec((3, HID), lambda i: (0, 0)),
        pl.BlockSpec((HID, HID), lambda i: (0, 0)),
        pl.BlockSpec((1, HID), lambda i: (0, 0)),
        pl.BlockSpec((1, HID), lambda i: (0, 0)),
    ],
    out_specs=[
        pl.BlockSpec((NC, BN, HH), lambda i: (0, i, 0)),
        pl.BlockSpec((1, 1, BN), lambda i: (i, 0, 0)),
        pl.BlockSpec((1, 1, BN), lambda i: (i, 0, 0)),
    ],
    out_shape=[
        jax.ShapeDtypeStruct((NC, N, HH), jnp.bfloat16),
        jax.ShapeDtypeStruct((GRID, 1, BN), jnp.float32),
        jax.ShapeDtypeStruct((GRID, 1, BN), jnp.float32),
    ],
)


_sc_mesh = plsc.VectorSubcoreMesh(core_axis_name="c", subcore_axis_name="s",
                                  num_cores=NC, num_subcores=NS)


@functools.partial(
    pl.kernel,
    out_type=(
        jax.ShapeDtypeStruct((NC, N_PAD, HH), jnp.bfloat16),
        jax.ShapeDtypeStruct((NC, N_PAD), jnp.float32),
    ),
    mesh=_sc_mesh,
    compiler_params=pltpu.CompilerParams(needs_layout_passes=False,
                                         use_tc_tiling_on_sc=False),
    scratch_types=(
        pltpu.VMEM((N,), jnp.float32),
        pltpu.VMEM((N,), jnp.float32),
        pltpu.VMEM((CHUNKS, K), jnp.int32),
        pltpu.VMEM((CHUNKS, K), jnp.int32),
        pltpu.VMEM((CHUNKS, K), jnp.float32),
        pltpu.VMEM((K, HH), jnp.bfloat16),
        pltpu.VMEM((K, HH), jnp.bfloat16),
        pltpu.VMEM((K, HH), jnp.bfloat16),
        pltpu.VMEM((N_PAD // NS,), jnp.float32),
        pltpu.VMEM_SHARED((N_PAD, HH), jnp.bfloat16),
        pltpu.VMEM_SHARED((N_PAD,), jnp.float32),
        pltpu.SemaphoreType.DMA,
        pltpu.SemaphoreType.DMA,
    ),
)
def _sc_edges(h_hbm, as_hbm, ad_hbm, src_hbm, dst_hbm,
              acc_out, den_out,
              as_v, ad_v, src_v, dst_v, w_v, rv0, rv1, zbuf, zden,
              acc_s, den_s, sem0, sem1):
    cid = lax.axis_index("c")
    sid = lax.axis_index("s")

    pltpu.sync_copy(src_hbm.at[sid], src_v)
    pltpu.sync_copy(dst_hbm.at[sid], dst_v)
    pltpu.sync_copy(as_hbm, as_v)
    pltpu.sync_copy(ad_hbm, ad_v)

    def zb_body(i, carry):
        zbuf[i // (HH // 32), pl.ds((i % (HH // 32)) * 32, 32)] = (
            jnp.zeros((32,), jnp.bfloat16))
        return carry
    lax.fori_loop(0, K * (HH // 32), zb_body, 0)

    def zd_body(i, carry):
        zden[pl.ds(i * 16, 16)] = jnp.zeros((16,), jnp.float32)
        return carry
    lax.fori_loop(0, (N_PAD // NS) // 16, zd_body, 0)

    base_row = sid * ROWS_PER_TILE
    for g in range(ROWS_PER_TILE // K):
        pltpu.sync_copy(zbuf, acc_s.at[pl.ds(base_row + g * K, K)])
    pltpu.sync_copy(zden, den_s.at[pl.ds(base_row, ROWS_PER_TILE)])
    plsc.subcore_barrier()

    ebase = sid * EPT

    def w_body(v, carry):
        j = v // (K // 16)
        k = v % (K // 16)
        s16 = src_v[j, pl.ds(k * 16, 16)]
        d16 = dst_v[j, pl.ds(k * 16, 16)]
        e = plsc.load_gather(as_v, [s16]) + plsc.load_gather(ad_v, [d16])
        e = jnp.where(e >= 0.0, e, 0.2 * e)
        w = jnp.exp(e)
        gid = ebase + v * 16 + lax.iota(jnp.int32, 16)
        w = jnp.where(gid < E_TOT, w, 0.0)
        w_v[j, pl.ds(k * 16, 16)] = w
        return carry
    lax.fori_loop(0, CHUNKS * (K // 16), w_body, 0)

    hc = h_hbm.at[cid]

    def _scale(rv, j):
        def e_body(kk, c2):
            w16 = w_v[j, pl.ds(kk * 16, 16)]
            for e in range(16):
                wf = jnp.full((16,), w16[e], jnp.float32)
                wvb = plsc.pack(wf, wf, format=plsc.PackFormat.INTERLEAVED)
                row = kk * 16 + e
                for g in range(HH // 32):
                    rv[row, pl.ds(g * 32, 32)] = (
                        rv[row, pl.ds(g * 32, 32)] * wvb)
            return c2
        lax.fori_loop(0, K // 16, e_body, 0)

    def _den(j):
        pltpu.sync_copy(w_v.at[j], den_s.at[dst_v.at[j]], add=True)

    pltpu.async_copy(hc.at[src_v.at[0]], rv0, sem0)

    def f_body(i, carry):
        j0 = 2 * i
        pltpu.async_copy(hc.at[src_v.at[j0 + 1]], rv1, sem1)
        pltpu.make_async_copy(hc.at[src_v.at[j0]], rv0, sem0).wait()
        _scale(rv0, j0)
        pltpu.sync_copy(rv0, acc_s.at[dst_v.at[j0]], add=True)
        _den(j0)

        @pl.when(j0 + 2 < CHUNKS)
        def _():
            pltpu.async_copy(hc.at[src_v.at[j0 + 2]], rv0, sem0)
        pltpu.make_async_copy(hc.at[src_v.at[j0 + 1]], rv1, sem1).wait()
        _scale(rv1, j0 + 1)
        pltpu.sync_copy(rv1, acc_s.at[dst_v.at[j0 + 1]], add=True)
        _den(j0 + 1)
        return carry
    lax.fori_loop(0, CHUNKS // 2, f_body, 0)

    plsc.subcore_barrier()
    pltpu.sync_copy(acc_s.at[pl.ds(base_row, ROWS_PER_TILE)],
                    acc_out.at[cid, pl.ds(base_row, ROWS_PER_TILE)])
    pltpu.sync_copy(den_s.at[pl.ds(base_row, ROWS_PER_TILE)],
                    den_out.at[cid, pl.ds(base_row, ROWS_PER_TILE)])


def _mid_body(acc_ref, den_ref, b_ref, w_ref, asw_ref, adw_ref,
              h_ref, as_ref, ad_ref):
    a = jnp.concatenate([acc_ref[0], acc_ref[1]], axis=-1).astype(jnp.float32)
    dn = den_ref[0, 0, 0, :] + 1e-16
    x = a / dn[:, None] + b_ref[...]
    x = jnp.where(x > 0.0, x, jnp.exp(x) - 1.0)
    h = jnp.dot(x, w_ref[...], preferred_element_type=jnp.float32)
    h_ref[0] = h[:, :HH].astype(jnp.bfloat16)
    h_ref[1] = h[:, HH:].astype(jnp.bfloat16)
    as_ref[0, 0, :] = jnp.sum(h * asw_ref[...], axis=1)
    ad_ref[0, 0, :] = jnp.sum(h * adw_ref[...], axis=1)


_mid = pl.pallas_call(
    _mid_body,
    grid=(GRID,),
    in_specs=[
        pl.BlockSpec((NC, BN, HH), lambda i: (0, i, 0)),
        pl.BlockSpec((NC, 1, 1, BN), lambda i: (0, i, 0, 0)),
        pl.BlockSpec((1, HID), lambda i: (0, 0)),
        pl.BlockSpec((HID, HID), lambda i: (0, 0)),
        pl.BlockSpec((1, HID), lambda i: (0, 0)),
        pl.BlockSpec((1, HID), lambda i: (0, 0)),
    ],
    out_specs=[
        pl.BlockSpec((NC, BN, HH), lambda i: (0, i, 0)),
        pl.BlockSpec((1, 1, BN), lambda i: (i, 0, 0)),
        pl.BlockSpec((1, 1, BN), lambda i: (i, 0, 0)),
    ],
    out_shape=[
        jax.ShapeDtypeStruct((NC, N, HH), jnp.bfloat16),
        jax.ShapeDtypeStruct((GRID, 1, BN), jnp.float32),
        jax.ShapeDtypeStruct((GRID, 1, BN), jnp.float32),
    ],
)


def _final_body(acc_ref, den_ref, b_ref, wl_ref, bl_ref, batch_ref,
                out_ref, ssum, scnt):
    i = pl.program_id(0)

    @pl.when(i == 0)
    def _():
        ssum[...] = jnp.zeros((NUM_GRAPHS, HID), jnp.float32)
        scnt[...] = jnp.zeros((NUM_GRAPHS, HID), jnp.float32)

    a = jnp.concatenate([acc_ref[0], acc_ref[1]], axis=-1).astype(jnp.float32)
    dn = den_ref[0, 0, 0, :] + 1e-16
    x = a / dn[:, None] + b_ref[...]
    x = jnp.where(x > 0.0, x, jnp.exp(x) - 1.0)
    y = jnp.dot(x, wl_ref[...], preferred_element_type=jnp.float32) + bl_ref[...]
    bb = batch_ref[0, 0, :]
    oh = (bb[:, None] == lax.broadcasted_iota(jnp.int32, (BN, NUM_GRAPHS), 1))
    oh = oh.astype(jnp.float32)
    ssum[...] += lax.dot_general(oh, y, (((0,), (0,)), ((), ())),
                                 preferred_element_type=jnp.float32)
    scnt[...] += lax.dot_general(oh, jnp.ones((BN, HID), jnp.float32),
                                 (((0,), (0,)), ((), ())),
                                 preferred_element_type=jnp.float32)

    @pl.when(i == GRID - 1)
    def _():
        out_ref[...] = ssum[...] / jnp.maximum(scnt[...], 1.0)


_final = pl.pallas_call(
    _final_body,
    grid=(GRID,),
    in_specs=[
        pl.BlockSpec((NC, BN, HH), lambda i: (0, i, 0)),
        pl.BlockSpec((NC, 1, 1, BN), lambda i: (0, i, 0, 0)),
        pl.BlockSpec((1, HID), lambda i: (0, 0)),
        pl.BlockSpec((HID, HID), lambda i: (0, 0)),
        pl.BlockSpec((1, HID), lambda i: (0, 0)),
        pl.BlockSpec((1, 1, BN), lambda i: (i, 0, 0)),
    ],
    out_specs=pl.BlockSpec((NUM_GRAPHS, HID), lambda i: (0, 0)),
    out_shape=jax.ShapeDtypeStruct((NUM_GRAPHS, HID), jnp.float32),
    scratch_shapes=[
        pltpu.VMEM((NUM_GRAPHS, HID), jnp.float32),
        pltpu.VMEM((NUM_GRAPHS, HID), jnp.float32),
    ],
)


def kernel(pos, z, edge_index, batch, emb, W1, a_s1, a_d1, b1,
           W2, a_s2, a_d2, b2, Wl, bl):
    z3 = z.astype(jnp.int32).reshape(GRID, 1, BN)
    batch3 = batch.astype(jnp.int32).reshape(GRID, 1, BN)
    loop = jnp.arange(N, dtype=jnp.int32)
    src = jnp.concatenate([edge_index[0].astype(jnp.int32), loop])
    dst = jnp.concatenate([edge_index[1].astype(jnp.int32), loop])
    pad = E_PAD - E_TOT
    src = jnp.concatenate([src, jnp.zeros((pad,), jnp.int32)]).reshape(NS, CHUNKS, K)
    dst = jnp.concatenate([dst, jnp.zeros((pad,), jnp.int32)]).reshape(NS, CHUNKS, K)

    h1, as1, ad1 = _node1(pos, z3, emb, W1[:3], W1[3:],
                          a_s1.reshape(1, HID), a_d1.reshape(1, HID))
    acc1, den1 = _sc_edges(h1, as1.reshape(N), ad1.reshape(N), src, dst)
    h2, as2, ad2 = _mid(acc1[:, :N],
                        den1[:1, :N].reshape(1, GRID, 1, BN),
                        b1.reshape(1, HID), W2,
                        a_s2.reshape(1, HID), a_d2.reshape(1, HID))
    acc2, den2 = _sc_edges(h2, as2.reshape(N), ad2.reshape(N), src, dst)
    out = _final(acc2,
                 den2[:, :N].reshape(NC, GRID, 1, BN),
                 b2.reshape(1, HID), Wl, bl.reshape(1, HID), batch3)
    return out

# --- scband reference (transcript-rebuilt; emitter-appended) ---
"""Pipeline reference for scband-equivariant-gnn-gat-54211077210112 (READ-ONLY COPY).

The authoritative reference and input builder live on the scoring server;
editing this copy changes nothing except your own understanding.
"""

import jax, jax.numpy as jnp
import numpy as np

N = 10000
E = 320000
NUM_TYPES = 64
D_FEAT = 128
HID = 128
OUT = 128
NUM_GRAPHS = 16


def _gat_conv(x, src, dst, W, a_s, a_d, b):
    h = x @ W
    alpha_src = h @ a_s
    alpha_dst = h @ a_d
    e = jax.nn.leaky_relu(alpha_src[src] + alpha_dst[dst], negative_slope=0.2)
    e_max = jax.lax.stop_gradient(jax.ops.segment_max(e, dst, num_segments=N))
    e_max = jnp.where(jnp.isfinite(e_max), e_max, 0.0)
    ex = jnp.exp(e - e_max[dst])
    denom = jax.ops.segment_sum(ex, dst, num_segments=N)
    alpha = ex / (denom[dst] + 1e-16)
    out = jax.ops.segment_sum(h[src] * alpha[:, None], dst, num_segments=N)
    return out + b


def setup_inputs(seed: int = 0):
    key = jax.random.key(seed)
    ks = jax.random.split(key, 14)
    pos = jax.random.normal(ks[0], (N, 3), dtype=jnp.float32)
    z = jax.random.randint(ks[1], (N,), 0, NUM_TYPES)
    edge_index = jax.random.randint(ks[2], (2, E), 0, N)
    batch = jnp.sort(jax.random.randint(ks[3], (N,), 0, NUM_GRAPHS))
    emb = jax.random.normal(ks[4], (NUM_TYPES, D_FEAT), dtype=jnp.float32)
    in1 = D_FEAT + 3
    W1 = jax.random.normal(ks[5], (in1, HID), dtype=jnp.float32) / np.sqrt(in1)
    a_s1 = jax.random.normal(ks[6], (HID,), dtype=jnp.float32) * 0.1
    a_d1 = jax.random.normal(ks[7], (HID,), dtype=jnp.float32) * 0.1
    b1 = jnp.zeros((HID,), dtype=jnp.float32)
    W2 = jax.random.normal(ks[8], (HID, HID), dtype=jnp.float32) / np.sqrt(HID)
    a_s2 = jax.random.normal(ks[9], (HID,), dtype=jnp.float32) * 0.1
    a_d2 = jax.random.normal(ks[10], (HID,), dtype=jnp.float32) * 0.1
    b2 = jnp.zeros((HID,), dtype=jnp.float32)
    Wl = jax.random.normal(ks[11], (HID, OUT), dtype=jnp.float32) / np.sqrt(HID)
    bl = jnp.zeros((OUT,), dtype=jnp.float32)
    return {"pos": pos, "z": z, "edge_index": edge_index, "batch": batch,
            "emb": emb, "W1": W1, "a_s1": a_s1, "a_d1": a_d1, "b1": b1,
            "W2": W2, "a_s2": a_s2, "a_d2": a_d2, "b2": b2, "Wl": Wl, "bl": bl}


def reference(pos, z, edge_index, batch, emb, W1, a_s1, a_d1, b1, W2, a_s2, a_d2, b2, Wl, bl):
    x = jnp.concatenate([pos, jnp.take(emb, z, axis=0)], axis=-1)
    loop = jnp.arange(N)
    src = jnp.concatenate([edge_index[0], loop])
    dst = jnp.concatenate([edge_index[1], loop])
    x = jax.nn.elu(_gat_conv(x, src, dst, W1, a_s1, a_d1, b1))
    x = jax.nn.elu(_gat_conv(x, src, dst, W2, a_s2, a_d2, b2))
    x = x @ Wl + bl
    ssum = jax.ops.segment_sum(x, batch, num_segments=NUM_GRAPHS)
    cnt = jax.ops.segment_sum(jnp.ones((N,), dtype=jnp.float32), batch, num_segments=NUM_GRAPHS)
    return ssum / jnp.maximum(cnt, 1.0)[:, None]

if __name__ == "__main__":
    import jax
    _d = setup_inputs()
    print(jax.jit(kernel)(*tuple(_d.values())))

</pallas_src>

<mosaic_0001>
#map = affine_map<(d0, d1) -> (0, 0, 0)>
#map1 = affine_map<(d0, d1) -> (0)>
#map2 = affine_map<(d0, d1) -> (0, 0)>
module attributes {stable_mosaic.version = 14 : i64} {
  func.func @_sc_edges(%arg0: i32, %arg1: i32, %arg2: memref<2x10000x64xbf16, #tpu.memory_space<hbm>>, %arg3: memref<10000xf32, #tpu.memory_space<hbm>>, %arg4: memref<10000xf32, #tpu.memory_space<hbm>>, %arg5: memref<16x162x128xi32, #tpu.memory_space<hbm>>, %arg6: memref<16x162x128xi32, #tpu.memory_space<hbm>>, %arg7: memref<2x10240x64xbf16, #tpu.memory_space<hbm>>, %arg8: memref<2x10240xf32, #tpu.memory_space<hbm>>, %arg9: memref<10000xf32, #tpu.memory_space<vmem>>, %arg10: memref<10000xf32, #tpu.memory_space<vmem>>, %arg11: memref<162x128xi32, #tpu.memory_space<vmem>>, %arg12: memref<162x128xi32, #tpu.memory_space<vmem>>, %arg13: memref<162x128xf32, #tpu.memory_space<vmem>>, %arg14: memref<128x64xbf16, #tpu.memory_space<vmem>>, %arg15: memref<128x64xbf16, #tpu.memory_space<vmem>>, %arg16: memref<128x64xbf16, #tpu.memory_space<vmem>>, %arg17: memref<640xf32, #tpu.memory_space<vmem>>, %arg18: memref<10240x64xbf16, #tpu.memory_space<vmem_shared>>, %arg19: memref<10240xf32, #tpu.memory_space<vmem_shared>>, %arg20: memref<!tpu.dma_semaphore, #tpu.memory_space<semaphore_mem>>, %arg21: memref<!tpu.dma_semaphore, #tpu.memory_space<semaphore_mem>>) attributes {dimension_semantics = [#tpu.dimension_semantics<core_parallel>, #tpu.dimension_semantics<subcore_parallel>], iteration_bounds = array<i64: 2, 16>, scalar_prefetch = 0 : i64, scratch_operands = 13 : i64, tpu.core_type = #tpu.core_type<sc_vector_subcore>, window_params = [{transform_indices = #map}, {transform_indices = #map1}, {transform_indices = #map1}, {transform_indices = #map}, {transform_indices = #map}, {transform_indices = #map}, {transform_indices = #map2}]} {
    "tpu.region"() ({
      %run_scoped3A = tpu.sem_alloc : memref<!tpu.dma_semaphore, #tpu.memory_space<semaphore_mem>>
      %dma_start3A_46 = arith.constant 0 : i32
      %dma_start3A_47 = arith.constant 0 : i32
      %dma_start3A_48 = tpu.memref_slice %arg5[%arg1, %dma_start3A_46, %dma_start3A_47] : memref<16x162x128xi32, #tpu.memory_space<hbm>> -> memref<1x162x128xi32, #tpu.memory_space<hbm>>
      %dma_start3A_49 = tpu.memref_squeeze %dma_start3A_48 : memref<1x162x128xi32, #tpu.memory_space<hbm>> -> memref<162x128xi32, #tpu.memory_space<hbm>>
      %dma_start3A_50 = arith.constant 0 : i32
      %dma_start3A_51 = arith.constant 0 : i32
      %dma_start3A_52 = tpu.memref_slice %arg5[%arg1, %dma_start3A_50, %dma_start3A_51] : memref<16x162x128xi32, #tpu.memory_space<hbm>> -> memref<1x162x128xi32, #tpu.memory_space<hbm>>
      %dma_start3A_53 = tpu.memref_squeeze %dma_start3A_52 : memref<1x162x128xi32, #tpu.memory_space<hbm>> -> memref<162x128xi32, #tpu.memory_space<hbm>>
      tpu.enqueue_dma source(%dma_start3A_53 : memref<162x128xi32, #tpu.memory_space<hbm>>) target(%arg11 : memref<162x128xi32, #tpu.memory_space<vmem>>) target_semaphore(%run_scoped3A : memref<!tpu.dma_semaphore, #tpu.memory_space<semaphore_mem>>)
      %dma_wait3A = arith.constant 0 : i32
      %dma_wait3A_54 = arith.constant 0 : i32
      %dma_wait3A_55 = tpu.memref_slice %arg5[%arg1, %dma_wait3A, %dma_wait3A_54] : memref<16x162x128xi32, #tpu.memory_space<hbm>> -> memref<1x162x128xi32, #tpu.memory_space<hbm>>
      %dma_wait3A_56 = tpu.memref_squeeze %dma_wait3A_55 : memref<1x162x128xi32, #tpu.memory_space<hbm>> -> memref<162x128xi32, #tpu.memory_space<hbm>>
      %dma_wait3A_57 = arith.constant 0 : i32
      %dma_wait3A_58 = arith.constant 0 : i32
      %dma_wait3A_59 = tpu.memref_slice %arg5[%arg1, %dma_wait3A_57, %dma_wait3A_58] : memref<16x162x128xi32, #tpu.memory_space<hbm>> -> memref<1x162x128xi32, #tpu.memory_space<hbm>>
      %dma_wait3A_60 = tpu.memref_squeeze %dma_wait3A_59 : memref<1x162x128xi32, #tpu.memory_space<hbm>> -> memref<162x128xi32, #tpu.memory_space<hbm>>
      tpu.wait_dma2 semaphore(%run_scoped3A : memref<!tpu.dma_semaphore, #tpu.memory_space<semaphore_mem>>) src(%dma_wait3A_60 : memref<162x128xi32, #tpu.memory_space<hbm>>) dst(%arg11 : memref<162x128xi32, #tpu.memory_space<vmem>>)
      tpu.yield
    }) : () -> ()
    "tpu.region"() ({
      %run_scoped3A = tpu.sem_alloc : memref<!tpu.dma_semaphore, #tpu.memory_space<semaphore_mem>>
      %dma_start3A_46 = arith.constant 0 : i32
      %dma_start3A_47 = arith.constant 0 : i32
      %dma_start3A_48 = tpu.memref_slice %arg6[%arg1, %dma_start3A_46, %dma_start3A_47] : memref<16x162x128xi32, #tpu.memory_space<hbm>> -> memref<1x162x128xi32, #tpu.memory_space<hbm>>
      %dma_start3A_49 = tpu.memref_squeeze %dma_start3A_48 : memref<1x162x128xi32, #tpu.memory_space<hbm>> -> memref<162x128xi32, #tpu.memory_space<hbm>>
      %dma_start3A_50 = arith.constant 0 : i32
      %dma_start3A_51 = arith.constant 0 : i32
      %dma_start3A_52 = tpu.memref_slice %arg6[%arg1, %dma_start3A_50, %dma_start3A_51] : memref<16x162x128xi32, #tpu.memory_space<hbm>> -> memref<1x162x128xi32, #tpu.memory_space<hbm>>
      %dma_start3A_53 = tpu.memref_squeeze %dma_start3A_52 : memref<1x162x128xi32, #tpu.memory_space<hbm>> -> memref<162x128xi32, #tpu.memory_space<hbm>>
      tpu.enqueue_dma source(%dma_start3A_53 : memref<162x128xi32, #tpu.memory_space<hbm>>) target(%arg12 : memref<162x128xi32, #tpu.memory_space<vmem>>) target_semaphore(%run_scoped3A : memref<!tpu.dma_semaphore, #tpu.memory_space<semaphore_mem>>)
      %dma_wait3A = arith.constant 0 : i32
      %dma_wait3A_54 = arith.constant 0 : i32
      %dma_wait3A_55 = tpu.memref_slice %arg6[%arg1, %dma_wait3A, %dma_wait3A_54] : memref<16x162x128xi32, #tpu.memory_space<hbm>> -> memref<1x162x128xi32, #tpu.memory_space<hbm>>
      %dma_wait3A_56 = tpu.memref_squeeze %dma_wait3A_55 : memref<1x162x128xi32, #tpu.memory_space<hbm>> -> memref<162x128xi32, #tpu.memory_space<hbm>>
      %dma_wait3A_57 = arith.constant 0 : i32
      %dma_wait3A_58 = arith.constant 0 : i32
      %dma_wait3A_59 = tpu.memref_slice %arg6[%arg1, %dma_wait3A_57, %dma_wait3A_58] : memref<16x162x128xi32, #tpu.memory_space<hbm>> -> memref<1x162x128xi32, #tpu.memory_space<hbm>>
      %dma_wait3A_60 = tpu.memref_squeeze %dma_wait3A_59 : memref<1x162x128xi32, #tpu.memory_space<hbm>> -> memref<162x128xi32, #tpu.memory_space<hbm>>
      tpu.wait_dma2 semaphore(%run_scoped3A : memref<!tpu.dma_semaphore, #tpu.memory_space<semaphore_mem>>) src(%dma_wait3A_60 : memref<162x128xi32, #tpu.memory_space<hbm>>) dst(%arg12 : memref<162x128xi32, #tpu.memory_space<vmem>>)
      tpu.yield
    }) : () -> ()
    "tpu.region"() ({
      %run_scoped3A = tpu.sem_alloc : memref<!tpu.dma_semaphore, #tpu.memory_space<semaphore_mem>>
      tpu.enqueue_dma source(%arg3 : memref<10000xf32, #tpu.memory_space<hbm>>) target(%arg9 : memref<10000xf32, #tpu.memory_space<vmem>>) target_semaphore(%run_scoped3A : memref<!tpu.dma_semaphore, #tpu.memory_space<semaphore_mem>>)
      tpu.wait_dma2 semaphore(%run_scoped3A : memref<!tpu.dma_semaphore, #tpu.memory_space<semaphore_mem>>) src(%arg3 : memref<10000xf32, #tpu.memory_space<hbm>>) dst(%arg9 : memref<10000xf32, #tpu.memory_space<vmem>>)
      tpu.yield
    }) : () -> ()
    "tpu.region"() ({
      %run_scoped3A = tpu.sem_alloc : memref<!tpu.dma_semaphore, #tpu.memory_space<semaphore_mem>>
      tpu.enqueue_dma source(%arg4 : memref<10000xf32, #tpu.memory_space<hbm>>) target(%arg10 : memref<10000xf32, #tpu.memory_space<vmem>>) target_semaphore(%run_scoped3A : memref<!tpu.dma_semaphore, #tpu.memory_space<semaphore_mem>>)
      tpu.wait_dma2 semaphore(%run_scoped3A : memref<!tpu.dma_semaphore, #tpu.memory_space<semaphore_mem>>) src(%arg4 : memref<10000xf32, #tpu.memory_space<hbm>>) dst(%arg10 : memref<10000xf32, #tpu.memory_space<vmem>>)
      tpu.yield
    }) : () -> ()
    %scan3A = arith.constant 0 : i32
    %scan3A_0 = arith.constant 0 : i32
    %scan3A_1 = arith.constant 256 : i32
    %scan3A_2 = arith.addi %scan3A_0, %scan3A_1 : i32
    %scan3A_3 = arith.constant 1 : i32
    scf.for %scan3A_46 = %scan3A_0 to %scan3A_2 step %scan3A_3  : i32 {
      %broadcast_in_dim3A = arith.constant 0.000000e+00 : bf16
      %broadcast_in_dim3A_47 = vector.broadcast %broadcast_in_dim3A : bf16 to vector<32xbf16>
      %jit3A = arith.constant 2 : i32
      %div3A = arith.divsi %scan3A_46, %jit3A : i32
      %sign3A = arith.constant 0 : i32
      %sign3A_48 = arith.cmpi sgt, %scan3A_46, %sign3A : i32
      %sign3A_49 = arith.extui %sign3A_48 : i1 to i32
      %sign3A_50 = arith.constant 0 : i32
      %sign3A_51 = arith.cmpi slt, %scan3A_46, %sign3A_50 : i32
      %sign3A_52 = arith.extui %sign3A_51 : i1 to i32
      %sign3A_53 = arith.subi %sign3A_49, %sign3A_52 : i32
      %sign3A_54 = arith.constant 0 : i32
      %sign3A_55 = arith.cmpi sgt, %jit3A, %sign3A_54 : i32
      %sign3A_56 = arith.extui %sign3A_55 : i1 to i32
      %sign3A_57 = arith.constant 0 : i32
      %sign3A_58 = arith.cmpi slt, %jit3A, %sign3A_57 : i32
      %sign3A_59 = arith.extui %sign3A_58 : i1 to i32
      %sign3A_60 = arith.subi %sign3A_56, %sign3A_59 : i32
      %ne3A = arith.cmpi ne, %sign3A_53, %sign3A_60 : i32
      %rem3A = arith.remsi %scan3A_46, %jit3A : i32
      %ne3A_61 = arith.constant 0 : i32
      %ne3A_62 = arith.cmpi ne, %rem3A, %ne3A_61 : i32
      %and3A = arith.andi %ne3A, %ne3A_62 : i1
      %sub3A = arith.constant 1 : i32
      %sub3A_63 = arith.subi %div3A, %sub3A : i32
      %select_n3A = arith.select %and3A, %sub3A_63, %div3A : i32
      %jit3A_64 = arith.constant 2 : i32
      %eq3A = arith.constant 0 : i32
      %eq3A_65 = arith.cmpi eq, %jit3A_64, %eq3A : i32
      %jit3A_66 = arith.constant 1 : i32
      %select_n3A_67 = arith.select %eq3A_65, %jit3A_66, %jit3A_64 : i32
      %rem3A_68 = arith.remsi %scan3A_46, %select_n3A_67 : i32
      %ne3A_69 = arith.constant 0 : i32
      %ne3A_70 = arith.cmpi ne, %rem3A_68, %ne3A_69 : i32
      %lt3A = arith.constant 0 : i32
      %lt3A_71 = arith.cmpi slt, %rem3A_68, %lt3A : i32
      %lt3A_72 = arith.constant 0 : i32
      %lt3A_73 = arith.cmpi slt, %select_n3A_67, %lt3A_72 : i32
      %ne3A_74 = arith.xori %lt3A_71, %lt3A_73 : i1
      %and3A_75 = arith.andi %ne3A_74, %ne3A_70 : i1
      %add3A_76 = arith.addi %rem3A_68, %select_n3A_67 : i32
      %select_n3A_77 = arith.select %and3A_75, %add3A_76, %rem3A_68 : i32
      %mul3A_78 = arith.constant 32 : i32
      %mul3A_79 = arith.muli %select_n3A_77, %mul3A_78 : i32
      %swap3A = arith.index_cast %select_n3A : i32 to index
      %swap3A_80 = arith.index_cast %mul3A_79 : i32 to index
      %swap3A_81 = tpu.vector_load %arg16[%swap3A, %swap3A_80] {strides = array<i32>} : memref<128x64xbf16, #tpu.memory_space<vmem>>, vector<32xbf16>,
      tpu.vector_store %arg16[%swap3A, %swap3A_80], %broadcast_in_dim3A_47 {strides = array<i32>} : memref<128x64xbf16, #tpu.memory_space<vmem>>, vector<32xbf16>,
    }
    %scan3A_4 = arith.constant 256 : i32
    %scan3A_5 = arith.constant 0 : i32
    %scan3A_6 = arith.constant 0 : i32
    %scan3A_7 = arith.constant 40 : i32
    %scan3A_8 = arith.addi %scan3A_6, %scan3A_7 : i32
    %scan3A_9 = arith.constant 1 : i32
    scf.for %scan3A_46 = %scan3A_6 to %scan3A_8 step %scan3A_9  : i32 {
      %broadcast_in_dim3A = arith.constant 0.000000e+00 : f32
      %broadcast_in_dim3A_47 = vector.broadcast %broadcast_in_dim3A : f32 to vector<16xf32>
      %mul3A_48 = arith.constant 16 : i32
      %mul3A_49 = arith.muli %scan3A_46, %mul3A_48 : i32
      %swap3A = arith.index_cast %mul3A_49 : i32 to index
      %swap3A_50 = tpu.vector_load %arg17[%swap3A] {strides = array<i32>} : memref<640xf32, #tpu.memory_space<vmem>>, vector<16xf32>,
      tpu.vector_store %arg17[%swap3A], %broadcast_in_dim3A_47 {strides = array<i32>} : memref<640xf32, #tpu.memory_space<vmem>>, vector<16xf32>,
    }
    %scan3A_10 = arith.constant 40 : i32
    %mul3A = arith.constant 640 : i32
    %mul3A_11 = arith.muli %arg1, %mul3A : i32
    %add3A = arith.constant 0 : i32
    %add3A_12 = arith.addi %mul3A_11, %add3A : i32
    "tpu.region"() ({
      %run_scoped3A = tpu.sem_alloc : memref<!tpu.dma_semaphore, #tpu.memory_space<semaphore_mem>>
      %dma_start3A_46 = arith.constant 0 : i32
      %dma_start3A_47 = tpu.memref_slice %arg18[%add3A_12, %dma_start3A_46] : memref<10240x64xbf16, #tpu.memory_space<vmem_shared>> -> memref<128x64xbf16, #tpu.memory_space<vmem_shared>>
      %dma_start3A_48 = arith.constant 0 : i32
      %dma_start3A_49 = tpu.memref_slice %arg18[%add3A_12, %dma_start3A_48] : memref<10240x64xbf16, #tpu.memory_space<vmem_shared>> -> memref<128x64xbf16, #tpu.memory_space<vmem_shared>>
      tpu.enqueue_dma source(%arg16 : memref<128x64xbf16, #tpu.memory_space<vmem>>) target(%dma_start3A_49 : memref<128x64xbf16, #tpu.memory_space<vmem_shared>>) target_semaphore(%run_scoped3A : memref<!tpu.dma_semaphore, #tpu.memory_space<semaphore_mem>>)
      %dma_wait3A = arith.constant 0 : i32
      %dma_wait3A_50 = tpu.memref_slice %arg18[%add3A_12, %dma_wait3A] : memref<10240x64xbf16, #tpu.memory_space<vmem_shared>> -> memref<128x64xbf16, #tpu.memory_space<vmem_shared>>
      %dma_wait3A_51 = arith.constant 0 : i32
      %dma_wait3A_52 = tpu.memref_slice %arg18[%add3A_12, %dma_wait3A_51] : memref<10240x64xbf16, #tpu.memory_space<vmem_shared>> -> memref<128x64xbf16, #tpu.memory_space<vmem_shared>>
      tpu.wait_dma2 semaphore(%run_scoped3A : memref<!tpu.dma_semaphore, #tpu.memory_space<semaphore_mem>>) src(%arg16 : memref<128x64xbf16, #tpu.memory_space<vmem>>) dst(%dma_wait3A_52 : memref<128x64xbf16, #tpu.memory_space<vmem_shared>>)
      tpu.yield
    }) : () -> ()
    %add3A_13 = arith.constant 128 : i32
    %add3A_14 = arith.addi %mul3A_11, %add3A_13 : i32
    "tpu.region"() ({
      %run_scoped3A = tpu.sem_alloc : memref<!tpu.dma_semaphore, #tpu.memory_space<semaphore_mem>>
      %dma_start3A_46 = arith.constant 0 : i32
      %dma_start3A_47 = tpu.memref_slice %arg18[%add3A_14, %dma_start3A_46] : memref<10240x64xbf16, #tpu.memory_space<vmem_shared>> -> memref<128x64xbf16, #tpu.memory_space<vmem_shared>>
      %dma_start3A_48 = arith.constant 0 : i32
      %dma_start3A_49 = tpu.memref_slice %arg18[%add3A_14, %dma_start3A_48] : memref<10240x64xbf16, #tpu.memory_space<vmem_shared>> -> memref<128x64xbf16, #tpu.memory_space<vmem_shared>>
      tpu.enqueue_dma source(%arg16 : memref<128x64xbf16, #tpu.memory_space<vmem>>) target(%dma_start3A_49 : memref<128x64xbf16, #tpu.memory_space<vmem_shared>>) target_semaphore(%run_scoped3A : memref<!tpu.dma_semaphore, #tpu.memory_space<semaphore_mem>>)
      %dma_wait3A = arith.constant 0 : i32
      %dma_wait3A_50 = tpu.memref_slice %arg18[%add3A_14, %dma_wait3A] : memref<10240x64xbf16, #tpu.memory_space<vmem_shared>> -> memref<128x64xbf16, #tpu.memory_space<vmem_shared>>
      %dma_wait3A_51 = arith.constant 0 : i32
      %dma_wait3A_52 = tpu.memref_slice %arg18[%add3A_14, %dma_wait3A_51] : memref<10240x64xbf16, #tpu.memory_space<vmem_shared>> -> memref<128x64xbf16, #tpu.memory_space<vmem_shared>>
      tpu.wait_dma2 semaphore(%run_scoped3A : memref<!tpu.dma_semaphore, #tpu.memory_space<semaphore_mem>>) src(%arg16 : memref<128x64xbf16, #tpu.memory_space<vmem>>) dst(%dma_wait3A_52 : memref<128x64xbf16, #tpu.memory_space<vmem_shared>>)
      tpu.yield
    }) : () -> ()
    %add3A_15 = arith.constant 256 : i32
    %add3A_16 = arith.addi %mul3A_11, %add3A_15 : i32
    "tpu.region"() ({
      %run_scoped3A = tpu.sem_alloc : memref<!tpu.dma_semaphore, #tpu.memory_space<semaphore_mem>>
      %dma_start3A_46 = arith.constant 0 : i32
      %dma_start3A_47 = tpu.memref_slice %arg18[%add3A_16, %dma_start3A_46] : memref<10240x64xbf16, #tpu.memory_space<vmem_shared>> -> memref<128x64xbf16, #tpu.memory_space<vmem_shared>>
      %dma_start3A_48 = arith.constant 0 : i32
      %dma_start3A_49 = tpu.memref_slice %arg18[%add3A_16, %dma_start3A_48] : memref<10240x64xbf16, #tpu.memory_space<vmem_shared>> -> memref<128x64xbf16, #tpu.memory_space<vmem_shared>>
      tpu.enqueue_dma source(%arg16 : memref<128x64xbf16, #tpu.memory_space<vmem>>) target(%dma_start3A_49 : memref<128x64xbf16, #tpu.memory_space<vmem_shared>>) target_semaphore(%run_scoped3A : memref<!tpu.dma_semaphore, #tpu.memory_space<semaphore_mem>>)
      %dma_wait3A = arith.constant 0 : i32
      %dma_wait3A_50 = tpu.memref_slice %arg18[%add3A_16, %dma_wait3A] : memref<10240x64xbf16, #tpu.memory_space<vmem_shared>> -> memref<128x64xbf16, #tpu.memory_space<vmem_shared>>
      %dma_wait3A_51 = arith.constant 0 : i32
      %dma_wait3A_52 = tpu.memref_slice %arg18[%add3A_16, %dma_wait3A_51] : memref<10240x64xbf16, #tpu.memory_space<vmem_shared>> -> memref<128x64xbf16, #tpu.memory_space<vmem_shared>>
      tpu.wait_dma2 semaphore(%run_scoped3A : memref<!tpu.dma_semaphore, #tpu.memory_space<semaphore_mem>>) src(%arg16 : memref<128x64xbf16, #tpu.memory_space<vmem>>) dst(%dma_wait3A_52 : memref<128x64xbf16, #tpu.memory_space<vmem_shared>>)
      tpu.yield
    }) : () -> ()
    %add3A_17 = arith.constant 384 : i32
    %add3A_18 = arith.addi %mul3A_11, %add3A_17 : i32
    "tpu.region"() ({
      %run_scoped3A = tpu.sem_alloc : memref<!tpu.dma_semaphore, #tpu.memory_space<semaphore_mem>>
      %dma_start3A_46 = arith.constant 0 : i32
      %dma_start3A_47 = tpu.memref_slice %arg18[%add3A_18, %dma_start3A_46] : memref<10240x64xbf16, #tpu.memory_space<vmem_shared>> -> memref<128x64xbf16, #tpu.memory_space<vmem_shared>>
      %dma_start3A_48 = arith.constant 0 : i32
      %dma_start3A_49 = tpu.memref_slice %arg18[%add3A_18, %dma_start3A_48] : memref<10240x64xbf16, #tpu.memory_space<vmem_shared>> -> memref<128x64xbf16, #tpu.memory_space<vmem_shared>>
      tpu.enqueue_dma source(%arg16 : memref<128x64xbf16, #tpu.memory_space<vmem>>) target(%dma_start3A_49 : memref<128x64xbf16, #tpu.memory_space<vmem_shared>>) target_semaphore(%run_scoped3A : memref<!tpu.dma_semaphore, #tpu.memory_space<semaphore_mem>>)
      %dma_wait3A = arith.constant 0 : i32
      %dma_wait3A_50 = tpu.memref_slice %arg18[%add3A_18, %dma_wait3A] : memref<10240x64xbf16, #tpu.memory_space<vmem_shared>> -> memref<128x64xbf16, #tpu.memory_space<vmem_shared>>
      %dma_wait3A_51 = arith.constant 0 : i32
      %dma_wait3A_52 = tpu.memref_slice %arg18[%add3A_18, %dma_wait3A_51] : memref<10240x64xbf16, #tpu.memory_space<vmem_shared>> -> memref<128x64xbf16, #tpu.memory_space<vmem_shared>>
      tpu.wait_dma2 semaphore(%run_scoped3A : memref<!tpu.dma_semaphore, #tpu.memory_space<semaphore_mem>>) src(%arg16 : memref<128x64xbf16, #tpu.memory_space<vmem>>) dst(%dma_wait3A_52 : memref<128x64xbf16, #tpu.memory_space<vmem_shared>>)
      tpu.yield
    }) : () -> ()
    %add3A_19 = arith.constant 512 : i32
    %add3A_20 = arith.addi %mul3A_11, %add3A_19 : i32
    "tpu.region"() ({
      %run_scoped3A = tpu.sem_alloc : memref<!tpu.dma_semaphore, #tpu.memory_space<semaphore_mem>>
      %dma_start3A_46 = arith.constant 0 : i32
      %dma_start3A_47 = tpu.memref_slice %arg18[%add3A_20, %dma_start3A_46] : memref<10240x64xbf16, #tpu.memory_space<vmem_shared>> -> memref<128x64xbf16, #tpu.memory_space<vmem_shared>>
      %dma_start3A_48 = arith.constant 0 : i32
      %dma_start3A_49 = tpu.memref_slice %arg18[%add3A_20, %dma_start3A_48] : memref<10240x64xbf16, #tpu.memory_space<vmem_shared>> -> memref<128x64xbf16, #tpu.memory_space<vmem_shared>>
      tpu.enqueue_dma source(%arg16 : memref<128x64xbf16, #tpu.memory_space<vmem>>) target(%dma_start3A_49 : memref<128x64xbf16, #tpu.memory_space<vmem_shared>>) target_semaphore(%run_scoped3A : memref<!tpu.dma_semaphore, #tpu.memory_space<semaphore_mem>>)
      %dma_wait3A = arith.constant 0 : i32
      %dma_wait3A_50 = tpu.memref_slice %arg18[%add3A_20, %dma_wait3A] : memref<10240x64xbf16, #tpu.memory_space<vmem_shared>> -> memref<128x64xbf16, #tpu.memory_space<vmem_shared>>
      %dma_wait3A_51 = arith.constant 0 : i32
      %dma_wait3A_52 = tpu.memref_slice %arg18[%add3A_20, %dma_wait3A_51] : memref<10240x64xbf16, #tpu.memory_space<vmem_shared>> -> memref<128x64xbf16, #tpu.memory_space<vmem_shared>>
      tpu.wait_dma2 semaphore(%run_scoped3A : memref<!tpu.dma_semaphore, #tpu.memory_space<semaphore_mem>>) src(%arg16 : memref<128x64xbf16, #tpu.memory_space<vmem>>) dst(%dma_wait3A_52 : memref<128x64xbf16, #tpu.memory_space<vmem_shared>>)
      tpu.yield
    }) : () -> ()
    "tpu.region"() ({
      %run_scoped3A = tpu.sem_alloc : memref<!tpu.dma_semaphore, #tpu.memory_space<semaphore_mem>>
      %dma_start3A_46 = tpu.memref_slice %arg19[%mul3A_11] : memref<10240xf32, #tpu.memory_space<vmem_shared>> -> memref<640xf32, #tpu.memory_space<vmem_shared>>
      %dma_start3A_47 = tpu.memref_slice %arg19[%mul3A_11] : memref<10240xf32, #tpu.memory_space<vmem_shared>> -> memref<640xf32, #tpu.memory_space<vmem_shared>>
      tpu.enqueue_dma source(%arg17 : memref<640xf32, #tpu.memory_space<vmem>>) target(%dma_start3A_47 : memref<640xf32, #tpu.memory_space<vmem_shared>>) target_semaphore(%run_scoped3A : memref<!tpu.dma_semaphore, #tpu.memory_space<semaphore_mem>>)
      %dma_wait3A = tpu.memref_slice %arg19[%mul3A_11] : memref<10240xf32, #tpu.memory_space<vmem_shared>> -> memref<640xf32, #tpu.memory_space<vmem_shared>>
      %dma_wait3A_48 = tpu.memref_slice %arg19[%mul3A_11] : memref<10240xf32, #tpu.memory_space<vmem_shared>> -> memref<640xf32, #tpu.memory_space<vmem_shared>>
      tpu.wait_dma2 semaphore(%run_scoped3A : memref<!tpu.dma_semaphore, #tpu.memory_space<semaphore_mem>>) src(%arg17 : memref<640xf32, #tpu.memory_space<vmem>>) dst(%dma_wait3A_48 : memref<640xf32, #tpu.memory_space<vmem_shared>>)
      tpu.yield
    }) : () -> ()
    %barrier3A = arith.constant 0 : index
    tpu.barrier barrier_id(%barrier3A)
    %mul3A_21 = arith.constant 20736 : i32
    %mul3A_22 = arith.muli %arg1, %mul3A_21 : i32
    %scan3A_23 = arith.constant 0 : i32
    %scan3A_24 = arith.constant 0 : i32
    %scan3A_25 = arith.constant 1296 : i32
    %scan3A_26 = arith.addi %scan3A_24, %scan3A_25 : i32
    %scan3A_27 = arith.constant 1 : i32
    scf.for %scan3A_46 = %scan3A_24 to %scan3A_26 step %scan3A_27  : i32 {
      %jit3A = arith.constant 8 : i32
      %div3A = arith.divsi %scan3A_46, %jit3A : i32
      %sign3A = arith.constant 0 : i32
      %sign3A_47 = arith.cmpi sgt, %scan3A_46, %sign3A : i32
      %sign3A_48 = arith.extui %sign3A_47 : i1 to i32
      %sign3A_49 = arith.constant 0 : i32
      %sign3A_50 = arith.cmpi slt, %scan3A_46, %sign3A_49 : i32
      %sign3A_51 = arith.extui %sign3A_50 : i1 to i32
      %sign3A_52 = arith.subi %sign3A_48, %sign3A_51 : i32
      %sign3A_53 = arith.constant 0 : i32
      %sign3A_54 = arith.cmpi sgt, %jit3A, %sign3A_53 : i32
      %sign3A_55 = arith.extui %sign3A_54 : i1 to i32
      %sign3A_56 = arith.constant 0 : i32
      %sign3A_57 = arith.cmpi slt, %jit3A, %sign3A_56 : i32
      %sign3A_58 = arith.extui %sign3A_57 : i1 to i32
      %sign3A_59 = arith.subi %sign3A_55, %sign3A_58 : i32
      %ne3A = arith.cmpi ne, %sign3A_52, %sign3A_59 : i32
      %rem3A = arith.remsi %scan3A_46, %jit3A : i32
      %ne3A_60 = arith.constant 0 : i32
      %ne3A_61 = arith.cmpi ne, %rem3A, %ne3A_60 : i32
      %and3A = arith.andi %ne3A, %ne3A_61 : i1
      %sub3A = arith.constant 1 : i32
      %sub3A_62 = arith.subi %div3A, %sub3A : i32
      %select_n3A = arith.select %and3A, %sub3A_62, %div3A : i32
      %jit3A_63 = arith.constant 8 : i32
      %eq3A = arith.constant 0 : i32
      %eq3A_64 = arith.cmpi eq, %jit3A_63, %eq3A : i32
      %jit3A_65 = arith.constant 1 : i32
      %select_n3A_66 = arith.select %eq3A_64, %jit3A_65, %jit3A_63 : i32
      %rem3A_67 = arith.remsi %scan3A_46, %select_n3A_66 : i32
      %ne3A_68 = arith.constant 0 : i32
      %ne3A_69 = arith.cmpi ne, %rem3A_67, %ne3A_68 : i32
      %lt3A = arith.constant 0 : i32
      %lt3A_70 = arith.cmpi slt, %rem3A_67, %lt3A : i32
      %lt3A_71 = arith.constant 0 : i32
      %lt3A_72 = arith.cmpi slt, %select_n3A_66, %lt3A_71 : i32
      %ne3A_73 = arith.xori %lt3A_70, %lt3A_72 : i1
      %and3A_74 = arith.andi %ne3A_73, %ne3A_69 : i1
      %add3A_75 = arith.addi %rem3A_67, %select_n3A_66 : i32
      %select_n3A_76 = arith.select %and3A_74, %add3A_75, %rem3A_67 : i32
      %mul3A_77 = arith.constant 16 : i32
      %mul3A_78 = arith.muli %select_n3A_76, %mul3A_77 : i32
      %get3A = arith.index_cast %select_n3A : i32 to index
      %get3A_79 = arith.index_cast %mul3A_78 : i32 to index
      %get3A_80 = tpu.vector_load %arg11[%get3A, %get3A_79] {strides = array<i32>} : memref<162x128xi32, #tpu.memory_space<vmem>>, vector<16xi32>,
      %mul3A_81 = arith.constant 16 : i32
      %mul3A_82 = arith.muli %select_n3A_76, %mul3A_81 : i32
      %get3A_83 = arith.index_cast %select_n3A : i32 to index
      %get3A_84 = arith.index_cast %mul3A_82 : i32 to index
      %get3A_85 = tpu.vector_load %arg12[%get3A_83, %get3A_84] {strides = array<i32>} : memref<162x128xi32, #tpu.memory_space<vmem>>, vector<16xi32>,
      %gather3A = tpu.vector_load_idx %arg9[%get3A_80] : memref<10000xf32, #tpu.memory_space<vmem>>[vector<16xi32>], vector<16xf32>,
      %gather3A_86 = tpu.vector_load_idx %arg10[%get3A_85] : memref<10000xf32, #tpu.memory_space<vmem>>[vector<16xi32>], vector<16xf32>,
      %add3A_87 = arith.addf %gather3A, %gather3A_86 : vector<16xf32>
      %ge3A = arith.constant 0.000000e+00 : f32
      %ge3A_88 = vector.broadcast %ge3A : f32 to vector<16xf32>
      %ge3A_89 = arith.cmpf oge, %add3A_87, %ge3A_88 : vector<16xf32>
      %mul3A_90 = arith.constant 2.000000e-01 : f32
      %mul3A_91 = vector.broadcast %mul3A_90 : f32 to vector<16xf32>
      %mul3A_92 = arith.mulf %mul3A_91, %add3A_87 : vector<16xf32>
      %select_n3A_93 = arith.select %ge3A_89, %add3A_87, %mul3A_92 : vector<16xi1>, vector<16xf32>
      %exp3A = math.exp %select_n3A_93 : vector<16xf32>
      %mul3A_94 = arith.constant 16 : i32
      %mul3A_95 = arith.muli %scan3A_46, %mul3A_94 : i32
      %add3A_96 = arith.addi %mul3A_22, %mul3A_95 : i32
      %iota3A = tpu.iota {dimensions = array<i32: 0>} : vector<16xi32>
      %add3A_97 = vector.broadcast %add3A_96 : i32 to vector<16xi32>
      %add3A_98 = arith.addi %add3A_97, %iota3A : vector<16xi32>
      %lt3A_99 = arith.constant 330000 : i32
      %lt3A_100 = vector.broadcast %lt3A_99 : i32 to vector<16xi32>
      %lt3A_101 = arith.cmpi slt, %add3A_98, %lt3A_100 : vector<16xi32>
      %jit3A_102 = arith.constant 0.000000e+00 : f32
      %broadcast_in_dim3A = vector.broadcast %jit3A_102 : f32 to vector<16xf32>
      %select_n3A_103 = arith.select %lt3A_101, %exp3A, %broadcast_in_dim3A : vector<16xi1>, vector<16xf32>
      %mul3A_104 = arith.constant 16 : i32
      %mul3A_105 = arith.muli %select_n3A_76, %mul3A_104 : i32
      %swap3A = arith.index_cast %select_n3A : i32 to index
      %swap3A_106 = arith.index_cast %mul3A_105 : i32 to index
      %swap3A_107 = tpu.vector_load %arg13[%swap3A, %swap3A_106] {strides = array<i32>} : memref<162x128xf32, #tpu.memory_space<vmem>>, vector<16xf32>,
      tpu.vector_store %arg13[%swap3A, %swap3A_106], %select_n3A_103 {strides = array<i32>} : memref<162x128xf32, #tpu.memory_space<vmem>>, vector<16xf32>,
    }
    %scan3A_28 = arith.constant 1296 : i32
    %dma_start3A = arith.constant 0 : i32
    %dma_start3A_29 = arith.constant 0 : i32
    %dma_start3A_30 = tpu.memref_slice %arg11[%dma_start3A, %dma_start3A_29] : memref<162x128xi32, #tpu.memory_space<vmem>> -> memref<1x128xi32, #tpu.memory_space<vmem>>
    %dma_start3A_31 = tpu.memref_squeeze %dma_start3A_30 : memref<1x128xi32, #tpu.memory_space<vmem>> -> memref<128xi32, #tpu.memory_space<vmem>>
    %dma_start3A_32 = arith.constant 0 : i32
    %dma_start3A_33 = arith.constant 0 : i32
    %dma_start3A_34 = tpu.memref_slice %arg2[%arg0, %dma_start3A_32, %dma_start3A_33] : memref<2x10000x64xbf16, #tpu.memory_space<hbm>> -> memref<1x10000x64xbf16, #tpu.memory_space<hbm>>
    %dma_start3A_35 = tpu.memref_squeeze %dma_start3A_34 : memref<1x10000x64xbf16, #tpu.memory_space<hbm>> -> memref<10000x64xbf16, #tpu.memory_space<hbm>>
    %dma_start3A_36 = arith.constant 0 : i32
    %dma_start3A_37 = arith.constant 0 : i32
    %dma_start3A_38 = tpu.memref_slice %dma_start3A_35[%dma_start3A_36, %dma_start3A_37] : memref<10000x64xbf16, #tpu.memory_space<hbm>> -> memref<10000x64xbf16, #tpu.memory_space<hbm>>
    tpu.enqueue_indirect_dma source(%dma_start3A_38 : memref<10000x64xbf16, #tpu.memory_space<hbm>>) target(%arg14 : memref<128x64xbf16, #tpu.memory_space<vmem>>) offsets(%dma_start3A_31 : memref<128xi32, #tpu.memory_space<vmem>>) semaphore(%arg20 : memref<!tpu.dma_semaphore, #tpu.memory_space<semaphore_mem>>)
    %scan3A_39 = arith.constant 0 : i32
    %scan3A_40 = arith.constant 0 : i32
    %scan3A_41 = arith.constant 81 : i32
    %scan3A_42 = arith.addi %scan3A_40, %scan3A_41 : i32
    %scan3A_43 = arith.constant 1 : i32
    scf.for %scan3A_46 = %scan3A_40 to %scan3A_42 step %scan3A_43  : i32 {
      %mul3A_47 = arith.constant 2 : i32
      %mul3A_48 = arith.muli %mul3A_47, %scan3A_46 : i32
      %add3A_49 = arith.constant 1 : i32
      %add3A_50 = arith.addi %mul3A_48, %add3A_49 : i32
      %dma_start3A_51 = arith.constant 0 : i32
      %dma_start3A_52 = tpu.memref_slice %arg11[%add3A_50, %dma_start3A_51] : memref<162x128xi32, #tpu.memory_space<vmem>> -> memref<1x128xi32, #tpu.memory_space<vmem>>
      %dma_start3A_53 = tpu.memref_squeeze %dma_start3A_52 : memref<1x128xi32, #tpu.memory_space<vmem>> -> memref<128xi32, #tpu.memory_space<vmem>>
      %dma_start3A_54 = arith.constant 0 : i32
      %dma_start3A_55 = arith.constant 0 : i32
      %dma_start3A_56 = tpu.memref_slice %arg2[%arg0, %dma_start3A_54, %dma_start3A_55] : memref<2x10000x64xbf16, #tpu.memory_space<hbm>> -> memref<1x10000x64xbf16, #tpu.memory_space<hbm>>
      %dma_start3A_57 = tpu.memref_squeeze %dma_start3A_56 : memref<1x10000x64xbf16, #tpu.memory_space<hbm>> -> memref<10000x64xbf16, #tpu.memory_space<hbm>>
      %dma_start3A_58 = arith.constant 0 : i32
      %dma_start3A_59 = arith.constant 0 : i32
      %dma_start3A_60 = tpu.memref_slice %dma_start3A_57[%dma_start3A_58, %dma_start3A_59] : memref<10000x64xbf16, #tpu.memory_space<hbm>> -> memref<10000x64xbf16, #tpu.memory_space<hbm>>
      tpu.enqueue_indirect_dma source(%dma_start3A_60 : memref<10000x64xbf16, #tpu.memory_space<hbm>>) target(%arg15 : memref<128x64xbf16, #tpu.memory_space<vmem>>) offsets(%dma_start3A_53 : memref<128xi32, #tpu.memory_space<vmem>>) semaphore(%arg21 : memref<!tpu.dma_semaphore, #tpu.memory_space<semaphore_mem>>)
      %dma_wait3A = arith.constant 0 : i32
      %dma_wait3A_61 = tpu.memref_slice %arg11[%mul3A_48, %dma_wait3A] : memref<162x128xi32, #tpu.memory_space<vmem>> -> memref<1x128xi32, #tpu.memory_space<vmem>>
      %dma_wait3A_62 = tpu.memref_squeeze %dma_wait3A_61 : memref<1x128xi32, #tpu.memory_space<vmem>> -> memref<128xi32, #tpu.memory_space<vmem>>
      %dma_wait3A_63 = arith.constant 0 : i32
      %dma_wait3A_64 = arith.constant 0 : i32
      %dma_wait3A_65 = tpu.memref_slice %arg2[%arg0, %dma_wait3A_63, %dma_wait3A_64] : memref<2x10000x64xbf16, #tpu.memory_space<hbm>> -> memref<1x10000x64xbf16, #tpu.memory_space<hbm>>
      %dma_wait3A_66 = tpu.memref_squeeze %dma_wait3A_65 : memref<1x10000x64xbf16, #tpu.memory_space<hbm>> -> memref<10000x64xbf16, #tpu.memory_space<hbm>>
      %dma_wait3A_67 = arith.constant 0 : i32
      %dma_wait3A_68 = arith.constant 0 : i32
      %dma_wait3A_69 = tpu.memref_slice %dma_wait3A_66[%dma_wait3A_67, %dma_wait3A_68] : memref<10000x64xbf16, #tpu.memory_space<hbm>> -> memref<10000x64xbf16, #tpu.memory_space<hbm>>
      tpu.wait_indirect_dma semaphore(%arg20 : memref<!tpu.dma_semaphore, #tpu.memory_space<semaphore_mem>>) src(%dma_wait3A_69 : memref<10000x64xbf16, #tpu.memory_space<hbm>>) dst(%arg14 : memref<128x64xbf16, #tpu.memory_space<vmem>>)
      %scan3A_70 = arith.constant 0 : i32
      %scan3A_71 = arith.constant 0 : i32
      %scan3A_72 = arith.constant 8 : i32
      %scan3A_73 = arith.addi %scan3A_71, %scan3A_72 : i32
      %scan3A_74 = arith.constant 1 : i32
      scf.for %scan3A_104 = %scan3A_71 to %scan3A_73 step %scan3A_74  : i32 {
        %mul3A_105 = arith.constant 16 : i32
        %mul3A_106 = arith.muli %scan3A_104, %mul3A_105 : i32
        %get3A = arith.index_cast %mul3A_48 : i32 to index
        %get3A_107 = arith.index_cast %mul3A_106 : i32 to index
        %get3A_108 = tpu.vector_load %arg13[%get3A, %get3A_107] {strides = array<i32>} : memref<162x128xf32, #tpu.memory_space<vmem>>, vector<16xf32>,
        %slice3A = vector.extract_strided_slice %get3A_108 {offsets = [0], sizes = [1], strides = [1]} : vector<16xf32> to vector<1xf32>
        %squeeze3A = vector.extract %slice3A[0] : f32 from vector<1xf32>
        %broadcast_in_dim3A = vector.broadcast %squeeze3A : f32 to vector<16xf32>
        %pack3A = tpu.pack_subelements %broadcast_in_dim3A, %broadcast_in_dim3A {pack_format = #tpu.pack_format<interleaved>, positions = array<i32: 0, 1>} : vector<16xf32>, vector<16xf32> -> vector<32xbf16>
        %mul3A_109 = arith.constant 16 : i32
        %mul3A_110 = arith.muli %scan3A_104, %mul3A_109 : i32
        %add3A_111 = arith.constant 0 : i32
        %add3A_112 = arith.addi %mul3A_110, %add3A_111 : i32
        %get3A_113 = arith.index_cast %add3A_112 : i32 to index
        %get3A_114 = arith.constant 0 : index
        %get3A_115 = tpu.vector_load %arg14[%get3A_113, %get3A_114] {strides = array<i32>} : memref<128x64xbf16, #tpu.memory_space<vmem>>, vector<32xbf16>,
        %mul3A_116 = arith.mulf %get3A_115, %pack3A : vector<32xbf16>
        %swap3A = arith.index_cast %add3A_112 : i32 to index
        %swap3A_117 = arith.constant 0 : index
        %swap3A_118 = tpu.vector_load %arg14[%swap3A, %swap3A_117] {strides = array<i32>} : memref<128x64xbf16, #tpu.memory_space<vmem>>, vector<32xbf16>,
        tpu.vector_store %arg14[%swap3A, %swap3A_117], %mul3A_116 {strides = array<i32>} : memref<128x64xbf16, #tpu.memory_space<vmem>>, vector<32xbf16>,
        %get3A_119 = arith.index_cast %add3A_112 : i32 to index
        %get3A_120 = arith.constant 32 : index
        %get3A_121 = tpu.vector_load %arg14[%get3A_119, %get3A_120] {strides = array<i32>} : memref<128x64xbf16, #tpu.memory_space<vmem>>, vector<32xbf16>,
        %mul3A_122 = arith.mulf %get3A_121, %pack3A : vector<32xbf16>
        %swap3A_123 = arith.index_cast %add3A_112 : i32 to index
        %swap3A_124 = arith.constant 32 : index
        %swap3A_125 = tpu.vector_load %arg14[%swap3A_123, %swap3A_124] {strides = array<i32>} : memref<128x64xbf16, #tpu.memory_space<vmem>>, vector<32xbf16>,
        tpu.vector_store %arg14[%swap3A_123, %swap3A_124], %mul3A_122 {strides = array<i32>} : memref<128x64xbf16, #tpu.memory_space<vmem>>, vector<32xbf16>,
        %slice3A_126 = vector.extract_strided_slice %get3A_108 {offsets = [1], sizes = [1], strides = [1]} : vector<16xf32> to vector<1xf32>
        %squeeze3A_127 = vector.extract %slice3A_126[0] : f32 from vector<1xf32>
        %broadcast_in_dim3A_128 = vector.broadcast %squeeze3A_127 : f32 to vector<16xf32>
        %pack3A_129 = tpu.pack_subelements %broadcast_in_dim3A_128, %broadcast_in_dim3A_128 {pack_format = #tpu.pack_format<interleaved>, positions = array<i32: 0, 1>} : vector<16xf32>, vector<16xf32> -> vector<32xbf16>
        %mul3A_130 = arith.constant 16 : i32
        %mul3A_131 = arith.muli %scan3A_104, %mul3A_130 : i32
        %add3A_132 = arith.constant 1 : i32
        %add3A_133 = arith.addi %mul3A_131, %add3A_132 : i32
        %get3A_134 = arith.index_cast %add3A_133 : i32 to index
        %get3A_135 = arith.constant 0 : index
        %get3A_136 = tpu.vector_load %arg14[%get3A_134, %get3A_135] {strides = array<i32>} : memref<128x64xbf16, #tpu.memory_space<vmem>>, vector<32xbf16>,
        %mul3A_137 = arith.mulf %get3A_136, %pack3A_129 : vector<32xbf16>
        %swap3A_138 = arith.index_cast %add3A_133 : i32 to index
        %swap3A_139 = arith.constant 0 : index
        %swap3A_140 = tpu.vector_load %arg14[%swap3A_138, %swap3A_139] {strides = array<i32>} : memref<128x64xbf16, #tpu.memory_space<vmem>>, vector<32xbf16>,
        tpu.vector_store %arg14[%swap3A_138, %swap3A_139], %mul3A_137 {strides = array<i32>} : memref<128x64xbf16, #tpu.memory_space<vmem>>, vector<32xbf16>,
        %get3A_141 = arith.index_cast %add3A_133 : i32 to index
        %get3A_142 = arith.constant 32 : index
        %get3A_143 = tpu.vector_load %arg14[%get3A_141, %get3A_142] {strides = array<i32>} : memref<128x64xbf16, #tpu.memory_space<vmem>>, vector<32xbf16>,
        %mul3A_144 = arith.mulf %get3A_143, %pack3A_129 : vector<32xbf16>
        %swap3A_145 = arith.index_cast %add3A_133 : i32 to index
        %swap3A_146 = arith.constant 32 : index
        %swap3A_147 = tpu.vector_load %arg14[%swap3A_145, %swap3A_146] {strides = array<i32>} : memref<128x64xbf16, #tpu.memory_space<vmem>>, vector<32xbf16>,
        tpu.vector_store %arg14[%swap3A_145, %swap3A_146], %mul3A_144 {strides = array<i32>} : memref<128x64xbf16, #tpu.memory_space<vmem>>, vector<32xbf16>,
        %slice3A_148 = vector.extract_strided_slice %get3A_108 {offsets = [2], sizes = [1], strides = [1]} : vector<16xf32> to vector<1xf32>
        %squeeze3A_149 = vector.extract %slice3A_148[0] : f32 from vector<1xf32>
        %broadcast_in_dim3A_150 = vector.broadcast %squeeze3A_149 : f32 to vector<16xf32>
        %pack3A_151 = tpu.pack_subelements %broadcast_in_dim3A_150, %broadcast_in_dim3A_150 {pack_format = #tpu.pack_format<interleaved>, positions = array<i32: 0, 1>} : vector<16xf32>, vector<16xf32> -> vector<32xbf16>
        %mul3A_152 = arith.constant 16 : i32
        %mul3A_153 = arith.muli %scan3A_104, %mul3A_152 : i32
        %add3A_154 = arith.constant 2 : i32
        %add3A_155 = arith.addi %mul3A_153, %add3A_154 : i32
        %get3A_156 = arith.index_cast %add3A_155 : i32 to index
        %get3A_157 = arith.constant 0 : index
        %get3A_158 = tpu.vector_load %arg14[%get3A_156, %get3A_157] {strides = array<i32>} : memref<128x64xbf16, #tpu.memory_space<vmem>>, vector<32xbf16>,
        %mul3A_159 = arith.mulf %get3A_158, %pack3A_151 : vector<32xbf16>
        %swap3A_160 = arith.index_cast %add3A_155 : i32 to index
        %swap3A_161 = arith.constant 0 : index
        %swap3A_162 = tpu.vector_load %arg14[%swap3A_160, %swap3A_161] {strides = array<i32>} : memref<128x64xbf16, #tpu.memory_space<vmem>>, vector<32xbf16>,
        tpu.vector_store %arg14[%swap3A_160, %swap3A_161], %mul3A_159 {strides = array<i32>} : memref<128x64xbf16, #tpu.memory_space<vmem>>, vector<32xbf16>,
        %get3A_163 = arith.index_cast %add3A_155 : i32 to index
        %get3A_164 = arith.constant 32 : index
        %get3A_165 = tpu.vector_load %arg14[%get3A_163, %get3A_164] {strides = array<i32>} : memref<128x64xbf16, #tpu.memory_space<vmem>>, vector<32xbf16>,
        %mul3A_166 = arith.mulf %get3A_165, %pack3A_151 : vector<32xbf16>
        %swap3A_167 = arith.index_cast %add3A_155 : i32 to index
        %swap3A_168 = arith.constant 32 : index
        %swap3A_169 = tpu.vector_load %arg14[%swap3A_167, %swap3A_168] {strides = array<i32>} : memref<128x64xbf16, #tpu.memory_space<vmem>>, vector<32xbf16>,
        tpu.vector_store %arg14[%swap3A_167, %swap3A_168], %mul3A_166 {strides = array<i32>} : memref<128x64xbf16, #tpu.memory_space<vmem>>, vector<32xbf16>,
        %slice3A_170 = vector.extract_strided_slice %get3A_108 {offsets = [3], sizes = [1], strides = [1]} : vector<16xf32> to vector<1xf32>
        %squeeze3A_171 = vector.extract %slice3A_170[0] : f32 from vector<1xf32>
        %broadcast_in_dim3A_172 = vector.broadcast %squeeze3A_171 : f32 to vector<16xf32>
        %pack3A_173 = tpu.pack_subelements %broadcast_in_dim3A_172, %broadcast_in_dim3A_172 {pack_format = #tpu.pack_format<interleaved>, positions = array<i32: 0, 1>} : vector<16xf32>, vector<16xf32> -> vector<32xbf16>
        %mul3A_174 = arith.constant 16 : i32
        %mul3A_175 = arith.muli %scan3A_104, %mul3A_174 : i32
        %add3A_176 = arith.constant 3 : i32
        %add3A_177 = arith.addi %mul3A_175, %add3A_176 : i32
        %get3A_178 = arith.index_cast %add3A_177 : i32 to index
        %get3A_179 = arith.constant 0 : index
        %get3A_180 = tpu.vector_load %arg14[%get3A_178, %get3A_179] {strides = array<i32>} : memref<128x64xbf16, #tpu.memory_space<vmem>>, vector<32xbf16>,
        %mul3A_181 = arith.mulf %get3A_180, %pack3A_173 : vector<32xbf16>
        %swap3A_182 = arith.index_cast %add3A_177 : i32 to index
        %swap3A_183 = arith.constant 0 : index
        %swap3A_184 = tpu.vector_load %arg14[%swap3A_182, %swap3A_183] {strides = array<i32>} : memref<128x64xbf16, #tpu.memory_space<vmem>>, vector<32xbf16>,
        tpu.vector_store %arg14[%swap3A_182, %swap3A_183], %mul3A_181 {strides = array<i32>} : memref<128x64xbf16, #tpu.memory_space<vmem>>, vector<32xbf16>,
        %get3A_185 = arith.index_cast %add3A_177 : i32 to index
        %get3A_186 = arith.constant 32 : index
        %get3A_187 = tpu.vector_load %arg14[%get3A_185, %get3A_186] {strides = array<i32>} : memref<128x64xbf16, #tpu.memory_space<vmem>>, vector<32xbf16>,
        %mul3A_188 = arith.mulf %get3A_187, %pack3A_173 : vector<32xbf16>
        %swap3A_189 = arith.index_cast %add3A_177 : i32 to index
        %swap3A_190 = arith.constant 32 : index
        %swap3A_191 = tpu.vector_load %arg14[%swap3A_189, %swap3A_190] {strides = array<i32>} : memref<128x64xbf16, #tpu.memory_space<vmem>>, vector<32xbf16>,
        tpu.vector_store %arg14[%swap3A_189, %swap3A_190], %mul3A_188 {strides = array<i32>} : memref<128x64xbf16, #tpu.memory_space<vmem>>, vector<32xbf16>,
        %slice3A_192 = vector.extract_strided_slice %get3A_108 {offsets = [4], sizes = [1], strides = [1]} : vector<16xf32> to vector<1xf32>
        %squeeze3A_193 = vector.extract %slice3A_192[0] : f32 from vector<1xf32>
        %broadcast_in_dim3A_194 = vector.broadcast %squeeze3A_193 : f32 to vector<16xf32>
        %pack3A_195 = tpu.pack_subelements %broadcast_in_dim3A_194, %broadcast_in_dim3A_194 {pack_format = #tpu.pack_format<interleaved>, positions = array<i32: 0, 1>} : vector<16xf32>, vector<16xf32> -> vector<32xbf16>
        %mul3A_196 = arith.constant 16 : i32
        %mul3A_197 = arith.muli %scan3A_104, %mul3A_196 : i32
        %add3A_198 = arith.constant 4 : i32
        %add3A_199 = arith.addi %mul3A_197, %add3A_198 : i32
        %get3A_200 = arith.index_cast %add3A_199 : i32 to index
        %get3A_201 = arith.constant 0 : index
        %get3A_202 = tpu.vector_load %arg14[%get3A_200, %get3A_201] {strides = array<i32>} : memref<128x64xbf16, #tpu.memory_space<vmem>>, vector<32xbf16>,
        %mul3A_203 = arith.mulf %get3A_202, %pack3A_195 : vector<32xbf16>
        %swap3A_204 = arith.index_cast %add3A_199 : i32 to index
        %swap3A_205 = arith.constant 0 : index
        %swap3A_206 = tpu.vector_load %arg14[%swap3A_204, %swap3A_205] {strides = array<i32>} : memref<128x64xbf16, #tpu.memory_space<vmem>>, vector<32xbf16>,
        tpu.vector_store %arg14[%swap3A_204, %swap3A_205], %mul3A_203 {strides = array<i32>} : memref<128x64xbf16, #tpu.memory_space<vmem>>, vector<32xbf16>,
        %get3A_207 = arith.index_cast %add3A_199 : i32 to index
        %get3A_208 = arith.constant 32 : index
        %get3A_209 = tpu.vector_load %arg14[%get3A_207, %get3A_208] {strides = array<i32>} : memref<128x64xbf16, #tpu.memory_space<vmem>>, vector<32xbf16>,
        %mul3A_210 = arith.mulf %get3A_209, %pack3A_195 : vector<32xbf16>
        %swap3A_211 = arith.index_cast %add3A_199 : i32 to index
        %swap3A_212 = arith.constant 32 : index
        %swap3A_213 = tpu.vector_load %arg14[%swap3A_211, %swap3A_212] {strides = array<i32>} : memref<128x64xbf16, #tpu.memory_space<vmem>>, vector<32xbf16>,
        tpu.vector_store %arg14[%swap3A_211, %swap3A_212], %mul3A_210 {strides = array<i32>} : memref<128x64xbf16, #tpu.memory_space<vmem>>, vector<32xbf16>,
        %slice3A_214 = vector.extract_strided_slice %get3A_108 {offsets = [5], sizes = [1], strides = [1]} : vector<16xf32> to vector<1xf32>
        %squeeze3A_215 = vector.extract %slice3A_214[0] : f32 from vector<1xf32>
        %broadcast_in_dim3A_216 = vector.broadcast %squeeze3A_215 : f32 to vector<16xf32>
        %pack3A_217 = tpu.pack_subelements %broadcast_in_dim3A_216, %broadcast_in_dim3A_216 {pack_format = #tpu.pack_format<interleaved>, positions = array<i32: 0, 1>} : vector<16xf32>, vector<16xf32> -> vector<32xbf16>
        %mul3A_218 = arith.constant 16 : i32
        %mul3A_219 = arith.muli %scan3A_104, %mul3A_218 : i32
        %add3A_220 = arith.constant 5 : i32
        %add3A_221 = arith.addi %mul3A_219, %add3A_220 : i32
        %get3A_222 = arith.index_cast %add3A_221 : i32 to index
        %get3A_223 = arith.constant 0 : index
        %get3A_224 = tpu.vector_load %arg14[%get3A_222, %get3A_223] {strides = array<i32>} : memref<128x64xbf16, #tpu.memory_space<vmem>>, vector<32xbf16>,
        %mul3A_225 = arith.mulf %get3A_224, %pack3A_217 : vector<32xbf16>
        %swap3A_226 = arith.index_cast %add3A_221 : i32 to index
        %swap3A_227 = arith.constant 0 : index
        %swap3A_228 = tpu.vector_load %arg14[%swap3A_226, %swap3A_227] {strides = array<i32>} : memref<128x64xbf16, #tpu.memory_space<vmem>>, vector<32xbf16>,
        tpu.vector_store %arg14[%swap3A_226, %swap3A_227], %mul3A_225 {strides = array<i32>} : memref<128x64xbf16, #tpu.memory_space<vmem>>, vector<32xbf16>,
        %get3A_229 = arith.index_cast %add3A_221 : i32 to index
        %get3A_230 = arith.constant 32 : index
        %get3A_231 = tpu.vector_load %arg14[%get3A_229, %get3A_230] {strides = array<i32>} : memref<128x64xbf16, #tpu.memory_space<vmem>>, vector<32xbf16>,
        %mul3A_232 = arith.mulf %get3A_231, %pack3A_217 : vector<32xbf16>
        %swap3A_233 = arith.index_cast %add3A_221 : i32 to index
        %swap3A_234 = arith.constant 32 : index
        %swap3A_235 = tpu.vector_load %arg14[%swap3A_233, %swap3A_234] {strides = array<i32>} : memref<128x64xbf16, #tpu.memory_space<vmem>>, vector<32xbf16>,
        tpu.vector_store %arg14[%swap3A_233, %swap3A_234], %mul3A_232 {strides = array<i32>} : memref<128x64xbf16, #tpu.memory_space<vmem>>, vector<32xbf16>,
        %slice3A_236 = vector.extract_strided_slice %get3A_108 {offsets = [6], sizes = [1], strides = [1]} : vector<16xf32> to vector<1xf32>
        %squeeze3A_237 = vector.extract %slice3A_236[0] : f32 from vector<1xf32>
        %broadcast_in_dim3A_238 = vector.broadcast %squeeze3A_237 : f32 to vector<16xf32>
        %pack3A_239 = tpu.pack_subelements %broadcast_in_dim3A_238, %broadcast_in_dim3A_238 {pack_format = #tpu.pack_format<interleaved>, positions = array<i32: 0, 1>} : vector<16xf32>, vector<16xf32> -> vector<32xbf16>
        %mul3A_240 = arith.constant 16 : i32
        %mul3A_241 = arith.muli %scan3A_104, %mul3A_240 : i32
        %add3A_242 = arith.constant 6 : i32
        %add3A_243 = arith.addi %mul3A_241, %add3A_242 : i32
        %get3A_244 = arith.index_cast %add3A_243 : i32 to index
        %get3A_245 = arith.constant 0 : index
        %get3A_246 = tpu.vector_load %arg14[%get3A_244, %get3A_245] {strides = array<i32>} : memref<128x64xbf16, #tpu.memory_space<vmem>>, vector<32xbf16>,
        %mul3A_247 = arith.mulf %get3A_246, %pack3A_239 : vector<32xbf16>
        %swap3A_248 = arith.index_cast %add3A_243 : i32 to index
        %swap3A_249 = arith.constant 0 : index
        %swap3A_250 = tpu.vector_load %arg14[%swap3A_248, %swap3A_249] {strides = array<i32>} : memref<128x64xbf16, #tpu.memory_space<vmem>>, vector<32xbf16>,
        tpu.vector_store %arg14[%swap3A_248, %swap3A_249], %mul3A_247 {strides = array<i32>} : memref<128x64xbf16, #tpu.memory_space<vmem>>, vector<32xbf16>,
        %get3A_251 = arith.index_cast %add3A_243 : i32 to index
        %get3A_252 = arith.constant 32 : index
        %get3A_253 = tpu.vector_load %arg14[%get3A_251, %get3A_252] {strides = array<i32>} : memref<128x64xbf16, #tpu.memory_space<vmem>>, vector<32xbf16>,
        %mul3A_254 = arith.mulf %get3A_253, %pack3A_239 : vector<32xbf16>
        %swap3A_255 = arith.index_cast %add3A_243 : i32 to index
        %swap3A_256 = arith.constant 32 : index
        %swap3A_257 = tpu.vector_load %arg14[%swap3A_255, %swap3A_256] {strides = array<i32>} : memref<128x64xbf16, #tpu.memory_space<vmem>>, vector<32xbf16>,
        tpu.vector_store %arg14[%swap3A_255, %swap3A_256], %mul3A_254 {strides = array<i32>} : memref<128x64xbf16, #tpu.memory_space<vmem>>, vector<32xbf16>,
        %slice3A_258 = vector.extract_strided_slice %get3A_108 {offsets = [7], sizes = [1], strides = [1]} : vector<16xf32> to vector<1xf32>
        %squeeze3A_259 = vector.extract %slice3A_258[0] : f32 from vector<1xf32>
        %broadcast_in_dim3A_260 = vector.broadcast %squeeze3A_259 : f32 to vector<16xf32>
        %pack3A_261 = tpu.pack_subelements %broadcast_in_dim3A_260, %broadcast_in_dim3A_260 {pack_format = #tpu.pack_format<interleaved>, positions = array<i32: 0, 1>} : vector<16xf32>, vector<16xf32> -> vector<32xbf16>
        %mul3A_262 = arith.constant 16 : i32
        %mul3A_263 = arith.muli %scan3A_104, %mul3A_262 : i32
        %add3A_264 = arith.constant 7 : i32
        %add3A_265 = arith.addi %mul3A_263, %add3A_264 : i32
        %get3A_266 = arith.index_cast %add3A_265 : i32 to index
        %get3A_267 = arith.constant 0 : index
        %get3A_268 = tpu.vector_load %arg14[%get3A_266, %get3A_267] {strides = array<i32>} : memref<128x64xbf16, #tpu.memory_space<vmem>>, vector<32xbf16>,
        %mul3A_269 = arith.mulf %get3A_268, %pack3A_261 : vector<32xbf16>
        %swap3A_270 = arith.index_cast %add3A_265 : i32 to index
        %swap3A_271 = arith.constant 0 : index
        %swap3A_272 = tpu.vector_load %arg14[%swap3A_270, %swap3A_271] {strides = array<i32>} : memref<128x64xbf16, #tpu.memory_space<vmem>>, vector<32xbf16>,
        tpu.vector_store %arg14[%swap3A_270, %swap3A_271], %mul3A_269 {strides = array<i32>} : memref<128x64xbf16, #tpu.memory_space<vmem>>, vector<32xbf16>,
        %get3A_273 = arith.index_cast %add3A_265 : i32 to index
        %get3A_274 = arith.constant 32 : index
        %get3A_275 = tpu.vector_load %arg14[%get3A_273, %get3A_274] {strides = array<i32>} : memref<128x64xbf16, #tpu.memory_space<vmem>>, vector<32xbf16>,
        %mul3A_276 = arith.mulf %get3A_275, %pack3A_261 : vector<32xbf16>
        %swap3A_277 = arith.index_cast %add3A_265 : i32 to index
        %swap3A_278 = arith.constant 32 : index
        %swap3A_279 = tpu.vector_load %arg14[%swap3A_277, %swap3A_278] {strides = array<i32>} : memref<128x64xbf16, #tpu.memory_space<vmem>>, vector<32xbf16>,
        tpu.vector_store %arg14[%swap3A_277, %swap3A_278], %mul3A_276 {strides = array<i32>} : memref<128x64xbf16, #tpu.memory_space<vmem>>, vector<32xbf16>,
        %slice3A_280 = vector.extract_strided_slice %get3A_108 {offsets = [8], sizes = [1], strides = [1]} : vector<16xf32> to vector<1xf32>
        %squeeze3A_281 = vector.extract %slice3A_280[0] : f32 from vector<1xf32>
        %broadcast_in_dim3A_282 = vector.broadcast %squeeze3A_281 : f32 to vector<16xf32>
        %pack3A_283 = tpu.pack_subelements %broadcast_in_dim3A_282, %broadcast_in_dim3A_282 {pack_format = #tpu.pack_format<interleaved>, positions = array<i32: 0, 1>} : vector<16xf32>, vector<16xf32> -> vector<32xbf16>
        %mul3A_284 = arith.constant 16 : i32
        %mul3A_285 = arith.muli %scan3A_104, %mul3A_284 : i32
        %add3A_286 = arith.constant 8 : i32
        %add3A_287 = arith.addi %mul3A_285, %add3A_286 : i32
        %get3A_288 = arith.index_cast %add3A_287 : i32 to index
        %get3A_289 = arith.constant 0 : index
        %get3A_290 = tpu.vector_load %arg14[%get3A_288, %get3A_289] {strides = array<i32>} : memref<128x64xbf16, #tpu.memory_space<vmem>>, vector<32xbf16>,
        %mul3A_291 = arith.mulf %get3A_290, %pack3A_283 : vector<32xbf16>
        %swap3A_292 = arith.index_cast %add3A_287 : i32 to index
        %swap3A_293 = arith.constant 0 : index
        %swap3A_294 = tpu.vector_load %arg14[%swap3A_292, %swap3A_293] {strides = array<i32>} : memref<128x64xbf16, #tpu.memory_space<vmem>>, vector<32xbf16>,
        tpu.vector_store %arg14[%swap3A_292, %swap3A_293], %mul3A_291 {strides = array<i32>} : memref<128x64xbf16, #tpu.memory_space<vmem>>, vector<32xbf16>,
        %get3A_295 = arith.index_cast %add3A_287 : i32 to index
        %get3A_296 = arith.constant 32 : index
        %get3A_297 = tpu.vector_load %arg14[%get3A_295, %get3A_296] {strides = array<i32>} : memref<128x64xbf16, #tpu.memory_space<vmem>>, vector<32xbf16>,
        %mul3A_298 = arith.mulf %get3A_297, %pack3A_283 : vector<32xbf16>
        %swap3A_299 = arith.index_cast %add3A_287 : i32 to index
        %swap3A_300 = arith.constant 32 : index
        %swap3A_301 = tpu.vector_load %arg14[%swap3A_299, %swap3A_300] {strides = array<i32>} : memref<128x64xbf16, #tpu.memory_space<vmem>>, vector<32xbf16>,
        tpu.vector_store %arg14[%swap3A_299, %swap3A_300], %mul3A_298 {strides = array<i32>} : memref<128x64xbf16, #tpu.memory_space<vmem>>, vector<32xbf16>,
        %slice3A_302 = vector.extract_strided_slice %get3A_108 {offsets = [9], sizes = [1], strides = [1]} : vector<16xf32> to vector<1xf32>
        %squeeze3A_303 = vector.extract %slice3A_302[0] : f32 from vector<1xf32>
        %broadcast_in_dim3A_304 = vector.broadcast %squeeze3A_303 : f32 to vector<16xf32>
        %pack3A_305 = tpu.pack_subelements %broadcast_in_dim3A_304, %broadcast_in_dim3A_304 {pack_format = #tpu.pack_format<interleaved>, positions = array<i32: 0, 1>} : vector<16xf32>, vector<16xf32> -> vector<32xbf16>
        %mul3A_306 = arith.constant 16 : i32
        %mul3A_307 = arith.muli %scan3A_104, %mul3A_306 : i32
        %add3A_308 = arith.constant 9 : i32
        %add3A_309 = arith.addi %mul3A_307, %add3A_308 : i32
        %get3A_310 = arith.index_cast %add3A_309 : i32 to index
        %get3A_311 = arith.constant 0 : index
        %get3A_312 = tpu.vector_load %arg14[%get3A_310, %get3A_311] {strides = array<i32>} : memref<128x64xbf16, #tpu.memory_space<vmem>>, vector<32xbf16>,
        %mul3A_313 = arith.mulf %get3A_312, %pack3A_305 : vector<32xbf16>
        %swap3A_314 = arith.index_cast %add3A_309 : i32 to index
        %swap3A_315 = arith.constant 0 : index
        %swap3A_316 = tpu.vector_load %arg14[%swap3A_314, %swap3A_315] {strides = array<i32>} : memref<128x64xbf16, #tpu.memory_space<vmem>>, vector<32xbf16>,
        tpu.vector_store %arg14[%swap3A_314, %swap3A_315], %mul3A_313 {strides = array<i32>} : memref<128x64xbf16, #tpu.memory_space<vmem>>, vector<32xbf16>,
        %get3A_317 = arith.index_cast %add3A_309 : i32 to index
        %get3A_318 = arith.constant 32 : index
        %get3A_319 = tpu.vector_load %arg14[%get3A_317, %get3A_318] {strides = array<i32>} : memref<128x64xbf16, #tpu.memory_space<vmem>>, vector<32xbf16>,
        %mul3A_320 = arith.mulf %get3A_319, %pack3A_305 : vector<32xbf16>
        %swap3A_321 = arith.index_cast %add3A_309 : i32 to index
        %swap3A_322 = arith.constant 32 : index
        %swap3A_323 = tpu.vector_load %arg14[%swap3A_321, %swap3A_322] {strides = array<i32>} : memref<128x64xbf16, #tpu.memory_space<vmem>>, vector<32xbf16>,
        tpu.vector_store %arg14[%swap3A_321, %swap3A_322], %mul3A_320 {strides = array<i32>} : memref<128x64xbf16, #tpu.memory_space<vmem>>, vector<32xbf16>,
        %slice3A_324 = vector.extract_strided_slice %get3A_108 {offsets = [10], sizes = [1], strides = [1]} : vector<16xf32> to vector<1xf32>
        %squeeze3A_325 = vector.extract %slice3A_324[0] : f32 from vector<1xf32>
        %broadcast_in_dim3A_326 = vector.broadcast %squeeze3A_325 : f32 to vector<16xf32>
        %pack3A_327 = tpu.pack_subelements %broadcast_in_dim3A_326, %broadcast_in_dim3A_326 {pack_format = #tpu.pack_format<interleaved>, positions = array<i32: 0, 1>} : vector<16xf32>, vector<16xf32> -> vector<32xbf16>
        %mul3A_328 = arith.constant 16 : i32
        %mul3A_329 = arith.muli %scan3A_104, %mul3A_328 : i32
        %add3A_330 = arith.constant 10 : i32
        %add3A_331 = arith.addi %mul3A_329, %add3A_330 : i32
        %get3A_332 = arith.index_cast %add3A_331 : i32 to index
        %get3A_333 = arith.constant 0 : index
        %get3A_334 = tpu.vector_load %arg14[%get3A_332, %get3A_333] {strides = array<i32>} : memref<128x64xbf16, #tpu.memory_space<vmem>>, vector<32xbf16>,
        %mul3A_335 = arith.mulf %get3A_334, %pack3A_327 : vector<32xbf16>
        %swap3A_336 = arith.index_cast %add3A_331 : i32 to index
        %swap3A_337 = arith.constant 0 : index
        %swap3A_338 = tpu.vector_load %arg14[%swap3A_336, %swap3A_337] {strides = array<i32>} : memref<128x64xbf16, #tpu.memory_space<vmem>>, vector<32xbf16>,
        tpu.vector_store %arg14[%swap3A_336, %swap3A_337], %mul3A_335 {strides = array<i32>} : memref<128x64xbf16, #tpu.memory_space<vmem>>, vector<32xbf16>,
        %get3A_339 = arith.index_cast %add3A_331 : i32 to index
        %get3A_340 = arith.constant 32 : index
        %get3A_341 = tpu.vector_load %arg14[%get3A_339, %get3A_340] {strides = array<i32>} : memref<128x64xbf16, #tpu.memory_space<vmem>>, vector<32xbf16>,
        %mul3A_342 = arith.mulf %get3A_341, %pack3A_327 : vector<32xbf16>
        %swap3A_343 = arith.index_cast %add3A_331 : i32 to index
        %swap3A_344 = arith.constant 32 : index
        %swap3A_345 = tpu.vector_load %arg14[%swap3A_343, %swap3A_344] {strides = array<i32>} : memref<128x64xbf16, #tpu.memory_space<vmem>>, vector<32xbf16>,
        tpu.vector_store %arg14[%swap3A_343, %swap3A_344], %mul3A_342 {strides = array<i32>} : memref<128x64xbf16, #tpu.memory_space<vmem>>, vector<32xbf16>,
        %slice3A_346 = vector.extract_strided_slice %get3A_108 {offsets = [11], sizes = [1], strides = [1]} : vector<16xf32> to vector<1xf32>
        %squeeze3A_347 = vector.extract %slice3A_346[0] : f32 from vector<1xf32>
        %broadcast_in_dim3A_348 = vector.broadcast %squeeze3A_347 : f32 to vector<16xf32>
        %pack3A_349 = tpu.pack_subelements %broadcast_in_dim3A_348, %broadcast_in_dim3A_348 {pack_format = #tpu.pack_format<interleaved>, positions = array<i32: 0, 1>} : vector<16xf32>, vector<16xf32> -> vector<32xbf16>
        %mul3A_350 = arith.constant 16 : i32
        %mul3A_351 = arith.muli %scan3A_104, %mul3A_350 : i32
        %add3A_352 = arith.constant 11 : i32
        %add3A_353 = arith.addi %mul3A_351, %add3A_352 : i32
        %get3A_354 = arith.index_cast %add3A_353 : i32 to index
        %get3A_355 = arith.constant 0 : index
        %get3A_356 = tpu.vector_load %arg14[%get3A_354, %get3A_355] {strides = array<i32>} : memref<128x64xbf16, #tpu.memory_space<vmem>>, vector<32xbf16>,
        %mul3A_357 = arith.mulf %get3A_356, %pack3A_349 : vector<32xbf16>
        %swap3A_358 = arith.index_cast %add3A_353 : i32 to index
        %swap3A_359 = arith.constant 0 : index
        %swap3A_360 = tpu.vector_load %arg14[%swap3A_358, %swap3A_359] {strides = array<i32>} : memref<128x64xbf16, #tpu.memory_space<vmem>>, vector<32xbf16>,
        tpu.vector_store %arg14[%swap3A_358, %swap3A_359], %mul3A_357 {strides = array<i32>} : memref<128x64xbf16, #tpu.memory_space<vmem>>, vector<32xbf16>,
        %get3A_361 = arith.index_cast %add3A_353 : i32 to index
        %get3A_362 = arith.constant 32 : index
        %get3A_363 = tpu.vector_load %arg14[%get3A_361, %get3A_362] {strides = array<i32>} : memref<128x64xbf16, #tpu.memory_space<vmem>>, vector<32xbf16>,
        %mul3A_364 = arith.mulf %get3A_363, %pack3A_349 : vector<32xbf16>
        %swap3A_365 = arith.index_cast %add3A_353 : i32 to index
        %swap3A_366 = arith.constant 32 : index
        %swap3A_367 = tpu.vector_load %arg14[%swap3A_365, %swap3A_366] {strides = array<i32>} : memref<128x64xbf16, #tpu.memory_space<vmem>>, vector<32xbf16>,
        tpu.vector_store %arg14[%swap3A_365, %swap3A_366], %mul3A_364 {strides = array<i32>} : memref<128x64xbf16, #tpu.memory_space<vmem>>, vector<32xbf16>,
        %slice3A_368 = vector.extract_strided_slice %get3A_108 {offsets = [12], sizes = [1], strides = [1]} : vector<16xf32> to vector<1xf32>
        %squeeze3A_369 = vector.extract %slice3A_368[0] : f32 from vector<1xf32>
        %broadcast_in_dim3A_370 = vector.broadcast %squeeze3A_369 : f32 to vector<16xf32>
        %pack3A_371 = tpu.pack_subelements %broadcast_in_dim3A_370, %broadcast_in_dim3A_370 {pack_format = #tpu.pack_format<interleaved>, positions = array<i32: 0, 1>} : vector<16xf32>, vector<16xf32> -> vector<32xbf16>
        %mul3A_372 = arith.constant 16 : i32
        %mul3A_373 = arith.muli %scan3A_104, %mul3A_372 : i32
        %add3A_374 = arith.constant 12 : i32
        %add3A_375 = arith.addi %mul3A_373, %add3A_374 : i32
        %get3A_376 = arith.index_cast %add3A_375 : i32 to index
        %get3A_377 = arith.constant 0 : index
        %get3A_378 = tpu.vector_load %arg14[%get3A_376, %get3A_377] {strides = array<i32>} : memref<128x64xbf16, #tpu.memory_space<vmem>>, vector<32xbf16>,
        %mul3A_379 = arith.mulf %get3A_378, %pack3A_371 : vector<32xbf16>
        %swap3A_380 = arith.index_cast %add3A_375 : i32 to index
        %swap3A_381 = arith.constant 0 : index
        %swap3A_382 = tpu.vector_load %arg14[%swap3A_380, %swap3A_381] {strides = array<i32>} : memref<128x64xbf16, #tpu.memory_space<vmem>>, vector<32xbf16>,
        tpu.vector_store %arg14[%swap3A_380, %swap3A_381], %mul3A_379 {strides = array<i32>} : memref<128x64xbf16, #tpu.memory_space<vmem>>, vector<32xbf16>,
        %get3A_383 = arith.index_cast %add3A_375 : i32 to index
        %get3A_384 = arith.constant 32 : index
        %get3A_385 = tpu.vector_load %arg14[%get3A_383, %get3A_384] {strides = array<i32>} : memref<128x64xbf16, #tpu.memory_space<vmem>>, vector<32xbf16>,
        %mul3A_386 = arith.mulf %get3A_385, %pack3A_371 : vector<32xbf16>
        %swap3A_387 = arith.index_cast %add3A_375 : i32 to index
        %swap3A_388 = arith.constant 32 : index
        %swap3A_389 = tpu.vector_load %arg14[%swap3A_387, %swap3A_388] {strides = array<i32>} : memref<128x64xbf16, #tpu.memory_space<vmem>>, vector<32xbf16>,
        tpu.vector_store %arg14[%swap3A_387, %swap3A_388], %mul3A_386 {strides = array<i32>} : memref<128x64xbf16, #tpu.memory_space<vmem>>, vector<32xbf16>,
        %slice3A_390 = vector.extract_strided_slice %get3A_108 {offsets = [13], sizes = [1], strides = [1]} : vector<16xf32> to vector<1xf32>
        %squeeze3A_391 = vector.extract %slice3A_390[0] : f32 from vector<1xf32>
        %broadcast_in_dim3A_392 = vector.broadcast %squeeze3A_391 : f32 to vector<16xf32>
        %pack3A_393 = tpu.pack_subelements %broadcast_in_dim3A_392, %broadcast_in_dim3A_392 {pack_format = #tpu.pack_format<interleaved>, positions = array<i32: 0, 1>} : vector<16xf32>, vector<16xf32> -> vector<32xbf16>
        %mul3A_394 = arith.constant 16 : i32
        %mul3A_395 = arith.muli %scan3A_104, %mul3A_394 : i32
        %add3A_396 = arith.constant 13 : i32
        %add3A_397 = arith.addi %mul3A_395, %add3A_396 : i32
        %get3A_398 = arith.index_cast %add3A_397 : i32 to index
        %get3A_399 = arith.constant 0 : index
        %get3A_400 = tpu.vector_load %arg14[%get3A_398, %get3A_399] {strides = array<i32>} : memref<128x64xbf16, #tpu.memory_space<vmem>>, vector<32xbf16>,
        %mul3A_401 = arith.mulf %get3A_400, %pack3A_393 : vector<32xbf16>
        %swap3A_402 = arith.index_cast %add3A_397 : i32 to index
        %swap3A_403 = arith.constant 0 : index
        %swap3A_404 = tpu.vector_load %arg14[%swap3A_402, %swap3A_403] {strides = array<i32>} : memref<128x64xbf16, #tpu.memory_space<vmem>>, vector<32xbf16>,
        tpu.vector_store %arg14[%swap3A_402, %swap3A_403], %mul3A_401 {strides = array<i32>} : memref<128x64xbf16, #tpu.memory_space<vmem>>, vector<32xbf16>,
        %get3A_405 = arith.index_cast %add3A_397 : i32 to index
        %get3A_406 = arith.constant 32 : index
        %get3A_407 = tpu.vector_load %arg14[%get3A_405, %get3A_406] {strides = array<i32>} : memref<128x64xbf16, #tpu.memory_space<vmem>>, vector<32xbf16>,
        %mul3A_408 = arith.mulf %get3A_407, %pack3A_393 : vector<32xbf16>
        %swap3A_409 = arith.index_cast %add3A_397 : i32 to index
        %swap3A_410 = arith.constant 32 : index
        %swap3A_411 = tpu.vector_load %arg14[%swap3A_409, %swap3A_410] {strides = array<i32>} : memref<128x64xbf16, #tpu.memory_space<vmem>>, vector<32xbf16>,
        tpu.vector_store %arg14[%swap3A_409, %swap3A_410], %mul3A_408 {strides = array<i32>} : memref<128x64xbf16, #tpu.memory_space<vmem>>, vector<32xbf16>,
        %slice3A_412 = vector.extract_strided_slice %get3A_108 {offsets = [14], sizes = [1], strides = [1]} : vector<16xf32> to vector<1xf32>
        %squeeze3A_413 = vector.extract %slice3A_412[0] : f32 from vector<1xf32>
        %broadcast_in_dim3A_414 = vector.broadcast %squeeze3A_413 : f32 to vector<16xf32>
        %pack3A_415 = tpu.pack_subelements %broadcast_in_dim3A_414, %broadcast_in_dim3A_414 {pack_format = #tpu.pack_format<interleaved>, positions = array<i32: 0, 1>} : vector<16xf32>, vector<16xf32> -> vector<32xbf16>
        %mul3A_416 = arith.constant 16 : i32
        %mul3A_417 = arith.muli %scan3A_104, %mul3A_416 : i32
        %add3A_418 = arith.constant 14 : i32
        %add3A_419 = arith.addi %mul3A_417, %add3A_418 : i32
        %get3A_420 = arith.index_cast %add3A_419 : i32 to index
        %get3A_421 = arith.constant 0 : index
        %get3A_422 = tpu.vector_load %arg14[%get3A_420, %get3A_421] {strides = array<i32>} : memref<128x64xbf16, #tpu.memory_space<vmem>>, vector<32xbf16>,
        %mul3A_423 = arith.mulf %get3A_422, %pack3A_415 : vector<32xbf16>
        %swap3A_424 = arith.index_cast %add3A_419 : i32 to index
        %swap3A_425 = arith.constant 0 : index
        %swap3A_426 = tpu.vector_load %arg14[%swap3A_424, %swap3A_425] {strides = array<i32>} : memref<128x64xbf16, #tpu.memory_space<vmem>>, vector<32xbf16>,
        tpu.vector_store %arg14[%swap3A_424, %swap3A_425], %mul3A_423 {strides = array<i32>} : memref<128x64xbf16, #tpu.memory_space<vmem>>, vector<32xbf16>,
        %get3A_427 = arith.index_cast %add3A_419 : i32 to index
        %get3A_428 = arith.constant 32 : index
        %get3A_429 = tpu.vector_load %arg14[%get3A_427, %get3A_428] {strides = array<i32>} : memref<128x64xbf16, #tpu.memory_space<vmem>>, vector<32xbf16>,
        %mul3A_430 = arith.mulf %get3A_429, %pack3A_415 : vector<32xbf16>
        %swap3A_431 = arith.index_cast %add3A_419 : i32 to index
        %swap3A_432 = arith.constant 32 : index
        %swap3A_433 = tpu.vector_load %arg14[%swap3A_431, %swap3A_432] {strides = array<i32>} : memref<128x64xbf16, #tpu.memory_space<vmem>>, vector<32xbf16>,
        tpu.vector_store %arg14[%swap3A_431, %swap3A_432], %mul3A_430 {strides = array<i32>} : memref<128x64xbf16, #tpu.memory_space<vmem>>, vector<32xbf16>,
        %slice3A_434 = vector.extract_strided_slice %get3A_108 {offsets = [15], sizes = [1], strides = [1]} : vector<16xf32> to vector<1xf32>
        %squeeze3A_435 = vector.extract %slice3A_434[0] : f32 from vector<1xf32>
        %broadcast_in_dim3A_436 = vector.broadcast %squeeze3A_435 : f32 to vector<16xf32>
        %pack3A_437 = tpu.pack_subelements %broadcast_in_dim3A_436, %broadcast_in_dim3A_436 {pack_format = #tpu.pack_format<interleaved>, positions = array<i32: 0, 1>} : vector<16xf32>, vector<16xf32> -> vector<32xbf16>
        %mul3A_438 = arith.constant 16 : i32
        %mul3A_439 = arith.muli %scan3A_104, %mul3A_438 : i32
        %add3A_440 = arith.constant 15 : i32
        %add3A_441 = arith.addi %mul3A_439, %add3A_440 : i32
        %get3A_442 = arith.index_cast %add3A_441 : i32 to index
        %get3A_443 = arith.constant 0 : index
        %get3A_444 = tpu.vector_load %arg14[%get3A_442, %get3A_443] {strides = array<i32>} : memref<128x64xbf16, #tpu.memory_space<vmem>>, vector<32xbf16>,
        %mul3A_445 = arith.mulf %get3A_444, %pack3A_437 : vector<32xbf16>
        %swap3A_446 = arith.index_cast %add3A_441 : i32 to index
        %swap3A_447 = arith.constant 0 : index
        %swap3A_448 = tpu.vector_load %arg14[%swap3A_446, %swap3A_447] {strides = array<i32>} : memref<128x64xbf16, #tpu.memory_space<vmem>>, vector<32xbf16>,
        tpu.vector_store %arg14[%swap3A_446, %swap3A_447], %mul3A_445 {strides = array<i32>} : memref<128x64xbf16, #tpu.memory_space<vmem>>, vector<32xbf16>,
        %get3A_449 = arith.index_cast %add3A_441 : i32 to index
        %get3A_450 = arith.constant 32 : index
        %get3A_451 = tpu.vector_load %arg14[%get3A_449, %get3A_450] {strides = array<i32>} : memref<128x64xbf16, #tpu.memory_space<vmem>>, vector<32xbf16>,
        %mul3A_452 = arith.mulf %get3A_451, %pack3A_437 : vector<32xbf16>
        %swap3A_453 = arith.index_cast %add3A_441 : i32 to index
        %swap3A_454 = arith.constant 32 : index
        %swap3A_455 = tpu.vector_load %arg14[%swap3A_453, %swap3A_454] {strides = array<i32>} : memref<128x64xbf16, #tpu.memory_space<vmem>>, vector<32xbf16>,
        tpu.vector_store %arg14[%swap3A_453, %swap3A_454], %mul3A_452 {strides = array<i32>} : memref<128x64xbf16, #tpu.memory_space<vmem>>, vector<32xbf16>,
      }
      %scan3A_75 = arith.constant 8 : i32
      "tpu.region"() ({
        %run_scoped3A = tpu.sem_alloc : memref<!tpu.dma_semaphore, #tpu.memory_space<semaphore_mem>>
        %dma_start3A_104 = arith.constant 0 : i32
        %dma_start3A_105 = tpu.memref_slice %arg12[%mul3A_48, %dma_start3A_104] : memref<162x128xi32, #tpu.memory_space<vmem>> -> memref<1x128xi32, #tpu.memory_space<vmem>>
        %dma_start3A_106 = tpu.memref_squeeze %dma_start3A_105 : memref<1x128xi32, #tpu.memory_space<vmem>> -> memref<128xi32, #tpu.memory_space<vmem>>
        %dma_start3A_107 = arith.constant 0 : i32
        %dma_start3A_108 = arith.constant 0 : i32
        %dma_start3A_109 = tpu.memref_slice %arg18[%dma_start3A_107, %dma_start3A_108] : memref<10240x64xbf16, #tpu.memory_space<vmem_shared>> -> memref<10240x64xbf16, #tpu.memory_space<vmem_shared>>
        tpu.enqueue_indirect_dma source(%arg14 : memref<128x64xbf16, #tpu.memory_space<vmem>>) target(%dma_start3A_109 : memref<10240x64xbf16, #tpu.memory_space<vmem_shared>>) offsets(%dma_start3A_106 : memref<128xi32, #tpu.memory_space<vmem>>) semaphore(%run_scoped3A : memref<!tpu.dma_semaphore, #tpu.memory_space<semaphore_mem>>) {add = true}
        %dma_wait3A_110 = arith.constant 0 : i32
        %dma_wait3A_111 = tpu.memref_slice %arg12[%mul3A_48, %dma_wait3A_110] : memref<162x128xi32, #tpu.memory_space<vmem>> -> memref<1x128xi32, #tpu.memory_space<vmem>>
        %dma_wait3A_112 = tpu.memref_squeeze %dma_wait3A_111 : memref<1x128xi32, #tpu.memory_space<vmem>> -> memref<128xi32, #tpu.memory_space<vmem>>
        %dma_wait3A_113 = arith.constant 0 : i32
        %dma_wait3A_114 = arith.constant 0 : i32
        %dma_wait3A_115 = tpu.memref_slice %arg18[%dma_wait3A_113, %dma_wait3A_114] : memref<10240x64xbf16, #tpu.memory_space<vmem_shared>> -> memref<10240x64xbf16, #tpu.memory_space<vmem_shared>>
        tpu.wait_indirect_dma semaphore(%run_scoped3A : memref<!tpu.dma_semaphore, #tpu.memory_space<semaphore_mem>>) src(%arg14 : memref<128x64xbf16, #tpu.memory_space<vmem>>) dst(%dma_wait3A_115 : memref<10240x64xbf16, #tpu.memory_space<vmem_shared>>)
        tpu.yield
      }) : () -> ()
      "tpu.region"() ({
        %run_scoped3A = tpu.sem_alloc : memref<!tpu.dma_semaphore, #tpu.memory_space<semaphore_mem>>
        %dma_start3A_104 = arith.constant 0 : i32
        %dma_start3A_105 = tpu.memref_slice %arg13[%mul3A_48, %dma_start3A_104] : memref<162x128xf32, #tpu.memory_space<vmem>> -> memref<1x128xf32, #tpu.memory_space<vmem>>
        %dma_start3A_106 = tpu.memref_squeeze %dma_start3A_105 : memref<1x128xf32, #tpu.memory_space<vmem>> -> memref<128xf32, #tpu.memory_space<vmem>>
        %dma_start3A_107 = arith.constant 0 : i32
        %dma_start3A_108 = tpu.memref_slice %arg12[%mul3A_48, %dma_start3A_107] : memref<162x128xi32, #tpu.memory_space<vmem>> -> memref<1x128xi32, #tpu.memory_space<vmem>>
        %dma_start3A_109 = tpu.memref_squeeze %dma_start3A_108 : memref<1x128xi32, #tpu.memory_space<vmem>> -> memref<128xi32, #tpu.memory_space<vmem>>
        %dma_start3A_110 = arith.constant 0 : i32
        %dma_start3A_111 = tpu.memref_slice %arg19[%dma_start3A_110] : memref<10240xf32, #tpu.memory_space<vmem_shared>> -> memref<10240xf32, #tpu.memory_space<vmem_shared>>
        tpu.enqueue_indirect_dma source(%dma_start3A_106 : memref<128xf32, #tpu.memory_space<vmem>>) target(%dma_start3A_111 : memref<10240xf32, #tpu.memory_space<vmem_shared>>) offsets(%dma_start3A_109 : memref<128xi32, #tpu.memory_space<vmem>>) semaphore(%run_scoped3A : memref<!tpu.dma_semaphore, #tpu.memory_space<semaphore_mem>>) {add = true}
        %dma_wait3A_112 = arith.constant 0 : i32
        %dma_wait3A_113 = tpu.memref_slice %arg13[%mul3A_48, %dma_wait3A_112] : memref<162x128xf32, #tpu.memory_space<vmem>> -> memref<1x128xf32, #tpu.memory_space<vmem>>
        %dma_wait3A_114 = tpu.memref_squeeze %dma_wait3A_113 : memref<1x128xf32, #tpu.memory_space<vmem>> -> memref<128xf32, #tpu.memory_space<vmem>>
        %dma_wait3A_115 = arith.constant 0 : i32
        %dma_wait3A_116 = tpu.memref_slice %arg12[%mul3A_48, %dma_wait3A_115] : memref<162x128xi32, #tpu.memory_space<vmem>> -> memref<1x128xi32, #tpu.memory_space<vmem>>
        %dma_wait3A_117 = tpu.memref_squeeze %dma_wait3A_116 : memref<1x128xi32, #tpu.memory_space<vmem>> -> memref<128xi32, #tpu.memory_space<vmem>>
        %dma_wait3A_118 = arith.constant 0 : i32
        %dma_wait3A_119 = tpu.memref_slice %arg19[%dma_wait3A_118] : memref<10240xf32, #tpu.memory_space<vmem_shared>> -> memref<10240xf32, #tpu.memory_space<vmem_shared>>
        tpu.wait_indirect_dma semaphore(%run_scoped3A : memref<!tpu.dma_semaphore, #tpu.memory_space<semaphore_mem>>) src(%dma_wait3A_114 : memref<128xf32, #tpu.memory_space<vmem>>) dst(%dma_wait3A_119 : memref<10240xf32, #tpu.memory_space<vmem_shared>>)
        tpu.yield
      }) : () -> ()
      %add3A_76 = arith.constant 2 : i32
      %add3A_77 = arith.addi %mul3A_48, %add3A_76 : i32
      %lt3A = arith.constant 162 : i32
      %lt3A_78 = arith.cmpi slt, %add3A_77, %lt3A : i32
      %convert_element_type3A = arith.extui %lt3A_78 : i1 to i32
      %cond3A = arith.constant 0 : i32
      %cond3A_79 = arith.cmpi ne, %convert_element_type3A, %cond3A : i32
      scf.if %cond3A_79 {
        %add3A_104 = arith.constant 2 : i32
        %add3A_105 = arith.addi %mul3A_48, %add3A_104 : i32
        %dma_start3A_106 = arith.constant 0 : i32
        %dma_start3A_107 = tpu.memref_slice %arg11[%add3A_105, %dma_start3A_106] : memref<162x128xi32, #tpu.memory_space<vmem>> -> memref<1x128xi32, #tpu.memory_space<vmem>>
        %dma_start3A_108 = tpu.memref_squeeze %dma_start3A_107 : memref<1x128xi32, #tpu.memory_space<vmem>> -> memref<128xi32, #tpu.memory_space<vmem>>
        %dma_start3A_109 = arith.constant 0 : i32
        %dma_start3A_110 = arith.constant 0 : i32
        %dma_start3A_111 = tpu.memref_slice %arg2[%arg0, %dma_start3A_109, %dma_start3A_110] : memref<2x10000x64xbf16, #tpu.memory_space<hbm>> -> memref<1x10000x64xbf16, #tpu.memory_space<hbm>>
        %dma_start3A_112 = tpu.memref_squeeze %dma_start3A_111 : memref<1x10000x64xbf16, #tpu.memory_space<hbm>> -> memref<10000x64xbf16, #tpu.memory_space<hbm>>
        %dma_start3A_113 = arith.constant 0 : i32
        %dma_start3A_114 = arith.constant 0 : i32
        %dma_start3A_115 = tpu.memref_slice %dma_start3A_112[%dma_start3A_113, %dma_start3A_114] : memref<10000x64xbf16, #tpu.memory_space<hbm>> -> memref<10000x64xbf16, #tpu.memory_space<hbm>>
        tpu.enqueue_indirect_dma source(%dma_start3A_115 : memref<10000x64xbf16, #tpu.memory_space<hbm>>) target(%arg14 : memref<128x64xbf16, #tpu.memory_space<vmem>>) offsets(%dma_start3A_108 : memref<128xi32, #tpu.memory_space<vmem>>) semaphore(%arg20 : memref<!tpu.dma_semaphore, #tpu.memory_space<semaphore_mem>>)
      } else {
      }
      %add3A_80 = arith.constant 1 : i32
      %add3A_81 = arith.addi %mul3A_48, %add3A_80 : i32
      %dma_wait3A_82 = arith.constant 0 : i32
      %dma_wait3A_83 = tpu.memref_slice %arg11[%add3A_81, %dma_wait3A_82] : memref<162x128xi32, #tpu.memory_space<vmem>> -> memref<1x128xi32, #tpu.memory_space<vmem>>
      %dma_wait3A_84 = tpu.memref_squeeze %dma_wait3A_83 : memref<1x128xi32, #tpu.memory_space<vmem>> -> memref<128xi32, #tpu.memory_space<vmem>>
      %dma_wait3A_85 = arith.constant 0 : i32
      %dma_wait3A_86 = arith.constant 0 : i32
      %dma_wait3A_87 = tpu.memref_slice %arg2[%arg0, %dma_wait3A_85, %dma_wait3A_86] : memref<2x10000x64xbf16, #tpu.memory_space<hbm>> -> memref<1x10000x64xbf16, #tpu.memory_space<hbm>>
      %dma_wait3A_88 = tpu.memref_squeeze %dma_wait3A_87 : memref<1x10000x64xbf16, #tpu.memory_space<hbm>> -> memref<10000x64xbf16, #tpu.memory_space<hbm>>
      %dma_wait3A_89 = arith.constant 0 : i32
      %dma_wait3A_90 = arith.constant 0 : i32
      %dma_wait3A_91 = tpu.memref_slice %dma_wait3A_88[%dma_wait3A_89, %dma_wait3A_90] : memref<10000x64xbf16, #tpu.memory_space<hbm>> -> memref<10000x64xbf16, #tpu.memory_space<hbm>>
      tpu.wait_indirect_dma semaphore(%arg21 : memref<!tpu.dma_semaphore, #tpu.memory_space<semaphore_mem>>) src(%dma_wait3A_91 : memref<10000x64xbf16, #tpu.memory_space<hbm>>) dst(%arg15 : memref<128x64xbf16, #tpu.memory_space<vmem>>)
      %add3A_92 = arith.constant 1 : i32
      %add3A_93 = arith.addi %mul3A_48, %add3A_92 : i32
      %scan3A_94 = arith.constant 0 : i32
      %scan3A_95 = arith.constant 0 : i32
      %scan3A_96 = arith.constant 8 : i32
      %scan3A_97 = arith.addi %scan3A_95, %scan3A_96 : i32
      %scan3A_98 = arith.constant 1 : i32
      scf.for %scan3A_104 = %scan3A_95 to %scan3A_97 step %scan3A_98  : i32 {
        %mul3A_105 = arith.constant 16 : i32
        %mul3A_106 = arith.muli %scan3A_104, %mul3A_105 : i32
        %get3A = arith.index_cast %add3A_93 : i32 to index
        %get3A_107 = arith.index_cast %mul3A_106 : i32 to index
        %get3A_108 = tpu.vector_load %arg13[%get3A, %get3A_107] {strides = array<i32>} : memref<162x128xf32, #tpu.memory_space<vmem>>, vector<16xf32>,
        %slice3A = vector.extract_strided_slice %get3A_108 {offsets = [0], sizes = [1], strides = [1]} : vector<16xf32> to vector<1xf32>
        %squeeze3A = vector.extract %slice3A[0] : f32 from vector<1xf32>
        %broadcast_in_dim3A = vector.broadcast %squeeze3A : f32 to vector<16xf32>
        %pack3A = tpu.pack_subelements %broadcast_in_dim3A, %broadcast_in_dim3A {pack_format = #tpu.pack_format<interleaved>, positions = array<i32: 0, 1>} : vector<16xf32>, vector<16xf32> -> vector<32xbf16>
        %mul3A_109 = arith.constant 16 : i32
        %mul3A_110 = arith.muli %scan3A_104, %mul3A_109 : i32
        %add3A_111 = arith.constant 0 : i32
        %add3A_112 = arith.addi %mul3A_110, %add3A_111 : i32
        %get3A_113 = arith.index_cast %add3A_112 : i32 to index
        %get3A_114 = arith.constant 0 : index
        %get3A_115 = tpu.vector_load %arg15[%get3A_113, %get3A_114] {strides = array<i32>} : memref<128x64xbf16, #tpu.memory_space<vmem>>, vector<32xbf16>,
        %mul3A_116 = arith.mulf %get3A_115, %pack3A : vector<32xbf16>
        %swap3A = arith.index_cast %add3A_112 : i32 to index
        %swap3A_117 = arith.constant 0 : index
        %swap3A_118 = tpu.vector_load %arg15[%swap3A, %swap3A_117] {strides = array<i32>} : memref<128x64xbf16, #tpu.memory_space<vmem>>, vector<32xbf16>,
        tpu.vector_store %arg15[%swap3A, %swap3A_117], %mul3A_116 {strides = array<i32>} : memref<128x64xbf16, #tpu.memory_space<vmem>>, vector<32xbf16>,
        %get3A_119 = arith.index_cast %add3A_112 : i32 to index
        %get3A_120 = arith.constant 32 : index
        %get3A_121 = tpu.vector_load %arg15[%get3A_119, %get3A_120] {strides = array<i32>} : memref<128x64xbf16, #tpu.memory_space<vmem>>, vector<32xbf16>,
        %mul3A_122 = arith.mulf %get3A_121, %pack3A : vector<32xbf16>
        %swap3A_123 = arith.index_cast %add3A_112 : i32 to index
        %swap3A_124 = arith.constant 32 : index
        %swap3A_125 = tpu.vector_load %arg15[%swap3A_123, %swap3A_124] {strides = array<i32>} : memref<128x64xbf16, #tpu.memory_space<vmem>>, vector<32xbf16>,
        tpu.vector_store %arg15[%swap3A_123, %swap3A_124], %mul3A_122 {strides = array<i32>} : memref<128x64xbf16, #tpu.memory_space<vmem>>, vector<32xbf16>,
        %slice3A_126 = vector.extract_strided_slice %get3A_108 {offsets = [1], sizes = [1], strides = [1]} : vector<16xf32> to vector<1xf32>
        %squeeze3A_127 = vector.extract %slice3A_126[0] : f32 from vector<1xf32>
        %broadcast_in_dim3A_128 = vector.broadcast %squeeze3A_127 : f32 to vector<16xf32>
        %pack3A_129 = tpu.pack_subelements %broadcast_in_dim3A_128, %broadcast_in_dim3A_128 {pack_format = #tpu.pack_format<interleaved>, positions = array<i32: 0, 1>} : vector<16xf32>, vector<16xf32> -> vector<32xbf16>
        %mul3A_130 = arith.constant 16 : i32
        %mul3A_131 = arith.muli %scan3A_104, %mul3A_130 : i32
        %add3A_132 = arith.constant 1 : i32
        %add3A_133 = arith.addi %mul3A_131, %add3A_132 : i32
        %get3A_134 = arith.index_cast %add3A_133 : i32 to index
        %get3A_135 = arith.constant 0 : index
        %get3A_136 = tpu.vector_load %arg15[%get3A_134, %get3A_135] {strides = array<i32>} : memref<128x64xbf16, #tpu.memory_space<vmem>>, vector<32xbf16>,
        %mul3A_137 = arith.mulf %get3A_136, %pack3A_129 : vector<32xbf16>
        %swap3A_138 = arith.index_cast %add3A_133 : i32 to index
        %swap3A_139 = arith.constant 0 : index
        %swap3A_140 = tpu.vector_load %arg15[%swap3A_138, %swap3A_139] {strides = array<i32>} : memref<128x64xbf16, #tpu.memory_space<vmem>>, vector<32xbf16>,
        tpu.vector_store %arg15[%swap3A_138, %swap3A_139], %mul3A_137 {strides = array<i32>} : memref<128x64xbf16, #tpu.memory_space<vmem>>, vector<32xbf16>,
        %get3A_141 = arith.index_cast %add3A_133 : i32 to index
        %get3A_142 = arith.constant 32 : index
        %get3A_143 = tpu.vector_load %arg15[%get3A_141, %get3A_142] {strides = array<i32>} : memref<128x64xbf16, #tpu.memory_space<vmem>>, vector<32xbf16>,
        %mul3A_144 = arith.mulf %get3A_143, %pack3A_129 : vector<32xbf16>
        %swap3A_145 = arith.index_cast %add3A_133 : i32 to index
        %swap3A_146 = arith.constant 32 : index
        %swap3A_147 = tpu.vector_load %arg15[%swap3A_145, %swap3A_146] {strides = array<i32>} : memref<128x64xbf16, #tpu.memory_space<vmem>>, vector<32xbf16>,
        tpu.vector_store %arg15[%swap3A_145, %swap3A_146], %mul3A_144 {strides = array<i32>} : memref<128x64xbf16, #tpu.memory_space<vmem>>, vector<32xbf16>,
        %slice3A_148 = vector.extract_strided_slice %get3A_108 {offsets = [2], sizes = [1], strides = [1]} : vector<16xf32> to vector<1xf32>
        %squeeze3A_149 = vector.extract %slice3A_148[0] : f32 from vector<1xf32>
        %broadcast_in_dim3A_150 = vector.broadcast %squeeze3A_149 : f32 to vector<16xf32>
        %pack3A_151 = tpu.pack_subelements %broadcast_in_dim3A_150, %broadcast_in_dim3A_150 {pack_format = #tpu.pack_format<interleaved>, positions = array<i32: 0, 1>} : vector<16xf32>, vector<16xf32> -> vector<32xbf16>
        %mul3A_152 = arith.constant 16 : i32
        %mul3A_153 = arith.muli %scan3A_104, %mul3A_152 : i32
        %add3A_154 = arith.constant 2 : i32
        %add3A_155 = arith.addi %mul3A_153, %add3A_154 : i32
        %get3A_156 = arith.index_cast %add3A_155 : i32 to index
        %get3A_157 = arith.constant 0 : index
        %get3A_158 = tpu.vector_load %arg15[%get3A_156, %get3A_157] {strides = array<i32>} : memref<128x64xbf16, #tpu.memory_space<vmem>>, vector<32xbf16>,
        %mul3A_159 = arith.mulf %get3A_158, %pack3A_151 : vector<32xbf16>
        %swap3A_160 = arith.index_cast %add3A_155 : i32 to index
        %swap3A_161 = arith.constant 0 : index
        %swap3A_162 = tpu.vector_load %arg15[%swap3A_160, %swap3A_161] {strides = array<i32>} : memref<128x64xbf16, #tpu.memory_space<vmem>>, vector<32xbf16>,
        tpu.vector_store %arg15[%swap3A_160, %swap3A_161], %mul3A_159 {strides = array<i32>} : memref<128x64xbf16, #tpu.memory_space<vmem>>, vector<32xbf16>,
        %get3A_163 = arith.index_cast %add3A_155 : i32 to index
        %get3A_164 = arith.constant 32 : index
        %get3A_165 = tpu.vector_load %arg15[%get3A_163, %get3A_164] {strides = array<i32>} : memref<128x64xbf16, #tpu.memory_space<vmem>>, vector<32xbf16>,
        %mul3A_166 = arith.mulf %get3A_165, %pack3A_151 : vector<32xbf16>
        %swap3A_167 = arith.index_cast %add3A_155 : i32 to index
        %swap3A_168 = arith.constant 32 : index
        %swap3A_169 = tpu.vector_load %arg15[%swap3A_167, %swap3A_168] {strides = array<i32>} : memref<128x64xbf16, #tpu.memory_space<vmem>>, vector<32xbf16>,
        tpu.vector_store %arg15[%swap3A_167, %swap3A_168], %mul3A_166 {strides = array<i32>} : memref<128x64xbf16, #tpu.memory_space<vmem>>, vector<32xbf16>,
        %slice3A_170 = vector.extract_strided_slice %get3A_108 {offsets = [3], sizes = [1], strides = [1]} : vector<16xf32> to vector<1xf32>
        %squeeze3A_171 = vector.extract %slice3A_170[0] : f32 from vector<1xf32>
        %broadcast_in_dim3A_172 = vector.broadcast %squeeze3A_171 : f32 to vector<16xf32>
        %pack3A_173 = tpu.pack_subelements %broadcast_in_dim3A_172, %broadcast_in_dim3A_172 {pack_format = #tpu.pack_format<interleaved>, positions = array<i32: 0, 1>} : vector<16xf32>, vector<16xf32> -> vector<32xbf16>
        %mul3A_174 = arith.constant 16 : i32
        %mul3A_175 = arith.muli %scan3A_104, %mul3A_174 : i32
        %add3A_176 = arith.constant 3 : i32
        %add3A_177 = arith.addi %mul3A_175, %add3A_176 : i32
        %get3A_178 = arith.index_cast %add3A_177 : i32 to index
        %get3A_179 = arith.constant 0 : index
        %get3A_180 = tpu.vector_load %arg15[%get3A_178, %get3A_179] {strides = array<i32>} : memref<128x64xbf16, #tpu.memory_space<vmem>>, vector<32xbf16>,
        %mul3A_181 = arith.mulf %get3A_180, %pack3A_173 : vector<32xbf16>
        %swap3A_182 = arith.index_cast %add3A_177 : i32 to index
        %swap3A_183 = arith.constant 0 : index
        %swap3A_184 = tpu.vector_load %arg15[%swap3A_182, %swap3A_183] {strides = array<i32>} : memref<128x64xbf16, #tpu.memory_space<vmem>>, vector<32xbf16>,
        tpu.vector_store %arg15[%swap3A_182, %swap3A_183], %mul3A_181 {strides = array<i32>} : memref<128x64xbf16, #tpu.memory_space<vmem>>, vector<32xbf16>,
        %get3A_185 = arith.index_cast %add3A_177 : i32 to index
        %get3A_186 = arith.constant 32 : index
        %get3A_187 = tpu.vector_load %arg15[%get3A_185, %get3A_186] {strides = array<i32>} : memref<128x64xbf16, #tpu.memory_space<vmem>>, vector<32xbf16>,
        %mul3A_188 = arith.mulf %get3A_187, %pack3A_173 : vector<32xbf16>
        %swap3A_189 = arith.index_cast %add3A_177 : i32 to index
        %swap3A_190 = arith.constant 32 : index
        %swap3A_191 = tpu.vector_load %arg15[%swap3A_189, %swap3A_190] {strides = array<i32>} : memref<128x64xbf16, #tpu.memory_space<vmem>>, vector<32xbf16>,
        tpu.vector_store %arg15[%swap3A_189, %swap3A_190], %mul3A_188 {strides = array<i32>} : memref<128x64xbf16, #tpu.memory_space<vmem>>, vector<32xbf16>,
        %slice3A_192 = vector.extract_strided_slice %get3A_108 {offsets = [4], sizes = [1], strides = [1]} : vector<16xf32> to vector<1xf32>
        %squeeze3A_193 = vector.extract %slice3A_192[0] : f32 from vector<1xf32>
        %broadcast_in_dim3A_194 = vector.broadcast %squeeze3A_193 : f32 to vector<16xf32>
        %pack3A_195 = tpu.pack_subelements %broadcast_in_dim3A_194, %broadcast_in_dim3A_194 {pack_format = #tpu.pack_format<interleaved>, positions = array<i32: 0, 1>} : vector<16xf32>, vector<16xf32> -> vector<32xbf16>
        %mul3A_196 = arith.constant 16 : i32
        %mul3A_197 = arith.muli %scan3A_104, %mul3A_196 : i32
        %add3A_198 = arith.constant 4 : i32
        %add3A_199 = arith.addi %mul3A_197, %add3A_198 : i32
        %get3A_200 = arith.index_cast %add3A_199 : i32 to index
        %get3A_201 = arith.constant 0 : index
        %get3A_202 = tpu.vector_load %arg15[%get3A_200, %get3A_201] {strides = array<i32>} : memref<128x64xbf16, #tpu.memory_space<vmem>>, vector<32xbf16>,
        %mul3A_203 = arith.mulf %get3A_202, %pack3A_195 : vector<32xbf16>
        %swap3A_204 = arith.index_cast %add3A_199 : i32 to index
        %swap3A_205 = arith.constant 0 : index
        %swap3A_206 = tpu.vector_load %arg15[%swap3A_204, %swap3A_205] {strides = array<i32>} : memref<128x64xbf16, #tpu.memory_space<vmem>>, vector<32xbf16>,
        tpu.vector_store %arg15[%swap3A_204, %swap3A_205], %mul3A_203 {strides = array<i32>} : memref<128x64xbf16, #tpu.memory_space<vmem>>, vector<32xbf16>,
        %get3A_207 = arith.index_cast %add3A_199 : i32 to index
        %get3A_208 = arith.constant 32 : index
        %get3A_209 = tpu.vector_load %arg15[%get3A_207, %get3A_208] {strides = array<i32>} : memref<128x64xbf16, #tpu.memory_space<vmem>>, vector<32xbf16>,
        %mul3A_210 = arith.mulf %get3A_209, %pack3A_195 : vector<32xbf16>
        %swap3A_211 = arith.index_cast %add3A_199 : i32 to index
        %swap3A_212 = arith.constant 32 : index
        %swap3A_213 = tpu.vector_load %arg15[%swap3A_211, %swap3A_212] {strides = array<i32>} : memref<128x64xbf16, #tpu.memory_space<vmem>>, vector<32xbf16>,
        tpu.vector_store %arg15[%swap3A_211, %swap3A_212], %mul3A_210 {strides = array<i32>} : memref<128x64xbf16, #tpu.memory_space<vmem>>, vector<32xbf16>,
        %slice3A_214 = vector.extract_strided_slice %get3A_108 {offsets = [5], sizes = [1], strides = [1]} : vector<16xf32> to vector<1xf32>
        %squeeze3A_215 = vector.extract %slice3A_214[0] : f32 from vector<1xf32>
        %broadcast_in_dim3A_216 = vector.broadcast %squeeze3A_215 : f32 to vector<16xf32>
        %pack3A_217 = tpu.pack_subelements %broadcast_in_dim3A_216, %broadcast_in_dim3A_216 {pack_format = #tpu.pack_format<interleaved>, positions = array<i32: 0, 1>} : vector<16xf32>, vector<16xf32> -> vector<32xbf16>
        %mul3A_218 = arith.constant 16 : i32
        %mul3A_219 = arith.muli %scan3A_104, %mul3A_218 : i32
        %add3A_220 = arith.constant 5 : i32
        %add3A_221 = arith.addi %mul3A_219, %add3A_220 : i32
        %get3A_222 = arith.index_cast %add3A_221 : i32 to index
        %get3A_223 = arith.constant 0 : index
        %get3A_224 = tpu.vector_load %arg15[%get3A_222, %get3A_223] {strides = array<i32>} : memref<128x64xbf16, #tpu.memory_space<vmem>>, vector<32xbf16>,
        %mul3A_225 = arith.mulf %get3A_224, %pack3A_217 : vector<32xbf16>
        %swap3A_226 = arith.index_cast %add3A_221 : i32 to index
        %swap3A_227 = arith.constant 0 : index
        %swap3A_228 = tpu.vector_load %arg15[%swap3A_226, %swap3A_227] {strides = array<i32>} : memref<128x64xbf16, #tpu.memory_space<vmem>>, vector<32xbf16>,
        tpu.vector_store %arg15[%swap3A_226, %swap3A_227], %mul3A_225 {strides = array<i32>} : memref<128x64xbf16, #tpu.memory_space<vmem>>, vector<32xbf16>,
        %get3A_229 = arith.index_cast %add3A_221 : i32 to index
        %get3A_230 = arith.constant 32 : index
        %get3A_231 = tpu.vector_load %arg15[%get3A_229, %get3A_230] {strides = array<i32>} : memref<128x64xbf16, #tpu.memory_space<vmem>>, vector<32xbf16>,
        %mul3A_232 = arith.mulf %get3A_231, %pack3A_217 : vector<32xbf16>
        %swap3A_233 = arith.index_cast %add3A_221 : i32 to index
        %swap3A_234 = arith.constant 32 : index
        %swap3A_235 = tpu.vector_load %arg15[%swap3A_233, %swap3A_234] {strides = array<i32>} : memref<128x64xbf16, #tpu.memory_space<vmem>>, vector<32xbf16>,
        tpu.vector_store %arg15[%swap3A_233, %swap3A_234], %mul3A_232 {strides = array<i32>} : memref<128x64xbf16, #tpu.memory_space<vmem>>, vector<32xbf16>,
        %slice3A_236 = vector.extract_strided_slice %get3A_108 {offsets = [6], sizes = [1], strides = [1]} : vector<16xf32> to vector<1xf32>
        %squeeze3A_237 = vector.extract %slice3A_236[0] : f32 from vector<1xf32>
        %broadcast_in_dim3A_238 = vector.broadcast %squeeze3A_237 : f32 to vector<16xf32>
        %pack3A_239 = tpu.pack_subelements %broadcast_in_dim3A_238, %broadcast_in_dim3A_238 {pack_format = #tpu.pack_format<interleaved>, positions = array<i32: 0, 1>} : vector<16xf32>, vector<16xf32> -> vector<32xbf16>
        %mul3A_240 = arith.constant 16 : i32
        %mul3A_241 = arith.muli %scan3A_104, %mul3A_240 : i32
        %add3A_242 = arith.constant 6 : i32
        %add3A_243 = arith.addi %mul3A_241, %add3A_242 : i32
        %get3A_244 = arith.index_cast %add3A_243 : i32 to index
        %get3A_245 = arith.constant 0 : index
        %get3A_246 = tpu.vector_load %arg15[%get3A_244, %get3A_245] {strides = array<i32>} : memref<128x64xbf16, #tpu.memory_space<vmem>>, vector<32xbf16>,
        %mul3A_247 = arith.mulf %get3A_246, %pack3A_239 : vector<32xbf16>
        %swap3A_248 = arith.index_cast %add3A_243 : i32 to index
        %swap3A_249 = arith.constant 0 : index
        %swap3A_250 = tpu.vector_load %arg15[%swap3A_248, %swap3A_249] {strides = array<i32>} : memref<128x64xbf16, #tpu.memory_space<vmem>>, vector<32xbf16>,
        tpu.vector_store %arg15[%swap3A_248, %swap3A_249], %mul3A_247 {strides = array<i32>} : memref<128x64xbf16, #tpu.memory_space<vmem>>, vector<32xbf16>,
        %get3A_251 = arith.index_cast %add3A_243 : i32 to index
        %get3A_252 = arith.constant 32 : index
        %get3A_253 = tpu.vector_load %arg15[%get3A_251, %get3A_252] {strides = array<i32>} : memref<128x64xbf16, #tpu.memory_space<vmem>>, vector<32xbf16>,
        %mul3A_254 = arith.mulf %get3A_253, %pack3A_239 : vector<32xbf16>
        %swap3A_255 = arith.index_cast %add3A_243 : i32 to index
        %swap3A_256 = arith.constant 32 : index
        %swap3A_257 = tpu.vector_load %arg15[%swap3A_255, %swap3A_256] {strides = array<i32>} : memref<128x64xbf16, #tpu.memory_space<vmem>>, vector<32xbf16>,
        tpu.vector_store %arg15[%swap3A_255, %swap3A_256], %mul3A_254 {strides = array<i32>} : memref<128x64xbf16, #tpu.memory_space<vmem>>, vector<32xbf16>,
        %slice3A_258 = vector.extract_strided_slice %get3A_108 {offsets = [7], sizes = [1], strides = [1]} : vector<16xf32> to vector<1xf32>
        %squeeze3A_259 = vector.extract %slice3A_258[0] : f32 from vector<1xf32>
        %broadcast_in_dim3A_260 = vector.broadcast %squeeze3A_259 : f32 to vector<16xf32>
        %pack3A_261 = tpu.pack_subelements %broadcast_in_dim3A_260, %broadcast_in_dim3A_260 {pack_format = #tpu.pack_format<interleaved>, positions = array<i32: 0, 1>} : vector<16xf32>, vector<16xf32> -> vector<32xbf16>
        %mul3A_262 = arith.constant 16 : i32
        %mul3A_263 = arith.muli %scan3A_104, %mul3A_262 : i32
        %add3A_264 = arith.constant 7 : i32
        %add3A_265 = arith.addi %mul3A_263, %add3A_264 : i32
        %get3A_266 = arith.index_cast %add3A_265 : i32 to index
        %get3A_267 = arith.constant 0 : index
        %get3A_268 = tpu.vector_load %arg15[%get3A_266, %get3A_267] {strides = array<i32>} : memref<128x64xbf16, #tpu.memory_space<vmem>>, vector<32xbf16>,
        %mul3A_269 = arith.mulf %get3A_268, %pack3A_261 : vector<32xbf16>
        %swap3A_270 = arith.index_cast %add3A_265 : i32 to index
        %swap3A_271 = arith.constant 0 : index
        %swap3A_272 = tpu.vector_load %arg15[%swap3A_270, %swap3A_271] {strides = array<i32>} : memref<128x64xbf16, #tpu.memory_space<vmem>>, vector<32xbf16>,
        tpu.vector_store %arg15[%swap3A_270, %swap3A_271], %mul3A_269 {strides = array<i32>} : memref<128x64xbf16, #tpu.memory_space<vmem>>, vector<32xbf16>,
        %get3A_273 = arith.index_cast %add3A_265 : i32 to index
        %get3A_274 = arith.constant 32 : index
        %get3A_275 = tpu.vector_load %arg15[%get3A_273, %get3A_274] {strides = array<i32>} : memref<128x64xbf16, #tpu.memory_space<vmem>>, vector<32xbf16>,
        %mul3A_276 = arith.mulf %get3A_275, %pack3A_261 : vector<32xbf16>
        %swap3A_277 = arith.index_cast %add3A_265 : i32 to index
        %swap3A_278 = arith.constant 32 : index
        %swap3A_279 = tpu.vector_load %arg15[%swap3A_277, %swap3A_278] {strides = array<i32>} : memref<128x64xbf16, #tpu.memory_space<vmem>>, vector<32xbf16>,
        tpu.vector_store %arg15[%swap3A_277, %swap3A_278], %mul3A_276 {strides = array<i32>} : memref<128x64xbf16, #tpu.memory_space<vmem>>, vector<32xbf16>,
        %slice3A_280 = vector.extract_strided_slice %get3A_108 {offsets = [8], sizes = [1], strides = [1]} : vector<16xf32> to vector<1xf32>
        %squeeze3A_281 = vector.extract %slice3A_280[0] : f32 from vector<1xf32>
        %broadcast_in_dim3A_282 = vector.broadcast %squeeze3A_281 : f32 to vector<16xf32>
        %pack3A_283 = tpu.pack_subelements %broadcast_in_dim3A_282, %broadcast_in_dim3A_282 {pack_format = #tpu.pack_format<interleaved>, positions = array<i32: 0, 1>} : vector<16xf32>, vector<16xf32> -> vector<32xbf16>
        %mul3A_284 = arith.constant 16 : i32
        %mul3A_285 = arith.muli %scan3A_104, %mul3A_284 : i32
        %add3A_286 = arith.constant 8 : i32
        %add3A_287 = arith.addi %mul3A_285, %add3A_286 : i32
        %get3A_288 = arith.index_cast %add3A_287 : i32 to index
        %get3A_289 = arith.constant 0 : index
        %get3A_290 = tpu.vector_load %arg15[%get3A_288, %get3A_289] {strides = array<i32>} : memref<128x64xbf16, #tpu.memory_space<vmem>>, vector<32xbf16>,
        %mul3A_291 = arith.mulf %get3A_290, %pack3A_283 : vector<32xbf16>
        %swap3A_292 = arith.index_cast %add3A_287 : i32 to index
        %swap3A_293 = arith.constant 0 : index
        %swap3A_294 = tpu.vector_load %arg15[%swap3A_292, %swap3A_293] {strides = array<i32>} : memref<128x64xbf16, #tpu.memory_space<vmem>>, vector<32xbf16>,
        tpu.vector_store %arg15[%swap3A_292, %swap3A_293], %mul3A_291 {strides = array<i32>} : memref<128x64xbf16, #tpu.memory_space<vmem>>, vector<32xbf16>,
        %get3A_295 = arith.index_cast %add3A_287 : i32 to index
        %get3A_296 = arith.constant 32 : index
        %get3A_297 = tpu.vector_load %arg15[%get3A_295, %get3A_296] {strides = array<i32>} : memref<128x64xbf16, #tpu.memory_space<vmem>>, vector<32xbf16>,
        %mul3A_298 = arith.mulf %get3A_297, %pack3A_283 : vector<32xbf16>
        %swap3A_299 = arith.index_cast %add3A_287 : i32 to index
        %swap3A_300 = arith.constant 32 : index
        %swap3A_301 = tpu.vector_load %arg15[%swap3A_299, %swap3A_300] {strides = array<i32>} : memref<128x64xbf16, #tpu.memory_space<vmem>>, vector<32xbf16>,
        tpu.vector_store %arg15[%swap3A_299, %swap3A_300], %mul3A_298 {strides = array<i32>} : memref<128x64xbf16, #tpu.memory_space<vmem>>, vector<32xbf16>,
        %slice3A_302 = vector.extract_strided_slice %get3A_108 {offsets = [9], sizes = [1], strides = [1]} : vector<16xf32> to vector<1xf32>
        %squeeze3A_303 = vector.extract %slice3A_302[0] : f32 from vector<1xf32>
        %broadcast_in_dim3A_304 = vector.broadcast %squeeze3A_303 : f32 to vector<16xf32>
        %pack3A_305 = tpu.pack_subelements %broadcast_in_dim3A_304, %broadcast_in_dim3A_304 {pack_format = #tpu.pack_format<interleaved>, positions = array<i32: 0, 1>} : vector<16xf32>, vector<16xf32> -> vector<32xbf16>
        %mul3A_306 = arith.constant 16 : i32
        %mul3A_307 = arith.muli %scan3A_104, %mul3A_306 : i32
        %add3A_308 = arith.constant 9 : i32
        %add3A_309 = arith.addi %mul3A_307, %add3A_308 : i32
        %get3A_310 = arith.index_cast %add3A_309 : i32 to index
        %get3A_311 = arith.constant 0 : index
        %get3A_312 = tpu.vector_load %arg15[%get3A_310, %get3A_311] {strides = array<i32>} : memref<128x64xbf16, #tpu.memory_space<vmem>>, vector<32xbf16>,
        %mul3A_313 = arith.mulf %get3A_312, %pack3A_305 : vector<32xbf16>
        %swap3A_314 = arith.index_cast %add3A_309 : i32 to index
        %swap3A_315 = arith.constant 0 : index
        %swap3A_316 = tpu.vector_load %arg15[%swap3A_314, %swap3A_315] {strides = array<i32>} : memref<128x64xbf16, #tpu.memory_space<vmem>>, vector<32xbf16>,
        tpu.vector_store %arg15[%swap3A_314, %swap3A_315], %mul3A_313 {strides = array<i32>} : memref<128x64xbf16, #tpu.memory_space<vmem>>, vector<32xbf16>,
        %get3A_317 = arith.index_cast %add3A_309 : i32 to index
        %get3A_318 = arith.constant 32 : index
        %get3A_319 = tpu.vector_load %arg15[%get3A_317, %get3A_318] {strides = array<i32>} : memref<128x64xbf16, #tpu.memory_space<vmem>>, vector<32xbf16>,
        %mul3A_320 = arith.mulf %get3A_319, %pack3A_305 : vector<32xbf16>
        %swap3A_321 = arith.index_cast %add3A_309 : i32 to index
        %swap3A_322 = arith.constant 32 : index
        %swap3A_323 = tpu.vector_load %arg15[%swap3A_321, %swap3A_322] {strides = array<i32>} : memref<128x64xbf16, #tpu.memory_space<vmem>>, vector<32xbf16>,
        tpu.vector_store %arg15[%swap3A_321, %swap3A_322], %mul3A_320 {strides = array<i32>} : memref<128x64xbf16, #tpu.memory_space<vmem>>, vector<32xbf16>,
        %slice3A_324 = vector.extract_strided_slice %get3A_108 {offsets = [10], sizes = [1], strides = [1]} : vector<16xf32> to vector<1xf32>
        %squeeze3A_325 = vector.extract %slice3A_324[0] : f32 from vector<1xf32>
        %broadcast_in_dim3A_326 = vector.broadcast %squeeze3A_325 : f32 to vector<16xf32>
        %pack3A_327 = tpu.pack_subelements %broadcast_in_dim3A_326, %broadcast_in_dim3A_326 {pack_format = #tpu.pack_format<interleaved>, positions = array<i32: 0, 1>} : vector<16xf32>, vector<16xf32> -> vector<32xbf16>
        %mul3A_328 = arith.constant 16 : i32
        %mul3A_329 = arith.muli %scan3A_104, %mul3A_328 : i32
        %add3A_330 = arith.constant 10 : i32
        %add3A_331 = arith.addi %mul3A_329, %add3A_330 : i32
        %get3A_332 = arith.index_cast %add3A_331 : i32 to index
        %get3A_333 = arith.constant 0 : index
        %get3A_334 = tpu.vector_load %arg15[%get3A_332, %get3A_333] {strides = array<i32>} : memref<128x64xbf16, #tpu.memory_space<vmem>>, vector<32xbf16>,
        %mul3A_335 = arith.mulf %get3A_334, %pack3A_327 : vector<32xbf16>
        %swap3A_336 = arith.index_cast %add3A_331 : i32 to index
        %swap3A_337 = arith.constant 0 : index
        %swap3A_338 = tpu.vector_load %arg15[%swap3A_336, %swap3A_337] {strides = array<i32>} : memref<128x64xbf16, #tpu.memory_space<vmem>>, vector<32xbf16>,
        tpu.vector_store %arg15[%swap3A_336, %swap3A_337], %mul3A_335 {strides = array<i32>} : memref<128x64xbf16, #tpu.memory_space<vmem>>, vector<32xbf16>,
        %get3A_339 = arith.index_cast %add3A_331 : i32 to index
        %get3A_340 = arith.constant 32 : index
        %get3A_341 = tpu.vector_load %arg15[%get3A_339, %get3A_340] {strides = array<i32>} : memref<128x64xbf16, #tpu.memory_space<vmem>>, vector<32xbf16>,
        %mul3A_342 = arith.mulf %get3A_341, %pack3A_327 : vector<32xbf16>
        %swap3A_343 = arith.index_cast %add3A_331 : i32 to index
        %swap3A_344 = arith.constant 32 : index
        %swap3A_345 = tpu.vector_load %arg15[%swap3A_343, %swap3A_344] {strides = array<i32>} : memref<128x64xbf16, #tpu.memory_space<vmem>>, vector<32xbf16>,
        tpu.vector_store %arg15[%swap3A_343, %swap3A_344], %mul3A_342 {strides = array<i32>} : memref<128x64xbf16, #tpu.memory_space<vmem>>, vector<32xbf16>,
        %slice3A_346 = vector.extract_strided_slice %get3A_108 {offsets = [11], sizes = [1], strides = [1]} : vector<16xf32> to vector<1xf32>
        %squeeze3A_347 = vector.extract %slice3A_346[0] : f32 from vector<1xf32>
        %broadcast_in_dim3A_348 = vector.broadcast %squeeze3A_347 : f32 to vector<16xf32>
        %pack3A_349 = tpu.pack_subelements %broadcast_in_dim3A_348, %broadcast_in_dim3A_348 {pack_format = #tpu.pack_format<interleaved>, positions = array<i32: 0, 1>} : vector<16xf32>, vector<16xf32> -> vector<32xbf16>
        %mul3A_350 = arith.constant 16 : i32
        %mul3A_351 = arith.muli %scan3A_104, %mul3A_350 : i32
        %add3A_352 = arith.constant 11 : i32
        %add3A_353 = arith.addi %mul3A_351, %add3A_352 : i32
        %get3A_354 = arith.index_cast %add3A_353 : i32 to index
        %get3A_355 = arith.constant 0 : index
        %get3A_356 = tpu.vector_load %arg15[%get3A_354, %get3A_355] {strides = array<i32>} : memref<128x64xbf16, #tpu.memory_space<vmem>>, vector<32xbf16>,
        %mul3A_357 = arith.mulf %get3A_356, %pack3A_349 : vector<32xbf16>
        %swap3A_358 = arith.index_cast %add3A_353 : i32 to index
        %swap3A_359 = arith.constant 0 : index
        %swap3A_360 = tpu.vector_load %arg15[%swap3A_358, %swap3A_359] {strides = array<i32>} : memref<128x64xbf16, #tpu.memory_space<vmem>>, vector<32xbf16>,
        tpu.vector_store %arg15[%swap3A_358, %swap3A_359], %mul3A_357 {strides = array<i32>} : memref<128x64xbf16, #tpu.memory_space<vmem>>, vector<32xbf16>,
        %get3A_361 = arith.index_cast %add3A_353 : i32 to index
        %get3A_362 = arith.constant 32 : index
        %get3A_363 = tpu.vector_load %arg15[%get3A_361, %get3A_362] {strides = array<i32>} : memref<128x64xbf16, #tpu.memory_space<vmem>>, vector<32xbf16>,
        %mul3A_364 = arith.mulf %get3A_363, %pack3A_349 : vector<32xbf16>
        %swap3A_365 = arith.index_cast %add3A_353 : i32 to index
        %swap3A_366 = arith.constant 32 : index
        %swap3A_367 = tpu.vector_load %arg15[%swap3A_365, %swap3A_366] {strides = array<i32>} : memref<128x64xbf16, #tpu.memory_space<vmem>>, vector<32xbf16>,
        tpu.vector_store %arg15[%swap3A_365, %swap3A_366], %mul3A_364 {strides = array<i32>} : memref<128x64xbf16, #tpu.memory_space<vmem>>, vector<32xbf16>,
        %slice3A_368 = vector.extract_strided_slice %get3A_108 {offsets = [12], sizes = [1], strides = [1]} : vector<16xf32> to vector<1xf32>
        %squeeze3A_369 = vector.extract %slice3A_368[0] : f32 from vector<1xf32>
        %broadcast_in_dim3A_370 = vector.broadcast %squeeze3A_369 : f32 to vector<16xf32>
        %pack3A_371 = tpu.pack_subelements %broadcast_in_dim3A_370, %broadcast_in_dim3A_370 {pack_format = #tpu.pack_format<interleaved>, positions = array<i32: 0, 1>} : vector<16xf32>, vector<16xf32> -> vector<32xbf16>
        %mul3A_372 = arith.constant 16 : i32
        %mul3A_373 = arith.muli %scan3A_104, %mul3A_372 : i32
        %add3A_374 = arith.constant 12 : i32
        %add3A_375 = arith.addi %mul3A_373, %add3A_374 : i32
        %get3A_376 = arith.index_cast %add3A_375 : i32 to index
        %get3A_377 = arith.constant 0 : index
        %get3A_378 = tpu.vector_load %arg15[%get3A_376, %get3A_377] {strides = array<i32>} : memref<128x64xbf16, #tpu.memory_space<vmem>>, vector<32xbf16>,
        %mul3A_379 = arith.mulf %get3A_378, %pack3A_371 : vector<32xbf16>
        %swap3A_380 = arith.index_cast %add3A_375 : i32 to index
        %swap3A_381 = arith.constant 0 : index
        %swap3A_382 = tpu.vector_load %arg15[%swap3A_380, %swap3A_381] {strides = array<i32>} : memref<128x64xbf16, #tpu.memory_space<vmem>>, vector<32xbf16>,
        tpu.vector_store %arg15[%swap3A_380, %swap3A_381], %mul3A_379 {strides = array<i32>} : memref<128x64xbf16, #tpu.memory_space<vmem>>, vector<32xbf16>,
        %get3A_383 = arith.index_cast %add3A_375 : i32 to index
        %get3A_384 = arith.constant 32 : index
        %get3A_385 = tpu.vector_load %arg15[%get3A_383, %get3A_384] {strides = array<i32>} : memref<128x64xbf16, #tpu.memory_space<vmem>>, vector<32xbf16>,
        %mul3A_386 = arith.mulf %get3A_385, %pack3A_371 : vector<32xbf16>
        %swap3A_387 = arith.index_cast %add3A_375 : i32 to index
        %swap3A_388 = arith.constant 32 : index
        %swap3A_389 = tpu.vector_load %arg15[%swap3A_387, %swap3A_388] {strides = array<i32>} : memref<128x64xbf16, #tpu.memory_space<vmem>>, vector<32xbf16>,
        tpu.vector_store %arg15[%swap3A_387, %swap3A_388], %mul3A_386 {strides = array<i32>} : memref<128x64xbf16, #tpu.memory_space<vmem>>, vector<32xbf16>,
        %slice3A_390 = vector.extract_strided_slice %get3A_108 {offsets = [13], sizes = [1], strides = [1]} : vector<16xf32> to vector<1xf32>
        %squeeze3A_391 = vector.extract %slice3A_390[0] : f32 from vector<1xf32>
        %broadcast_in_dim3A_392 = vector.broadcast %squeeze3A_391 : f32 to vector<16xf32>
        %pack3A_393 = tpu.pack_subelements %broadcast_in_dim3A_392, %broadcast_in_dim3A_392 {pack_format = #tpu.pack_format<interleaved>, positions = array<i32: 0, 1>} : vector<16xf32>, vector<16xf32> -> vector<32xbf16>
        %mul3A_394 = arith.constant 16 : i32
        %mul3A_395 = arith.muli %scan3A_104, %mul3A_394 : i32
        %add3A_396 = arith.constant 13 : i32
        %add3A_397 = arith.addi %mul3A_395, %add3A_396 : i32
        %get3A_398 = arith.index_cast %add3A_397 : i32 to index
        %get3A_399 = arith.constant 0 : index
        %get3A_400 = tpu.vector_load %arg15[%get3A_398, %get3A_399] {strides = array<i32>} : memref<128x64xbf16, #tpu.memory_space<vmem>>, vector<32xbf16>,
        %mul3A_401 = arith.mulf %get3A_400, %pack3A_393 : vector<32xbf16>
        %swap3A_402 = arith.index_cast %add3A_397 : i32 to index
        %swap3A_403 = arith.constant 0 : index
        %swap3A_404 = tpu.vector_load %arg15[%swap3A_402, %swap3A_403] {strides = array<i32>} : memref<128x64xbf16, #tpu.memory_space<vmem>>, vector<32xbf16>,
        tpu.vector_store %arg15[%swap3A_402, %swap3A_403], %mul3A_401 {strides = array<i32>} : memref<128x64xbf16, #tpu.memory_space<vmem>>, vector<32xbf16>,
        %get3A_405 = arith.index_cast %add3A_397 : i32 to index
        %get3A_406 = arith.constant 32 : index
        %get3A_407 = tpu.vector_load %arg15[%get3A_405, %get3A_406] {strides = array<i32>} : memref<128x64xbf16, #tpu.memory_space<vmem>>, vector<32xbf16>,
        %mul3A_408 = arith.mulf %get3A_407, %pack3A_393 : vector<32xbf16>
        %swap3A_409 = arith.index_cast %add3A_397 : i32 to index
        %swap3A_410 = arith.constant 32 : index
        %swap3A_411 = tpu.vector_load %arg15[%swap3A_409, %swap3A_410] {strides = array<i32>} : memref<128x64xbf16, #tpu.memory_space<vmem>>, vector<32xbf16>,
        tpu.vector_store %arg15[%swap3A_409, %swap3A_410], %mul3A_408 {strides = array<i32>} : memref<128x64xbf16, #tpu.memory_space<vmem>>, vector<32xbf16>,
        %slice3A_412 = vector.extract_strided_slice %get3A_108 {offsets = [14], sizes = [1], strides = [1]} : vector<16xf32> to vector<1xf32>
        %squeeze3A_413 = vector.extract %slice3A_412[0] : f32 from vector<1xf32>
        %broadcast_in_dim3A_414 = vector.broadcast %squeeze3A_413 : f32 to vector<16xf32>
        %pack3A_415 = tpu.pack_subelements %broadcast_in_dim3A_414, %broadcast_in_dim3A_414 {pack_format = #tpu.pack_format<interleaved>, positions = array<i32: 0, 1>} : vector<16xf32>, vector<16xf32> -> vector<32xbf16>
        %mul3A_416 = arith.constant 16 : i32
        %mul3A_417 = arith.muli %scan3A_104, %mul3A_416 : i32
        %add3A_418 = arith.constant 14 : i32
        %add3A_419 = arith.addi %mul3A_417, %add3A_418 : i32
        %get3A_420 = arith.index_cast %add3A_419 : i32 to index
        %get3A_421 = arith.constant 0 : index
        %get3A_422 = tpu.vector_load %arg15[%get3A_420, %get3A_421] {strides = array<i32>} : memref<128x64xbf16, #tpu.memory_space<vmem>>, vector<32xbf16>,
        %mul3A_423 = arith.mulf %get3A_422, %pack3A_415 : vector<32xbf16>
        %swap3A_424 = arith.index_cast %add3A_419 : i32 to index
        %swap3A_425 = arith.constant 0 : index
        %swap3A_426 = tpu.vector_load %arg15[%swap3A_424, %swap3A_425] {strides = array<i32>} : memref<128x64xbf16, #tpu.memory_space<vmem>>, vector<32xbf16>,
        tpu.vector_store %arg15[%swap3A_424, %swap3A_425], %mul3A_423 {strides = array<i32>} : memref<128x64xbf16, #tpu.memory_space<vmem>>, vector<32xbf16>,
        %get3A_427 = arith.index_cast %add3A_419 : i32 to index
        %get3A_428 = arith.constant 32 : index
        %get3A_429 = tpu.vector_load %arg15[%get3A_427, %get3A_428] {strides = array<i32>} : memref<128x64xbf16, #tpu.memory_space<vmem>>, vector<32xbf16>,
        %mul3A_430 = arith.mulf %get3A_429, %pack3A_415 : vector<32xbf16>
        %swap3A_431 = arith.index_cast %add3A_419 : i32 to index
        %swap3A_432 = arith.constant 32 : index
        %swap3A_433 = tpu.vector_load %arg15[%swap3A_431, %swap3A_432] {strides = array<i32>} : memref<128x64xbf16, #tpu.memory_space<vmem>>, vector<32xbf16>,
        tpu.vector_store %arg15[%swap3A_431, %swap3A_432], %mul3A_430 {strides = array<i32>} : memref<128x64xbf16, #tpu.memory_space<vmem>>, vector<32xbf16>,
        %slice3A_434 = vector.extract_strided_slice %get3A_108 {offsets = [15], sizes = [1], strides = [1]} : vector<16xf32> to vector<1xf32>
        %squeeze3A_435 = vector.extract %slice3A_434[0] : f32 from vector<1xf32>
        %broadcast_in_dim3A_436 = vector.broadcast %squeeze3A_435 : f32 to vector<16xf32>
        %pack3A_437 = tpu.pack_subelements %broadcast_in_dim3A_436, %broadcast_in_dim3A_436 {pack_format = #tpu.pack_format<interleaved>, positions = array<i32: 0, 1>} : vector<16xf32>, vector<16xf32> -> vector<32xbf16>
        %mul3A_438 = arith.constant 16 : i32
        %mul3A_439 = arith.muli %scan3A_104, %mul3A_438 : i32
        %add3A_440 = arith.constant 15 : i32
        %add3A_441 = arith.addi %mul3A_439, %add3A_440 : i32
        %get3A_442 = arith.index_cast %add3A_441 : i32 to index
        %get3A_443 = arith.constant 0 : index
        %get3A_444 = tpu.vector_load %arg15[%get3A_442, %get3A_443] {strides = array<i32>} : memref<128x64xbf16, #tpu.memory_space<vmem>>, vector<32xbf16>,
        %mul3A_445 = arith.mulf %get3A_444, %pack3A_437 : vector<32xbf16>
        %swap3A_446 = arith.index_cast %add3A_441 : i32 to index
        %swap3A_447 = arith.constant 0 : index
        %swap3A_448 = tpu.vector_load %arg15[%swap3A_446, %swap3A_447] {strides = array<i32>} : memref<128x64xbf16, #tpu.memory_space<vmem>>, vector<32xbf16>,
        tpu.vector_store %arg15[%swap3A_446, %swap3A_447], %mul3A_445 {strides = array<i32>} : memref<128x64xbf16, #tpu.memory_space<vmem>>, vector<32xbf16>,
        %get3A_449 = arith.index_cast %add3A_441 : i32 to index
        %get3A_450 = arith.constant 32 : index
        %get3A_451 = tpu.vector_load %arg15[%get3A_449, %get3A_450] {strides = array<i32>} : memref<128x64xbf16, #tpu.memory_space<vmem>>, vector<32xbf16>,
        %mul3A_452 = arith.mulf %get3A_451, %pack3A_437 : vector<32xbf16>
        %swap3A_453 = arith.index_cast %add3A_441 : i32 to index
        %swap3A_454 = arith.constant 32 : index
        %swap3A_455 = tpu.vector_load %arg15[%swap3A_453, %swap3A_454] {strides = array<i32>} : memref<128x64xbf16, #tpu.memory_space<vmem>>, vector<32xbf16>,
        tpu.vector_store %arg15[%swap3A_453, %swap3A_454], %mul3A_452 {strides = array<i32>} : memref<128x64xbf16, #tpu.memory_space<vmem>>, vector<32xbf16>,
      }
      %scan3A_99 = arith.constant 8 : i32
      %add3A_100 = arith.constant 1 : i32
      %add3A_101 = arith.addi %mul3A_48, %add3A_100 : i32
      "tpu.region"() ({
        %run_scoped3A = tpu.sem_alloc : memref<!tpu.dma_semaphore, #tpu.memory_space<semaphore_mem>>
        %dma_start3A_104 = arith.constant 0 : i32
        %dma_start3A_105 = tpu.memref_slice %arg12[%add3A_101, %dma_start3A_104] : memref<162x128xi32, #tpu.memory_space<vmem>> -> memref<1x128xi32, #tpu.memory_space<vmem>>
        %dma_start3A_106 = tpu.memref_squeeze %dma_start3A_105 : memref<1x128xi32, #tpu.memory_space<vmem>> -> memref<128xi32, #tpu.memory_space<vmem>>
        %dma_start3A_107 = arith.constant 0 : i32
        %dma_start3A_108 = arith.constant 0 : i32
        %dma_start3A_109 = tpu.memref_slice %arg18[%dma_start3A_107, %dma_start3A_108] : memref<10240x64xbf16, #tpu.memory_space<vmem_shared>> -> memref<10240x64xbf16, #tpu.memory_space<vmem_shared>>
        tpu.enqueue_indirect_dma source(%arg15 : memref<128x64xbf16, #tpu.memory_space<vmem>>) target(%dma_start3A_109 : memref<10240x64xbf16, #tpu.memory_space<vmem_shared>>) offsets(%dma_start3A_106 : memref<128xi32, #tpu.memory_space<vmem>>) semaphore(%run_scoped3A : memref<!tpu.dma_semaphore, #tpu.memory_space<semaphore_mem>>) {add = true}
        %dma_wait3A_110 = arith.constant 0 : i32
        %dma_wait3A_111 = tpu.memref_slice %arg12[%add3A_101, %dma_wait3A_110] : memref<162x128xi32, #tpu.memory_space<vmem>> -> memref<1x128xi32, #tpu.memory_space<vmem>>
        %dma_wait3A_112 = tpu.memref_squeeze %dma_wait3A_111 : memref<1x128xi32, #tpu.memory_space<vmem>> -> memref<128xi32, #tpu.memory_space<vmem>>
        %dma_wait3A_113 = arith.constant 0 : i32
        %dma_wait3A_114 = arith.constant 0 : i32
        %dma_wait3A_115 = tpu.memref_slice %arg18[%dma_wait3A_113, %dma_wait3A_114] : memref<10240x64xbf16, #tpu.memory_space<vmem_shared>> -> memref<10240x64xbf16, #tpu.memory_space<vmem_shared>>
        tpu.wait_indirect_dma semaphore(%run_scoped3A : memref<!tpu.dma_semaphore, #tpu.memory_space<semaphore_mem>>) src(%arg15 : memref<128x64xbf16, #tpu.memory_space<vmem>>) dst(%dma_wait3A_115 : memref<10240x64xbf16, #tpu.memory_space<vmem_shared>>)
        tpu.yield
      }) : () -> ()
      %add3A_102 = arith.constant 1 : i32
      %add3A_103 = arith.addi %mul3A_48, %add3A_102 : i32
      "tpu.region"() ({
        %run_scoped3A = tpu.sem_alloc : memref<!tpu.dma_semaphore, #tpu.memory_space<semaphore_mem>>
        %dma_start3A_104 = arith.constant 0 : i32
        %dma_start3A_105 = tpu.memref_slice %arg13[%add3A_103, %dma_start3A_104] : memref<162x128xf32, #tpu.memory_space<vmem>> -> memref<1x128xf32, #tpu.memory_space<vmem>>
        %dma_start3A_106 = tpu.memref_squeeze %dma_start3A_105 : memref<1x128xf32, #tpu.memory_space<vmem>> -> memref<128xf32, #tpu.memory_space<vmem>>
        %dma_start3A_107 = arith.constant 0 : i32
        %dma_start3A_108 = tpu.memref_slice %arg12[%add3A_103, %dma_start3A_107] : memref<162x128xi32, #tpu.memory_space<vmem>> -> memref<1x128xi32, #tpu.memory_space<vmem>>
        %dma_start3A_109 = tpu.memref_squeeze %dma_start3A_108 : memref<1x128xi32, #tpu.memory_space<vmem>> -> memref<128xi32, #tpu.memory_space<vmem>>
        %dma_start3A_110 = arith.constant 0 : i32
        %dma_start3A_111 = tpu.memref_slice %arg19[%dma_start3A_110] : memref<10240xf32, #tpu.memory_space<vmem_shared>> -> memref<10240xf32, #tpu.memory_space<vmem_shared>>
        tpu.enqueue_indirect_dma source(%dma_start3A_106 : memref<128xf32, #tpu.memory_space<vmem>>) target(%dma_start3A_111 : memref<10240xf32, #tpu.memory_space<vmem_shared>>) offsets(%dma_start3A_109 : memref<128xi32, #tpu.memory_space<vmem>>) semaphore(%run_scoped3A : memref<!tpu.dma_semaphore, #tpu.memory_space<semaphore_mem>>) {add = true}
        %dma_wait3A_112 = arith.constant 0 : i32
        %dma_wait3A_113 = tpu.memref_slice %arg13[%add3A_103, %dma_wait3A_112] : memref<162x128xf32, #tpu.memory_space<vmem>> -> memref<1x128xf32, #tpu.memory_space<vmem>>
        %dma_wait3A_114 = tpu.memref_squeeze %dma_wait3A_113 : memref<1x128xf32, #tpu.memory_space<vmem>> -> memref<128xf32, #tpu.memory_space<vmem>>
        %dma_wait3A_115 = arith.constant 0 : i32
        %dma_wait3A_116 = tpu.memref_slice %arg12[%add3A_103, %dma_wait3A_115] : memref<162x128xi32, #tpu.memory_space<vmem>> -> memref<1x128xi32, #tpu.memory_space<vmem>>
        %dma_wait3A_117 = tpu.memref_squeeze %dma_wait3A_116 : memref<1x128xi32, #tpu.memory_space<vmem>> -> memref<128xi32, #tpu.memory_space<vmem>>
        %dma_wait3A_118 = arith.constant 0 : i32
        %dma_wait3A_119 = tpu.memref_slice %arg19[%dma_wait3A_118] : memref<10240xf32, #tpu.memory_space<vmem_shared>> -> memref<10240xf32, #tpu.memory_space<vmem_shared>>
        tpu.wait_indirect_dma semaphore(%run_scoped3A : memref<!tpu.dma_semaphore, #tpu.memory_space<semaphore_mem>>) src(%dma_wait3A_114 : memref<128xf32, #tpu.memory_space<vmem>>) dst(%dma_wait3A_119 : memref<10240xf32, #tpu.memory_space<vmem_shared>>)
        tpu.yield
      }) : () -> ()
    }
    %scan3A_44 = arith.constant 81 : i32
    %barrier3A_45 = arith.constant 0 : index
    tpu.barrier barrier_id(%barrier3A_45)
    "tpu.region"() ({
      %run_scoped3A = tpu.sem_alloc : memref<!tpu.dma_semaphore, #tpu.memory_space<semaphore_mem>>
      %dma_start3A_46 = arith.constant 0 : i32
      %dma_start3A_47 = tpu.memref_slice %arg7[%arg0, %mul3A_11, %dma_start3A_46] : memref<2x10240x64xbf16, #tpu.memory_space<hbm>> -> memref<1x640x64xbf16, #tpu.memory_space<hbm>>
      %dma_start3A_48 = tpu.memref_squeeze %dma_start3A_47 : memref<1x640x64xbf16, #tpu.memory_space<hbm>> -> memref<640x64xbf16, #tpu.memory_space<hbm>>
      %dma_start3A_49 = arith.constant 0 : i32
      %dma_start3A_50 = tpu.memref_slice %arg18[%mul3A_11, %dma_start3A_49] : memref<10240x64xbf16, #tpu.memory_space<vmem_shared>> -> memref<640x64xbf16, #tpu.memory_space<vmem_shared>>
      tpu.enqueue_dma source(%dma_start3A_50 : memref<640x64xbf16, #tpu.memory_space<vmem_shared>>) target(%dma_start3A_48 : memref<640x64xbf16, #tpu.memory_space<hbm>>) target_semaphore(%run_scoped3A : memref<!tpu.dma_semaphore, #tpu.memory_space<semaphore_mem>>)
      %dma_wait3A = arith.constant 0 : i32
      %dma_wait3A_51 = tpu.memref_slice %arg7[%arg0, %mul3A_11, %dma_wait3A] : memref<2x10240x64xbf16, #tpu.memory_space<hbm>> -> memref<1x640x64xbf16, #tpu.memory_space<hbm>>
      %dma_wait3A_52 = tpu.memref_squeeze %dma_wait3A_51 : memref<1x640x64xbf16, #tpu.memory_space<hbm>> -> memref<640x64xbf16, #tpu.memory_space<hbm>>
      %dma_wait3A_53 = arith.constant 0 : i32
      %dma_wait3A_54 = tpu.memref_slice %arg18[%mul3A_11, %dma_wait3A_53] : memref<10240x64xbf16, #tpu.memory_space<vmem_shared>> -> memref<640x64xbf16, #tpu.memory_space<vmem_shared>>
      tpu.wait_dma2 semaphore(%run_scoped3A : memref<!tpu.dma_semaphore, #tpu.memory_space<semaphore_mem>>) src(%dma_wait3A_54 : memref<640x64xbf16, #tpu.memory_space<vmem_shared>>) dst(%dma_wait3A_52 : memref<640x64xbf16, #tpu.memory_space<hbm>>)
      tpu.yield
    }) : () -> ()
    "tpu.region"() ({
      %run_scoped3A = tpu.sem_alloc : memref<!tpu.dma_semaphore, #tpu.memory_space<semaphore_mem>>
      %dma_start3A_46 = tpu.memref_slice %arg8[%arg0, %mul3A_11] : memref<2x10240xf32, #tpu.memory_space<hbm>> -> memref<1x640xf32, #tpu.memory_space<hbm>>
      %dma_start3A_47 = tpu.memref_squeeze %dma_start3A_46 : memref<1x640xf32, #tpu.memory_space<hbm>> -> memref<640xf32, #tpu.memory_space<hbm>>
      %dma_start3A_48 = tpu.memref_slice %arg19[%mul3A_11] : memref<10240xf32, #tpu.memory_space<vmem_shared>> -> memref<640xf32, #tpu.memory_space<vmem_shared>>
      tpu.enqueue_dma source(%dma_start3A_48 : memref<640xf32, #tpu.memory_space<vmem_shared>>) target(%dma_start3A_47 : memref<640xf32, #tpu.memory_space<hbm>>) target_semaphore(%run_scoped3A : memref<!tpu.dma_semaphore, #tpu.memory_space<semaphore_mem>>)
      %dma_wait3A = tpu.memref_slice %arg8[%arg0, %mul3A_11] : memref<2x10240xf32, #tpu.memory_space<hbm>> -> memref<1x640xf32, #tpu.memory_space<hbm>>
      %dma_wait3A_49 = tpu.memref_squeeze %dma_wait3A : memref<1x640xf32, #tpu.memory_space<hbm>> -> memref<640xf32, #tpu.memory_space<hbm>>
      %dma_wait3A_50 = tpu.memref_slice %arg19[%mul3A_11] : memref<10240xf32, #tpu.memory_space<vmem_shared>> -> memref<640xf32, #tpu.memory_space<vmem_shared>>
      tpu.wait_dma2 semaphore(%run_scoped3A : memref<!tpu.dma_semaphore, #tpu.memory_space<semaphore_mem>>) src(%dma_wait3A_50 : memref<640xf32, #tpu.memory_space<vmem_shared>>) dst(%dma_wait3A_49 : memref<640xf32, #tpu.memory_space<hbm>>)
      tpu.yield
    }) : () -> ()
    return
  }
}

#map = affine_map<(d0, d1) -> (0, 0, 0)>
#map1 = affine_map<(d0, d1) -> (0)>
#map2 = affine_map<(d0, d1) -> (0, 0)>
module attributes {stable_mosaic.version = 14 : i64} {
  func.func @_sc_edges(%arg0: i32, %arg1: i32, %arg2: memref<2x10000x64xbf16, #tpu.memory_space<hbm>>, %arg3: memref<10000xf32, #tpu.memory_space<hbm>>, %arg4: memref<10000xf32, #tpu.memory_space<hbm>>, %arg5: memref<16x162x128xi32, #tpu.memory_space<hbm>>, %arg6: memref<16x162x128xi32, #tpu.memory_space<hbm>>, %arg7: memref<2x10240x64xbf16, #tpu.memory_space<hbm>>, %arg8: memref<2x10240xf32, #tpu.memory_space<hbm>>, %arg9: memref<10000xf32, #tpu.memory_space<vmem>>, %arg10: memref<10000xf32, #tpu.memory_space<vmem>>, %arg11: memref<162x128xi32, #tpu.memory_space<vmem>>, %arg12: memref<162x128xi32, #tpu.memory_space<vmem>>, %arg13: memref<162x128xf32, #tpu.memory_space<vmem>>, %arg14: memref<128x64xbf16, #tpu.memory_space<vmem>>, %arg15: memref<128x64xbf16, #tpu.memory_space<vmem>>, %arg16: memref<128x64xbf16, #tpu.memory_space<vmem>>, %arg17: memref<640xf32, #tpu.memory_space<vmem>>, %arg18: memref<10240x64xbf16, #tpu.memory_space<vmem_shared>>, %arg19: memref<10240xf32, #tpu.memory_space<vmem_shared>>, %arg20: memref<!tpu.dma_semaphore, #tpu.memory_space<semaphore_mem>>, %arg21: memref<!tpu.dma_semaphore, #tpu.memory_space<semaphore_mem>>) attributes {dimension_semantics = [#tpu.dimension_semantics<core_parallel>, #tpu.dimension_semantics<subcore_parallel>], iteration_bounds = array<i64: 2, 16>, scalar_prefetch = 0 : i64, scratch_operands = 13 : i64, tpu.core_type = #tpu.core_type<sc_vector_subcore>, window_params = [{transform_indices = #map}, {transform_indices = #map1}, {transform_indices = #map1}, {transform_indices = #map}, {transform_indices = #map}, {transform_indices = #map}, {transform_indices = #map2}]} {
    "tpu.region"() ({
      %run_scoped3A = tpu.sem_alloc : memref<!tpu.dma_semaphore, #tpu.memory_space<semaphore_mem>>
      %dma_start3A_46 = arith.constant 0 : i32
      %dma_start3A_47 = arith.constant 0 : i32
      %dma_start3A_48 = tpu.memref_slice %arg5[%arg1, %dma_start3A_46, %dma_start3A_47] : memref<16x162x128xi32, #tpu.memory_space<hbm>> -> memref<1x162x128xi32, #tpu.memory_space<hbm>>
      %dma_start3A_49 = tpu.memref_squeeze %dma_start3A_48 : memref<1x162x128xi32, #tpu.memory_space<hbm>> -> memref<162x128xi32, #tpu.memory_space<hbm>>
      %dma_start3A_50 = arith.constant 0 : i32
      %dma_start3A_51 = arith.constant 0 : i32
      %dma_start3A_52 = tpu.memref_slice %arg5[%arg1, %dma_start3A_50, %dma_start3A_51] : memref<16x162x128xi32, #tpu.memory_space<hbm>> -> memref<1x162x128xi32, #tpu.memory_space<hbm>>
      %dma_start3A_53 = tpu.memref_squeeze %dma_start3A_52 : memref<1x162x128xi32, #tpu.memory_space<hbm>> -> memref<162x128xi32, #tpu.memory_space<hbm>>
      tpu.enqueue_dma source(%dma_start3A_53 : memref<162x128xi32, #tpu.memory_space<hbm>>) target(%arg11 : memref<162x128xi32, #tpu.memory_space<vmem>>) target_semaphore(%run_scoped3A : memref<!tpu.dma_semaphore, #tpu.memory_space<semaphore_mem>>)
      %dma_wait3A = arith.constant 0 : i32
      %dma_wait3A_54 = arith.constant 0 : i32
      %dma_wait3A_55 = tpu.memref_slice %arg5[%arg1, %dma_wait3A, %dma_wait3A_54] : memref<16x162x128xi32, #tpu.memory_space<hbm>> -> memref<1x162x128xi32, #tpu.memory_space<hbm>>
      %dma_wait3A_56 = tpu.memref_squeeze %dma_wait3A_55 : memref<1x162x128xi32, #tpu.memory_space<hbm>> -> memref<162x128xi32, #tpu.memory_space<hbm>>
      %dma_wait3A_57 = arith.constant 0 : i32
      %dma_wait3A_58 = arith.constant 0 : i32
      %dma_wait3A_59 = tpu.memref_slice %arg5[%arg1, %dma_wait3A_57, %dma_wait3A_58] : memref<16x162x128xi32, #tpu.memory_space<hbm>> -> memref<1x162x128xi32, #tpu.memory_space<hbm>>
      %dma_wait3A_60 = tpu.memref_squeeze %dma_wait3A_59 : memref<1x162x128xi32, #tpu.memory_space<hbm>> -> memref<162x128xi32, #tpu.memory_space<hbm>>
      tpu.wait_dma2 semaphore(%run_scoped3A : memref<!tpu.dma_semaphore, #tpu.memory_space<semaphore_mem>>) src(%dma_wait3A_60 : memref<162x128xi32, #tpu.memory_space<hbm>>) dst(%arg11 : memref<162x128xi32, #tpu.memory_space<vmem>>)
      tpu.yield
    }) : () -> ()
    "tpu.region"() ({
      %run_scoped3A = tpu.sem_alloc : memref<!tpu.dma_semaphore, #tpu.memory_space<semaphore_mem>>
      %dma_start3A_46 = arith.constant 0 : i32
      %dma_start3A_47 = arith.constant 0 : i32
      %dma_start3A_48 = tpu.memref_slice %arg6[%arg1, %dma_start3A_46, %dma_start3A_47] : memref<16x162x128xi32, #tpu.memory_space<hbm>> -> memref<1x162x128xi32, #tpu.memory_space<hbm>>
      %dma_start3A_49 = tpu.memref_squeeze %dma_start3A_48 : memref<1x162x128xi32, #tpu.memory_space<hbm>> -> memref<162x128xi32, #tpu.memory_space<hbm>>
      %dma_start3A_50 = arith.constant 0 : i32
      %dma_start3A_51 = arith.constant 0 : i32
      %dma_start3A_52 = tpu.memref_slice %arg6[%arg1, %dma_start3A_50, %dma_start3A_51] : memref<16x162x128xi32, #tpu.memory_space<hbm>> -> memref<1x162x128xi32, #tpu.memory_space<hbm>>
      %dma_start3A_53 = tpu.memref_squeeze %dma_start3A_52 : memref<1x162x128xi32, #tpu.memory_space<hbm>> -> memref<162x128xi32, #tpu.memory_space<hbm>>
      tpu.enqueue_dma source(%dma_start3A_53 : memref<162x128xi32, #tpu.memory_space<hbm>>) target(%arg12 : memref<162x128xi32, #tpu.memory_space<vmem>>) target_semaphore(%run_scoped3A : memref<!tpu.dma_semaphore, #tpu.memory_space<semaphore_mem>>)
      %dma_wait3A = arith.constant 0 : i32
      %dma_wait3A_54 = arith.constant 0 : i32
      %dma_wait3A_55 = tpu.memref_slice %arg6[%arg1, %dma_wait3A, %dma_wait3A_54] : memref<16x162x128xi32, #tpu.memory_space<hbm>> -> memref<1x162x128xi32, #tpu.memory_space<hbm>>
      %dma_wait3A_56 = tpu.memref_squeeze %dma_wait3A_55 : memref<1x162x128xi32, #tpu.memory_space<hbm>> -> memref<162x128xi32, #tpu.memory_space<hbm>>
      %dma_wait3A_57 = arith.constant 0 : i32
      %dma_wait3A_58 = arith.constant 0 : i32
      %dma_wait3A_59 = tpu.memref_slice %arg6[%arg1, %dma_wait3A_57, %dma_wait3A_58] : memref<16x162x128xi32, #tpu.memory_space<hbm>> -> memref<1x162x128xi32, #tpu.memory_space<hbm>>
      %dma_wait3A_60 = tpu.memref_squeeze %dma_wait3A_59 : memref<1x162x128xi32, #tpu.memory_space<hbm>> -> memref<162x128xi32, #tpu.memory_space<hbm>>
      tpu.wait_dma2 semaphore(%run_scoped3A : memref<!tpu.dma_semaphore, #tpu.memory_space<semaphore_mem>>) src(%dma_wait3A_60 : memref<162x128xi32, #tpu.memory_space<hbm>>) dst(%arg12 : memref<162x128xi32, #tpu.memory_space<vmem>>)
      tpu.yield
    }) : () -> ()
    "tpu.region"() ({
      %run_scoped3A = tpu.sem_alloc : memref<!tpu.dma_semaphore, #tpu.memory_space<semaphore_mem>>
      tpu.enqueue_dma source(%arg3 : memref<10000xf32, #tpu.memory_space<hbm>>) target(%arg9 : memref<10000xf32, #tpu.memory_space<vmem>>) target_semaphore(%run_scoped3A : memref<!tpu.dma_semaphore, #tpu.memory_space<semaphore_mem>>)
      tpu.wait_dma2 semaphore(%run_scoped3A : memref<!tpu.dma_semaphore, #tpu.memory_space<semaphore_mem>>) src(%arg3 : memref<10000xf32, #tpu.memory_space<hbm>>) dst(%arg9 : memref<10000xf32, #tpu.memory_space<vmem>>)
      tpu.yield
    }) : () -> ()
    "tpu.region"() ({
      %run_scoped3A = tpu.sem_alloc : memref<!tpu.dma_semaphore, #tpu.memory_space<semaphore_mem>>
      tpu.enqueue_dma source(%arg4 : memref<10000xf32, #tpu.memory_space<hbm>>) target(%arg10 : memref<10000xf32, #tpu.memory_space<vmem>>) target_semaphore(%run_scoped3A : memref<!tpu.dma_semaphore, #tpu.memory_space<semaphore_mem>>)
      tpu.wait_dma2 semaphore(%run_scoped3A : memref<!tpu.dma_semaphore, #tpu.memory_space<semaphore_mem>>) src(%arg4 : memref<10000xf32, #tpu.memory_space<hbm>>) dst(%arg10 : memref<10000xf32, #tpu.memory_space<vmem>>)
      tpu.yield
    }) : () -> ()
    %scan3A = arith.constant 0 : i32
    %scan3A_0 = arith.constant 0 : i32
    %scan3A_1 = arith.constant 256 : i32
    %scan3A_2 = arith.addi %scan3A_0, %scan3A_1 : i32
    %scan3A_3 = arith.constant 1 : i32
    scf.for %scan3A_46 = %scan3A_0 to %scan3A_2 step %scan3A_3  : i32 {
      %broadcast_in_dim3A = arith.constant 0.000000e+00 : bf16
      %broadcast_in_dim3A_47 = vector.broadcast %broadcast_in_dim3A : bf16 to vector<32xbf16>
      %jit3A = arith.constant 2 : i32
      %div3A = arith.divsi %scan3A_46, %jit3A : i32
      %sign3A = arith.constant 0 : i32
      %sign3A_48 = arith.cmpi sgt, %scan3A_46, %sign3A : i32
      %sign3A_49 = arith.extui %sign3A_48 : i1 to i32
      %sign3A_50 = arith.constant 0 : i32
      %sign3A_51 = arith.cmpi slt, %scan3A_46, %sign3A_50 : i32
      %sign3A_52 = arith.extui %sign3A_51 : i1 to i32
      %sign3A_53 = arith.subi %sign3A_49, %sign3A_52 : i32
      %sign3A_54 = arith.constant 0 : i32
      %sign3A_55 = arith.cmpi sgt, %jit3A, %sign3A_54 : i32
      %sign3A_56 = arith.extui %sign3A_55 : i1 to i32
      %sign3A_57 = arith.constant 0 : i32
      %sign3A_58 = arith.cmpi slt, %jit3A, %sign3A_57 : i32
      %sign3A_59 = arith.extui %sign3A_58 : i1 to i32
      %sign3A_60 = arith.subi %sign3A_56, %sign3A_59 : i32
      %ne3A = arith.cmpi ne, %sign3A_53, %sign3A_60 : i32
      %rem3A = arith.remsi %scan3A_46, %jit3A : i32
      %ne3A_61 = arith.constant 0 : i32
      %ne3A_62 = arith.cmpi ne, %rem3A, %ne3A_61 : i32
      %and3A = arith.andi %ne3A, %ne3A_62 : i1
      %sub3A = arith.constant 1 : i32
      %sub3A_63 = arith.subi %div3A, %sub3A : i32
      %select_n3A = arith.select %and3A, %sub3A_63, %div3A : i32
      %jit3A_64 = arith.constant 2 : i32
      %eq3A = arith.constant 0 : i32
      %eq3A_65 = arith.cmpi eq, %jit3A_64, %eq3A : i32
      %jit3A_66 = arith.constant 1 : i32
      %select_n3A_67 = arith.select %eq3A_65, %jit3A_66, %jit3A_64 : i32
      %rem3A_68 = arith.remsi %scan3A_46, %select_n3A_67 : i32
      %ne3A_69 = arith.constant 0 : i32
      %ne3A_70 = arith.cmpi ne, %rem3A_68, %ne3A_69 : i32
      %lt3A = arith.constant 0 : i32
      %lt3A_71 = arith.cmpi slt, %rem3A_68, %lt3A : i32
      %lt3A_72 = arith.constant 0 : i32
      %lt3A_73 = arith.cmpi slt, %select_n3A_67, %lt3A_72 : i32
      %ne3A_74 = arith.xori %lt3A_71, %lt3A_73 : i1
      %and3A_75 = arith.andi %ne3A_74, %ne3A_70 : i1
      %add3A_76 = arith.addi %rem3A_68, %select_n3A_67 : i32
      %select_n3A_77 = arith.select %and3A_75, %add3A_76, %rem3A_68 : i32
      %mul3A_78 = arith.constant 32 : i32
      %mul3A_79 = arith.muli %select_n3A_77, %mul3A_78 : i32
      %swap3A = arith.index_cast %select_n3A : i32 to index
      %swap3A_80 = arith.index_cast %mul3A_79 : i32 to index
      %swap3A_81 = tpu.vector_load %arg16[%swap3A, %swap3A_80] {strides = array<i32>} : memref<128x64xbf16, #tpu.memory_space<vmem>>, vector<32xbf16>,
      tpu.vector_store %arg16[%swap3A, %swap3A_80], %broadcast_in_dim3A_47 {strides = array<i32>} : memref<128x64xbf16, #tpu.memory_space<vmem>>, vector<32xbf16>,
    }
    %scan3A_4 = arith.constant 256 : i32
    %scan3A_5 = arith.constant 0 : i32
    %scan3A_6 = arith.constant 0 : i32
    %scan3A_7 = arith.constant 40 : i32
    %scan3A_8 = arith.addi %scan3A_6, %scan3A_7 : i32
    %scan3A_9 = arith.constant 1 : i32
    scf.for %scan3A_46 = %scan3A_6 to %scan3A_8 step %scan3A_9  : i32 {
      %broadcast_in_dim3A = arith.constant 0.000000e+00 : f32
      %broadcast_in_dim3A_47 = vector.broadcast %broadcast_in_dim3A : f32 to vector<16xf32>
      %mul3A_48 = arith.constant 16 : i32
      %mul3A_49 = arith.muli %scan3A_46, %mul3A_48 : i32
      %swap3A = arith.index_cast %mul3A_49 : i32 to index
      %swap3A_50 = tpu.vector_load %arg17[%swap3A] {strides = array<i32>} : memref<640xf32, #tpu.memory_space<vmem>>, vector<16xf32>,
      tpu.vector_store %arg17[%swap3A], %broadcast_in_dim3A_47 {strides = array<i32>} : memref<640xf32, #tpu.memory_space<vmem>>, vector<16xf32>,
    }
    %scan3A_10 = arith.constant 40 : i32
    %mul3A = arith.constant 640 : i32
    %mul3A_11 = arith.muli %arg1, %mul3A : i32
    %add3A = arith.constant 0 : i32
    %add3A_12 = arith.addi %mul3A_11, %add3A : i32
    "tpu.region"() ({
      %run_scoped3A = tpu.sem_alloc : memref<!tpu.dma_semaphore, #tpu.memory_space<semaphore_mem>>
      %dma_start3A_46 = arith.constant 0 : i32
      %dma_start3A_47 = tpu.memref_slice %arg18[%add3A_12, %dma_start3A_46] : memref<10240x64xbf16, #tpu.memory_space<vmem_shared>> -> memref<128x64xbf16, #tpu.memory_space<vmem_shared>>
      %dma_start3A_48 = arith.constant 0 : i32
      %dma_start3A_49 = tpu.memref_slice %arg18[%add3A_12, %dma_start3A_48] : memref<10240x64xbf16, #tpu.memory_space<vmem_shared>> -> memref<128x64xbf16, #tpu.memory_space<vmem_shared>>
      tpu.enqueue_dma source(%arg16 : memref<128x64xbf16, #tpu.memory_space<vmem>>) target(%dma_start3A_49 : memref<128x64xbf16, #tpu.memory_space<vmem_shared>>) target_semaphore(%run_scoped3A : memref<!tpu.dma_semaphore, #tpu.memory_space<semaphore_mem>>)
      %dma_wait3A = arith.constant 0 : i32
      %dma_wait3A_50 = tpu.memref_slice %arg18[%add3A_12, %dma_wait3A] : memref<10240x64xbf16, #tpu.memory_space<vmem_shared>> -> memref<128x64xbf16, #tpu.memory_space<vmem_shared>>
      %dma_wait3A_51 = arith.constant 0 : i32
      %dma_wait3A_52 = tpu.memref_slice %arg18[%add3A_12, %dma_wait3A_51] : memref<10240x64xbf16, #tpu.memory_space<vmem_shared>> -> memref<128x64xbf16, #tpu.memory_space<vmem_shared>>
      tpu.wait_dma2 semaphore(%run_scoped3A : memref<!tpu.dma_semaphore, #tpu.memory_space<semaphore_mem>>) src(%arg16 : memref<128x64xbf16, #tpu.memory_space<vmem>>) dst(%dma_wait3A_52 : memref<128x64xbf16, #tpu.memory_space<vmem_shared>>)
      tpu.yield
    }) : () -> ()
    %add3A_13 = arith.constant 128 : i32
    %add3A_14 = arith.addi %mul3A_11, %add3A_13 : i32
    "tpu.region"() ({
      %run_scoped3A = tpu.sem_alloc : memref<!tpu.dma_semaphore, #tpu.memory_space<semaphore_mem>>
      %dma_start3A_46 = arith.constant 0 : i32
      %dma_start3A_47 = tpu.memref_slice %arg18[%add3A_14, %dma_start3A_46] : memref<10240x64xbf16, #tpu.memory_space<vmem_shared>> -> memref<128x64xbf16, #tpu.memory_space<vmem_shared>>
      %dma_start3A_48 = arith.constant 0 : i32
      %dma_start3A_49 = tpu.memref_slice %arg18[%add3A_14, %dma_start3A_48] : memref<10240x64xbf16, #tpu.memory_space<vmem_shared>> -> memref<128x64xbf16, #tpu.memory_space<vmem_shared>>
      tpu.enqueue_dma source(%arg16 : memref<128x64xbf16, #tpu.memory_space<vmem>>) target(%dma_start3A_49 : memref<128x64xbf16, #tpu.memory_space<vmem_shared>>) target_semaphore(%run_scoped3A : memref<!tpu.dma_semaphore, #tpu.memory_space<semaphore_mem>>)
      %dma_wait3A = arith.constant 0 : i32
      %dma_wait3A_50 = tpu.memref_slice %arg18[%add3A_14, %dma_wait3A] : memref<10240x64xbf16, #tpu.memory_space<vmem_shared>> -> memref<128x64xbf16, #tpu.memory_space<vmem_shared>>
      %dma_wait3A_51 = arith.constant 0 : i32
      %dma_wait3A_52 = tpu.memref_slice %arg18[%add3A_14, %dma_wait3A_51] : memref<10240x64xbf16, #tpu.memory_space<vmem_shared>> -> memref<128x64xbf16, #tpu.memory_space<vmem_shared>>
      tpu.wait_dma2 semaphore(%run_scoped3A : memref<!tpu.dma_semaphore, #tpu.memory_space<semaphore_mem>>) src(%arg16 : memref<128x64xbf16, #tpu.memory_space<vmem>>) dst(%dma_wait3A_52 : memref<128x64xbf16, #tpu.memory_space<vmem_shared>>)
      tpu.yield
    }) : () -> ()
    %add3A_15 = arith.constant 256 : i32
    %add3A_16 = arith.addi %mul3A_11, %add3A_15 : i32
    "tpu.region"() ({
      %run_scoped3A = tpu.sem_alloc : memref<!tpu.dma_semaphore, #tpu.memory_space<semaphore_mem>>
      %dma_start3A_46 = arith.constant 0 : i32
      %dma_start3A_47 = tpu.memref_slice %arg18[%add3A_16, %dma_start3A_46] : memref<10240x64xbf16, #tpu.memory_space<vmem_shared>> -> memref<128x64xbf16, #tpu.memory_space<vmem_shared>>
      %dma_start3A_48 = arith.constant 0 : i32
      %dma_start3A_49 = tpu.memref_slice %arg18[%add3A_16, %dma_start3A_48] : memref<10240x64xbf16, #tpu.memory_space<vmem_shared>> -> memref<128x64xbf16, #tpu.memory_space<vmem_shared>>
      tpu.enqueue_dma source(%arg16 : memref<128x64xbf16, #tpu.memory_space<vmem>>) target(%dma_start3A_49 : memref<128x64xbf16, #tpu.memory_space<vmem_shared>>) target_semaphore(%run_scoped3A : memref<!tpu.dma_semaphore, #tpu.memory_space<semaphore_mem>>)
      %dma_wait3A = arith.constant 0 : i32
      %dma_wait3A_50 = tpu.memref_slice %arg18[%add3A_16, %dma_wait3A] : memref<10240x64xbf16, #tpu.memory_space<vmem_shared>> -> memref<128x64xbf16, #tpu.memory_space<vmem_shared>>
      %dma_wait3A_51 = arith.constant 0 : i32
      %dma_wait3A_52 = tpu.memref_slice %arg18[%add3A_16, %dma_wait3A_51] : memref<10240x64xbf16, #tpu.memory_space<vmem_shared>> -> memref<128x64xbf16, #tpu.memory_space<vmem_shared>>
      tpu.wait_dma2 semaphore(%run_scoped3A : memref<!tpu.dma_semaphore, #tpu.memory_space<semaphore_mem>>) src(%arg16 : memref<128x64xbf16, #tpu.memory_space<vmem>>) dst(%dma_wait3A_52 : memref<128x64xbf16, #tpu.memory_space<vmem_shared>>)
      tpu.yield
    }) : () -> ()
    %add3A_17 = arith.constant 384 : i32
    %add3A_18 = arith.addi %mul3A_11, %add3A_17 : i32
    "tpu.region"() ({
      %run_scoped3A = tpu.sem_alloc : memref<!tpu.dma_semaphore, #tpu.memory_space<semaphore_mem>>
      %dma_start3A_46 = arith.constant 0 : i32
      %dma_start3A_47 = tpu.memref_slice %arg18[%add3A_18, %dma_start3A_46] : memref<10240x64xbf16, #tpu.memory_space<vmem_shared>> -> memref<128x64xbf16, #tpu.memory_space<vmem_shared>>
      %dma_start3A_48 = arith.constant 0 : i32
      %dma_start3A_49 = tpu.memref_slice %arg18[%add3A_18, %dma_start3A_48] : memref<10240x64xbf16, #tpu.memory_space<vmem_shared>> -> memref<128x64xbf16, #tpu.memory_space<vmem_shared>>
      tpu.enqueue_dma source(%arg16 : memref<128x64xbf16, #tpu.memory_space<vmem>>) target(%dma_start3A_49 : memref<128x64xbf16, #tpu.memory_space<vmem_shared>>) target_semaphore(%run_scoped3A : memref<!tpu.dma_semaphore, #tpu.memory_space<semaphore_mem>>)
      %dma_wait3A = arith.constant 0 : i32
      %dma_wait3A_50 = tpu.memref_slice %arg18[%add3A_18, %dma_wait3A] : memref<10240x64xbf16, #tpu.memory_space<vmem_shared>> -> memref<128x64xbf16, #tpu.memory_space<vmem_shared>>
      %dma_wait3A_51 = arith.constant 0 : i32
      %dma_wait3A_52 = tpu.memref_slice %arg18[%add3A_18, %dma_wait3A_51] : memref<10240x64xbf16, #tpu.memory_space<vmem_shared>> -> memref<128x64xbf16, #tpu.memory_space<vmem_shared>>
      tpu.wait_dma2 semaphore(%run_scoped3A : memref<!tpu.dma_semaphore, #tpu.memory_space<semaphore_mem>>) src(%arg16 : memref<128x64xbf16, #tpu.memory_space<vmem>>) dst(%dma_wait3A_52 : memref<128x64xbf16, #tpu.memory_space<vmem_shared>>)
      tpu.yield
    }) : () -> ()
    %add3A_19 = arith.constant 512 : i32
    %add3A_20 = arith.addi %mul3A_11, %add3A_19 : i32
    "tpu.region"() ({
      %run_scoped3A = tpu.sem_alloc : memref<!tpu.dma_semaphore, #tpu.memory_space<semaphore_mem>>
      %dma_start3A_46 = arith.constant 0 : i32
      %dma_start3A_47 = tpu.memref_slice %arg18[%add3A_20, %dma_start3A_46] : memref<10240x64xbf16, #tpu.memory_space<vmem_shared>> -> memref<128x64xbf16, #tpu.memory_space<vmem_shared>>
      %dma_start3A_48 = arith.constant 0 : i32
      %dma_start3A_49 = tpu.memref_slice %arg18[%add3A_20, %dma_start3A_48] : memref<10240x64xbf16, #tpu.memory_space<vmem_shared>> -> memref<128x64xbf16, #tpu.memory_space<vmem_shared>>
      tpu.enqueue_dma source(%arg16 : memref<128x64xbf16, #tpu.memory_space<vmem>>) target(%dma_start3A_49 : memref<128x64xbf16, #tpu.memory_space<vmem_shared>>) target_semaphore(%run_scoped3A : memref<!tpu.dma_semaphore, #tpu.memory_space<semaphore_mem>>)
      %dma_wait3A = arith.constant 0 : i32
      %dma_wait3A_50 = tpu.memref_slice %arg18[%add3A_20, %dma_wait3A] : memref<10240x64xbf16, #tpu.memory_space<vmem_shared>> -> memref<128x64xbf16, #tpu.memory_space<vmem_shared>>
      %dma_wait3A_51 = arith.constant 0 : i32
      %dma_wait3A_52 = tpu.memref_slice %arg18[%add3A_20, %dma_wait3A_51] : memref<10240x64xbf16, #tpu.memory_space<vmem_shared>> -> memref<128x64xbf16, #tpu.memory_space<vmem_shared>>
      tpu.wait_dma2 semaphore(%run_scoped3A : memref<!tpu.dma_semaphore, #tpu.memory_space<semaphore_mem>>) src(%arg16 : memref<128x64xbf16, #tpu.memory_space<vmem>>) dst(%dma_wait3A_52 : memref<128x64xbf16, #tpu.memory_space<vmem_shared>>)
      tpu.yield
    }) : () -> ()
    "tpu.region"() ({
      %run_scoped3A = tpu.sem_alloc : memref<!tpu.dma_semaphore, #tpu.memory_space<semaphore_mem>>
      %dma_start3A_46 = tpu.memref_slice %arg19[%mul3A_11] : memref<10240xf32, #tpu.memory_space<vmem_shared>> -> memref<640xf32, #tpu.memory_space<vmem_shared>>
      %dma_start3A_47 = tpu.memref_slice %arg19[%mul3A_11] : memref<10240xf32, #tpu.memory_space<vmem_shared>> -> memref<640xf32, #tpu.memory_space<vmem_shared>>
      tpu.enqueue_dma source(%arg17 : memref<640xf32, #tpu.memory_space<vmem>>) target(%dma_start3A_47 : memref<640xf32, #tpu.memory_space<vmem_shared>>) target_semaphore(%run_scoped3A : memref<!tpu.dma_semaphore, #tpu.memory_space<semaphore_mem>>)
      %dma_wait3A = tpu.memref_slice %arg19[%mul3A_11] : memref<10240xf32, #tpu.memory_space<vmem_shared>> -> memref<640xf32, #tpu.memory_space<vmem_shared>>
      %dma_wait3A_48 = tpu.memref_slice %arg19[%mul3A_11] : memref<10240xf32, #tpu.memory_space<vmem_shared>> -> memref<640xf32, #tpu.memory_space<vmem_shared>>
      tpu.wait_dma2 semaphore(%run_scoped3A : memref<!tpu.dma_semaphore, #tpu.memory_space<semaphore_mem>>) src(%arg17 : memref<640xf32, #tpu.memory_space<vmem>>) dst(%dma_wait3A_48 : memref<640xf32, #tpu.memory_space<vmem_shared>>)
      tpu.yield
    }) : () -> ()
    %barrier3A = arith.constant 0 : index
    tpu.barrier barrier_id(%barrier3A)
    %mul3A_21 = arith.constant 20736 : i32
    %mul3A_22 = arith.muli %arg1, %mul3A_21 : i32
    %scan3A_23 = arith.constant 0 : i32
    %scan3A_24 = arith.constant 0 : i32
    %scan3A_25 = arith.constant 1296 : i32
    %scan3A_26 = arith.addi %scan3A_24, %scan3A_25 : i32
    %scan3A_27 = arith.constant 1 : i32
    scf.for %scan3A_46 = %scan3A_24 to %scan3A_26 step %scan3A_27  : i32 {
      %jit3A = arith.constant 8 : i32
      %div3A = arith.divsi %scan3A_46, %jit3A : i32
      %sign3A = arith.constant 0 : i32
      %sign3A_47 = arith.cmpi sgt, %scan3A_46, %sign3A : i32
      %sign3A_48 = arith.extui %sign3A_47 : i1 to i32
      %sign3A_49 = arith.constant 0 : i32
      %sign3A_50 = arith.cmpi slt, %scan3A_46, %sign3A_49 : i32
      %sign3A_51 = arith.extui %sign3A_50 : i1 to i32
      %sign3A_52 = arith.subi %sign3A_48, %sign3A_51 : i32
      %sign3A_53 = arith.constant 0 : i32
      %sign3A_54 = arith.cmpi sgt, %jit3A, %sign3A_53 : i32
      %sign3A_55 = arith.extui %sign3A_54 : i1 to i32
      %sign3A_56 = arith.constant 0 : i32
      %sign3A_57 = arith.cmpi slt, %jit3A, %sign3A_56 : i32
      %sign3A_58 = arith.extui %sign3A_57 : i1 to i32
      %sign3A_59 = arith.subi %sign3A_55, %sign3A_58 : i32
      %ne3A = arith.cmpi ne, %sign3A_52, %sign3A_59 : i32
      %rem3A = arith.remsi %scan3A_46, %jit3A : i32
      %ne3A_60 = arith.constant 0 : i32
      %ne3A_61 = arith.cmpi ne, %rem3A, %ne3A_60 : i32
      %and3A = arith.andi %ne3A, %ne3A_61 : i1
      %sub3A = arith.constant 1 : i32
      %sub3A_62 = arith.subi %div3A, %sub3A : i32
      %select_n3A = arith.select %and3A, %sub3A_62, %div3A : i32
      %jit3A_63 = arith.constant 8 : i32
      %eq3A = arith.constant 0 : i32
      %eq3A_64 = arith.cmpi eq, %jit3A_63, %eq3A : i32
      %jit3A_65 = arith.constant 1 : i32
      %select_n3A_66 = arith.select %eq3A_64, %jit3A_65, %jit3A_63 : i32
      %rem3A_67 = arith.remsi %scan3A_46, %select_n3A_66 : i32
      %ne3A_68 = arith.constant 0 : i32
      %ne3A_69 = arith.cmpi ne, %rem3A_67, %ne3A_68 : i32
      %lt3A = arith.constant 0 : i32
      %lt3A_70 = arith.cmpi slt, %rem3A_67, %lt3A : i32
      %lt3A_71 = arith.constant 0 : i32
      %lt3A_72 = arith.cmpi slt, %select_n3A_66, %lt3A_71 : i32
      %ne3A_73 = arith.xori %lt3A_70, %lt3A_72 : i1
      %and3A_74 = arith.andi %ne3A_73, %ne3A_69 : i1
      %add3A_75 = arith.addi %rem3A_67, %select_n3A_66 : i32
      %select_n3A_76 = arith.select %and3A_74, %add3A_75, %rem3A_67 : i32
      %mul3A_77 = arith.constant 16 : i32
      %mul3A_78 = arith.muli %select_n3A_76, %mul3A_77 : i32
      %get3A = arith.index_cast %select_n3A : i32 to index
      %get3A_79 = arith.index_cast %mul3A_78 : i32 to index
      %get3A_80 = tpu.vector_load %arg11[%get3A, %get3A_79] {strides = array<i32>} : memref<162x128xi32, #tpu.memory_space<vmem>>, vector<16xi32>,
      %mul3A_81 = arith.constant 16 : i32
      %mul3A_82 = arith.muli %select_n3A_76, %mul3A_81 : i32
      %get3A_83 = arith.index_cast %select_n3A : i32 to index
      %get3A_84 = arith.index_cast %mul3A_82 : i32 to index
      %get3A_85 = tpu.vector_load %arg12[%get3A_83, %get3A_84] {strides = array<i32>} : memref<162x128xi32, #tpu.memory_space<vmem>>, vector<16xi32>,
      %gather3A = tpu.vector_load_idx %arg9[%get3A_80] : memref<10000xf32, #tpu.memory_space<vmem>>[vector<16xi32>], vector<16xf32>,
      %gather3A_86 = tpu.vector_load_idx %arg10[%get3A_85] : memref<10000xf32, #tpu.memory_space<vmem>>[vector<16xi32>], vector<16xf32>,
      %add3A_87 = arith.addf %gather3A, %gather3A_86 : vector<16xf32>
      %ge3A = arith.constant 0.000000e+00 : f32
      %ge3A_88 = vector.broadcast %ge3A : f32 to vector<16xf32>
      %ge3A_89 = arith.cmpf oge, %add3A_87, %ge3A_88 : vector<16xf32>
      %mul3A_90 = arith.constant 2.000000e-01 : f32
      %mul3A_91 = vector.broadcast %mul3A_90 : f32 to vector<16xf32>
      %mul3A_92 = arith.mulf %mul3A_91, %add3A_87 : vector<16xf32>
      %select_n3A_93 = arith.select %ge3A_89, %add3A_87, %mul3A_92 : vector<16xi1>, vector<16xf32>
      %exp3A = math.exp %select_n3A_93 : vector<16xf32>
      %mul3A_94 = arith.constant 16 : i32
      %mul3A_95 = arith.muli %scan3A_46, %mul3A_94 : i32
      %add3A_96 = arith.addi %mul3A_22, %mul3A_95 : i32
      %iota3A = tpu.iota {dimensions = array<i32: 0>} : vector<16xi32>
      %add3A_97 = vector.broadcast %add3A_96 : i32 to vector<16xi32>
      %add3A_98 = arith.addi %add3A_97, %iota3A : vector<16xi32>
      %lt3A_99 = arith.constant 330000 : i32
      %lt3A_100 = vector.broadcast %lt3A_99 : i32 to vector<16xi32>
      %lt3A_101 = arith.cmpi slt, %add3A_98, %lt3A_100 : vector<16xi32>
      %jit3A_102 = arith.constant 0.000000e+00 : f32
      %broadcast_in_dim3A = vector.broadcast %jit3A_102 : f32 to vector<16xf32>
      %select_n3A_103 = arith.select %lt3A_101, %exp3A, %broadcast_in_dim3A : vector<16xi1>, vector<16xf32>
      %mul3A_104 = arith.constant 16 : i32
      %mul3A_105 = arith.muli %select_n3A_76, %mul3A_104 : i32
      %swap3A = arith.index_cast %select_n3A : i32 to index
      %swap3A_106 = arith.index_cast %mul3A_105 : i32 to index
      %swap3A_107 = tpu.vector_load %arg13[%swap3A, %swap3A_106] {strides = array<i32>} : memref<162x128xf32, #tpu.memory_space<vmem>>, vector<16xf32>,
      tpu.vector_store %arg13[%swap3A, %swap3A_106], %select_n3A_103 {strides = array<i32>} : memref<162x128xf32, #tpu.memory_space<vmem>>, vector<16xf32>,
    }
    %scan3A_28 = arith.constant 1296 : i32
    %dma_start3A = arith.constant 0 : i32
    %dma_start3A_29 = arith.constant 0 : i32
    %dma_start3A_30 = tpu.memref_slice %arg11[%dma_start3A, %dma_start3A_29] : memref<162x128xi32, #tpu.memory_space<vmem>> -> memref<1x128xi32, #tpu.memory_space<vmem>>
    %dma_start3A_31 = tpu.memref_squeeze %dma_start3A_30 : memref<1x128xi32, #tpu.memory_space<vmem>> -> memref<128xi32, #tpu.memory_space<vmem>>
    %dma_start3A_32 = arith.constant 0 : i32
    %dma_start3A_33 = arith.constant 0 : i32
    %dma_start3A_34 = tpu.memref_slice %arg2[%arg0, %dma_start3A_32, %dma_start3A_33] : memref<2x10000x64xbf16, #tpu.memory_space<hbm>> -> memref<1x10000x64xbf16, #tpu.memory_space<hbm>>
    %dma_start3A_35 = tpu.memref_squeeze %dma_start3A_34 : memref<1x10000x64xbf16, #tpu.memory_space<hbm>> -> memref<10000x64xbf16, #tpu.memory_space<hbm>>
    %dma_start3A_36 = arith.constant 0 : i32
    %dma_start3A_37 = arith.constant 0 : i32
    %dma_start3A_38 = tpu.memref_slice %dma_start3A_35[%dma_start3A_36, %dma_start3A_37] : memref<10000x64xbf16, #tpu.memory_space<hbm>> -> memref<10000x64xbf16, #tpu.memory_space<hbm>>
    tpu.enqueue_indirect_dma source(%dma_start3A_38 : memref<10000x64xbf16, #tpu.memory_space<hbm>>) target(%arg14 : memref<128x64xbf16, #tpu.memory_space<vmem>>) offsets(%dma_start3A_31 : memref<128xi32, #tpu.memory_space<vmem>>) semaphore(%arg20 : memref<!tpu.dma_semaphore, #tpu.memory_space<semaphore_mem>>)
    %scan3A_39 = arith.constant 0 : i32
    %scan3A_40 = arith.constant 0 : i32
    %scan3A_41 = arith.constant 81 : i32
    %scan3A_42 = arith.addi %scan3A_40, %scan3A_41 : i32
    %scan3A_43 = arith.constant 1 : i32
    scf.for %scan3A_46 = %scan3A_40 to %scan3A_42 step %scan3A_43  : i32 {
      %mul3A_47 = arith.constant 2 : i32
      %mul3A_48 = arith.muli %mul3A_47, %scan3A_46 : i32
      %add3A_49 = arith.constant 1 : i32
      %add3A_50 = arith.addi %mul3A_48, %add3A_49 : i32
      %dma_start3A_51 = arith.constant 0 : i32
      %dma_start3A_52 = tpu.memref_slice %arg11[%add3A_50, %dma_start3A_51] : memref<162x128xi32, #tpu.memory_space<vmem>> -> memref<1x128xi32, #tpu.memory_space<vmem>>
      %dma_start3A_53 = tpu.memref_squeeze %dma_start3A_52 : memref<1x128xi32, #tpu.memory_space<vmem>> -> memref<128xi32, #tpu.memory_space<vmem>>
      %dma_start3A_54 = arith.constant 0 : i32
      %dma_start3A_55 = arith.constant 0 : i32
      %dma_start3A_56 = tpu.memref_slice %arg2[%arg0, %dma_start3A_54, %dma_start3A_55] : memref<2x10000x64xbf16, #tpu.memory_space<hbm>> -> memref<1x10000x64xbf16, #tpu.memory_space<hbm>>
      %dma_start3A_57 = tpu.memref_squeeze %dma_start3A_56 : memref<1x10000x64xbf16, #tpu.memory_space<hbm>> -> memref<10000x64xbf16, #tpu.memory_space<hbm>>
      %dma_start3A_58 = arith.constant 0 : i32
      %dma_start3A_59 = arith.constant 0 : i32
      %dma_start3A_60 = tpu.memref_slice %dma_start3A_57[%dma_start3A_58, %dma_start3A_59] : memref<10000x64xbf16, #tpu.memory_space<hbm>> -> memref<10000x64xbf16, #tpu.memory_space<hbm>>
      tpu.enqueue_indirect_dma source(%dma_start3A_60 : memref<10000x64xbf16, #tpu.memory_space<hbm>>) target(%arg15 : memref<128x64xbf16, #tpu.memory_space<vmem>>) offsets(%dma_start3A_53 : memref<128xi32, #tpu.memory_space<vmem>>) semaphore(%arg21 : memref<!tpu.dma_semaphore, #tpu.memory_space<semaphore_mem>>)
      %dma_wait3A = arith.constant 0 : i32
      %dma_wait3A_61 = tpu.memref_slice %arg11[%mul3A_48, %dma_wait3A] : memref<162x128xi32, #tpu.memory_space<vmem>> -> memref<1x128xi32, #tpu.memory_space<vmem>>
      %dma_wait3A_62 = tpu.memref_squeeze %dma_wait3A_61 : memref<1x128xi32, #tpu.memory_space<vmem>> -> memref<128xi32, #tpu.memory_space<vmem>>
      %dma_wait3A_63 = arith.constant 0 : i32
      %dma_wait3A_64 = arith.constant 0 : i32
      %dma_wait3A_65 = tpu.memref_slice %arg2[%arg0, %dma_wait3A_63, %dma_wait3A_64] : memref<2x10000x64xbf16, #tpu.memory_space<hbm>> -> memref<1x10000x64xbf16, #tpu.memory_space<hbm>>
      %dma_wait3A_66 = tpu.memref_squeeze %dma_wait3A_65 : memref<1x10000x64xbf16, #tpu.memory_space<hbm>> -> memref<10000x64xbf16, #tpu.memory_space<hbm>>
      %dma_wait3A_67 = arith.constant 0 : i32
      %dma_wait3A_68 = arith.constant 0 : i32
      %dma_wait3A_69 = tpu.memref_slice %dma_wait3A_66[%dma_wait3A_67, %dma_wait3A_68] : memref<10000x64xbf16, #tpu.memory_space<hbm>> -> memref<10000x64xbf16, #tpu.memory_space<hbm>>
      tpu.wait_indirect_dma semaphore(%arg20 : memref<!tpu.dma_semaphore, #tpu.memory_space<semaphore_mem>>) src(%dma_wait3A_69 : memref<10000x64xbf16, #tpu.memory_space<hbm>>) dst(%arg14 : memref<128x64xbf16, #tpu.memory_space<vmem>>)
      %scan3A_70 = arith.constant 0 : i32
      %scan3A_71 = arith.constant 0 : i32
      %scan3A_72 = arith.constant 8 : i32
      %scan3A_73 = arith.addi %scan3A_71, %scan3A_72 : i32
      %scan3A_74 = arith.constant 1 : i32
      scf.for %scan3A_104 = %scan3A_71 to %scan3A_73 step %scan3A_74  : i32 {
        %mul3A_105 = arith.constant 16 : i32
        %mul3A_106 = arith.muli %scan3A_104, %mul3A_105 : i32
        %get3A = arith.index_cast %mul3A_48 : i32 to index
        %get3A_107 = arith.index_cast %mul3A_106 : i32 to index
        %get3A_108 = tpu.vector_load %arg13[%get3A, %get3A_107] {strides = array<i32>} : memref<162x128xf32, #tpu.memory_space<vmem>>, vector<16xf32>,
        %slice3A = vector.extract_strided_slice %get3A_108 {offsets = [0], sizes = [1], strides = [1]} : vector<16xf32> to vector<1xf32>
        %squeeze3A = vector.extract %slice3A[0] : f32 from vector<1xf32>
        %broadcast_in_dim3A = vector.broadcast %squeeze3A : f32 to vector<16xf32>
        %pack3A = tpu.pack_subelements %broadcast_in_dim3A, %broadcast_in_dim3A {pack_format = #tpu.pack_format<interleaved>, positions = array<i32: 0, 1>} : vector<16xf32>, vector<16xf32> -> vector<32xbf16>
        %mul3A_109 = arith.constant 16 : i32
        %mul3A_110 = arith.muli %scan3A_104, %mul3A_109 : i32
        %add3A_111 = arith.constant 0 : i32
        %add3A_112 = arith.addi %mul3A_110, %add3A_111 : i32
        %get3A_113 = arith.index_cast %add3A_112 : i32 to index
        %get3A_114 = arith.constant 0 : index
        %get3A_115 = tpu.vector_load %arg14[%get3A_113, %get3A_114] {strides = array<i32>} : memref<128x64xbf16, #tpu.memory_space<vmem>>, vector<32xbf16>,
        %mul3A_116 = arith.mulf %get3A_115, %pack3A : vector<32xbf16>
        %swap3A = arith.index_cast %add3A_112 : i32 to index
        %swap3A_117 = arith.constant 0 : index
        %swap3A_118 = tpu.vector_load %arg14[%swap3A, %swap3A_117] {strides = array<i32>} : memref<128x64xbf16, #tpu.memory_space<vmem>>, vector<32xbf16>,
        tpu.vector_store %arg14[%swap3A, %swap3A_117], %mul3A_116 {strides = array<i32>} : memref<128x64xbf16, #tpu.memory_space<vmem>>, vector<32xbf16>,
        %get3A_119 = arith.index_cast %add3A_112 : i32 to index
        %get3A_120 = arith.constant 32 : index
        %get3A_121 = tpu.vector_load %arg14[%get3A_119, %get3A_120] {strides = array<i32>} : memref<128x64xbf16, #tpu.memory_space<vmem>>, vector<32xbf16>,
        %mul3A_122 = arith.mulf %get3A_121, %pack3A : vector<32xbf16>
        %swap3A_123 = arith.index_cast %add3A_112 : i32 to index
        %swap3A_124 = arith.constant 32 : index
        %swap3A_125 = tpu.vector_load %arg14[%swap3A_123, %swap3A_124] {strides = array<i32>} : memref<128x64xbf16, #tpu.memory_space<vmem>>, vector<32xbf16>,
        tpu.vector_store %arg14[%swap3A_123, %swap3A_124], %mul3A_122 {strides = array<i32>} : memref<128x64xbf16, #tpu.memory_space<vmem>>, vector<32xbf16>,
        %slice3A_126 = vector.extract_strided_slice %get3A_108 {offsets = [1], sizes = [1], strides = [1]} : vector<16xf32> to vector<1xf32>
        %squeeze3A_127 = vector.extract %slice3A_126[0] : f32 from vector<1xf32>
        %broadcast_in_dim3A_128 = vector.broadcast %squeeze3A_127 : f32 to vector<16xf32>
        %pack3A_129 = tpu.pack_subelements %broadcast_in_dim3A_128, %broadcast_in_dim3A_128 {pack_format = #tpu.pack_format<interleaved>, positions = array<i32: 0, 1>} : vector<16xf32>, vector<16xf32> -> vector<32xbf16>
        %mul3A_130 = arith.constant 16 : i32
        %mul3A_131 = arith.muli %scan3A_104, %mul3A_130 : i32
        %add3A_132 = arith.constant 1 : i32
        %add3A_133 = arith.addi %mul3A_131, %add3A_132 : i32
        %get3A_134 = arith.index_cast %add3A_133 : i32 to index
        %get3A_135 = arith.constant 0 : index
        %get3A_136 = tpu.vector_load %arg14[%get3A_134, %get3A_135] {strides = array<i32>} : memref<128x64xbf16, #tpu.memory_space<vmem>>, vector<32xbf16>,
        %mul3A_137 = arith.mulf %get3A_136, %pack3A_129 : vector<32xbf16>
        %swap3A_138 = arith.index_cast %add3A_133 : i32 to index
        %swap3A_139 = arith.constant 0 : index
        %swap3A_140 = tpu.vector_load %arg14[%swap3A_138, %swap3A_139] {strides = array<i32>} : memref<128x64xbf16, #tpu.memory_space<vmem>>, vector<32xbf16>,
        tpu.vector_store %arg14[%swap3A_138, %swap3A_139], %mul3A_137 {strides = array<i32>} : memref<128x64xbf16, #tpu.memory_space<vmem>>, vector<32xbf16>,
        %get3A_141 = arith.index_cast %add3A_133 : i32 to index
        %get3A_142 = arith.constant 32 : index
        %get3A_143 = tpu.vector_load %arg14[%get3A_141, %get3A_142] {strides = array<i32>} : memref<128x64xbf16, #tpu.memory_space<vmem>>, vector<32xbf16>,
        %mul3A_144 = arith.mulf %get3A_143, %pack3A_129 : vector<32xbf16>
        %swap3A_145 = arith.index_cast %add3A_133 : i32 to index
        %swap3A_146 = arith.constant 32 : index
        %swap3A_147 = tpu.vector_load %arg14[%swap3A_145, %swap3A_146] {strides = array<i32>} : memref<128x64xbf16, #tpu.memory_space<vmem>>, vector<32xbf16>,
        tpu.vector_store %arg14[%swap3A_145, %swap3A_146], %mul3A_144 {strides = array<i32>} : memref<128x64xbf16, #tpu.memory_space<vmem>>, vector<32xbf16>,
        %slice3A_148 = vector.extract_strided_slice %get3A_108 {offsets = [2], sizes = [1], strides = [1]} : vector<16xf32> to vector<1xf32>
        %squeeze3A_149 = vector.extract %slice3A_148[0] : f32 from vector<1xf32>
        %broadcast_in_dim3A_150 = vector.broadcast %squeeze3A_149 : f32 to vector<16xf32>
        %pack3A_151 = tpu.pack_subelements %broadcast_in_dim3A_150, %broadcast_in_dim3A_150 {pack_format = #tpu.pack_format<interleaved>, positions = array<i32: 0, 1>} : vector<16xf32>, vector<16xf32> -> vector<32xbf16>
        %mul3A_152 = arith.constant 16 : i32
        %mul3A_153 = arith.muli %scan3A_104, %mul3A_152 : i32
        %add3A_154 = arith.constant 2 : i32
        %add3A_155 = arith.addi %mul3A_153, %add3A_154 : i32
        %get3A_156 = arith.index_cast %add3A_155 : i32 to index
        %get3A_157 = arith.constant 0 : index
        %get3A_158 = tpu.vector_load %arg14[%get3A_156, %get3A_157] {strides = array<i32>} : memref<128x64xbf16, #tpu.memory_space<vmem>>, vector<32xbf16>,
        %mul3A_159 = arith.mulf %get3A_158, %pack3A_151 : vector<32xbf16>
        %swap3A_160 = arith.index_cast %add3A_155 : i32 to index
        %swap3A_161 = arith.constant 0 : index
        %swap3A_162 = tpu.vector_load %arg14[%swap3A_160, %swap3A_161] {strides = array<i32>} : memref<128x64xbf16, #tpu.memory_space<vmem>>, vector<32xbf16>,
        tpu.vector_store %arg14[%swap3A_160, %swap3A_161], %mul3A_159 {strides = array<i32>} : memref<128x64xbf16, #tpu.memory_space<vmem>>, vector<32xbf16>,
        %get3A_163 = arith.index_cast %add3A_155 : i32 to index
        %get3A_164 = arith.constant 32 : index
        %get3A_165 = tpu.vector_load %arg14[%get3A_163, %get3A_164] {strides = array<i32>} : memref<128x64xbf16, #tpu.memory_space<vmem>>, vector<32xbf16>,
        %mul3A_166 = arith.mulf %get3A_165, %pack3A_151 : vector<32xbf16>
        %swap3A_167 = arith.index_cast %add3A_155 : i32 to index
        %swap3A_168 = arith.constant 32 : index
        %swap3A_169 = tpu.vector_load %arg14[%swap3A_167, %swap3A_168] {strides = array<i32>} : memref<128x64xbf16, #tpu.memory_space<vmem>>, vector<32xbf16>,
        tpu.vector_store %arg14[%swap3A_167, %swap3A_168], %mul3A_166 {strides = array<i32>} : memref<128x64xbf16, #tpu.memory_space<vmem>>, vector<32xbf16>,
        %slice3A_170 = vector.extract_strided_slice %get3A_108 {offsets = [3], sizes = [1], strides = [1]} : vector<16xf32> to vector<1xf32>
        %squeeze3A_171 = vector.extract %slice3A_170[0] : f32 from vector<1xf32>
        %broadcast_in_dim3A_172 = vector.broadcast %squeeze3A_171 : f32 to vector<16xf32>
        %pack3A_173 = tpu.pack_subelements %broadcast_in_dim3A_172, %broadcast_in_dim3A_172 {pack_format = #tpu.pack_format<interleaved>, positions = array<i32: 0, 1>} : vector<16xf32>, vector<16xf32> -> vector<32xbf16>
        %mul3A_174 = arith.constant 16 : i32
        %mul3A_175 = arith.muli %scan3A_104, %mul3A_174 : i32
        %add3A_176 = arith.constant 3 : i32
        %add3A_177 = arith.addi %mul3A_175, %add3A_176 : i32
        %get3A_178 = arith.index_cast %add3A_177 : i32 to index
        %get3A_179 = arith.constant 0 : index
        %get3A_180 = tpu.vector_load %arg14[%get3A_178, %get3A_179] {strides = array<i32>} : memref<128x64xbf16, #tpu.memory_space<vmem>>, vector<32xbf16>,
        %mul3A_181 = arith.mulf %get3A_180, %pack3A_173 : vector<32xbf16>
        %swap3A_182 = arith.index_cast %add3A_177 : i32 to index
        %swap3A_183 = arith.constant 0 : index
        %swap3A_184 = tpu.vector_load %arg14[%swap3A_182, %swap3A_183] {strides = array<i32>} : memref<128x64xbf16, #tpu.memory_space<vmem>>, vector<32xbf16>,
        tpu.vector_store %arg14[%swap3A_182, %swap3A_183], %mul3A_181 {strides = array<i32>} : memref<128x64xbf16, #tpu.memory_space<vmem>>, vector<32xbf16>,
        %get3A_185 = arith.index_cast %add3A_177 : i32 to index
        %get3A_186 = arith.constant 32 : index
        %get3A_187 = tpu.vector_load %arg14[%get3A_185, %get3A_186] {strides = array<i32>} : memref<128x64xbf16, #tpu.memory_space<vmem>>, vector<32xbf16>,
        %mul3A_188 = arith.mulf %get3A_187, %pack3A_173 : vector<32xbf16>
        %swap3A_189 = arith.index_cast %add3A_177 : i32 to index
        %swap3A_190 = arith.constant 32 : index
        %swap3A_191 = tpu.vector_load %arg14[%swap3A_189, %swap3A_190] {strides = array<i32>} : memref<128x64xbf16, #tpu.memory_space<vmem>>, vector<32xbf16>,
        tpu.vector_store %arg14[%swap3A_189, %swap3A_190], %mul3A_188 {strides = array<i32>} : memref<128x64xbf16, #tpu.memory_space<vmem>>, vector<32xbf16>,
        %slice3A_192 = vector.extract_strided_slice %get3A_108 {offsets = [4], sizes = [1], strides = [1]} : vector<16xf32> to vector<1xf32>
        %squeeze3A_193 = vector.extract %slice3A_192[0] : f32 from vector<1xf32>
        %broadcast_in_dim3A_194 = vector.broadcast %squeeze3A_193 : f32 to vector<16xf32>
        %pack3A_195 = tpu.pack_subelements %broadcast_in_dim3A_194, %broadcast_in_dim3A_194 {pack_format = #tpu.pack_format<interleaved>, positions = array<i32: 0, 1>} : vector<16xf32>, vector<16xf32> -> vector<32xbf16>
        %mul3A_196 = arith.constant 16 : i32
        %mul3A_197 = arith.muli %scan3A_104, %mul3A_196 : i32
        %add3A_198 = arith.constant 4 : i32
        %add3A_199 = arith.addi %mul3A_197, %add3A_198 : i32
        %get3A_200 = arith.index_cast %add3A_199 : i32 to index
        %get3A_201 = arith.constant 0 : index
        %get3A_202 = tpu.vector_load %arg14[%get3A_200, %get3A_201] {strides = array<i32>} : memref<128x64xbf16, #tpu.memory_space<vmem>>, vector<32xbf16>,
        %mul3A_203 = arith.mulf %get3A_202, %pack3A_195 : vector<32xbf16>
        %swap3A_204 = arith.index_cast %add3A_199 : i32 to index
        %swap3A_205 = arith.constant 0 : index
        %swap3A_206 = tpu.vector_load %arg14[%swap3A_204, %swap3A_205] {strides = array<i32>} : memref<128x64xbf16, #tpu.memory_space<vmem>>, vector<32xbf16>,
        tpu.vector_store %arg14[%swap3A_204, %swap3A_205], %mul3A_203 {strides = array<i32>} : memref<128x64xbf16, #tpu.memory_space<vmem>>, vector<32xbf16>,
        %get3A_207 = arith.index_cast %add3A_199 : i32 to index
        %get3A_208 = arith.constant 32 : index
        %get3A_209 = tpu.vector_load %arg14[%get3A_207, %get3A_208] {strides = array<i32>} : memref<128x64xbf16, #tpu.memory_space<vmem>>, vector<32xbf16>,
        %mul3A_210 = arith.mulf %get3A_209, %pack3A_195 : vector<32xbf16>
        %swap3A_211 = arith.index_cast %add3A_199 : i32 to index
        %swap3A_212 = arith.constant 32 : index
        %swap3A_213 = tpu.vector_load %arg14[%swap3A_211, %swap3A_212] {strides = array<i32>} : memref<128x64xbf16, #tpu.memory_space<vmem>>, vector<32xbf16>,
        tpu.vector_store %arg14[%swap3A_211, %swap3A_212], %mul3A_210 {strides = array<i32>} : memref<128x64xbf16, #tpu.memory_space<vmem>>, vector<32xbf16>,
        %slice3A_214 = vector.extract_strided_slice %get3A_108 {offsets = [5], sizes = [1], strides = [1]} : vector<16xf32> to vector<1xf32>
        %squeeze3A_215 = vector.extract %slice3A_214[0] : f32 from vector<1xf32>
        %broadcast_in_dim3A_216 = vector.broadcast %squeeze3A_215 : f32 to vector<16xf32>
        %pack3A_217 = tpu.pack_subelements %broadcast_in_dim3A_216, %broadcast_in_dim3A_216 {pack_format = #tpu.pack_format<interleaved>, positions = array<i32: 0, 1>} : vector<16xf32>, vector<16xf32> -> vector<32xbf16>
        %mul3A_218 = arith.constant 16 : i32
        %mul3A_219 = arith.muli %scan3A_104, %mul3A_218 : i32
        %add3A_220 = arith.constant 5 : i32
        %add3A_221 = arith.addi %mul3A_219, %add3A_220 : i32
        %get3A_222 = arith.index_cast %add3A_221 : i32 to index
        %get3A_223 = arith.constant 0 : index
        %get3A_224 = tpu.vector_load %arg14[%get3A_222, %get3A_223] {strides = array<i32>} : memref<128x64xbf16, #tpu.memory_space<vmem>>, vector<32xbf16>,
        %mul3A_225 = arith.mulf %get3A_224, %pack3A_217 : vector<32xbf16>
        %swap3A_226 = arith.index_cast %add3A_221 : i32 to index
        %swap3A_227 = arith.constant 0 : index
        %swap3A_228 = tpu.vector_load %arg14[%swap3A_226, %swap3A_227] {strides = array<i32>} : memref<128x64xbf16, #tpu.memory_space<vmem>>, vector<32xbf16>,
        tpu.vector_store %arg14[%swap3A_226, %swap3A_227], %mul3A_225 {strides = array<i32>} : memref<128x64xbf16, #tpu.memory_space<vmem>>, vector<32xbf16>,
        %get3A_229 = arith.index_cast %add3A_221 : i32 to index
        %get3A_230 = arith.constant 32 : index
        %get3A_231 = tpu.vector_load %arg14[%get3A_229, %get3A_230] {strides = array<i32>} : memref<128x64xbf16, #tpu.memory_space<vmem>>, vector<32xbf16>,
        %mul3A_232 = arith.mulf %get3A_231, %pack3A_217 : vector<32xbf16>
        %swap3A_233 = arith.index_cast %add3A_221 : i32 to index
        %swap3A_234 = arith.constant 32 : index
        %swap3A_235 = tpu.vector_load %arg14[%swap3A_233, %swap3A_234] {strides = array<i32>} : memref<128x64xbf16, #tpu.memory_space<vmem>>, vector<32xbf16>,
        tpu.vector_store %arg14[%swap3A_233, %swap3A_234], %mul3A_232 {strides = array<i32>} : memref<128x64xbf16, #tpu.memory_space<vmem>>, vector<32xbf16>,
        %slice3A_236 = vector.extract_strided_slice %get3A_108 {offsets = [6], sizes = [1], strides = [1]} : vector<16xf32> to vector<1xf32>
        %squeeze3A_237 = vector.extract %slice3A_236[0] : f32 from vector<1xf32>
        %broadcast_in_dim3A_238 = vector.broadcast %squeeze3A_237 : f32 to vector<16xf32>
        %pack3A_239 = tpu.pack_subelements %broadcast_in_dim3A_238, %broadcast_in_dim3A_238 {pack_format = #tpu.pack_format<interleaved>, positions = array<i32: 0, 1>} : vector<16xf32>, vector<16xf32> -> vector<32xbf16>
        %mul3A_240 = arith.constant 16 : i32
        %mul3A_241 = arith.muli %scan3A_104, %mul3A_240 : i32
        %add3A_242 = arith.constant 6 : i32
        %add3A_243 = arith.addi %mul3A_241, %add3A_242 : i32
        %get3A_244 = arith.index_cast %add3A_243 : i32 to index
        %get3A_245 = arith.constant 0 : index
        %get3A_246 = tpu.vector_load %arg14[%get3A_244, %get3A_245] {strides = array<i32>} : memref<128x64xbf16, #tpu.memory_space<vmem>>, vector<32xbf16>,
        %mul3A_247 = arith.mulf %get3A_246, %pack3A_239 : vector<32xbf16>
        %swap3A_248 = arith.index_cast %add3A_243 : i32 to index
        %swap3A_249 = arith.constant 0 : index
        %swap3A_250 = tpu.vector_load %arg14[%swap3A_248, %swap3A_249] {strides = array<i32>} : memref<128x64xbf16, #tpu.memory_space<vmem>>, vector<32xbf16>,
        tpu.vector_store %arg14[%swap3A_248, %swap3A_249], %mul3A_247 {strides = array<i32>} : memref<128x64xbf16, #tpu.memory_space<vmem>>, vector<32xbf16>,
        %get3A_251 = arith.index_cast %add3A_243 : i32 to index
        %get3A_252 = arith.constant 32 : index
        %get3A_253 = tpu.vector_load %arg14[%get3A_251, %get3A_252] {strides = array<i32>} : memref<128x64xbf16, #tpu.memory_space<vmem>>, vector<32xbf16>,
        %mul3A_254 = arith.mulf %get3A_253, %pack3A_239 : vector<32xbf16>
        %swap3A_255 = arith.index_cast %add3A_243 : i32 to index
        %swap3A_256 = arith.constant 32 : index
        %swap3A_257 = tpu.vector_load %arg14[%swap3A_255, %swap3A_256] {strides = array<i32>} : memref<128x64xbf16, #tpu.memory_space<vmem>>, vector<32xbf16>,
        tpu.vector_store %arg14[%swap3A_255, %swap3A_256], %mul3A_254 {strides = array<i32>} : memref<128x64xbf16, #tpu.memory_space<vmem>>, vector<32xbf16>,
        %slice3A_258 = vector.extract_strided_slice %get3A_108 {offsets = [7], sizes = [1], strides = [1]} : vector<16xf32> to vector<1xf32>
        %squeeze3A_259 = vector.extract %slice3A_258[0] : f32 from vector<1xf32>
        %broadcast_in_dim3A_260 = vector.broadcast %squeeze3A_259 : f32 to vector<16xf32>
        %pack3A_261 = tpu.pack_subelements %broadcast_in_dim3A_260, %broadcast_in_dim3A_260 {pack_format = #tpu.pack_format<interleaved>, positions = array<i32: 0, 1>} : vector<16xf32>, vector<16xf32> -> vector<32xbf16>
        %mul3A_262 = arith.constant 16 : i32
        %mul3A_263 = arith.muli %scan3A_104, %mul3A_262 : i32
        %add3A_264 = arith.constant 7 : i32
        %add3A_265 = arith.addi %mul3A_263, %add3A_264 : i32
        %get3A_266 = arith.index_cast %add3A_265 : i32 to index
        %get3A_267 = arith.constant 0 : index
        %get3A_268 = tpu.vector_load %arg14[%get3A_266, %get3A_267] {strides = array<i32>} : memref<128x64xbf16, #tpu.memory_space<vmem>>, vector<32xbf16>,
        %mul3A_269 = arith.mulf %get3A_268, %pack3A_261 : vector<32xbf16>
        %swap3A_270 = arith.index_cast %add3A_265 : i32 to index
        %swap3A_271 = arith.constant 0 : index
        %swap3A_272 = tpu.vector_load %arg14[%swap3A_270, %swap3A_271] {strides = array<i32>} : memref<128x64xbf16, #tpu.memory_space<vmem>>, vector<32xbf16>,
        tpu.vector_store %arg14[%swap3A_270, %swap3A_271], %mul3A_269 {strides = array<i32>} : memref<128x64xbf16, #tpu.memory_space<vmem>>, vector<32xbf16>,
        %get3A_273 = arith.index_cast %add3A_265 : i32 to index
        %get3A_274 = arith.constant 32 : index
        %get3A_275 = tpu.vector_load %arg14[%get3A_273, %get3A_274] {strides = array<i32>} : memref<128x64xbf16, #tpu.memory_space<vmem>>, vector<32xbf16>,
        %mul3A_276 = arith.mulf %get3A_275, %pack3A_261 : vector<32xbf16>
        %swap3A_277 = arith.index_cast %add3A_265 : i32 to index
        %swap3A_278 = arith.constant 32 : index
        %swap3A_279 = tpu.vector_load %arg14[%swap3A_277, %swap3A_278] {strides = array<i32>} : memref<128x64xbf16, #tpu.memory_space<vmem>>, vector<32xbf16>,
        tpu.vector_store %arg14[%swap3A_277, %swap3A_278], %mul3A_276 {strides = array<i32>} : memref<128x64xbf16, #tpu.memory_space<vmem>>, vector<32xbf16>,
        %slice3A_280 = vector.extract_strided_slice %get3A_108 {offsets = [8], sizes = [1], strides = [1]} : vector<16xf32> to vector<1xf32>
        %squeeze3A_281 = vector.extract %slice3A_280[0] : f32 from vector<1xf32>
        %broadcast_in_dim3A_282 = vector.broadcast %squeeze3A_281 : f32 to vector<16xf32>
        %pack3A_283 = tpu.pack_subelements %broadcast_in_dim3A_282, %broadcast_in_dim3A_282 {pack_format = #tpu.pack_format<interleaved>, positions = array<i32: 0, 1>} : vector<16xf32>, vector<16xf32> -> vector<32xbf16>
        %mul3A_284 = arith.constant 16 : i32
        %mul3A_285 = arith.muli %scan3A_104, %mul3A_284 : i32
        %add3A_286 = arith.constant 8 : i32
        %add3A_287 = arith.addi %mul3A_285, %add3A_286 : i32
        %get3A_288 = arith.index_cast %add3A_287 : i32 to index
        %get3A_289 = arith.constant 0 : index
        %get3A_290 = tpu.vector_load %arg14[%get3A_288, %get3A_289] {strides = array<i32>} : memref<128x64xbf16, #tpu.memory_space<vmem>>, vector<32xbf16>,
        %mul3A_291 = arith.mulf %get3A_290, %pack3A_283 : vector<32xbf16>
        %swap3A_292 = arith.index_cast %add3A_287 : i32 to index
        %swap3A_293 = arith.constant 0 : index
        %swap3A_294 = tpu.vector_load %arg14[%swap3A_292, %swap3A_293] {strides = array<i32>} : memref<128x64xbf16, #tpu.memory_space<vmem>>, vector<32xbf16>,
        tpu.vector_store %arg14[%swap3A_292, %swap3A_293], %mul3A_291 {strides = array<i32>} : memref<128x64xbf16, #tpu.memory_space<vmem>>, vector<32xbf16>,
        %get3A_295 = arith.index_cast %add3A_287 : i32 to index
        %get3A_296 = arith.constant 32 : index
        %get3A_297 = tpu.vector_load %arg14[%get3A_295, %get3A_296] {strides = array<i32>} : memref<128x64xbf16, #tpu.memory_space<vmem>>, vector<32xbf16>,
        %mul3A_298 = arith.mulf %get3A_297, %pack3A_283 : vector<32xbf16>
        %swap3A_299 = arith.index_cast %add3A_287 : i32 to index
        %swap3A_300 = arith.constant 32 : index
        %swap3A_301 = tpu.vector_load %arg14[%swap3A_299, %swap3A_300] {strides = array<i32>} : memref<128x64xbf16, #tpu.memory_space<vmem>>, vector<32xbf16>,
        tpu.vector_store %arg14[%swap3A_299, %swap3A_300], %mul3A_298 {strides = array<i32>} : memref<128x64xbf16, #tpu.memory_space<vmem>>, vector<32xbf16>,
        %slice3A_302 = vector.extract_strided_slice %get3A_108 {offsets = [9], sizes = [1], strides = [1]} : vector<16xf32> to vector<1xf32>
        %squeeze3A_303 = vector.extract %slice3A_302[0] : f32 from vector<1xf32>
        %broadcast_in_dim3A_304 = vector.broadcast %squeeze3A_303 : f32 to vector<16xf32>
        %pack3A_305 = tpu.pack_subelements %broadcast_in_dim3A_304, %broadcast_in_dim3A_304 {pack_format = #tpu.pack_format<interleaved>, positions = array<i32: 0, 1>} : vector<16xf32>, vector<16xf32> -> vector<32xbf16>
        %mul3A_306 = arith.constant 16 : i32
        %mul3A_307 = arith.muli %scan3A_104, %mul3A_306 : i32
        %add3A_308 = arith.constant 9 : i32
        %add3A_309 = arith.addi %mul3A_307, %add3A_308 : i32
        %get3A_310 = arith.index_cast %add3A_309 : i32 to index
        %get3A_311 = arith.constant 0 : index
        %get3A_312 = tpu.vector_load %arg14[%get3A_310, %get3A_311] {strides = array<i32>} : memref<128x64xbf16, #tpu.memory_space<vmem>>, vector<32xbf16>,
        %mul3A_313 = arith.mulf %get3A_312, %pack3A_305 : vector<32xbf16>
        %swap3A_314 = arith.index_cast %add3A_309 : i32 to index
        %swap3A_315 = arith.constant 0 : index
        %swap3A_316 = tpu.vector_load %arg14[%swap3A_314, %swap3A_315] {strides = array<i32>} : memref<128x64xbf16, #tpu.memory_space<vmem>>, vector<32xbf16>,
        tpu.vector_store %arg14[%swap3A_314, %swap3A_315], %mul3A_313 {strides = array<i32>} : memref<128x64xbf16, #tpu.memory_space<vmem>>, vector<32xbf16>,
        %get3A_317 = arith.index_cast %add3A_309 : i32 to index
        %get3A_318 = arith.constant 32 : index
        %get3A_319 = tpu.vector_load %arg14[%get3A_317, %get3A_318] {strides = array<i32>} : memref<128x64xbf16, #tpu.memory_space<vmem>>, vector<32xbf16>,
        %mul3A_320 = arith.mulf %get3A_319, %pack3A_305 : vector<32xbf16>
        %swap3A_321 = arith.index_cast %add3A_309 : i32 to index
        %swap3A_322 = arith.constant 32 : index
        %swap3A_323 = tpu.vector_load %arg14[%swap3A_321, %swap3A_322] {strides = array<i32>} : memref<128x64xbf16, #tpu.memory_space<vmem>>, vector<32xbf16>,
        tpu.vector_store %arg14[%swap3A_321, %swap3A_322], %mul3A_320 {strides = array<i32>} : memref<128x64xbf16, #tpu.memory_space<vmem>>, vector<32xbf16>,
        %slice3A_324 = vector.extract_strided_slice %get3A_108 {offsets = [10], sizes = [1], strides = [1]} : vector<16xf32> to vector<1xf32>
        %squeeze3A_325 = vector.extract %slice3A_324[0] : f32 from vector<1xf32>
        %broadcast_in_dim3A_326 = vector.broadcast %squeeze3A_325 : f32 to vector<16xf32>
        %pack3A_327 = tpu.pack_subelements %broadcast_in_dim3A_326, %broadcast_in_dim3A_326 {pack_format = #tpu.pack_format<interleaved>, positions = array<i32: 0, 1>} : vector<16xf32>, vector<16xf32> -> vector<32xbf16>
        %mul3A_328 = arith.constant 16 : i32
        %mul3A_329 = arith.muli %scan3A_104, %mul3A_328 : i32
        %add3A_330 = arith.constant 10 : i32
        %add3A_331 = arith.addi %mul3A_329, %add3A_330 : i32
        %get3A_332 = arith.index_cast %add3A_331 : i32 to index
        %get3A_333 = arith.constant 0 : index
        %get3A_334 = tpu.vector_load %arg14[%get3A_332, %get3A_333] {strides = array<i32>} : memref<128x64xbf16, #tpu.memory_space<vmem>>, vector<32xbf16>,
        %mul3A_335 = arith.mulf %get3A_334, %pack3A_327 : vector<32xbf16>
        %swap3A_336 = arith.index_cast %add3A_331 : i32 to index
        %swap3A_337 = arith.constant 0 : index
        %swap3A_338 = tpu.vector_load %arg14[%swap3A_336, %swap3A_337] {strides = array<i32>} : memref<128x64xbf16, #tpu.memory_space<vmem>>, vector<32xbf16>,
        tpu.vector_store %arg14[%swap3A_336, %swap3A_337], %mul3A_335 {strides = array<i32>} : memref<128x64xbf16, #tpu.memory_space<vmem>>, vector<32xbf16>,
        %get3A_339 = arith.index_cast %add3A_331 : i32 to index
        %get3A_340 = arith.constant 32 : index
        %get3A_341 = tpu.vector_load %arg14[%get3A_339, %get3A_340] {strides = array<i32>} : memref<128x64xbf16, #tpu.memory_space<vmem>>, vector<32xbf16>,
        %mul3A_342 = arith.mulf %get3A_341, %pack3A_327 : vector<32xbf16>
        %swap3A_343 = arith.index_cast %add3A_331 : i32 to index
        %swap3A_344 = arith.constant 32 : index
        %swap3A_345 = tpu.vector_load %arg14[%swap3A_343, %swap3A_344] {strides = array<i32>} : memref<128x64xbf16, #tpu.memory_space<vmem>>, vector<32xbf16>,
        tpu.vector_store %arg14[%swap3A_343, %swap3A_344], %mul3A_342 {strides = array<i32>} : memref<128x64xbf16, #tpu.memory_space<vmem>>, vector<32xbf16>,
        %slice3A_346 = vector.extract_strided_slice %get3A_108 {offsets = [11], sizes = [1], strides = [1]} : vector<16xf32> to vector<1xf32>
        %squeeze3A_347 = vector.extract %slice3A_346[0] : f32 from vector<1xf32>
        %broadcast_in_dim3A_348 = vector.broadcast %squeeze3A_347 : f32 to vector<16xf32>
        %pack3A_349 = tpu.pack_subelements %broadcast_in_dim3A_348, %broadcast_in_dim3A_348 {pack_format = #tpu.pack_format<interleaved>, positions = array<i32: 0, 1>} : vector<16xf32>, vector<16xf32> -> vector<32xbf16>
        %mul3A_350 = arith.constant 16 : i32
        %mul3A_351 = arith.muli %scan3A_104, %mul3A_350 : i32
        %add3A_352 = arith.constant 11 : i32
        %add3A_353 = arith.addi %mul3A_351, %add3A_352 : i32
        %get3A_354 = arith.index_cast %add3A_353 : i32 to index
        %get3A_355 = arith.constant 0 : index
        %get3A_356 = tpu.vector_load %arg14[%get3A_354, %get3A_355] {strides = array<i32>} : memref<128x64xbf16, #tpu.memory_space<vmem>>, vector<32xbf16>,
        %mul3A_357 = arith.mulf %get3A_356, %pack3A_349 : vector<32xbf16>
        %swap3A_358 = arith.index_cast %add3A_353 : i32 to index
        %swap3A_359 = arith.constant 0 : index
        %swap3A_360 = tpu.vector_load %arg14[%swap3A_358, %swap3A_359] {strides = array<i32>} : memref<128x64xbf16, #tpu.memory_space<vmem>>, vector<32xbf16>,
        tpu.vector_store %arg14[%swap3A_358, %swap3A_359], %mul3A_357 {strides = array<i32>} : memref<128x64xbf16, #tpu.memory_space<vmem>>, vector<32xbf16>,
        %get3A_361 = arith.index_cast %add3A_353 : i32 to index
        %get3A_362 = arith.constant 32 : index
        %get3A_363 = tpu.vector_load %arg14[%get3A_361, %get3A_362] {strides = array<i32>} : memref<128x64xbf16, #tpu.memory_space<vmem>>, vector<32xbf16>,
        %mul3A_364 = arith.mulf %get3A_363, %pack3A_349 : vector<32xbf16>
        %swap3A_365 = arith.index_cast %add3A_353 : i32 to index
        %swap3A_366 = arith.constant 32 : index
        %swap3A_367 = tpu.vector_load %arg14[%swap3A_365, %swap3A_366] {strides = array<i32>} : memref<128x64xbf16, #tpu.memory_space<vmem>>, vector<32xbf16>,
        tpu.vector_store %arg14[%swap3A_365, %swap3A_366], %mul3A_364 {strides = array<i32>} : memref<128x64xbf16, #tpu.memory_space<vmem>>, vector<32xbf16>,
        %slice3A_368 = vector.extract_strided_slice %get3A_108 {offsets = [12], sizes = [1], strides = [1]} : vector<16xf32> to vector<1xf32>
        %squeeze3A_369 = vector.extract %slice3A_368[0] : f32 from vector<1xf32>
        %broadcast_in_dim3A_370 = vector.broadcast %squeeze3A_369 : f32 to vector<16xf32>
        %pack3A_371 = tpu.pack_subelements %broadcast_in_dim3A_370, %broadcast_in_dim3A_370 {pack_format = #tpu.pack_format<interleaved>, positions = array<i32: 0, 1>} : vector<16xf32>, vector<16xf32> -> vector<32xbf16>
        %mul3A_372 = arith.constant 16 : i32
        %mul3A_373 = arith.muli %scan3A_104, %mul3A_372 : i32
        %add3A_374 = arith.constant 12 : i32
        %add3A_375 = arith.addi %mul3A_373, %add3A_374 : i32
        %get3A_376 = arith.index_cast %add3A_375 : i32 to index
        %get3A_377 = arith.constant 0 : index
        %get3A_378 = tpu.vector_load %arg14[%get3A_376, %get3A_377] {strides = array<i32>} : memref<128x64xbf16, #tpu.memory_space<vmem>>, vector<32xbf16>,
        %mul3A_379 = arith.mulf %get3A_378, %pack3A_371 : vector<32xbf16>
        %swap3A_380 = arith.index_cast %add3A_375 : i32 to index
        %swap3A_381 = arith.constant 0 : index
        %swap3A_382 = tpu.vector_load %arg14[%swap3A_380, %swap3A_381] {strides = array<i32>} : memref<128x64xbf16, #tpu.memory_space<vmem>>, vector<32xbf16>,
        tpu.vector_store %arg14[%swap3A_380, %swap3A_381], %mul3A_379 {strides = array<i32>} : memref<128x64xbf16, #tpu.memory_space<vmem>>, vector<32xbf16>,
        %get3A_383 = arith.index_cast %add3A_375 : i32 to index
        %get3A_384 = arith.constant 32 : index
        %get3A_385 = tpu.vector_load %arg14[%get3A_383, %get3A_384] {strides = array<i32>} : memref<128x64xbf16, #tpu.memory_space<vmem>>, vector<32xbf16>,
        %mul3A_386 = arith.mulf %get3A_385, %pack3A_371 : vector<32xbf16>
        %swap3A_387 = arith.index_cast %add3A_375 : i32 to index
        %swap3A_388 = arith.constant 32 : index
        %swap3A_389 = tpu.vector_load %arg14[%swap3A_387, %swap3A_388] {strides = array<i32>} : memref<128x64xbf16, #tpu.memory_space<vmem>>, vector<32xbf16>,
        tpu.vector_store %arg14[%swap3A_387, %swap3A_388], %mul3A_386 {strides = array<i32>} : memref<128x64xbf16, #tpu.memory_space<vmem>>, vector<32xbf16>,
        %slice3A_390 = vector.extract_strided_slice %get3A_108 {offsets = [13], sizes = [1], strides = [1]} : vector<16xf32> to vector<1xf32>
        %squeeze3A_391 = vector.extract %slice3A_390[0] : f32 from vector<1xf32>
        %broadcast_in_dim3A_392 = vector.broadcast %squeeze3A_391 : f32 to vector<16xf32>
        %pack3A_393 = tpu.pack_subelements %broadcast_in_dim3A_392, %broadcast_in_dim3A_392 {pack_format = #tpu.pack_format<interleaved>, positions = array<i32: 0, 1>} : vector<16xf32>, vector<16xf32> -> vector<32xbf16>
        %mul3A_394 = arith.constant 16 : i32
        %mul3A_395 = arith.muli %scan3A_104, %mul3A_394 : i32
        %add3A_396 = arith.constant 13 : i32
        %add3A_397 = arith.addi %mul3A_395, %add3A_396 : i32
        %get3A_398 = arith.index_cast %add3A_397 : i32 to index
        %get3A_399 = arith.constant 0 : index
        %get3A_400 = tpu.vector_load %arg14[%get3A_398, %get3A_399] {strides = array<i32>} : memref<128x64xbf16, #tpu.memory_space<vmem>>, vector<32xbf16>,
        %mul3A_401 = arith.mulf %get3A_400, %pack3A_393 : vector<32xbf16>
        %swap3A_402 = arith.index_cast %add3A_397 : i32 to index
        %swap3A_403 = arith.constant 0 : index
        %swap3A_404 = tpu.vector_load %arg14[%swap3A_402, %swap3A_403] {strides = array<i32>} : memref<128x64xbf16, #tpu.memory_space<vmem>>, vector<32xbf16>,
        tpu.vector_store %arg14[%swap3A_402, %swap3A_403], %mul3A_401 {strides = array<i32>} : memref<128x64xbf16, #tpu.memory_space<vmem>>, vector<32xbf16>,
        %get3A_405 = arith.index_cast %add3A_397 : i32 to index
        %get3A_406 = arith.constant 32 : index
        %get3A_407 = tpu.vector_load %arg14[%get3A_405, %get3A_406] {strides = array<i32>} : memref<128x64xbf16, #tpu.memory_space<vmem>>, vector<32xbf16>,
        %mul3A_408 = arith.mulf %get3A_407, %pack3A_393 : vector<32xbf16>
        %swap3A_409 = arith.index_cast %add3A_397 : i32 to index
        %swap3A_410 = arith.constant 32 : index
        %swap3A_411 = tpu.vector_load %arg14[%swap3A_409, %swap3A_410] {strides = array<i32>} : memref<128x64xbf16, #tpu.memory_space<vmem>>, vector<32xbf16>,
        tpu.vector_store %arg14[%swap3A_409, %swap3A_410], %mul3A_408 {strides = array<i32>} : memref<128x64xbf16, #tpu.memory_space<vmem>>, vector<32xbf16>,
        %slice3A_412 = vector.extract_strided_slice %get3A_108 {offsets = [14], sizes = [1], strides = [1]} : vector<16xf32> to vector<1xf32>
        %squeeze3A_413 = vector.extract %slice3A_412[0] : f32 from vector<1xf32>
        %broadcast_in_dim3A_414 = vector.broadcast %squeeze3A_413 : f32 to vector<16xf32>
        %pack3A_415 = tpu.pack_subelements %broadcast_in_dim3A_414, %broadcast_in_dim3A_414 {pack_format = #tpu.pack_format<interleaved>, positions = array<i32: 0, 1>} : vector<16xf32>, vector<16xf32> -> vector<32xbf16>
        %mul3A_416 = arith.constant 16 : i32
        %mul3A_417 = arith.muli %scan3A_104, %mul3A_416 : i32
        %add3A_418 = arith.constant 14 : i32
        %add3A_419 = arith.addi %mul3A_417, %add3A_418 : i32
        %get3A_420 = arith.index_cast %add3A_419 : i32 to index
        %get3A_421 = arith.constant 0 : index
        %get3A_422 = tpu.vector_load %arg14[%get3A_420, %get3A_421] {strides = array<i32>} : memref<128x64xbf16, #tpu.memory_space<vmem>>, vector<32xbf16>,
        %mul3A_423 = arith.mulf %get3A_422, %pack3A_415 : vector<32xbf16>
        %swap3A_424 = arith.index_cast %add3A_419 : i32 to index
        %swap3A_425 = arith.constant 0 : index
        %swap3A_426 = tpu.vector_load %arg14[%swap3A_424, %swap3A_425] {strides = array<i32>} : memref<128x64xbf16, #tpu.memory_space<vmem>>, vector<32xbf16>,
        tpu.vector_store %arg14[%swap3A_424, %swap3A_425], %mul3A_423 {strides = array<i32>} : memref<128x64xbf16, #tpu.memory_space<vmem>>, vector<32xbf16>,
        %get3A_427 = arith.index_cast %add3A_419 : i32 to index
        %get3A_428 = arith.constant 32 : index
        %get3A_429 = tpu.vector_load %arg14[%get3A_427, %get3A_428] {strides = array<i32>} : memref<128x64xbf16, #tpu.memory_space<vmem>>, vector<32xbf16>,
        %mul3A_430 = arith.mulf %get3A_429, %pack3A_415 : vector<32xbf16>
        %swap3A_431 = arith.index_cast %add3A_419 : i32 to index
        %swap3A_432 = arith.constant 32 : index
        %swap3A_433 = tpu.vector_load %arg14[%swap3A_431, %swap3A_432] {strides = array<i32>} : memref<128x64xbf16, #tpu.memory_space<vmem>>, vector<32xbf16>,
        tpu.vector_store %arg14[%swap3A_431, %swap3A_432], %mul3A_430 {strides = array<i32>} : memref<128x64xbf16, #tpu.memory_space<vmem>>, vector<32xbf16>,
        %slice3A_434 = vector.extract_strided_slice %get3A_108 {offsets = [15], sizes = [1], strides = [1]} : vector<16xf32> to vector<1xf32>
        %squeeze3A_435 = vector.extract %slice3A_434[0] : f32 from vector<1xf32>
        %broadcast_in_dim3A_436 = vector.broadcast %squeeze3A_435 : f32 to vector<16xf32>
        %pack3A_437 = tpu.pack_subelements %broadcast_in_dim3A_436, %broadcast_in_dim3A_436 {pack_format = #tpu.pack_format<interleaved>, positions = array<i32: 0, 1>} : vector<16xf32>, vector<16xf32> -> vector<32xbf16>
        %mul3A_438 = arith.constant 16 : i32
        %mul3A_439 = arith.muli %scan3A_104, %mul3A_438 : i32
        %add3A_440 = arith.constant 15 : i32
        %add3A_441 = arith.addi %mul3A_439, %add3A_440 : i32
        %get3A_442 = arith.index_cast %add3A_441 : i32 to index
        %get3A_443 = arith.constant 0 : index
        %get3A_444 = tpu.vector_load %arg14[%get3A_442, %get3A_443] {strides = array<i32>} : memref<128x64xbf16, #tpu.memory_space<vmem>>, vector<32xbf16>,
        %mul3A_445 = arith.mulf %get3A_444, %pack3A_437 : vector<32xbf16>
        %swap3A_446 = arith.index_cast %add3A_441 : i32 to index
        %swap3A_447 = arith.constant 0 : index
        %swap3A_448 = tpu.vector_load %arg14[%swap3A_446, %swap3A_447] {strides = array<i32>} : memref<128x64xbf16, #tpu.memory_space<vmem>>, vector<32xbf16>,
        tpu.vector_store %arg14[%swap3A_446, %swap3A_447], %mul3A_445 {strides = array<i32>} : memref<128x64xbf16, #tpu.memory_space<vmem>>, vector<32xbf16>,
        %get3A_449 = arith.index_cast %add3A_441 : i32 to index
        %get3A_450 = arith.constant 32 : index
        %get3A_451 = tpu.vector_load %arg14[%get3A_449, %get3A_450] {strides = array<i32>} : memref<128x64xbf16, #tpu.memory_space<vmem>>, vector<32xbf16>,
        %mul3A_452 = arith.mulf %get3A_451, %pack3A_437 : vector<32xbf16>
        %swap3A_453 = arith.index_cast %add3A_441 : i32 to index
        %swap3A_454 = arith.constant 32 : index
        %swap3A_455 = tpu.vector_load %arg14[%swap3A_453, %swap3A_454] {strides = array<i32>} : memref<128x64xbf16, #tpu.memory_space<vmem>>, vector<32xbf16>,
        tpu.vector_store %arg14[%swap3A_453, %swap3A_454], %mul3A_452 {strides = array<i32>} : memref<128x64xbf16, #tpu.memory_space<vmem>>, vector<32xbf16>,
      }
      %scan3A_75 = arith.constant 8 : i32
      "tpu.region"() ({
        %run_scoped3A = tpu.sem_alloc : memref<!tpu.dma_semaphore, #tpu.memory_space<semaphore_mem>>
        %dma_start3A_104 = arith.constant 0 : i32
        %dma_start3A_105 = tpu.memref_slice %arg12[%mul3A_48, %dma_start3A_104] : memref<162x128xi32, #tpu.memory_space<vmem>> -> memref<1x128xi32, #tpu.memory_space<vmem>>
        %dma_start3A_106 = tpu.memref_squeeze %dma_start3A_105 : memref<1x128xi32, #tpu.memory_space<vmem>> -> memref<128xi32, #tpu.memory_space<vmem>>
        %dma_start3A_107 = arith.constant 0 : i32
        %dma_start3A_108 = arith.constant 0 : i32
        %dma_start3A_109 = tpu.memref_slice %arg18[%dma_start3A_107, %dma_start3A_108] : memref<10240x64xbf16, #tpu.memory_space<vmem_shared>> -> memref<10240x64xbf16, #tpu.memory_space<vmem_shared>>
        tpu.enqueue_indirect_dma source(%arg14 : memref<128x64xbf16, #tpu.memory_space<vmem>>) target(%dma_start3A_109 : memref<10240x64xbf16, #tpu.memory_space<vmem_shared>>) offsets(%dma_start3A_106 : memref<128xi32, #tpu.memory_space<vmem>>) semaphore(%run_scoped3A : memref<!tpu.dma_semaphore, #tpu.memory_space<semaphore_mem>>) {add = true}
        %dma_wait3A_110 = arith.constant 0 : i32
        %dma_wait3A_111 = tpu.memref_slice %arg12[%mul3A_48, %dma_wait3A_110] : memref<162x128xi32, #tpu.memory_space<vmem>> -> memref<1x128xi32, #tpu.memory_space<vmem>>
        %dma_wait3A_112 = tpu.memref_squeeze %dma_wait3A_111 : memref<1x128xi32, #tpu.memory_space<vmem>> -> memref<128xi32, #tpu.memory_space<vmem>>
        %dma_wait3A_113 = arith.constant 0 : i32
        %dma_wait3A_114 = arith.constant 0 : i32
        %dma_wait3A_115 = tpu.memref_slice %arg18[%dma_wait3A_113, %dma_wait3A_114] : memref<10240x64xbf16, #tpu.memory_space<vmem_shared>> -> memref<10240x64xbf16, #tpu.memory_space<vmem_shared>>
        tpu.wait_indirect_dma semaphore(%run_scoped3A : memref<!tpu.dma_semaphore, #tpu.memory_space<semaphore_mem>>) src(%arg14 : memref<128x64xbf16, #tpu.memory_space<vmem>>) dst(%dma_wait3A_115 : memref<10240x64xbf16, #tpu.memory_space<vmem_shared>>)
        tpu.yield
      }) : () -> ()
      "tpu.region"() ({
        %run_scoped3A = tpu.sem_alloc : memref<!tpu.dma_semaphore, #tpu.memory_space<semaphore_mem>>
        %dma_start3A_104 = arith.constant 0 : i32
        %dma_start3A_105 = tpu.memref_slice %arg13[%mul3A_48, %dma_start3A_104] : memref<162x128xf32, #tpu.memory_space<vmem>> -> memref<1x128xf32, #tpu.memory_space<vmem>>
        %dma_start3A_106 = tpu.memref_squeeze %dma_start3A_105 : memref<1x128xf32, #tpu.memory_space<vmem>> -> memref<128xf32, #tpu.memory_space<vmem>>
        %dma_start3A_107 = arith.constant 0 : i32
        %dma_start3A_108 = tpu.memref_slice %arg12[%mul3A_48, %dma_start3A_107] : memref<162x128xi32, #tpu.memory_space<vmem>> -> memref<1x128xi32, #tpu.memory_space<vmem>>
        %dma_start3A_109 = tpu.memref_squeeze %dma_start3A_108 : memref<1x128xi32, #tpu.memory_space<vmem>> -> memref<128xi32, #tpu.memory_space<vmem>>
        %dma_start3A_110 = arith.constant 0 : i32
        %dma_start3A_111 = tpu.memref_slice %arg19[%dma_start3A_110] : memref<10240xf32, #tpu.memory_space<vmem_shared>> -> memref<10240xf32, #tpu.memory_space<vmem_shared>>
        tpu.enqueue_indirect_dma source(%dma_start3A_106 : memref<128xf32, #tpu.memory_space<vmem>>) target(%dma_start3A_111 : memref<10240xf32, #tpu.memory_space<vmem_shared>>) offsets(%dma_start3A_109 : memref<128xi32, #tpu.memory_space<vmem>>) semaphore(%run_scoped3A : memref<!tpu.dma_semaphore, #tpu.memory_space<semaphore_mem>>) {add = true}
        %dma_wait3A_112 = arith.constant 0 : i32
        %dma_wait3A_113 = tpu.memref_slice %arg13[%mul3A_48, %dma_wait3A_112] : memref<162x128xf32, #tpu.memory_space<vmem>> -> memref<1x128xf32, #tpu.memory_space<vmem>>
        %dma_wait3A_114 = tpu.memref_squeeze %dma_wait3A_113 : memref<1x128xf32, #tpu.memory_space<vmem>> -> memref<128xf32, #tpu.memory_space<vmem>>
        %dma_wait3A_115 = arith.constant 0 : i32
        %dma_wait3A_116 = tpu.memref_slice %arg12[%mul3A_48, %dma_wait3A_115] : memref<162x128xi32, #tpu.memory_space<vmem>> -> memref<1x128xi32, #tpu.memory_space<vmem>>
        %dma_wait3A_117 = tpu.memref_squeeze %dma_wait3A_116 : memref<1x128xi32, #tpu.memory_space<vmem>> -> memref<128xi32, #tpu.memory_space<vmem>>
        %dma_wait3A_118 = arith.constant 0 : i32
        %dma_wait3A_119 = tpu.memref_slice %arg19[%dma_wait3A_118] : memref<10240xf32, #tpu.memory_space<vmem_shared>> -> memref<10240xf32, #tpu.memory_space<vmem_shared>>
        tpu.wait_indirect_dma semaphore(%run_scoped3A : memref<!tpu.dma_semaphore, #tpu.memory_space<semaphore_mem>>) src(%dma_wait3A_114 : memref<128xf32, #tpu.memory_space<vmem>>) dst(%dma_wait3A_119 : memref<10240xf32, #tpu.memory_space<vmem_shared>>)
        tpu.yield
      }) : () -> ()
      %add3A_76 = arith.constant 2 : i32
      %add3A_77 = arith.addi %mul3A_48, %add3A_76 : i32
      %lt3A = arith.constant 162 : i32
      %lt3A_78 = arith.cmpi slt, %add3A_77, %lt3A : i32
      %convert_element_type3A = arith.extui %lt3A_78 : i1 to i32
      %cond3A = arith.constant 0 : i32
      %cond3A_79 = arith.cmpi ne, %convert_element_type3A, %cond3A : i32
      scf.if %cond3A_79 {
        %add3A_104 = arith.constant 2 : i32
        %add3A_105 = arith.addi %mul3A_48, %add3A_104 : i32
        %dma_start3A_106 = arith.constant 0 : i32
        %dma_start3A_107 = tpu.memref_slice %arg11[%add3A_105, %dma_start3A_106] : memref<162x128xi32, #tpu.memory_space<vmem>> -> memref<1x128xi32, #tpu.memory_space<vmem>>
        %dma_start3A_108 = tpu.memref_squeeze %dma_start3A_107 : memref<1x128xi32, #tpu.memory_space<vmem>> -> memref<128xi32, #tpu.memory_space<vmem>>
        %dma_start3A_109 = arith.constant 0 : i32
        %dma_start3A_110 = arith.constant 0 : i32
        %dma_start3A_111 = tpu.memref_slice %arg2[%arg0, %dma_start3A_109, %dma_start3A_110] : memref<2x10000x64xbf16, #tpu.memory_space<hbm>> -> memref<1x10000x64xbf16, #tpu.memory_space<hbm>>
        %dma_start3A_112 = tpu.memref_squeeze %dma_start3A_111 : memref<1x10000x64xbf16, #tpu.memory_space<hbm>> -> memref<10000x64xbf16, #tpu.memory_space<hbm>>
        %dma_start3A_113 = arith.constant 0 : i32
        %dma_start3A_114 = arith.constant 0 : i32
        %dma_start3A_115 = tpu.memref_slice %dma_start3A_112[%dma_start3A_113, %dma_start3A_114] : memref<10000x64xbf16, #tpu.memory_space<hbm>> -> memref<10000x64xbf16, #tpu.memory_space<hbm>>
        tpu.enqueue_indirect_dma source(%dma_start3A_115 : memref<10000x64xbf16, #tpu.memory_space<hbm>>) target(%arg14 : memref<128x64xbf16, #tpu.memory_space<vmem>>) offsets(%dma_start3A_108 : memref<128xi32, #tpu.memory_space<vmem>>) semaphore(%arg20 : memref<!tpu.dma_semaphore, #tpu.memory_space<semaphore_mem>>)
      } else {
      }
      %add3A_80 = arith.constant 1 : i32
      %add3A_81 = arith.addi %mul3A_48, %add3A_80 : i32
      %dma_wait3A_82 = arith.constant 0 : i32
      %dma_wait3A_83 = tpu.memref_slice %arg11[%add3A_81, %dma_wait3A_82] : memref<162x128xi32, #tpu.memory_space<vmem>> -> memref<1x128xi32, #tpu.memory_space<vmem>>
      %dma_wait3A_84 = tpu.memref_squeeze %dma_wait3A_83 : memref<1x128xi32, #tpu.memory_space<vmem>> -> memref<128xi32, #tpu.memory_space<vmem>>
      %dma_wait3A_85 = arith.constant 0 : i32
      %dma_wait3A_86 = arith.constant 0 : i32
      %dma_wait3A_87 = tpu.memref_slice %arg2[%arg0, %dma_wait3A_85, %dma_wait3A_86] : memref<2x10000x64xbf16, #tpu.memory_space<hbm>> -> memref<1x10000x64xbf16, #tpu.memory_space<hbm>>
      %dma_wait3A_88 = tpu.memref_squeeze %dma_wait3A_87 : memref<1x10000x64xbf16, #tpu.memory_space<hbm>> -> memref<10000x64xbf16, #tpu.memory_space<hbm>>
      %dma_wait3A_89 = arith.constant 0 : i32
      %dma_wait3A_90 = arith.constant 0 : i32
      %dma_wait3A_91 = tpu.memref_slice %dma_wait3A_88[%dma_wait3A_89, %dma_wait3A_90] : memref<10000x64xbf16, #tpu.memory_space<hbm>> -> memref<10000x64xbf16, #tpu.memory_space<hbm>>
      tpu.wait_indirect_dma semaphore(%arg21 : memref<!tpu.dma_semaphore, #tpu.memory_space<semaphore_mem>>) src(%dma_wait3A_91 : memref<10000x64xbf16, #tpu.memory_space<hbm>>) dst(%arg15 : memref<128x64xbf16, #tpu.memory_space<vmem>>)
      %add3A_92 = arith.constant 1 : i32
      %add3A_93 = arith.addi %mul3A_48, %add3A_92 : i32
      %scan3A_94 = arith.constant 0 : i32
      %scan3A_95 = arith.constant 0 : i32
      %scan3A_96 = arith.constant 8 : i32
      %scan3A_97 = arith.addi %scan3A_95, %scan3A_96 : i32
      %scan3A_98 = arith.constant 1 : i32
      scf.for %scan3A_104 = %scan3A_95 to %scan3A_97 step %scan3A_98  : i32 {
        %mul3A_105 = arith.constant 16 : i32
        %mul3A_106 = arith.muli %scan3A_104, %mul3A_105 : i32
        %get3A = arith.index_cast %add3A_93 : i32 to index
        %get3A_107 = arith.index_cast %mul3A_106 : i32 to index
        %get3A_108 = tpu.vector_load %arg13[%get3A, %get3A_107] {strides = array<i32>} : memref<162x128xf32, #tpu.memory_space<vmem>>, vector<16xf32>,
        %slice3A = vector.extract_strided_slice %get3A_108 {offsets = [0], sizes = [1], strides = [1]} : vector<16xf32> to vector<1xf32>
        %squeeze3A = vector.extract %slice3A[0] : f32 from vector<1xf32>
        %broadcast_in_dim3A = vector.broadcast %squeeze3A : f32 to vector<16xf32>
        %pack3A = tpu.pack_subelements %broadcast_in_dim3A, %broadcast_in_dim3A {pack_format = #tpu.pack_format<interleaved>, positions = array<i32: 0, 1>} : vector<16xf32>, vector<16xf32> -> vector<32xbf16>
        %mul3A_109 = arith.constant 16 : i32
        %mul3A_110 = arith.muli %scan3A_104, %mul3A_109 : i32
        %add3A_111 = arith.constant 0 : i32
        %add3A_112 = arith.addi %mul3A_110, %add3A_111 : i32
        %get3A_113 = arith.index_cast %add3A_112 : i32 to index
        %get3A_114 = arith.constant 0 : index
        %get3A_115 = tpu.vector_load %arg15[%get3A_113, %get3A_114] {strides = array<i32>} : memref<128x64xbf16, #tpu.memory_space<vmem>>, vector<32xbf16>,
        %mul3A_116 = arith.mulf %get3A_115, %pack3A : vector<32xbf16>
        %swap3A = arith.index_cast %add3A_112 : i32 to index
        %swap3A_117 = arith.constant 0 : index
        %swap3A_118 = tpu.vector_load %arg15[%swap3A, %swap3A_117] {strides = array<i32>} : memref<128x64xbf16, #tpu.memory_space<vmem>>, vector<32xbf16>,
        tpu.vector_store %arg15[%swap3A, %swap3A_117], %mul3A_116 {strides = array<i32>} : memref<128x64xbf16, #tpu.memory_space<vmem>>, vector<32xbf16>,
        %get3A_119 = arith.index_cast %add3A_112 : i32 to index
        %get3A_120 = arith.constant 32 : index
        %get3A_121 = tpu.vector_load %arg15[%get3A_119, %get3A_120] {strides = array<i32>} : memref<128x64xbf16, #tpu.memory_space<vmem>>, vector<32xbf16>,
        %mul3A_122 = arith.mulf %get3A_121, %pack3A : vector<32xbf16>
        %swap3A_123 = arith.index_cast %add3A_112 : i32 to index
        %swap3A_124 = arith.constant 32 : index
        %swap3A_125 = tpu.vector_load %arg15[%swap3A_123, %swap3A_124] {strides = array<i32>} : memref<128x64xbf16, #tpu.memory_space<vmem>>, vector<32xbf16>,
        tpu.vector_store %arg15[%swap3A_123, %swap3A_124], %mul3A_122 {strides = array<i32>} : memref<128x64xbf16, #tpu.memory_space<vmem>>, vector<32xbf16>,
        %slice3A_126 = vector.extract_strided_slice %get3A_108 {offsets = [1], sizes = [1], strides = [1]} : vector<16xf32> to vector<1xf32>
        %squeeze3A_127 = vector.extract %slice3A_126[0] : f32 from vector<1xf32>
        %broadcast_in_dim3A_128 = vector.broadcast %squeeze3A_127 : f32 to vector<16xf32>
        %pack3A_129 = tpu.pack_subelements %broadcast_in_dim3A_128, %broadcast_in_dim3A_128 {pack_format = #tpu.pack_format<interleaved>, positions = array<i32: 0, 1>} : vector<16xf32>, vector<16xf32> -> vector<32xbf16>
        %mul3A_130 = arith.constant 16 : i32
        %mul3A_131 = arith.muli %scan3A_104, %mul3A_130 : i32
        %add3A_132 = arith.constant 1 : i32
        %add3A_133 = arith.addi %mul3A_131, %add3A_132 : i32
        %get3A_134 = arith.index_cast %add3A_133 : i32 to index
        %get3A_135 = arith.constant 0 : index
        %get3A_136 = tpu.vector_load %arg15[%get3A_134, %get3A_135] {strides = array<i32>} : memref<128x64xbf16, #tpu.memory_space<vmem>>, vector<32xbf16>,
        %mul3A_137 = arith.mulf %get3A_136, %pack3A_129 : vector<32xbf16>
        %swap3A_138 = arith.index_cast %add3A_133 : i32 to index
        %swap3A_139 = arith.constant 0 : index
        %swap3A_140 = tpu.vector_load %arg15[%swap3A_138, %swap3A_139] {strides = array<i32>} : memref<128x64xbf16, #tpu.memory_space<vmem>>, vector<32xbf16>,
        tpu.vector_store %arg15[%swap3A_138, %swap3A_139], %mul3A_137 {strides = array<i32>} : memref<128x64xbf16, #tpu.memory_space<vmem>>, vector<32xbf16>,
        %get3A_141 = arith.index_cast %add3A_133 : i32 to index
        %get3A_142 = arith.constant 32 : index
        %get3A_143 = tpu.vector_load %arg15[%get3A_141, %get3A_142] {strides = array<i32>} : memref<128x64xbf16, #tpu.memory_space<vmem>>, vector<32xbf16>,
        %mul3A_144 = arith.mulf %get3A_143, %pack3A_129 : vector<32xbf16>
        %swap3A_145 = arith.index_cast %add3A_133 : i32 to index
        %swap3A_146 = arith.constant 32 : index
        %swap3A_147 = tpu.vector_load %arg15[%swap3A_145, %swap3A_146] {strides = array<i32>} : memref<128x64xbf16, #tpu.memory_space<vmem>>, vector<32xbf16>,
        tpu.vector_store %arg15[%swap3A_145, %swap3A_146], %mul3A_144 {strides = array<i32>} : memref<128x64xbf16, #tpu.memory_space<vmem>>, vector<32xbf16>,
        %slice3A_148 = vector.extract_strided_slice %get3A_108 {offsets = [2], sizes = [1], strides = [1]} : vector<16xf32> to vector<1xf32>
        %squeeze3A_149 = vector.extract %slice3A_148[0] : f32 from vector<1xf32>
        %broadcast_in_dim3A_150 = vector.broadcast %squeeze3A_149 : f32 to vector<16xf32>
        %pack3A_151 = tpu.pack_subelements %broadcast_in_dim3A_150, %broadcast_in_dim3A_150 {pack_format = #tpu.pack_format<interleaved>, positions = array<i32: 0, 1>} : vector<16xf32>, vector<16xf32> -> vector<32xbf16>
        %mul3A_152 = arith.constant 16 : i32
        %mul3A_153 = arith.muli %scan3A_104, %mul3A_152 : i32
        %add3A_154 = arith.constant 2 : i32
        %add3A_155 = arith.addi %mul3A_153, %add3A_154 : i32
        %get3A_156 = arith.index_cast %add3A_155 : i32 to index
        %get3A_157 = arith.constant 0 : index
        %get3A_158 = tpu.vector_load %arg15[%get3A_156, %get3A_157] {strides = array<i32>} : memref<128x64xbf16, #tpu.memory_space<vmem>>, vector<32xbf16>,
        %mul3A_159 = arith.mulf %get3A_158, %pack3A_151 : vector<32xbf16>
        %swap3A_160 = arith.index_cast %add3A_155 : i32 to index
        %swap3A_161 = arith.constant 0 : index
        %swap3A_162 = tpu.vector_load %arg15[%swap3A_160, %swap3A_161] {strides = array<i32>} : memref<128x64xbf16, #tpu.memory_space<vmem>>, vector<32xbf16>,
        tpu.vector_store %arg15[%swap3A_160, %swap3A_161], %mul3A_159 {strides = array<i32>} : memref<128x64xbf16, #tpu.memory_space<vmem>>, vector<32xbf16>,
        %get3A_163 = arith.index_cast %add3A_155 : i32 to index
        %get3A_164 = arith.constant 32 : index
        %get3A_165 = tpu.vector_load %arg15[%get3A_163, %get3A_164] {strides = array<i32>} : memref<128x64xbf16, #tpu.memory_space<vmem>>, vector<32xbf16>,
        %mul3A_166 = arith.mulf %get3A_165, %pack3A_151 : vector<32xbf16>
        %swap3A_167 = arith.index_cast %add3A_155 : i32 to index
        %swap3A_168 = arith.constant 32 : index
        %swap3A_169 = tpu.vector_load %arg15[%swap3A_167, %swap3A_168] {strides = array<i32>} : memref<128x64xbf16, #tpu.memory_space<vmem>>, vector<32xbf16>,
        tpu.vector_store %arg15[%swap3A_167, %swap3A_168], %mul3A_166 {strides = array<i32>} : memref<128x64xbf16, #tpu.memory_space<vmem>>, vector<32xbf16>,
        %slice3A_170 = vector.extract_strided_slice %get3A_108 {offsets = [3], sizes = [1], strides = [1]} : vector<16xf32> to vector<1xf32>
        %squeeze3A_171 = vector.extract %slice3A_170[0] : f32 from vector<1xf32>
        %broadcast_in_dim3A_172 = vector.broadcast %squeeze3A_171 : f32 to vector<16xf32>
        %pack3A_173 = tpu.pack_subelements %broadcast_in_dim3A_172, %broadcast_in_dim3A_172 {pack_format = #tpu.pack_format<interleaved>, positions = array<i32: 0, 1>} : vector<16xf32>, vector<16xf32> -> vector<32xbf16>
        %mul3A_174 = arith.constant 16 : i32
        %mul3A_175 = arith.muli %scan3A_104, %mul3A_174 : i32
        %add3A_176 = arith.constant 3 : i32
        %add3A_177 = arith.addi %mul3A_175, %add3A_176 : i32
        %get3A_178 = arith.index_cast %add3A_177 : i32 to index
        %get3A_179 = arith.constant 0 : index
        %get3A_180 = tpu.vector_load %arg15[%get3A_178, %get3A_179] {strides = array<i32>} : memref<128x64xbf16, #tpu.memory_space<vmem>>, vector<32xbf16>,
        %mul3A_181 = arith.mulf %get3A_180, %pack3A_173 : vector<32xbf16>
        %swap3A_182 = arith.index_cast %add3A_177 : i32 to index
        %swap3A_183 = arith.constant 0 : index
        %swap3A_184 = tpu.vector_load %arg15[%swap3A_182, %swap3A_183] {strides = array<i32>} : memref<128x64xbf16, #tpu.memory_space<vmem>>, vector<32xbf16>,
        tpu.vector_store %arg15[%swap3A_182, %swap3A_183], %mul3A_181 {strides = array<i32>} : memref<128x64xbf16, #tpu.memory_space<vmem>>, vector<32xbf16>,
        %get3A_185 = arith.index_cast %add3A_177 : i32 to index
        %get3A_186 = arith.constant 32 : index
        %get3A_187 = tpu.vector_load %arg15[%get3A_185, %get3A_186] {strides = array<i32>} : memref<128x64xbf16, #tpu.memory_space<vmem>>, vector<32xbf16>,
        %mul3A_188 = arith.mulf %get3A_187, %pack3A_173 : vector<32xbf16>
        %swap3A_189 = arith.index_cast %add3A_177 : i32 to index
        %swap3A_190 = arith.constant 32 : index
        %swap3A_191 = tpu.vector_load %arg15[%swap3A_189, %swap3A_190] {strides = array<i32>} : memref<128x64xbf16, #tpu.memory_space<vmem>>, vector<32xbf16>,
        tpu.vector_store %arg15[%swap3A_189, %swap3A_190], %mul3A_188 {strides = array<i32>} : memref<128x64xbf16, #tpu.memory_space<vmem>>, vector<32xbf16>,
        %slice3A_192 = vector.extract_strided_slice %get3A_108 {offsets = [4], sizes = [1], strides = [1]} : vector<16xf32> to vector<1xf32>
        %squeeze3A_193 = vector.extract %slice3A_192[0] : f32 from vector<1xf32>
        %broadcast_in_dim3A_194 = vector.broadcast %squeeze3A_193 : f32 to vector<16xf32>
        %pack3A_195 = tpu.pack_subelements %broadcast_in_dim3A_194, %broadcast_in_dim3A_194 {pack_format = #tpu.pack_format<interleaved>, positions = array<i32: 0, 1>} : vector<16xf32>, vector<16xf32> -> vector<32xbf16>
        %mul3A_196 = arith.constant 16 : i32
        %mul3A_197 = arith.muli %scan3A_104, %mul3A_196 : i32
        %add3A_198 = arith.constant 4 : i32
        %add3A_199 = arith.addi %mul3A_197, %add3A_198 : i32
        %get3A_200 = arith.index_cast %add3A_199 : i32 to index
        %get3A_201 = arith.constant 0 : index
        %get3A_202 = tpu.vector_load %arg15[%get3A_200, %get3A_201] {strides = array<i32>} : memref<128x64xbf16, #tpu.memory_space<vmem>>, vector<32xbf16>,
        %mul3A_203 = arith.mulf %get3A_202, %pack3A_195 : vector<32xbf16>
        %swap3A_204 = arith.index_cast %add3A_199 : i32 to index
        %swap3A_205 = arith.constant 0 : index
        %swap3A_206 = tpu.vector_load %arg15[%swap3A_204, %swap3A_205] {strides = array<i32>} : memref<128x64xbf16, #tpu.memory_space<vmem>>, vector<32xbf16>,
        tpu.vector_store %arg15[%swap3A_204, %swap3A_205], %mul3A_203 {strides = array<i32>} : memref<128x64xbf16, #tpu.memory_space<vmem>>, vector<32xbf16>,
        %get3A_207 = arith.index_cast %add3A_199 : i32 to index
        %get3A_208 = arith.constant 32 : index
        %get3A_209 = tpu.vector_load %arg15[%get3A_207, %get3A_208] {strides = array<i32>} : memref<128x64xbf16, #tpu.memory_space<vmem>>, vector<32xbf16>,
        %mul3A_210 = arith.mulf %get3A_209, %pack3A_195 : vector<32xbf16>
        %swap3A_211 = arith.index_cast %add3A_199 : i32 to index
        %swap3A_212 = arith.constant 32 : index
        %swap3A_213 = tpu.vector_load %arg15[%swap3A_211, %swap3A_212] {strides = array<i32>} : memref<128x64xbf16, #tpu.memory_space<vmem>>, vector<32xbf16>,
        tpu.vector_store %arg15[%swap3A_211, %swap3A_212], %mul3A_210 {strides = array<i32>} : memref<128x64xbf16, #tpu.memory_space<vmem>>, vector<32xbf16>,
        %slice3A_214 = vector.extract_strided_slice %get3A_108 {offsets = [5], sizes = [1], strides = [1]} : vector<16xf32> to vector<1xf32>
        %squeeze3A_215 = vector.extract %slice3A_214[0] : f32 from vector<1xf32>
        %broadcast_in_dim3A_216 = vector.broadcast %squeeze3A_215 : f32 to vector<16xf32>
        %pack3A_217 = tpu.pack_subelements %broadcast_in_dim3A_216, %broadcast_in_dim3A_216 {pack_format = #tpu.pack_format<interleaved>, positions = array<i32: 0, 1>} : vector<16xf32>, vector<16xf32> -> vector<32xbf16>
        %mul3A_218 = arith.constant 16 : i32
        %mul3A_219 = arith.muli %scan3A_104, %mul3A_218 : i32
        %add3A_220 = arith.constant 5 : i32
        %add3A_221 = arith.addi %mul3A_219, %add3A_220 : i32
        %get3A_222 = arith.index_cast %add3A_221 : i32 to index
        %get3A_223 = arith.constant 0 : index
        %get3A_224 = tpu.vector_load %arg15[%get3A_222, %get3A_223] {strides = array<i32>} : memref<128x64xbf16, #tpu.memory_space<vmem>>, vector<32xbf16>,
        %mul3A_225 = arith.mulf %get3A_224, %pack3A_217 : vector<32xbf16>
        %swap3A_226 = arith.index_cast %add3A_221 : i32 to index
        %swap3A_227 = arith.constant 0 : index
        %swap3A_228 = tpu.vector_load %arg15[%swap3A_226, %swap3A_227] {strides = array<i32>} : memref<128x64xbf16, #tpu.memory_space<vmem>>, vector<32xbf16>,
        tpu.vector_store %arg15[%swap3A_226, %swap3A_227], %mul3A_225 {strides = array<i32>} : memref<128x64xbf16, #tpu.memory_space<vmem>>, vector<32xbf16>,
        %get3A_229 = arith.index_cast %add3A_221 : i32 to index
        %get3A_230 = arith.constant 32 : index
        %get3A_231 = tpu.vector_load %arg15[%get3A_229, %get3A_230] {strides = array<i32>} : memref<128x64xbf16, #tpu.memory_space<vmem>>, vector<32xbf16>,
        %mul3A_232 = arith.mulf %get3A_231, %pack3A_217 : vector<32xbf16>
        %swap3A_233 = arith.index_cast %add3A_221 : i32 to index
        %swap3A_234 = arith.constant 32 : index
        %swap3A_235 = tpu.vector_load %arg15[%swap3A_233, %swap3A_234] {strides = array<i32>} : memref<128x64xbf16, #tpu.memory_space<vmem>>, vector<32xbf16>,
        tpu.vector_store %arg15[%swap3A_233, %swap3A_234], %mul3A_232 {strides = array<i32>} : memref<128x64xbf16, #tpu.memory_space<vmem>>, vector<32xbf16>,
        %slice3A_236 = vector.extract_strided_slice %get3A_108 {offsets = [6], sizes = [1], strides = [1]} : vector<16xf32> to vector<1xf32>
        %squeeze3A_237 = vector.extract %slice3A_236[0] : f32 from vector<1xf32>
        %broadcast_in_dim3A_238 = vector.broadcast %squeeze3A_237 : f32 to vector<16xf32>
        %pack3A_239 = tpu.pack_subelements %broadcast_in_dim3A_238, %broadcast_in_dim3A_238 {pack_format = #tpu.pack_format<interleaved>, positions = array<i32: 0, 1>} : vector<16xf32>, vector<16xf32> -> vector<32xbf16>
        %mul3A_240 = arith.constant 16 : i32
        %mul3A_241 = arith.muli %scan3A_104, %mul3A_240 : i32
        %add3A_242 = arith.constant 6 : i32
        %add3A_243 = arith.addi %mul3A_241, %add3A_242 : i32
        %get3A_244 = arith.index_cast %add3A_243 : i32 to index
        %get3A_245 = arith.constant 0 : index
        %get3A_246 = tpu.vector_load %arg15[%get3A_244, %get3A_245] {strides = array<i32>} : memref<128x64xbf16, #tpu.memory_space<vmem>>, vector<32xbf16>,
        %mul3A_247 = arith.mulf %get3A_246, %pack3A_239 : vector<32xbf16>
        %swap3A_248 = arith.index_cast %add3A_243 : i32 to index
        %swap3A_249 = arith.constant 0 : index
        %swap3A_250 = tpu.vector_load %arg15[%swap3A_248, %swap3A_249] {strides = array<i32>} : memref<128x64xbf16, #tpu.memory_space<vmem>>, vector<32xbf16>,
        tpu.vector_store %arg15[%swap3A_248, %swap3A_249], %mul3A_247 {strides = array<i32>} : memref<128x64xbf16, #tpu.memory_space<vmem>>, vector<32xbf16>,
        %get3A_251 = arith.index_cast %add3A_243 : i32 to index
        %get3A_252 = arith.constant 32 : index
        %get3A_253 = tpu.vector_load %arg15[%get3A_251, %get3A_252] {strides = array<i32>} : memref<128x64xbf16, #tpu.memory_space<vmem>>, vector<32xbf16>,
        %mul3A_254 = arith.mulf %get3A_253, %pack3A_239 : vector<32xbf16>
        %swap3A_255 = arith.index_cast %add3A_243 : i32 to index
        %swap3A_256 = arith.constant 32 : index
        %swap3A_257 = tpu.vector_load %arg15[%swap3A_255, %swap3A_256] {strides = array<i32>} : memref<128x64xbf16, #tpu.memory_space<vmem>>, vector<32xbf16>,
        tpu.vector_store %arg15[%swap3A_255, %swap3A_256], %mul3A_254 {strides = array<i32>} : memref<128x64xbf16, #tpu.memory_space<vmem>>, vector<32xbf16>,
        %slice3A_258 = vector.extract_strided_slice %get3A_108 {offsets = [7], sizes = [1], strides = [1]} : vector<16xf32> to vector<1xf32>
        %squeeze3A_259 = vector.extract %slice3A_258[0] : f32 from vector<1xf32>
        %broadcast_in_dim3A_260 = vector.broadcast %squeeze3A_259 : f32 to vector<16xf32>
        %pack3A_261 = tpu.pack_subelements %broadcast_in_dim3A_260, %broadcast_in_dim3A_260 {pack_format = #tpu.pack_format<interleaved>, positions = array<i32: 0, 1>} : vector<16xf32>, vector<16xf32> -> vector<32xbf16>
        %mul3A_262 = arith.constant 16 : i32
        %mul3A_263 = arith.muli %scan3A_104, %mul3A_262 : i32
        %add3A_264 = arith.constant 7 : i32
        %add3A_265 = arith.addi %mul3A_263, %add3A_264 : i32
        %get3A_266 = arith.index_cast %add3A_265 : i32 to index
        %get3A_267 = arith.constant 0 : index
        %get3A_268 = tpu.vector_load %arg15[%get3A_266, %get3A_267] {strides = array<i32>} : memref<128x64xbf16, #tpu.memory_space<vmem>>, vector<32xbf16>,
        %mul3A_269 = arith.mulf %get3A_268, %pack3A_261 : vector<32xbf16>
        %swap3A_270 = arith.index_cast %add3A_265 : i32 to index
        %swap3A_271 = arith.constant 0 : index
        %swap3A_272 = tpu.vector_load %arg15[%swap3A_270, %swap3A_271] {strides = array<i32>} : memref<128x64xbf16, #tpu.memory_space<vmem>>, vector<32xbf16>,
        tpu.vector_store %arg15[%swap3A_270, %swap3A_271], %mul3A_269 {strides = array<i32>} : memref<128x64xbf16, #tpu.memory_space<vmem>>, vector<32xbf16>,
        %get3A_273 = arith.index_cast %add3A_265 : i32 to index
        %get3A_274 = arith.constant 32 : index
        %get3A_275 = tpu.vector_load %arg15[%get3A_273, %get3A_274] {strides = array<i32>} : memref<128x64xbf16, #tpu.memory_space<vmem>>, vector<32xbf16>,
        %mul3A_276 = arith.mulf %get3A_275, %pack3A_261 : vector<32xbf16>
        %swap3A_277 = arith.index_cast %add3A_265 : i32 to index
        %swap3A_278 = arith.constant 32 : index
        %swap3A_279 = tpu.vector_load %arg15[%swap3A_277, %swap3A_278] {strides = array<i32>} : memref<128x64xbf16, #tpu.memory_space<vmem>>, vector<32xbf16>,
        tpu.vector_store %arg15[%swap3A_277, %swap3A_278], %mul3A_276 {strides = array<i32>} : memref<128x64xbf16, #tpu.memory_space<vmem>>, vector<32xbf16>,
        %slice3A_280 = vector.extract_strided_slice %get3A_108 {offsets = [8], sizes = [1], strides = [1]} : vector<16xf32> to vector<1xf32>
        %squeeze3A_281 = vector.extract %slice3A_280[0] : f32 from vector<1xf32>
        %broadcast_in_dim3A_282 = vector.broadcast %squeeze3A_281 : f32 to vector<16xf32>
        %pack3A_283 = tpu.pack_subelements %broadcast_in_dim3A_282, %broadcast_in_dim3A_282 {pack_format = #tpu.pack_format<interleaved>, positions = array<i32: 0, 1>} : vector<16xf32>, vector<16xf32> -> vector<32xbf16>
        %mul3A_284 = arith.constant 16 : i32
        %mul3A_285 = arith.muli %scan3A_104, %mul3A_284 : i32
        %add3A_286 = arith.constant 8 : i32
        %add3A_287 = arith.addi %mul3A_285, %add3A_286 : i32
        %get3A_288 = arith.index_cast %add3A_287 : i32 to index
        %get3A_289 = arith.constant 0 : index
        %get3A_290 = tpu.vector_load %arg15[%get3A_288, %get3A_289] {strides = array<i32>} : memref<128x64xbf16, #tpu.memory_space<vmem>>, vector<32xbf16>,
        %mul3A_291 = arith.mulf %get3A_290, %pack3A_283 : vector<32xbf16>
        %swap3A_292 = arith.index_cast %add3A_287 : i32 to index
        %swap3A_293 = arith.constant 0 : index
        %swap3A_294 = tpu.vector_load %arg15[%swap3A_292, %swap3A_293] {strides = array<i32>} : memref<128x64xbf16, #tpu.memory_space<vmem>>, vector<32xbf16>,
        tpu.vector_store %arg15[%swap3A_292, %swap3A_293], %mul3A_291 {strides = array<i32>} : memref<128x64xbf16, #tpu.memory_space<vmem>>, vector<32xbf16>,
        %get3A_295 = arith.index_cast %add3A_287 : i32 to index
        %get3A_296 = arith.constant 32 : index
        %get3A_297 = tpu.vector_load %arg15[%get3A_295, %get3A_296] {strides = array<i32>} : memref<128x64xbf16, #tpu.memory_space<vmem>>, vector<32xbf16>,
        %mul3A_298 = arith.mulf %get3A_297, %pack3A_283 : vector<32xbf16>
        %swap3A_299 = arith.index_cast %add3A_287 : i32 to index
        %swap3A_300 = arith.constant 32 : index
        %swap3A_301 = tpu.vector_load %arg15[%swap3A_299, %swap3A_300] {strides = array<i32>} : memref<128x64xbf16, #tpu.memory_space<vmem>>, vector<32xbf16>,
        tpu.vector_store %arg15[%swap3A_299, %swap3A_300], %mul3A_298 {strides = array<i32>} : memref<128x64xbf16, #tpu.memory_space<vmem>>, vector<32xbf16>,
        %slice3A_302 = vector.extract_strided_slice %get3A_108 {offsets = [9], sizes = [1], strides = [1]} : vector<16xf32> to vector<1xf32>
        %squeeze3A_303 = vector.extract %slice3A_302[0] : f32 from vector<1xf32>
        %broadcast_in_dim3A_304 = vector.broadcast %squeeze3A_303 : f32 to vector<16xf32>
        %pack3A_305 = tpu.pack_subelements %broadcast_in_dim3A_304, %broadcast_in_dim3A_304 {pack_format = #tpu.pack_format<interleaved>, positions = array<i32: 0, 1>} : vector<16xf32>, vector<16xf32> -> vector<32xbf16>
        %mul3A_306 = arith.constant 16 : i32
        %mul3A_307 = arith.muli %scan3A_104, %mul3A_306 : i32
        %add3A_308 = arith.constant 9 : i32
        %add3A_309 = arith.addi %mul3A_307, %add3A_308 : i32
        %get3A_310 = arith.index_cast %add3A_309 : i32 to index
        %get3A_311 = arith.constant 0 : index
        %get3A_312 = tpu.vector_load %arg15[%get3A_310, %get3A_311] {strides = array<i32>} : memref<128x64xbf16, #tpu.memory_space<vmem>>, vector<32xbf16>,
        %mul3A_313 = arith.mulf %get3A_312, %pack3A_305 : vector<32xbf16>
        %swap3A_314 = arith.index_cast %add3A_309 : i32 to index
        %swap3A_315 = arith.constant 0 : index
        %swap3A_316 = tpu.vector_load %arg15[%swap3A_314, %swap3A_315] {strides = array<i32>} : memref<128x64xbf16, #tpu.memory_space<vmem>>, vector<32xbf16>,
        tpu.vector_store %arg15[%swap3A_314, %swap3A_315], %mul3A_313 {strides = array<i32>} : memref<128x64xbf16, #tpu.memory_space<vmem>>, vector<32xbf16>,
        %get3A_317 = arith.index_cast %add3A_309 : i32 to index
        %get3A_318 = arith.constant 32 : index
        %get3A_319 = tpu.vector_load %arg15[%get3A_317, %get3A_318] {strides = array<i32>} : memref<128x64xbf16, #tpu.memory_space<vmem>>, vector<32xbf16>,
        %mul3A_320 = arith.mulf %get3A_319, %pack3A_305 : vector<32xbf16>
        %swap3A_321 = arith.index_cast %add3A_309 : i32 to index
        %swap3A_322 = arith.constant 32 : index
        %swap3A_323 = tpu.vector_load %arg15[%swap3A_321, %swap3A_322] {strides = array<i32>} : memref<128x64xbf16, #tpu.memory_space<vmem>>, vector<32xbf16>,
        tpu.vector_store %arg15[%swap3A_321, %swap3A_322], %mul3A_320 {strides = array<i32>} : memref<128x64xbf16, #tpu.memory_space<vmem>>, vector<32xbf16>,
        %slice3A_324 = vector.extract_strided_slice %get3A_108 {offsets = [10], sizes = [1], strides = [1]} : vector<16xf32> to vector<1xf32>
        %squeeze3A_325 = vector.extract %slice3A_324[0] : f32 from vector<1xf32>
        %broadcast_in_dim3A_326 = vector.broadcast %squeeze3A_325 : f32 to vector<16xf32>
        %pack3A_327 = tpu.pack_subelements %broadcast_in_dim3A_326, %broadcast_in_dim3A_326 {pack_format = #tpu.pack_format<interleaved>, positions = array<i32: 0, 1>} : vector<16xf32>, vector<16xf32> -> vector<32xbf16>
        %mul3A_328 = arith.constant 16 : i32
        %mul3A_329 = arith.muli %scan3A_104, %mul3A_328 : i32
        %add3A_330 = arith.constant 10 : i32
        %add3A_331 = arith.addi %mul3A_329, %add3A_330 : i32
        %get3A_332 = arith.index_cast %add3A_331 : i32 to index
        %get3A_333 = arith.constant 0 : index
        %get3A_334 = tpu.vector_load %arg15[%get3A_332, %get3A_333] {strides = array<i32>} : memref<128x64xbf16, #tpu.memory_space<vmem>>, vector<32xbf16>,
        %mul3A_335 = arith.mulf %get3A_334, %pack3A_327 : vector<32xbf16>
        %swap3A_336 = arith.index_cast %add3A_331 : i32 to index
        %swap3A_337 = arith.constant 0 : index
        %swap3A_338 = tpu.vector_load %arg15[%swap3A_336, %swap3A_337] {strides = array<i32>} : memref<128x64xbf16, #tpu.memory_space<vmem>>, vector<32xbf16>,
        tpu.vector_store %arg15[%swap3A_336, %swap3A_337], %mul3A_335 {strides = array<i32>} : memref<128x64xbf16, #tpu.memory_space<vmem>>, vector<32xbf16>,
        %get3A_339 = arith.index_cast %add3A_331 : i32 to index
        %get3A_340 = arith.constant 32 : index
        %get3A_341 = tpu.vector_load %arg15[%get3A_339, %get3A_340] {strides = array<i32>} : memref<128x64xbf16, #tpu.memory_space<vmem>>, vector<32xbf16>,
        %mul3A_342 = arith.mulf %get3A_341, %pack3A_327 : vector<32xbf16>
        %swap3A_343 = arith.index_cast %add3A_331 : i32 to index
        %swap3A_344 = arith.constant 32 : index
        %swap3A_345 = tpu.vector_load %arg15[%swap3A_343, %swap3A_344] {strides = array<i32>} : memref<128x64xbf16, #tpu.memory_space<vmem>>, vector<32xbf16>,
        tpu.vector_store %arg15[%swap3A_343, %swap3A_344], %mul3A_342 {strides = array<i32>} : memref<128x64xbf16, #tpu.memory_space<vmem>>, vector<32xbf16>,
        %slice3A_346 = vector.extract_strided_slice %get3A_108 {offsets = [11], sizes = [1], strides = [1]} : vector<16xf32> to vector<1xf32>
        %squeeze3A_347 = vector.extract %slice3A_346[0] : f32 from vector<1xf32>
        %broadcast_in_dim3A_348 = vector.broadcast %squeeze3A_347 : f32 to vector<16xf32>
        %pack3A_349 = tpu.pack_subelements %broadcast_in_dim3A_348, %broadcast_in_dim3A_348 {pack_format = #tpu.pack_format<interleaved>, positions = array<i32: 0, 1>} : vector<16xf32>, vector<16xf32> -> vector<32xbf16>
        %mul3A_350 = arith.constant 16 : i32
        %mul3A_351 = arith.muli %scan3A_104, %mul3A_350 : i32
        %add3A_352 = arith.constant 11 : i32
        %add3A_353 = arith.addi %mul3A_351, %add3A_352 : i32
        %get3A_354 = arith.index_cast %add3A_353 : i32 to index
        %get3A_355 = arith.constant 0 : index
        %get3A_356 = tpu.vector_load %arg15[%get3A_354, %get3A_355] {strides = array<i32>} : memref<128x64xbf16, #tpu.memory_space<vmem>>, vector<32xbf16>,
        %mul3A_357 = arith.mulf %get3A_356, %pack3A_349 : vector<32xbf16>
        %swap3A_358 = arith.index_cast %add3A_353 : i32 to index
        %swap3A_359 = arith.constant 0 : index
        %swap3A_360 = tpu.vector_load %arg15[%swap3A_358, %swap3A_359] {strides = array<i32>} : memref<128x64xbf16, #tpu.memory_space<vmem>>, vector<32xbf16>,
        tpu.vector_store %arg15[%swap3A_358, %swap3A_359], %mul3A_357 {strides = array<i32>} : memref<128x64xbf16, #tpu.memory_space<vmem>>, vector<32xbf16>,
        %get3A_361 = arith.index_cast %add3A_353 : i32 to index
        %get3A_362 = arith.constant 32 : index
        %get3A_363 = tpu.vector_load %arg15[%get3A_361, %get3A_362] {strides = array<i32>} : memref<128x64xbf16, #tpu.memory_space<vmem>>, vector<32xbf16>,
        %mul3A_364 = arith.mulf %get3A_363, %pack3A_349 : vector<32xbf16>
        %swap3A_365 = arith.index_cast %add3A_353 : i32 to index
        %swap3A_366 = arith.constant 32 : index
        %swap3A_367 = tpu.vector_load %arg15[%swap3A_365, %swap3A_366] {strides = array<i32>} : memref<128x64xbf16, #tpu.memory_space<vmem>>, vector<32xbf16>,
        tpu.vector_store %arg15[%swap3A_365, %swap3A_366], %mul3A_364 {strides = array<i32>} : memref<128x64xbf16, #tpu.memory_space<vmem>>, vector<32xbf16>,
        %slice3A_368 = vector.extract_strided_slice %get3A_108 {offsets = [12], sizes = [1], strides = [1]} : vector<16xf32> to vector<1xf32>
        %squeeze3A_369 = vector.extract %slice3A_368[0] : f32 from vector<1xf32>
        %broadcast_in_dim3A_370 = vector.broadcast %squeeze3A_369 : f32 to vector<16xf32>
        %pack3A_371 = tpu.pack_subelements %broadcast_in_dim3A_370, %broadcast_in_dim3A_370 {pack_format = #tpu.pack_format<interleaved>, positions = array<i32: 0, 1>} : vector<16xf32>, vector<16xf32> -> vector<32xbf16>
        %mul3A_372 = arith.constant 16 : i32
        %mul3A_373 = arith.muli %scan3A_104, %mul3A_372 : i32
        %add3A_374 = arith.constant 12 : i32
        %add3A_375 = arith.addi %mul3A_373, %add3A_374 : i32
        %get3A_376 = arith.index_cast %add3A_375 : i32 to index
        %get3A_377 = arith.constant 0 : index
        %get3A_378 = tpu.vector_load %arg15[%get3A_376, %get3A_377] {strides = array<i32>} : memref<128x64xbf16, #tpu.memory_space<vmem>>, vector<32xbf16>,
        %mul3A_379 = arith.mulf %get3A_378, %pack3A_371 : vector<32xbf16>
        %swap3A_380 = arith.index_cast %add3A_375 : i32 to index
        %swap3A_381 = arith.constant 0 : index
        %swap3A_382 = tpu.vector_load %arg15[%swap3A_380, %swap3A_381] {strides = array<i32>} : memref<128x64xbf16, #tpu.memory_space<vmem>>, vector<32xbf16>,
        tpu.vector_store %arg15[%swap3A_380, %swap3A_381], %mul3A_379 {strides = array<i32>} : memref<128x64xbf16, #tpu.memory_space<vmem>>, vector<32xbf16>,
        %get3A_383 = arith.index_cast %add3A_375 : i32 to index
        %get3A_384 = arith.constant 32 : index
        %get3A_385 = tpu.vector_load %arg15[%get3A_383, %get3A_384] {strides = array<i32>} : memref<128x64xbf16, #tpu.memory_space<vmem>>, vector<32xbf16>,
        %mul3A_386 = arith.mulf %get3A_385, %pack3A_371 : vector<32xbf16>
        %swap3A_387 = arith.index_cast %add3A_375 : i32 to index
        %swap3A_388 = arith.constant 32 : index
        %swap3A_389 = tpu.vector_load %arg15[%swap3A_387, %swap3A_388] {strides = array<i32>} : memref<128x64xbf16, #tpu.memory_space<vmem>>, vector<32xbf16>,
        tpu.vector_store %arg15[%swap3A_387, %swap3A_388], %mul3A_386 {strides = array<i32>} : memref<128x64xbf16, #tpu.memory_space<vmem>>, vector<32xbf16>,
        %slice3A_390 = vector.extract_strided_slice %get3A_108 {offsets = [13], sizes = [1], strides = [1]} : vector<16xf32> to vector<1xf32>
        %squeeze3A_391 = vector.extract %slice3A_390[0] : f32 from vector<1xf32>
        %broadcast_in_dim3A_392 = vector.broadcast %squeeze3A_391 : f32 to vector<16xf32>
        %pack3A_393 = tpu.pack_subelements %broadcast_in_dim3A_392, %broadcast_in_dim3A_392 {pack_format = #tpu.pack_format<interleaved>, positions = array<i32: 0, 1>} : vector<16xf32>, vector<16xf32> -> vector<32xbf16>
        %mul3A_394 = arith.constant 16 : i32
        %mul3A_395 = arith.muli %scan3A_104, %mul3A_394 : i32
        %add3A_396 = arith.constant 13 : i32
        %add3A_397 = arith.addi %mul3A_395, %add3A_396 : i32
        %get3A_398 = arith.index_cast %add3A_397 : i32 to index
        %get3A_399 = arith.constant 0 : index
        %get3A_400 = tpu.vector_load %arg15[%get3A_398, %get3A_399] {strides = array<i32>} : memref<128x64xbf16, #tpu.memory_space<vmem>>, vector<32xbf16>,
        %mul3A_401 = arith.mulf %get3A_400, %pack3A_393 : vector<32xbf16>
        %swap3A_402 = arith.index_cast %add3A_397 : i32 to index
        %swap3A_403 = arith.constant 0 : index
        %swap3A_404 = tpu.vector_load %arg15[%swap3A_402, %swap3A_403] {strides = array<i32>} : memref<128x64xbf16, #tpu.memory_space<vmem>>, vector<32xbf16>,
        tpu.vector_store %arg15[%swap3A_402, %swap3A_403], %mul3A_401 {strides = array<i32>} : memref<128x64xbf16, #tpu.memory_space<vmem>>, vector<32xbf16>,
        %get3A_405 = arith.index_cast %add3A_397 : i32 to index
        %get3A_406 = arith.constant 32 : index
        %get3A_407 = tpu.vector_load %arg15[%get3A_405, %get3A_406] {strides = array<i32>} : memref<128x64xbf16, #tpu.memory_space<vmem>>, vector<32xbf16>,
        %mul3A_408 = arith.mulf %get3A_407, %pack3A_393 : vector<32xbf16>
        %swap3A_409 = arith.index_cast %add3A_397 : i32 to index
        %swap3A_410 = arith.constant 32 : index
        %swap3A_411 = tpu.vector_load %arg15[%swap3A_409, %swap3A_410] {strides = array<i32>} : memref<128x64xbf16, #tpu.memory_space<vmem>>, vector<32xbf16>,
        tpu.vector_store %arg15[%swap3A_409, %swap3A_410], %mul3A_408 {strides = array<i32>} : memref<128x64xbf16, #tpu.memory_space<vmem>>, vector<32xbf16>,
        %slice3A_412 = vector.extract_strided_slice %get3A_108 {offsets = [14], sizes = [1], strides = [1]} : vector<16xf32> to vector<1xf32>
        %squeeze3A_413 = vector.extract %slice3A_412[0] : f32 from vector<1xf32>
        %broadcast_in_dim3A_414 = vector.broadcast %squeeze3A_413 : f32 to vector<16xf32>
        %pack3A_415 = tpu.pack_subelements %broadcast_in_dim3A_414, %broadcast_in_dim3A_414 {pack_format = #tpu.pack_format<interleaved>, positions = array<i32: 0, 1>} : vector<16xf32>, vector<16xf32> -> vector<32xbf16>
        %mul3A_416 = arith.constant 16 : i32
        %mul3A_417 = arith.muli %scan3A_104, %mul3A_416 : i32
        %add3A_418 = arith.constant 14 : i32
        %add3A_419 = arith.addi %mul3A_417, %add3A_418 : i32
        %get3A_420 = arith.index_cast %add3A_419 : i32 to index
        %get3A_421 = arith.constant 0 : index
        %get3A_422 = tpu.vector_load %arg15[%get3A_420, %get3A_421] {strides = array<i32>} : memref<128x64xbf16, #tpu.memory_space<vmem>>, vector<32xbf16>,
        %mul3A_423 = arith.mulf %get3A_422, %pack3A_415 : vector<32xbf16>
        %swap3A_424 = arith.index_cast %add3A_419 : i32 to index
        %swap3A_425 = arith.constant 0 : index
        %swap3A_426 = tpu.vector_load %arg15[%swap3A_424, %swap3A_425] {strides = array<i32>} : memref<128x64xbf16, #tpu.memory_space<vmem>>, vector<32xbf16>,
        tpu.vector_store %arg15[%swap3A_424, %swap3A_425], %mul3A_423 {strides = array<i32>} : memref<128x64xbf16, #tpu.memory_space<vmem>>, vector<32xbf16>,
        %get3A_427 = arith.index_cast %add3A_419 : i32 to index
        %get3A_428 = arith.constant 32 : index
        %get3A_429 = tpu.vector_load %arg15[%get3A_427, %get3A_428] {strides = array<i32>} : memref<128x64xbf16, #tpu.memory_space<vmem>>, vector<32xbf16>,
        %mul3A_430 = arith.mulf %get3A_429, %pack3A_415 : vector<32xbf16>
        %swap3A_431 = arith.index_cast %add3A_419 : i32 to index
        %swap3A_432 = arith.constant 32 : index
        %swap3A_433 = tpu.vector_load %arg15[%swap3A_431, %swap3A_432] {strides = array<i32>} : memref<128x64xbf16, #tpu.memory_space<vmem>>, vector<32xbf16>,
        tpu.vector_store %arg15[%swap3A_431, %swap3A_432], %mul3A_430 {strides = array<i32>} : memref<128x64xbf16, #tpu.memory_space<vmem>>, vector<32xbf16>,
        %slice3A_434 = vector.extract_strided_slice %get3A_108 {offsets = [15], sizes = [1], strides = [1]} : vector<16xf32> to vector<1xf32>
        %squeeze3A_435 = vector.extract %slice3A_434[0] : f32 from vector<1xf32>
        %broadcast_in_dim3A_436 = vector.broadcast %squeeze3A_435 : f32 to vector<16xf32>
        %pack3A_437 = tpu.pack_subelements %broadcast_in_dim3A_436, %broadcast_in_dim3A_436 {pack_format = #tpu.pack_format<interleaved>, positions = array<i32: 0, 1>} : vector<16xf32>, vector<16xf32> -> vector<32xbf16>
        %mul3A_438 = arith.constant 16 : i32
        %mul3A_439 = arith.muli %scan3A_104, %mul3A_438 : i32
        %add3A_440 = arith.constant 15 : i32
        %add3A_441 = arith.addi %mul3A_439, %add3A_440 : i32
        %get3A_442 = arith.index_cast %add3A_441 : i32 to index
        %get3A_443 = arith.constant 0 : index
        %get3A_444 = tpu.vector_load %arg15[%get3A_442, %get3A_443] {strides = array<i32>} : memref<128x64xbf16, #tpu.memory_space<vmem>>, vector<32xbf16>,
        %mul3A_445 = arith.mulf %get3A_444, %pack3A_437 : vector<32xbf16>
        %swap3A_446 = arith.index_cast %add3A_441 : i32 to index
        %swap3A_447 = arith.constant 0 : index
        %swap3A_448 = tpu.vector_load %arg15[%swap3A_446, %swap3A_447] {strides = array<i32>} : memref<128x64xbf16, #tpu.memory_space<vmem>>, vector<32xbf16>,
        tpu.vector_store %arg15[%swap3A_446, %swap3A_447], %mul3A_445 {strides = array<i32>} : memref<128x64xbf16, #tpu.memory_space<vmem>>, vector<32xbf16>,
        %get3A_449 = arith.index_cast %add3A_441 : i32 to index
        %get3A_450 = arith.constant 32 : index
        %get3A_451 = tpu.vector_load %arg15[%get3A_449, %get3A_450] {strides = array<i32>} : memref<128x64xbf16, #tpu.memory_space<vmem>>, vector<32xbf16>,
        %mul3A_452 = arith.mulf %get3A_451, %pack3A_437 : vector<32xbf16>
        %swap3A_453 = arith.index_cast %add3A_441 : i32 to index
        %swap3A_454 = arith.constant 32 : index
        %swap3A_455 = tpu.vector_load %arg15[%swap3A_453, %swap3A_454] {strides = array<i32>} : memref<128x64xbf16, #tpu.memory_space<vmem>>, vector<32xbf16>,
        tpu.vector_store %arg15[%swap3A_453, %swap3A_454], %mul3A_452 {strides = array<i32>} : memref<128x64xbf16, #tpu.memory_space<vmem>>, vector<32xbf16>,
      }
      %scan3A_99 = arith.constant 8 : i32
      %add3A_100 = arith.constant 1 : i32
      %add3A_101 = arith.addi %mul3A_48, %add3A_100 : i32
      "tpu.region"() ({
        %run_scoped3A = tpu.sem_alloc : memref<!tpu.dma_semaphore, #tpu.memory_space<semaphore_mem>>
        %dma_start3A_104 = arith.constant 0 : i32
        %dma_start3A_105 = tpu.memref_slice %arg12[%add3A_101, %dma_start3A_104] : memref<162x128xi32, #tpu.memory_space<vmem>> -> memref<1x128xi32, #tpu.memory_space<vmem>>
        %dma_start3A_106 = tpu.memref_squeeze %dma_start3A_105 : memref<1x128xi32, #tpu.memory_space<vmem>> -> memref<128xi32, #tpu.memory_space<vmem>>
        %dma_start3A_107 = arith.constant 0 : i32
        %dma_start3A_108 = arith.constant 0 : i32
        %dma_start3A_109 = tpu.memref_slice %arg18[%dma_start3A_107, %dma_start3A_108] : memref<10240x64xbf16, #tpu.memory_space<vmem_shared>> -> memref<10240x64xbf16, #tpu.memory_space<vmem_shared>>
        tpu.enqueue_indirect_dma source(%arg15 : memref<128x64xbf16, #tpu.memory_space<vmem>>) target(%dma_start3A_109 : memref<10240x64xbf16, #tpu.memory_space<vmem_shared>>) offsets(%dma_start3A_106 : memref<128xi32, #tpu.memory_space<vmem>>) semaphore(%run_scoped3A : memref<!tpu.dma_semaphore, #tpu.memory_space<semaphore_mem>>) {add = true}
        %dma_wait3A_110 = arith.constant 0 : i32
        %dma_wait3A_111 = tpu.memref_slice %arg12[%add3A_101, %dma_wait3A_110] : memref<162x128xi32, #tpu.memory_space<vmem>> -> memref<1x128xi32, #tpu.memory_space<vmem>>
        %dma_wait3A_112 = tpu.memref_squeeze %dma_wait3A_111 : memref<1x128xi32, #tpu.memory_space<vmem>> -> memref<128xi32, #tpu.memory_space<vmem>>
        %dma_wait3A_113 = arith.constant 0 : i32
        %dma_wait3A_114 = arith.constant 0 : i32
        %dma_wait3A_115 = tpu.memref_slice %arg18[%dma_wait3A_113, %dma_wait3A_114] : memref<10240x64xbf16, #tpu.memory_space<vmem_shared>> -> memref<10240x64xbf16, #tpu.memory_space<vmem_shared>>
        tpu.wait_indirect_dma semaphore(%run_scoped3A : memref<!tpu.dma_semaphore, #tpu.memory_space<semaphore_mem>>) src(%arg15 : memref<128x64xbf16, #tpu.memory_space<vmem>>) dst(%dma_wait3A_115 : memref<10240x64xbf16, #tpu.memory_space<vmem_shared>>)
        tpu.yield
      }) : () -> ()
      %add3A_102 = arith.constant 1 : i32
      %add3A_103 = arith.addi %mul3A_48, %add3A_102 : i32
      "tpu.region"() ({
        %run_scoped3A = tpu.sem_alloc : memref<!tpu.dma_semaphore, #tpu.memory_space<semaphore_mem>>
        %dma_start3A_104 = arith.constant 0 : i32
        %dma_start3A_105 = tpu.memref_slice %arg13[%add3A_103, %dma_start3A_104] : memref<162x128xf32, #tpu.memory_space<vmem>> -> memref<1x128xf32, #tpu.memory_space<vmem>>
        %dma_start3A_106 = tpu.memref_squeeze %dma_start3A_105 : memref<1x128xf32, #tpu.memory_space<vmem>> -> memref<128xf32, #tpu.memory_space<vmem>>
        %dma_start3A_107 = arith.constant 0 : i32
        %dma_start3A_108 = tpu.memref_slice %arg12[%add3A_103, %dma_start3A_107] : memref<162x128xi32, #tpu.memory_space<vmem>> -> memref<1x128xi32, #tpu.memory_space<vmem>>
        %dma_start3A_109 = tpu.memref_squeeze %dma_start3A_108 : memref<1x128xi32, #tpu.memory_space<vmem>> -> memref<128xi32, #tpu.memory_space<vmem>>
        %dma_start3A_110 = arith.constant 0 : i32
        %dma_start3A_111 = tpu.memref_slice %arg19[%dma_start3A_110] : memref<10240xf32, #tpu.memory_space<vmem_shared>> -> memref<10240xf32, #tpu.memory_space<vmem_shared>>
        tpu.enqueue_indirect_dma source(%dma_start3A_106 : memref<128xf32, #tpu.memory_space<vmem>>) target(%dma_start3A_111 : memref<10240xf32, #tpu.memory_space<vmem_shared>>) offsets(%dma_start3A_109 : memref<128xi32, #tpu.memory_space<vmem>>) semaphore(%run_scoped3A : memref<!tpu.dma_semaphore, #tpu.memory_space<semaphore_mem>>) {add = true}
        %dma_wait3A_112 = arith.constant 0 : i32
        %dma_wait3A_113 = tpu.memref_slice %arg13[%add3A_103, %dma_wait3A_112] : memref<162x128xf32, #tpu.memory_space<vmem>> -> memref<1x128xf32, #tpu.memory_space<vmem>>
        %dma_wait3A_114 = tpu.memref_squeeze %dma_wait3A_113 : memref<1x128xf32, #tpu.memory_space<vmem>> -> memref<128xf32, #tpu.memory_space<vmem>>
        %dma_wait3A_115 = arith.constant 0 : i32
        %dma_wait3A_116 = tpu.memref_slice %arg12[%add3A_103, %dma_wait3A_115] : memref<162x128xi32, #tpu.memory_space<vmem>> -> memref<1x128xi32, #tpu.memory_space<vmem>>
        %dma_wait3A_117 = tpu.memref_squeeze %dma_wait3A_116 : memref<1x128xi32, #tpu.memory_space<vmem>> -> memref<128xi32, #tpu.memory_space<vmem>>
        %dma_wait3A_118 = arith.constant 0 : i32
        %dma_wait3A_119 = tpu.memref_slice %arg19[%dma_wait3A_118] : memref<10240xf32, #tpu.memory_space<vmem_shared>> -> memref<10240xf32, #tpu.memory_space<vmem_shared>>
        tpu.wait_indirect_dma semaphore(%run_scoped3A : memref<!tpu.dma_semaphore, #tpu.memory_space<semaphore_mem>>) src(%dma_wait3A_114 : memref<128xf32, #tpu.memory_space<vmem>>) dst(%dma_wait3A_119 : memref<10240xf32, #tpu.memory_space<vmem_shared>>)
        tpu.yield
      }) : () -> ()
    }
    %scan3A_44 = arith.constant 81 : i32
    %barrier3A_45 = arith.constant 0 : index
    tpu.barrier barrier_id(%barrier3A_45)
    "tpu.region"() ({
      %run_scoped3A = tpu.sem_alloc : memref<!tpu.dma_semaphore, #tpu.memory_space<semaphore_mem>>
      %dma_start3A_46 = arith.constant 0 : i32
      %dma_start3A_47 = tpu.memref_slice %arg7[%arg0, %mul3A_11, %dma_start3A_46] : memref<2x10240x64xbf16, #tpu.memory_space<hbm>> -> memref<1x640x64xbf16, #tpu.memory_space<hbm>>
      %dma_start3A_48 = tpu.memref_squeeze %dma_start3A_47 : memref<1x640x64xbf16, #tpu.memory_space<hbm>> -> memref<640x64xbf16, #tpu.memory_space<hbm>>
      %dma_start3A_49 = arith.constant 0 : i32
      %dma_start3A_50 = tpu.memref_slice %arg18[%mul3A_11, %dma_start3A_49] : memref<10240x64xbf16, #tpu.memory_space<vmem_shared>> -> memref<640x64xbf16, #tpu.memory_space<vmem_shared>>
      tpu.enqueue_dma source(%dma_start3A_50 : memref<640x64xbf16, #tpu.memory_space<vmem_shared>>) target(%dma_start3A_48 : memref<640x64xbf16, #tpu.memory_space<hbm>>) target_semaphore(%run_scoped3A : memref<!tpu.dma_semaphore, #tpu.memory_space<semaphore_mem>>)
      %dma_wait3A = arith.constant 0 : i32
      %dma_wait3A_51 = tpu.memref_slice %arg7[%arg0, %mul3A_11, %dma_wait3A] : memref<2x10240x64xbf16, #tpu.memory_space<hbm>> -> memref<1x640x64xbf16, #tpu.memory_space<hbm>>
      %dma_wait3A_52 = tpu.memref_squeeze %dma_wait3A_51 : memref<1x640x64xbf16, #tpu.memory_space<hbm>> -> memref<640x64xbf16, #tpu.memory_space<hbm>>
      %dma_wait3A_53 = arith.constant 0 : i32
      %dma_wait3A_54 = tpu.memref_slice %arg18[%mul3A_11, %dma_wait3A_53] : memref<10240x64xbf16, #tpu.memory_space<vmem_shared>> -> memref<640x64xbf16, #tpu.memory_space<vmem_shared>>
      tpu.wait_dma2 semaphore(%run_scoped3A : memref<!tpu.dma_semaphore, #tpu.memory_space<semaphore_mem>>) src(%dma_wait3A_54 : memref<640x64xbf16, #tpu.memory_space<vmem_shared>>) dst(%dma_wait3A_52 : memref<640x64xbf16, #tpu.memory_space<hbm>>)
      tpu.yield
    }) : () -> ()
    "tpu.region"() ({
      %run_scoped3A = tpu.sem_alloc : memref<!tpu.dma_semaphore, #tpu.memory_space<semaphore_mem>>
      %dma_start3A_46 = tpu.memref_slice %arg8[%arg0, %mul3A_11] : memref<2x10240xf32, #tpu.memory_space<hbm>> -> memref<1x640xf32, #tpu.memory_space<hbm>>
      %dma_start3A_47 = tpu.memref_squeeze %dma_start3A_46 : memref<1x640xf32, #tpu.memory_space<hbm>> -> memref<640xf32, #tpu.memory_space<hbm>>
      %dma_start3A_48 = tpu.memref_slice %arg19[%mul3A_11] : memref<10240xf32, #tpu.memory_space<vmem_shared>> -> memref<640xf32, #tpu.memory_space<vmem_shared>>
      tpu.enqueue_dma source(%dma_start3A_48 : memref<640xf32, #tpu.memory_space<vmem_shared>>) target(%dma_start3A_47 : memref<640xf32, #tpu.memory_space<hbm>>) target_semaphore(%run_scoped3A : memref<!tpu.dma_semaphore, #tpu.memory_space<semaphore_mem>>)
      %dma_wait3A = tpu.memref_slice %arg8[%arg0, %mul3A_11] : memref<2x10240xf32, #tpu.memory_space<hbm>> -> memref<1x640xf32, #tpu.memory_space<hbm>>
      %dma_wait3A_49 = tpu.memref_squeeze %dma_wait3A : memref<1x640xf32, #tpu.memory_space<hbm>> -> memref<640xf32, #tpu.memory_space<hbm>>
      %dma_wait3A_50 = tpu.memref_slice %arg19[%mul3A_11] : memref<10240xf32, #tpu.memory_space<vmem_shared>> -> memref<640xf32, #tpu.memory_space<vmem_shared>>
      tpu.wait_dma2 semaphore(%run_scoped3A : memref<!tpu.dma_semaphore, #tpu.memory_space<semaphore_mem>>) src(%dma_wait3A_50 : memref<640xf32, #tpu.memory_space<vmem_shared>>) dst(%dma_wait3A_49 : memref<640xf32, #tpu.memory_space<hbm>>)
      tpu.yield
    }) : () -> ()
    return
  }
}

module attributes {stable_mosaic.version = 14 : i64} {
  func.func @_node1_body(%arg0: i32, %arg1: memref<10000x3xf32, #tpu.memory_space<vmem>>, %arg2: memref<1x1x10000xi32, #tpu.memory_space<vmem>>, %arg3: memref<64x128xf32, #tpu.memory_space<vmem>>, %arg4: memref<3x128xf32, #tpu.memory_space<vmem>>, %arg5: memref<128x128xf32, #tpu.memory_space<vmem>>, %arg6: memref<1x128xf32, #tpu.memory_space<vmem>>, %arg7: memref<1x128xf32, #tpu.memory_space<vmem>>, %arg8: memref<2x10000x64xbf16, #tpu.memory_space<vmem>>, %arg9: memref<1x1x10000xf32, #tpu.memory_space<vmem>>, %arg10: memref<1x1x10000xf32, #tpu.memory_space<vmem>>) attributes {dimension_semantics = [#tpu.dimension_semantics<arbitrary>], iteration_bounds = array<i64: 1>, scalar_prefetch = 0 : i64, scratch_operands = 0 : i64, tpu.core_type = #tpu.core_type<tc>, window_params = [{transform_indices = @transform_0, window_bounds = array<i64: 10000, 3>}, {transform_indices = @transform_1, window_bounds = array<i64: 1, 1, 10000>}, {pipeline_mode = #tpu.pipeline_mode<synchronous>, transform_indices = @transform_2, window_bounds = array<i64: 64, 128>}, {pipeline_mode = #tpu.pipeline_mode<synchronous>, transform_indices = @transform_3, window_bounds = array<i64: 3, 128>}, {pipeline_mode = #tpu.pipeline_mode<synchronous>, transform_indices = @transform_4, window_bounds = array<i64: 128, 128>}, {pipeline_mode = #tpu.pipeline_mode<synchronous>, transform_indices = @transform_5, window_bounds = array<i64: 1, 128>}, {pipeline_mode = #tpu.pipeline_mode<synchronous>, transform_indices = @transform_6, window_bounds = array<i64: 1, 128>}, {transform_indices = @transform_7, window_bounds = array<i64: 2, 10000, 64>}, {transform_indices = @transform_8, window_bounds = array<i64: 1, 1, 10000>}, {transform_indices = @transform_9, window_bounds = array<i64: 1, 1, 10000>}]} {
    %get3A = arith.constant 0 : index
    %get3A_0 = arith.constant 0 : index
    %get3A_1 = arith.constant 0 : index
    %get3A_2 = vector.load %arg2[%get3A, %get3A_0, %get3A_1] : memref<1x1x10000xi32, #tpu.memory_space<vmem>>, vector<1x1x10000xi32>
    %get3A_3 = vector.shape_cast %get3A_2 : vector<1x1x10000xi32> to vector<10000xi32>
    %broadcast_in_dim3A = vector.shape_cast %get3A_3 : vector<10000xi32> to vector<10000x1xi32>
    %iota3A = tpu.iota {dimensions = array<i32: 1>} : vector<10000x64xi32>
    %eq3A = vector.broadcast %broadcast_in_dim3A : vector<10000x1xi32> to vector<10000x64xi32>
    %eq3A_4 = arith.cmpi eq, %eq3A, %iota3A : vector<10000x64xi32>
    %convert_element_type3A = arith.extui %eq3A_4 : vector<10000x64xi1> to vector<10000x64xi32>
    %convert_element_type3A_5 = arith.sitofp %convert_element_type3A : vector<10000x64xi32> to vector<10000x64xf32>
    %get3A_6 = arith.constant 0 : index
    %get3A_7 = arith.constant 0 : index
    %get3A_8 = vector.load %arg3[%get3A_6, %get3A_7] : memref<64x128xf32, #tpu.memory_space<vmem>>, vector<64x128xf32>
    %get3A_9 = arith.constant 0 : index
    %get3A_10 = arith.constant 0 : index
    %get3A_11 = vector.load %arg5[%get3A_9, %get3A_10] : memref<128x128xf32, #tpu.memory_space<vmem>>, vector<128x128xf32>
    %dot_general3A = arith.constant dense<0.000000e+00> : vector<64x128xf32>
    %dot_general3A_12 = tpu.matmul %get3A_8, %get3A_11, %dot_general3A {dimension_numbers = #tpu.dot_dimension_numbers<[1], [0], [0], [1], [0, 0, 1, 1], [], []>, transpose_lhs_hint = false} : vector<64x128xf32>, vector<128x128xf32>, vector<64x128xf32> -> vector<64x128xf32>
    %get3A_13 = arith.constant 0 : index
    %get3A_14 = arith.constant 0 : index
    %get3A_15 = vector.load %arg1[%get3A_13, %get3A_14] : memref<10000x3xf32, #tpu.memory_space<vmem>>, vector<10000x3xf32>
    %get3A_16 = arith.constant 0 : index
    %get3A_17 = arith.constant 0 : index
    %get3A_18 = vector.load %arg4[%get3A_16, %get3A_17] : memref<3x128xf32, #tpu.memory_space<vmem>>, vector<3x128xf32>
    %dot_general3A_19 = arith.constant dense<0.000000e+00> : vector<10000x128xf32>
    %dot_general3A_20 = tpu.matmul %get3A_15, %get3A_18, %dot_general3A_19 {dimension_numbers = #tpu.dot_dimension_numbers<[1], [0], [0], [1], [0, 0, 1, 1], [], []>, transpose_lhs_hint = false} : vector<10000x3xf32>, vector<3x128xf32>, vector<10000x128xf32> -> vector<10000x128xf32>
    %dot_general3A_21 = arith.constant dense<0.000000e+00> : vector<10000x128xf32>
    %dot_general3A_22 = tpu.matmul %convert_element_type3A_5, %dot_general3A_12, %dot_general3A_21 {dimension_numbers = #tpu.dot_dimension_numbers<[1], [0], [0], [1], [0, 0, 1, 1], [], []>, transpose_lhs_hint = false} : vector<10000x64xf32>, vector<64x128xf32>, vector<10000x128xf32> -> vector<10000x128xf32>
    %add3A = arith.addf %dot_general3A_20, %dot_general3A_22 : vector<10000x128xf32>
    %slice3A = vector.extract_strided_slice %add3A {offsets = [0, 0], sizes = [10000, 64], strides = [1, 1]} : vector<10000x128xf32> to vector<10000x64xf32>
    %convert_element_type3A_23 = arith.truncf %slice3A : vector<10000x64xf32> to vector<10000x64xbf16>
    %swap3A = arith.constant 0 : index
    %swap3A_24 = arith.constant 0 : index
    %swap3A_25 = arith.constant 0 : index
    %swap3A_26 = vector.load %arg8[%swap3A, %swap3A_24, %swap3A_25] : memref<2x10000x64xbf16, #tpu.memory_space<vmem>>, vector<1x10000x64xbf16>
    %swap3A_27 = vector.shape_cast %swap3A_26 : vector<1x10000x64xbf16> to vector<10000x64xbf16>
    %swap3A_28 = vector.shape_cast %convert_element_type3A_23 : vector<10000x64xbf16> to vector<1x10000x64xbf16>
    tpu.vector_store %arg8[%swap3A, %swap3A_24, %swap3A_25], %swap3A_28 {strides = array<i32>} : memref<2x10000x64xbf16, #tpu.memory_space<vmem>>, vector<1x10000x64xbf16>,
    %slice3A_29 = vector.extract_strided_slice %add3A {offsets = [0, 64], sizes = [10000, 64], strides = [1, 1]} : vector<10000x128xf32> to vector<10000x64xf32>
    %convert_element_type3A_30 = arith.truncf %slice3A_29 : vector<10000x64xf32> to vector<10000x64xbf16>
    %swap3A_31 = arith.constant 1 : index
    %swap3A_32 = arith.constant 0 : index
    %swap3A_33 = arith.constant 0 : index
    %swap3A_34 = vector.load %arg8[%swap3A_31, %swap3A_32, %swap3A_33] : memref<2x10000x64xbf16, #tpu.memory_space<vmem>>, vector<1x10000x64xbf16>
    %swap3A_35 = vector.shape_cast %swap3A_34 : vector<1x10000x64xbf16> to vector<10000x64xbf16>
    %swap3A_36 = vector.shape_cast %convert_element_type3A_30 : vector<10000x64xbf16> to vector<1x10000x64xbf16>
    tpu.vector_store %arg8[%swap3A_31, %swap3A_32, %swap3A_33], %swap3A_36 {strides = array<i32>} : memref<2x10000x64xbf16, #tpu.memory_space<vmem>>, vector<1x10000x64xbf16>,
    %get3A_37 = arith.constant 0 : index
    %get3A_38 = arith.constant 0 : index
    %get3A_39 = vector.load %arg6[%get3A_37, %get3A_38] : memref<1x128xf32, #tpu.memory_space<vmem>>, vector<1x128xf32>
    %mul3A = vector.broadcast %get3A_39 : vector<1x128xf32> to vector<10000x128xf32>
    %mul3A_40 = arith.mulf %add3A, %mul3A : vector<10000x128xf32>
    %reduce_sum3A = arith.constant dense<0.000000e+00> : vector<10000xf32>
    %reduce_sum3A_41 = vector.multi_reduction <add>, %mul3A_40, %reduce_sum3A [1] : vector<10000x128xf32> to vector<10000xf32>
    %swap3A_42 = arith.constant 0 : index
    %swap3A_43 = arith.constant 0 : index
    %swap3A_44 = arith.constant 0 : index
    %swap3A_45 = vector.load %arg9[%swap3A_42, %swap3A_43, %swap3A_44] : memref<1x1x10000xf32, #tpu.memory_space<vmem>>, vector<1x1x10000xf32>
    %swap3A_46 = vector.shape_cast %swap3A_45 : vector<1x1x10000xf32> to vector<10000xf32>
    %swap3A_47 = vector.shape_cast %reduce_sum3A_41 : vector<10000xf32> to vector<1x1x10000xf32>
    tpu.vector_store %arg9[%swap3A_42, %swap3A_43, %swap3A_44], %swap3A_47 {strides = array<i32>} : memref<1x1x10000xf32, #tpu.memory_space<vmem>>, vector<1x1x10000xf32>,
    %get3A_48 = arith.constant 0 : index
    %get3A_49 = arith.constant 0 : index
    %get3A_50 = vector.load %arg7[%get3A_48, %get3A_49] : memref<1x128xf32, #tpu.memory_space<vmem>>, vector<1x128xf32>
    %mul3A_51 = vector.broadcast %get3A_50 : vector<1x128xf32> to vector<10000x128xf32>
    %mul3A_52 = arith.mulf %add3A, %mul3A_51 : vector<10000x128xf32>
    %reduce_sum3A_53 = arith.constant dense<0.000000e+00> : vector<10000xf32>
    %reduce_sum3A_54 = vector.multi_reduction <add>, %mul3A_52, %reduce_sum3A_53 [1] : vector<10000x128xf32> to vector<10000xf32>
    %swap3A_55 = arith.constant 0 : index
    %swap3A_56 = arith.constant 0 : index
    %swap3A_57 = arith.constant 0 : index
    %swap3A_58 = vector.load %arg10[%swap3A_55, %swap3A_56, %swap3A_57] : memref<1x1x10000xf32, #tpu.memory_space<vmem>>, vector<1x1x10000xf32>
    %swap3A_59 = vector.shape_cast %swap3A_58 : vector<1x1x10000xf32> to vector<10000xf32>
    %swap3A_60 = vector.shape_cast %reduce_sum3A_54 : vector<10000xf32> to vector<1x1x10000xf32>
    tpu.vector_store %arg10[%swap3A_55, %swap3A_56, %swap3A_57], %swap3A_60 {strides = array<i32>} : memref<1x1x10000xf32, #tpu.memory_space<vmem>>, vector<1x1x10000xf32>,
    return
  }
  func.func @transform_0(%arg0: i32) -> (i32, i32) {
    %c0_i32 = arith.constant 0 : i32
    %c0_i32_0 = arith.constant 0 : i32
    return %arg0, %c0_i32 : i32, i32
  }
  func.func @transform_1(%arg0: i32) -> (i32, i32, i32) {
    %c0_i32 = arith.constant 0 : i32
    %c0_i32_0 = arith.constant 0 : i32
    %c0_i32_1 = arith.constant 0 : i32
    return %arg0, %c0_i32, %c0_i32_0 : i32, i32, i32
  }
  func.func @transform_2(%arg0: i32) -> (i32, i32) {
    %c0_i32 = arith.constant 0 : i32
    %c0_i32_0 = arith.constant 0 : i32
    %c0_i32_1 = arith.constant 0 : i32
    return %c0_i32, %c0_i32_0 : i32, i32
  }
  func.func @transform_3(%arg0: i32) -> (i32, i32) {
    %c0_i32 = arith.constant 0 : i32
    %c0_i32_0 = arith.constant 0 : i32
    %c0_i32_1 = arith.constant 0 : i32
    return %c0_i32, %c0_i32_0 : i32, i32
  }
  func.func @transform_4(%arg0: i32) -> (i32, i32) {
    %c0_i32 = arith.constant 0 : i32
    %c0_i32_0 = arith.constant 0 : i32
    %c0_i32_1 = arith.constant 0 : i32
    return %c0_i32, %c0_i32_0 : i32, i32
  }
  func.func @transform_5(%arg0: i32) -> (i32, i32) {
    %c0_i32 = arith.constant 0 : i32
    %c0_i32_0 = arith.constant 0 : i32
    %c0_i32_1 = arith.constant 0 : i32
    return %c0_i32, %c0_i32_0 : i32, i32
  }
  func.func @transform_6(%arg0: i32) -> (i32, i32) {
    %c0_i32 = arith.constant 0 : i32
    %c0_i32_0 = arith.constant 0 : i32
    %c0_i32_1 = arith.constant 0 : i32
    return %c0_i32, %c0_i32_0 : i32, i32
  }
  func.func @transform_7(%arg0: i32) -> (i32, i32, i32) {
    %c0_i32 = arith.constant 0 : i32
    %c0_i32_0 = arith.constant 0 : i32
    %c0_i32_1 = arith.constant 0 : i32
    return %c0_i32, %arg0, %c0_i32_0 : i32, i32, i32
  }
  func.func @transform_8(%arg0: i32) -> (i32, i32, i32) {
    %c0_i32 = arith.constant 0 : i32
    %c0_i32_0 = arith.constant 0 : i32
    %c0_i32_1 = arith.constant 0 : i32
    return %arg0, %c0_i32, %c0_i32_0 : i32, i32, i32
  }
  func.func @transform_9(%arg0: i32) -> (i32, i32, i32) {
    %c0_i32 = arith.constant 0 : i32
    %c0_i32_0 = arith.constant 0 : i32
    %c0_i32_1 = arith.constant 0 : i32
    return %arg0, %c0_i32, %c0_i32_0 : i32, i32, i32
  }
}

module attributes {stable_mosaic.version = 14 : i64} {
  func.func @_final_body(%arg0: i32, %arg1: memref<2x10000x64xbf16, #tpu.memory_space<vmem>>, %arg2: memref<2x1x1x10000xf32, #tpu.memory_space<vmem>>, %arg3: memref<1x128xf32, #tpu.memory_space<vmem>>, %arg4: memref<128x128xf32, #tpu.memory_space<vmem>>, %arg5: memref<1x128xf32, #tpu.memory_space<vmem>>, %arg6: memref<1x1x10000xi32, #tpu.memory_space<vmem>>, %arg7: memref<16x128xf32, #tpu.memory_space<vmem>>, %arg8: memref<16x128xf32, #tpu.memory_space<vmem>>, %arg9: memref<16x128xf32, #tpu.memory_space<vmem>>) attributes {dimension_semantics = [#tpu.dimension_semantics<arbitrary>], iteration_bounds = array<i64: 1>, scalar_prefetch = 0 : i64, scratch_operands = 2 : i64, tpu.core_type = #tpu.core_type<tc>, window_params = [{transform_indices = @transform_0, window_bounds = array<i64: 2, 10000, 64>}, {transform_indices = @transform_1, window_bounds = array<i64: 2, 1, 1, 10000>}, {pipeline_mode = #tpu.pipeline_mode<synchronous>, transform_indices = @transform_2, window_bounds = array<i64: 1, 128>}, {pipeline_mode = #tpu.pipeline_mode<synchronous>, transform_indices = @transform_3, window_bounds = array<i64: 128, 128>}, {pipeline_mode = #tpu.pipeline_mode<synchronous>, transform_indices = @transform_4, window_bounds = array<i64: 1, 128>}, {transform_indices = @transform_5, window_bounds = array<i64: 1, 1, 10000>}, {pipeline_mode = #tpu.pipeline_mode<synchronous>, transform_indices = @transform_6, window_bounds = array<i64: 16, 128>}]} {
    %eq3A = arith.constant 0 : i32
    %eq3A_0 = arith.cmpi eq, %arg0, %eq3A : i32
    %convert_element_type3A = arith.extui %eq3A_0 : i1 to i32
    %cond3A = arith.constant 0 : i32
    %cond3A_1 = arith.cmpi ne, %convert_element_type3A, %cond3A : i32
    scf.if %cond3A_1 {
      %broadcast_in_dim3A_73 = arith.constant 0.000000e+00 : f32
      %broadcast_in_dim3A_74 = vector.broadcast %broadcast_in_dim3A_73 : f32 to vector<16x128xf32>
      %swap3A_75 = arith.constant 0 : index
      %swap3A_76 = arith.constant 0 : index
      %swap3A_77 = vector.load %arg8[%swap3A_75, %swap3A_76] : memref<16x128xf32, #tpu.memory_space<vmem>>, vector<16x128xf32>
      tpu.vector_store %arg8[%swap3A_75, %swap3A_76], %broadcast_in_dim3A_74 {strides = array<i32>} : memref<16x128xf32, #tpu.memory_space<vmem>>, vector<16x128xf32>,
      %broadcast_in_dim3A_78 = arith.constant 0.000000e+00 : f32
      %broadcast_in_dim3A_79 = vector.broadcast %broadcast_in_dim3A_78 : f32 to vector<16x128xf32>
      %swap3A_80 = arith.constant 0 : index
      %swap3A_81 = arith.constant 0 : index
      %swap3A_82 = vector.load %arg9[%swap3A_80, %swap3A_81] : memref<16x128xf32, #tpu.memory_space<vmem>>, vector<16x128xf32>
      tpu.vector_store %arg9[%swap3A_80, %swap3A_81], %broadcast_in_dim3A_79 {strides = array<i32>} : memref<16x128xf32, #tpu.memory_space<vmem>>, vector<16x128xf32>,
    } else {
    }
    %get3A = arith.constant 0 : index
    %get3A_2 = arith.constant 0 : index
    %get3A_3 = arith.constant 0 : index
    %get3A_4 = vector.load %arg1[%get3A, %get3A_2, %get3A_3] : memref<2x10000x64xbf16, #tpu.memory_space<vmem>>, vector<1x10000x64xbf16>
    %get3A_5 = vector.shape_cast %get3A_4 : vector<1x10000x64xbf16> to vector<10000x64xbf16>
    %get3A_6 = arith.constant 1 : index
    %get3A_7 = arith.constant 0 : index
    %get3A_8 = arith.constant 0 : index
    %get3A_9 = vector.load %arg1[%get3A_6, %get3A_7, %get3A_8] : memref<2x10000x64xbf16, #tpu.memory_space<vmem>>, vector<1x10000x64xbf16>
    %get3A_10 = vector.shape_cast %get3A_9 : vector<1x10000x64xbf16> to vector<10000x64xbf16>
    %concatenate3A = tpu.concatenate %get3A_5, %get3A_10 in 1 : vector<10000x64xbf16>, vector<10000x64xbf16> -> vector<10000x128xbf16>
    %convert_element_type3A_11 = arith.extf %concatenate3A : vector<10000x128xbf16> to vector<10000x128xf32>
    %get3A_12 = arith.constant 0 : index
    %get3A_13 = arith.constant 0 : index
    %get3A_14 = arith.constant 0 : index
    %get3A_15 = arith.constant 0 : index
    %get3A_16 = vector.load %arg2[%get3A_12, %get3A_13, %get3A_14, %get3A_15] : memref<2x1x1x10000xf32, #tpu.memory_space<vmem>>, vector<1x1x1x10000xf32>
    %get3A_17 = vector.shape_cast %get3A_16 : vector<1x1x1x10000xf32> to vector<10000xf32>
    %add3A = arith.constant 1.000000e-16 : f32
    %add3A_18 = vector.broadcast %add3A : f32 to vector<10000xf32>
    %add3A_19 = arith.addf %get3A_17, %add3A_18 : vector<10000xf32>
    %broadcast_in_dim3A = vector.shape_cast %add3A_19 : vector<10000xf32> to vector<10000x1xf32>
    %div3A = vector.broadcast %broadcast_in_dim3A : vector<10000x1xf32> to vector<10000x128xf32>
    %div3A_20 = arith.divf %convert_element_type3A_11, %div3A : vector<10000x128xf32>
    %get3A_21 = arith.constant 0 : index
    %get3A_22 = arith.constant 0 : index
    %get3A_23 = vector.load %arg3[%get3A_21, %get3A_22] : memref<1x128xf32, #tpu.memory_space<vmem>>, vector<1x128xf32>
    %add3A_24 = vector.broadcast %get3A_23 : vector<1x128xf32> to vector<10000x128xf32>
    %add3A_25 = arith.addf %div3A_20, %add3A_24 : vector<10000x128xf32>
    %gt3A = arith.constant 0.000000e+00 : f32
    %gt3A_26 = vector.broadcast %gt3A : f32 to vector<10000x128xf32>
    %gt3A_27 = arith.cmpf ogt, %add3A_25, %gt3A_26 : vector<10000x128xf32>
    %exp3A = math.exp %add3A_25 : vector<10000x128xf32>
    %sub3A = arith.constant 1.000000e+00 : f32
    %sub3A_28 = vector.broadcast %sub3A : f32 to vector<10000x128xf32>
    %sub3A_29 = arith.subf %exp3A, %sub3A_28 : vector<10000x128xf32>
    %select_n3A = arith.select %gt3A_27, %add3A_25, %sub3A_29 : vector<10000x128xi1>, vector<10000x128xf32>
    %get3A_30 = arith.constant 0 : index
    %get3A_31 = arith.constant 0 : index
    %get3A_32 = vector.load %arg4[%get3A_30, %get3A_31] : memref<128x128xf32, #tpu.memory_space<vmem>>, vector<128x128xf32>
    %dot_general3A = arith.constant dense<0.000000e+00> : vector<10000x128xf32>
    %dot_general3A_33 = tpu.matmul %select_n3A, %get3A_32, %dot_general3A {dimension_numbers = #tpu.dot_dimension_numbers<[1], [0], [0], [1], [0, 0, 1, 1], [], []>, transpose_lhs_hint = false} : vector<10000x128xf32>, vector<128x128xf32>, vector<10000x128xf32> -> vector<10000x128xf32>
    %get3A_34 = arith.constant 0 : index
    %get3A_35 = arith.constant 0 : index
    %get3A_36 = vector.load %arg5[%get3A_34, %get3A_35] : memref<1x128xf32, #tpu.memory_space<vmem>>, vector<1x128xf32>
    %add3A_37 = vector.broadcast %get3A_36 : vector<1x128xf32> to vector<10000x128xf32>
    %add3A_38 = arith.addf %dot_general3A_33, %add3A_37 : vector<10000x128xf32>
    %get3A_39 = arith.constant 0 : index
    %get3A_40 = arith.constant 0 : index
    %get3A_41 = arith.constant 0 : index
    %get3A_42 = vector.load %arg6[%get3A_39, %get3A_40, %get3A_41] : memref<1x1x10000xi32, #tpu.memory_space<vmem>>, vector<1x1x10000xi32>
    %get3A_43 = vector.shape_cast %get3A_42 : vector<1x1x10000xi32> to vector<10000xi32>
    %broadcast_in_dim3A_44 = vector.shape_cast %get3A_43 : vector<10000xi32> to vector<10000x1xi32>
    %iota3A = tpu.iota {dimensions = array<i32: 1>} : vector<10000x16xi32>
    %eq3A_45 = vector.broadcast %broadcast_in_dim3A_44 : vector<10000x1xi32> to vector<10000x16xi32>
    %eq3A_46 = arith.cmpi eq, %eq3A_45, %iota3A : vector<10000x16xi32>
    %convert_element_type3A_47 = arith.extui %eq3A_46 : vector<10000x16xi1> to vector<10000x16xi32>
    %convert_element_type3A_48 = arith.sitofp %convert_element_type3A_47 : vector<10000x16xi32> to vector<10000x16xf32>
    %get3A_49 = arith.constant 0 : index
    %get3A_50 = arith.constant 0 : index
    %get3A_51 = vector.load %arg8[%get3A_49, %get3A_50] : memref<16x128xf32, #tpu.memory_space<vmem>>, vector<16x128xf32>
    %dot_general3A_52 = arith.constant dense<0.000000e+00> : vector<16x128xf32>
    %dot_general3A_53 = tpu.matmul %convert_element_type3A_48, %add3A_38, %dot_general3A_52 {dimension_numbers = #tpu.dot_dimension_numbers<[0], [0], [1], [1], [0, 1, 1, 1], [], []>, transpose_lhs_hint = false} : vector<10000x16xf32>, vector<10000x128xf32>, vector<16x128xf32> -> vector<16x128xf32>
    %add3A_54 = arith.addf %get3A_51, %dot_general3A_53 : vector<16x128xf32>
    %swap3A = arith.constant 0 : index
    %swap3A_55 = arith.constant 0 : index
    %swap3A_56 = vector.load %arg8[%swap3A, %swap3A_55] : memref<16x128xf32, #tpu.memory_space<vmem>>, vector<16x128xf32>
    tpu.vector_store %arg8[%swap3A, %swap3A_55], %add3A_54 {strides = array<i32>} : memref<16x128xf32, #tpu.memory_space<vmem>>, vector<16x128xf32>,
    %get3A_57 = arith.constant 0 : index
    %get3A_58 = arith.constant 0 : index
    %get3A_59 = vector.load %arg9[%get3A_57, %get3A_58] : memref<16x128xf32, #tpu.memory_space<vmem>>, vector<16x128xf32>
    %broadcast_in_dim3A_60 = arith.constant 1.000000e+00 : f32
    %broadcast_in_dim3A_61 = vector.broadcast %broadcast_in_dim3A_60 : f32 to vector<10000x128xf32>
    %dot_general3A_62 = arith.constant dense<0.000000e+00> : vector<16x128xf32>
    %dot_general3A_63 = tpu.matmul %convert_element_type3A_48, %broadcast_in_dim3A_61, %dot_general3A_62 {dimension_numbers = #tpu.dot_dimension_numbers<[0], [0], [1], [1], [0, 1, 1, 1], [], []>, transpose_lhs_hint = false} : vector<10000x16xf32>, vector<10000x128xf32>, vector<16x128xf32> -> vector<16x128xf32>
    %add3A_64 = arith.addf %get3A_59, %dot_general3A_63 : vector<16x128xf32>
    %swap3A_65 = arith.constant 0 : index
    %swap3A_66 = arith.constant 0 : index
    %swap3A_67 = vector.load %arg9[%swap3A_65, %swap3A_66] : memref<16x128xf32, #tpu.memory_space<vmem>>, vector<16x128xf32>
    tpu.vector_store %arg9[%swap3A_65, %swap3A_66], %add3A_64 {strides = array<i32>} : memref<16x128xf32, #tpu.memory_space<vmem>>, vector<16x128xf32>,
    %eq3A_68 = arith.constant 0 : i32
    %eq3A_69 = arith.cmpi eq, %arg0, %eq3A_68 : i32
    %convert_element_type3A_70 = arith.extui %eq3A_69 : i1 to i32
    %cond3A_71 = arith.constant 0 : i32
    %cond3A_72 = arith.cmpi ne, %convert_element_type3A_70, %cond3A_71 : i32
    scf.if %cond3A_72 {
      %get3A_73 = arith.constant 0 : index
      %get3A_74 = arith.constant 0 : index
      %get3A_75 = vector.load %arg8[%get3A_73, %get3A_74] : memref<16x128xf32, #tpu.memory_space<vmem>>, vector<16x128xf32>
      %get3A_76 = arith.constant 0 : index
      %get3A_77 = arith.constant 0 : index
      %get3A_78 = vector.load %arg9[%get3A_76, %get3A_77] : memref<16x128xf32, #tpu.memory_space<vmem>>, vector<16x128xf32>
      %max3A = arith.constant 1.000000e+00 : f32
      %max3A_79 = vector.broadcast %max3A : f32 to vector<16x128xf32>
      %max3A_80 = arith.maximumf %get3A_78, %max3A_79 : vector<16x128xf32>
      %div3A_81 = arith.divf %get3A_75, %max3A_80 : vector<16x128xf32>
      %swap3A_82 = arith.constant 0 : index
      %swap3A_83 = arith.constant 0 : index
      %swap3A_84 = vector.load %arg7[%swap3A_82, %swap3A_83] : memref<16x128xf32, #tpu.memory_space<vmem>>, vector<16x128xf32>
      tpu.vector_store %arg7[%swap3A_82, %swap3A_83], %div3A_81 {strides = array<i32>} : memref<16x128xf32, #tpu.memory_space<vmem>>, vector<16x128xf32>,
    } else {
    }
    return
  }
  func.func @transform_0(%arg0: i32) -> (i32, i32, i32) {
    %c0_i32 = arith.constant 0 : i32
    %c0_i32_0 = arith.constant 0 : i32
    %c0_i32_1 = arith.constant 0 : i32
    return %c0_i32, %arg0, %c0_i32_0 : i32, i32, i32
  }
  func.func @transform_1(%arg0: i32) -> (i32, i32, i32, i32) {
    %c0_i32 = arith.constant 0 : i32
    %c0_i32_0 = arith.constant 0 : i32
    %c0_i32_1 = arith.constant 0 : i32
    %c0_i32_2 = arith.constant 0 : i32
    return %c0_i32, %arg0, %c0_i32_0, %c0_i32_1 : i32, i32, i32, i32
  }
  func.func @transform_2(%arg0: i32) -> (i32, i32) {
    %c0_i32 = arith.constant 0 : i32
    %c0_i32_0 = arith.constant 0 : i32
    %c0_i32_1 = arith.constant 0 : i32
    return %c0_i32, %c0_i32_0 : i32, i32
  }
  func.func @transform_3(%arg0: i32) -> (i32, i32) {
    %c0_i32 = arith.constant 0 : i32
    %c0_i32_0 = arith.constant 0 : i32
    %c0_i32_1 = arith.constant 0 : i32
    return %c0_i32, %c0_i32_0 : i32, i32
  }
  func.func @transform_4(%arg0: i32) -> (i32, i32) {
    %c0_i32 = arith.constant 0 : i32
    %c0_i32_0 = arith.constant 0 : i32
    %c0_i32_1 = arith.constant 0 : i32
    return %c0_i32, %c0_i32_0 : i32, i32
  }
  func.func @transform_5(%arg0: i32) -> (i32, i32, i32) {
    %c0_i32 = arith.constant 0 : i32
    %c0_i32_0 = arith.constant 0 : i32
    %c0_i32_1 = arith.constant 0 : i32
    return %arg0, %c0_i32, %c0_i32_0 : i32, i32, i32
  }
  func.func @transform_6(%arg0: i32) -> (i32, i32) {
    %c0_i32 = arith.constant 0 : i32
    %c0_i32_0 = arith.constant 0 : i32
    %c0_i32_1 = arith.constant 0 : i32
    return %c0_i32, %c0_i32_0 : i32, i32
  }
}

module attributes {stable_mosaic.version = 14 : i64} {
  func.func @_mid_body(%arg0: i32, %arg1: memref<2x10000x64xbf16, #tpu.memory_space<vmem>>, %arg2: memref<2x1x1x10000xf32, #tpu.memory_space<vmem>>, %arg3: memref<1x128xf32, #tpu.memory_space<vmem>>, %arg4: memref<128x128xf32, #tpu.memory_space<vmem>>, %arg5: memref<1x128xf32, #tpu.memory_space<vmem>>, %arg6: memref<1x128xf32, #tpu.memory_space<vmem>>, %arg7: memref<2x10000x64xbf16, #tpu.memory_space<vmem>>, %arg8: memref<1x1x10000xf32, #tpu.memory_space<vmem>>, %arg9: memref<1x1x10000xf32, #tpu.memory_space<vmem>>) attributes {dimension_semantics = [#tpu.dimension_semantics<arbitrary>], iteration_bounds = array<i64: 1>, scalar_prefetch = 0 : i64, scratch_operands = 0 : i64, tpu.core_type = #tpu.core_type<tc>, window_params = [{transform_indices = @transform_0, window_bounds = array<i64: 2, 10000, 64>}, {transform_indices = @transform_1, window_bounds = array<i64: 2, 1, 1, 10000>}, {pipeline_mode = #tpu.pipeline_mode<synchronous>, transform_indices = @transform_2, window_bounds = array<i64: 1, 128>}, {pipeline_mode = #tpu.pipeline_mode<synchronous>, transform_indices = @transform_3, window_bounds = array<i64: 128, 128>}, {pipeline_mode = #tpu.pipeline_mode<synchronous>, transform_indices = @transform_4, window_bounds = array<i64: 1, 128>}, {pipeline_mode = #tpu.pipeline_mode<synchronous>, transform_indices = @transform_5, window_bounds = array<i64: 1, 128>}, {transform_indices = @transform_6, window_bounds = array<i64: 2, 10000, 64>}, {transform_indices = @transform_7, window_bounds = array<i64: 1, 1, 10000>}, {transform_indices = @transform_8, window_bounds = array<i64: 1, 1, 10000>}]} {
    %get3A = arith.constant 0 : index
    %get3A_0 = arith.constant 0 : index
    %get3A_1 = arith.constant 0 : index
    %get3A_2 = vector.load %arg1[%get3A, %get3A_0, %get3A_1] : memref<2x10000x64xbf16, #tpu.memory_space<vmem>>, vector<1x10000x64xbf16>
    %get3A_3 = vector.shape_cast %get3A_2 : vector<1x10000x64xbf16> to vector<10000x64xbf16>
    %get3A_4 = arith.constant 1 : index
    %get3A_5 = arith.constant 0 : index
    %get3A_6 = arith.constant 0 : index
    %get3A_7 = vector.load %arg1[%get3A_4, %get3A_5, %get3A_6] : memref<2x10000x64xbf16, #tpu.memory_space<vmem>>, vector<1x10000x64xbf16>
    %get3A_8 = vector.shape_cast %get3A_7 : vector<1x10000x64xbf16> to vector<10000x64xbf16>
    %concatenate3A = tpu.concatenate %get3A_3, %get3A_8 in 1 : vector<10000x64xbf16>, vector<10000x64xbf16> -> vector<10000x128xbf16>
    %convert_element_type3A = arith.extf %concatenate3A : vector<10000x128xbf16> to vector<10000x128xf32>
    %get3A_9 = arith.constant 0 : index
    %get3A_10 = arith.constant 0 : index
    %get3A_11 = arith.constant 0 : index
    %get3A_12 = arith.constant 0 : index
    %get3A_13 = vector.load %arg2[%get3A_9, %get3A_10, %get3A_11, %get3A_12] : memref<2x1x1x10000xf32, #tpu.memory_space<vmem>>, vector<1x1x1x10000xf32>
    %get3A_14 = vector.shape_cast %get3A_13 : vector<1x1x1x10000xf32> to vector<10000xf32>
    %add3A = arith.constant 1.000000e-16 : f32
    %add3A_15 = vector.broadcast %add3A : f32 to vector<10000xf32>
    %add3A_16 = arith.addf %get3A_14, %add3A_15 : vector<10000xf32>
    %broadcast_in_dim3A = vector.shape_cast %add3A_16 : vector<10000xf32> to vector<10000x1xf32>
    %div3A = vector.broadcast %broadcast_in_dim3A : vector<10000x1xf32> to vector<10000x128xf32>
    %div3A_17 = arith.divf %convert_element_type3A, %div3A : vector<10000x128xf32>
    %get3A_18 = arith.constant 0 : index
    %get3A_19 = arith.constant 0 : index
    %get3A_20 = vector.load %arg3[%get3A_18, %get3A_19] : memref<1x128xf32, #tpu.memory_space<vmem>>, vector<1x128xf32>
    %add3A_21 = vector.broadcast %get3A_20 : vector<1x128xf32> to vector<10000x128xf32>
    %add3A_22 = arith.addf %div3A_17, %add3A_21 : vector<10000x128xf32>
    %gt3A = arith.constant 0.000000e+00 : f32
    %gt3A_23 = vector.broadcast %gt3A : f32 to vector<10000x128xf32>
    %gt3A_24 = arith.cmpf ogt, %add3A_22, %gt3A_23 : vector<10000x128xf32>
    %exp3A = math.exp %add3A_22 : vector<10000x128xf32>
    %sub3A = arith.constant 1.000000e+00 : f32
    %sub3A_25 = vector.broadcast %sub3A : f32 to vector<10000x128xf32>
    %sub3A_26 = arith.subf %exp3A, %sub3A_25 : vector<10000x128xf32>
    %select_n3A = arith.select %gt3A_24, %add3A_22, %sub3A_26 : vector<10000x128xi1>, vector<10000x128xf32>
    %get3A_27 = arith.constant 0 : index
    %get3A_28 = arith.constant 0 : index
    %get3A_29 = vector.load %arg4[%get3A_27, %get3A_28] : memref<128x128xf32, #tpu.memory_space<vmem>>, vector<128x128xf32>
    %dot_general3A = arith.constant dense<0.000000e+00> : vector<10000x128xf32>
    %dot_general3A_30 = tpu.matmul %select_n3A, %get3A_29, %dot_general3A {dimension_numbers = #tpu.dot_dimension_numbers<[1], [0], [0], [1], [0, 0, 1, 1], [], []>, transpose_lhs_hint = false} : vector<10000x128xf32>, vector<128x128xf32>, vector<10000x128xf32> -> vector<10000x128xf32>
    %slice3A = vector.extract_strided_slice %dot_general3A_30 {offsets = [0, 0], sizes = [10000, 64], strides = [1, 1]} : vector<10000x128xf32> to vector<10000x64xf32>
    %convert_element_type3A_31 = arith.truncf %slice3A : vector<10000x64xf32> to vector<10000x64xbf16>
    %swap3A = arith.constant 0 : index
    %swap3A_32 = arith.constant 0 : index
    %swap3A_33 = arith.constant 0 : index
    %swap3A_34 = vector.load %arg7[%swap3A, %swap3A_32, %swap3A_33] : memref<2x10000x64xbf16, #tpu.memory_space<vmem>>, vector<1x10000x64xbf16>
    %swap3A_35 = vector.shape_cast %swap3A_34 : vector<1x10000x64xbf16> to vector<10000x64xbf16>
    %swap3A_36 = vector.shape_cast %convert_element_type3A_31 : vector<10000x64xbf16> to vector<1x10000x64xbf16>
    tpu.vector_store %arg7[%swap3A, %swap3A_32, %swap3A_33], %swap3A_36 {strides = array<i32>} : memref<2x10000x64xbf16, #tpu.memory_space<vmem>>, vector<1x10000x64xbf16>,
    %slice3A_37 = vector.extract_strided_slice %dot_general3A_30 {offsets = [0, 64], sizes = [10000, 64], strides = [1, 1]} : vector<10000x128xf32> to vector<10000x64xf32>
    %convert_element_type3A_38 = arith.truncf %slice3A_37 : vector<10000x64xf32> to vector<10000x64xbf16>
    %swap3A_39 = arith.constant 1 : index
    %swap3A_40 = arith.constant 0 : index
    %swap3A_41 = arith.constant 0 : index
    %swap3A_42 = vector.load %arg7[%swap3A_39, %swap3A_40, %swap3A_41] : memref<2x10000x64xbf16, #tpu.memory_space<vmem>>, vector<1x10000x64xbf16>
    %swap3A_43 = vector.shape_cast %swap3A_42 : vector<1x10000x64xbf16> to vector<10000x64xbf16>
    %swap3A_44 = vector.shape_cast %convert_element_type3A_38 : vector<10000x64xbf16> to vector<1x10000x64xbf16>
    tpu.vector_store %arg7[%swap3A_39, %swap3A_40, %swap3A_41], %swap3A_44 {strides = array<i32>} : memref<2x10000x64xbf16, #tpu.memory_space<vmem>>, vector<1x10000x64xbf16>,
    %get3A_45 = arith.constant 0 : index
    %get3A_46 = arith.constant 0 : index
    %get3A_47 = vector.load %arg5[%get3A_45, %get3A_46] : memref<1x128xf32, #tpu.memory_space<vmem>>, vector<1x128xf32>
    %mul3A = vector.broadcast %get3A_47 : vector<1x128xf32> to vector<10000x128xf32>
    %mul3A_48 = arith.mulf %dot_general3A_30, %mul3A : vector<10000x128xf32>
    %reduce_sum3A = arith.constant dense<0.000000e+00> : vector<10000xf32>
    %reduce_sum3A_49 = vector.multi_reduction <add>, %mul3A_48, %reduce_sum3A [1] : vector<10000x128xf32> to vector<10000xf32>
    %swap3A_50 = arith.constant 0 : index
    %swap3A_51 = arith.constant 0 : index
    %swap3A_52 = arith.constant 0 : index
    %swap3A_53 = vector.load %arg8[%swap3A_50, %swap3A_51, %swap3A_52] : memref<1x1x10000xf32, #tpu.memory_space<vmem>>, vector<1x1x10000xf32>
    %swap3A_54 = vector.shape_cast %swap3A_53 : vector<1x1x10000xf32> to vector<10000xf32>
    %swap3A_55 = vector.shape_cast %reduce_sum3A_49 : vector<10000xf32> to vector<1x1x10000xf32>
    tpu.vector_store %arg8[%swap3A_50, %swap3A_51, %swap3A_52], %swap3A_55 {strides = array<i32>} : memref<1x1x10000xf32, #tpu.memory_space<vmem>>, vector<1x1x10000xf32>,
    %get3A_56 = arith.constant 0 : index
    %get3A_57 = arith.constant 0 : index
    %get3A_58 = vector.load %arg6[%get3A_56, %get3A_57] : memref<1x128xf32, #tpu.memory_space<vmem>>, vector<1x128xf32>
    %mul3A_59 = vector.broadcast %get3A_58 : vector<1x128xf32> to vector<10000x128xf32>
    %mul3A_60 = arith.mulf %dot_general3A_30, %mul3A_59 : vector<10000x128xf32>
    %reduce_sum3A_61 = arith.constant dense<0.000000e+00> : vector<10000xf32>
    %reduce_sum3A_62 = vector.multi_reduction <add>, %mul3A_60, %reduce_sum3A_61 [1] : vector<10000x128xf32> to vector<10000xf32>
    %swap3A_63 = arith.constant 0 : index
    %swap3A_64 = arith.constant 0 : index
    %swap3A_65 = arith.constant 0 : index
    %swap3A_66 = vector.load %arg9[%swap3A_63, %swap3A_64, %swap3A_65] : memref<1x1x10000xf32, #tpu.memory_space<vmem>>, vector<1x1x10000xf32>
    %swap3A_67 = vector.shape_cast %swap3A_66 : vector<1x1x10000xf32> to vector<10000xf32>
    %swap3A_68 = vector.shape_cast %reduce_sum3A_62 : vector<10000xf32> to vector<1x1x10000xf32>
    tpu.vector_store %arg9[%swap3A_63, %swap3A_64, %swap3A_65], %swap3A_68 {strides = array<i32>} : memref<1x1x10000xf32, #tpu.memory_space<vmem>>, vector<1x1x10000xf32>,
    return
  }
  func.func @transform_0(%arg0: i32) -> (i32, i32, i32) {
    %c0_i32 = arith.constant 0 : i32
    %c0_i32_0 = arith.constant 0 : i32
    %c0_i32_1 = arith.constant 0 : i32
    return %c0_i32, %arg0, %c0_i32_0 : i32, i32, i32
  }
  func.func @transform_1(%arg0: i32) -> (i32, i32, i32, i32) {
    %c0_i32 = arith.constant 0 : i32
    %c0_i32_0 = arith.constant 0 : i32
    %c0_i32_1 = arith.constant 0 : i32
    %c0_i32_2 = arith.constant 0 : i32
    return %c0_i32, %arg0, %c0_i32_0, %c0_i32_1 : i32, i32, i32, i32
  }
  func.func @transform_2(%arg0: i32) -> (i32, i32) {
    %c0_i32 = arith.constant 0 : i32
    %c0_i32_0 = arith.constant 0 : i32
    %c0_i32_1 = arith.constant 0 : i32
    return %c0_i32, %c0_i32_0 : i32, i32
  }
  func.func @transform_3(%arg0: i32) -> (i32, i32) {
    %c0_i32 = arith.constant 0 : i32
    %c0_i32_0 = arith.constant 0 : i32
    %c0_i32_1 = arith.constant 0 : i32
    return %c0_i32, %c0_i32_0 : i32, i32
  }
  func.func @transform_4(%arg0: i32) -> (i32, i32) {
    %c0_i32 = arith.constant 0 : i32
    %c0_i32_0 = arith.constant 0 : i32
    %c0_i32_1 = arith.constant 0 : i32
    return %c0_i32, %c0_i32_0 : i32, i32
  }
  func.func @transform_5(%arg0: i32) -> (i32, i32) {
    %c0_i32 = arith.constant 0 : i32
    %c0_i32_0 = arith.constant 0 : i32
    %c0_i32_1 = arith.constant 0 : i32
    return %c0_i32, %c0_i32_0 : i32, i32
  }
  func.func @transform_6(%arg0: i32) -> (i32, i32, i32) {
    %c0_i32 = arith.constant 0 : i32
    %c0_i32_0 = arith.constant 0 : i32
    %c0_i32_1 = arith.constant 0 : i32
    return %c0_i32, %arg0, %c0_i32_0 : i32, i32, i32
  }
  func.func @transform_7(%arg0: i32) -> (i32, i32, i32) {
    %c0_i32 = arith.constant 0 : i32
    %c0_i32_0 = arith.constant 0 : i32
    %c0_i32_1 = arith.constant 0 : i32
    return %arg0, %c0_i32, %c0_i32_0 : i32, i32, i32
  }
  func.func @transform_8(%arg0: i32) -> (i32, i32, i32) {
    %c0_i32 = arith.constant 0 : i32
    %c0_i32_0 = arith.constant 0 : i32
    %c0_i32_1 = arith.constant 0 : i32
    return %arg0, %c0_i32, %c0_i32_0 : i32, i32, i32
  }
}

</mosaic_0001>

<sc_bundles>
// kernel: kernel.10.cloned.1.call-start
scs
__scs_entry_jumppad:
0x0: {  	(pc) =	sbr.rel $0x88, $3  }
0x1: {  	(tag) =	ssettag $0x0;
	lr =	simm.s32 $0x1  }
0x2: {  	[smem:$0x3F92] =	sst lr;
	_ =	strace $0xD0000000  }
0x3: {  	_ = 	snop  }
0x4: {  	_ = 	snop  }
0x5: {  	_ = 	snop  }
0x6: {  	_ = 	snop  }
0x7: {  	_ = 	snop  }
__scs_overlays_trampoline_lowered:
0x8: {  	[smem:$0x3FA1] =	sst s0  }
0x9: {  	[smem:$0x3FA2] =	sst s1  }
0xa: {  	[smem:$0x3FA3] =	sst s2  }
0xb: {  	[smem:$0x3FA4] =	sst s3  }
0xc: {  	[smem:$0x3FA5] =	sst s4  }
0xd: {  	[smem:$0x3FA6] =	sst s5  }
0xe: {  	[smem:$0x3FA7] =	sst s6  }
0xf: {  	[smem:$0x3FA8] =	sst s7  }
0x10: {  	[smem:$0x3FA9] =	sst s8  }
0x11: {  	[smem:$0x3FAA] =	sst s9;
	s0 =	simm.s32 @!p0 $0x0  }
0x12: {  	s1 =	sld [smem:$0x3F90];
	s0 =	simm.s32 @p0 $0x1  }
0x13: {  	[smem:$0x3FAB] =	sst s0;
	s0 =	simm.s32 @!p1 $0x0  }
0x14: {  	s2 =	sld [smem:$0x3F8F];
	s0 =	simm.s32 @p1 $0x1  }
0x15: {  	[smem:$0x3FAC] =	sst s0;
	s0 =	simm.s32 @!p2 $0x0  }
0x16: {  	s3 =	sld [smem:$0x3FDB];
	s0 =	simm.s32 @p2 $0x1  }
0x17: {  	s4 =	simm.s32 $0x1BF5;
	[smem:$0x3FAE] =	sst s0  }
0x18: {  	s0 =	sld [smem:$0x3F91];
	_ =	swait.ge [sflag:s4], $0x0  }
0x19: {  	s7 =	sld [smem:$0x3F92]  }
0x1a: {  	s8 =	sadd.s32 $0xFFFFE003, lr  }
0x1b: {  	s9 =	sadd.s32 $0xFFFFFEF7, lr;
	s5 =	simm.s32 $0xFFFFFFFF;
	p2 =	slt.u32 s8, $0xFFFFF086  }
0x1c: {  	p1 =	slt.u32 s9, $0xF7A;
	s5 =	simm.s32 @!p2 $0x0  }
0x1d: {  	s5 =	simm.s32 @p1 $0x1;
	p0 =	seq.s32 s7, s2  }
0x1e: {  	s7 =	smul.u32 @!p0 $0xF7A, s2;
	p2 =	seq.s32 @!p0 s5, $0x0  }
0x1f: {  	s9 =	smul.u32 $0xF7A, s1;
	s8 =	simm.s32 @!p0 $0x1BF5;
	p2 =	por !p2, p0  }
0x20: {  	[sflag:s8] =	ssyncset.s32 @!p0 $0xFFFFF086;
	s6 =	sadd.s32 @!p0 s3, s7;
	s7 =	simm.s32 @!p0 $0x108  }
0x21: {  	s3 =	sadd.s32 s3, s9;
	s6 =	sadd.s32 @!p0 $0x88, s6;
	s7 =	simm.s32 @p2 $0x1082  }
0x22: {  	[simem:s7], [sflag:s8] =	dma.local @!p0 [hbm:s6], $0xF7A  }
0x23: {  	s9 =	sor.u32 $0xD0000000, s2;
	s6 =	simm.s32 $0x108;
	_ =	swait.ge @!p0 [sflag:s8], $0x0  }
0x24: {  	s3 =	sadd.s32 $0x88, s3;
	s6 =	simm.s32 @!p1 $0x1082;
	[sflag:s4] =	ssyncset.s32 $0xFFFFF086  }
0x25: {  	[simem:s6], [sflag:s4] =	dma.local [hbm:s3], $0xF7A  }
0x26: {  	[smem:$0x3F92] =	sst s1;
	(tag) =	ssettag s2;
	_ =	strace s9  }
0x27: {  	s1 =	sld [smem:$0x3FA2]  }
0x28: {  	s2 =	sld [smem:$0x3FA3]  }
0x29: {  	s4 =	sld [smem:$0x3FA5]  }
0x2a: {  	p0 =	seq.s32 s5, $0x0;
	s5 =	sld [smem:$0x3FA6]  }
0x2b: {  	s6 =	sld [smem:$0x3FA7]  }
0x2c: {  	s7 =	sld [smem:$0x3FA8]  }
0x2d: {  	s3 =	simm.s32 $0x108;
	s8 =	sld [smem:$0x3FA9]  }
0x2e: {  	s3 =	simm.s32 @!p0 $0x1082;
	s9 =	sld [smem:$0x3FAA]  }
0x2f: {  	lr =	sadd.s32 s0, s3;
	s0 =	sld [smem:$0x3FA1]  }
0x30: {  	s3 =	sld [smem:$0x3FA4]  }
0x31: {  	[smem:$0x3FAD] =	sst s10  }
0x32: {  	s10 =	sld [smem:$0x3FAB];
	_ =	sdelay $0x3  }
0x33: {  	p0 =	seq.s32 s10, $0x1;
	s10 =	sld [smem:$0x3FAD];
	_ =	sdelay $0x3  }
0x34: {  	[smem:$0x3FAD] =	sst s10  }
0x35: {  	s10 =	sld [smem:$0x3FAC];
	_ =	sdelay $0x3  }
0x36: {  	p1 =	seq.s32 s10, $0x1;
	s10 =	sld [smem:$0x3FAD];
	_ =	sdelay $0x3  }
0x37: {  	[smem:$0x3FAD] =	sst s10  }
0x38: {  	s10 =	sld [smem:$0x3FAE]  }
0x39: {  	_ = 	snop;
	(pc) =	sbr.ind lr, $3  }
0x3a: {  	_ = 	snop  }
0x3b: {  	_ = 	snop  }
0x3c: {  	p2 =	seq.s32 s10, $0x1;
	s10 =	sld [smem:$0x3FAD]  }
0x3d: {  	_ =	shalt  }
0x3e: {  	_ =	shalt  }
0x3f: {  	_ =	shalt  }
0x40: {  	_ =	shalt  }
0x41: {  	_ =	shalt  }
0x42: {  	_ =	shalt  }
0x43: {  	_ =	shalt  }
0x44: {  	_ =	shalt  }
0x45: {  	_ =	shalt  }
0x46: {  	_ =	shalt  }
0x47: {  	_ =	shalt  }
0x48: {  	_ =	shalt  }
0x49: {  	_ =	shalt  }
0x4a: {  	_ =	shalt  }
0x4b: {  	_ =	shalt  }
0x4c: {  	_ =	shalt  }
0x4d: {  	_ =	shalt  }
0x4e: {  	_ =	shalt  }
0x4f: {  	_ =	shalt  }
0x50: {  	_ =	shalt  }
0x51: {  	_ =	shalt  }
0x52: {  	_ =	shalt  }
0x53: {  	_ =	shalt  }
0x54: {  	_ =	shalt  }
0x55: {  	_ =	shalt  }
0x56: {  	_ =	shalt  }
0x57: {  	_ =	shalt  }
0x58: {  	_ =	shalt  }
0x59: {  	_ =	shalt  }
0x5a: {  	_ =	shalt  }
0x5b: {  	_ =	shalt  }
0x5c: {  	_ =	shalt  }
0x5d: {  	_ =	shalt  }
0x5e: {  	_ =	shalt  }
0x5f: {  	_ =	shalt  }
0x60: {  	_ =	shalt  }
0x61: {  	_ =	shalt  }
0x62: {  	_ =	shalt  }
0x63: {  	_ =	shalt  }
0x64: {  	_ =	shalt  }
0x65: {  	_ =	shalt  }
0x66: {  	_ =	shalt  }
0x67: {  	_ =	shalt  }
0x68: {  	_ =	shalt  }
0x69: {  	_ =	shalt  }
0x6a: {  	_ =	shalt  }
0x6b: {  	_ =	shalt  }
0x6c: {  	_ =	shalt  }
0x6d: {  	_ =	shalt  }
0x6e: {  	_ =	shalt  }
0x6f: {  	_ =	shalt  }
0x70: {  	_ =	shalt  }
0x71: {  	_ =	shalt  }
0x72: {  	_ =	shalt  }
0x73: {  	_ =	shalt  }
0x74: {  	_ =	shalt  }
0x75: {  	_ =	shalt  }
0x76: {  	_ =	shalt  }
0x77: {  	_ =	shalt  }
0x78: {  	_ =	shalt  }
0x79: {  	_ =	shalt  }
0x7a: {  	_ =	shalt  }
0x7b: {  	_ =	shalt  }
0x7c: {  	_ =	shalt  }
0x7d: {  	_ =	shalt  }
0x7e: {  	_ =	shalt  }
0x7f: {  	_ =	shalt  }
0x80: {  	_ =	shalt  }
0x81: {  	_ =	shalt  }
0x82: {  	_ =	shalt  }
0x83: {  	_ =	shalt  }
0x84: {  	_ =	shalt  }
0x85: {  	_ =	shalt  }
0x86: {  	_ =	shalt  }
0x87: {  	_ =	shalt  }
.Lfunc_end0:
.L_simem_size_0:
called_computation.1_lowered:
.L_overlay_start_0:
0x88: {  	s2 =	sld [smem:$0x3FD9]  }
0x89: {  	s3 =	sld [smem:$0x3FFE];
	_ =	sdelay $0x1  }
0x8a: {  	s1 =	srdreg.scid  }
0x8b: {  	s0 =	sand.u32 $0x1, s1  }
0x8c: {  	s16 =	sshll.u32 s0, $0xA;
	s2 =	sadd.s32 s3, s2  }
0x8d: {  	s2 =	sadd.s32 s2, s16  }
0x8e: {  	[smem:$0x3FB9] =	sst s2  }
0x8f: {  	_ = 	snop  }
0x90: {  	(tm) =	ssettm $0x1  }
0x91: {  	s17 =	sld [smem:$0x3FFB];
	_ =	sdelay $0x3  }
0x92: {  	_ =	strace s17  }
0x93: {  	s2 =	sld [smem:$0x3FFC];
	_ =	sdelay $0x3  }
0x94: {  	_ =	strace s2  }
0x95: {  	s2 =	sld [smem:$0x3FFD];
	_ =	sdelay $0x3  }
0x96: {  	_ =	strace s2  }
0x97: {  	_ =	strace $0x8FFFFFFF  }
0x98: {  	s18 =	sld [smem:$0x3FDB];
	_ =	sdelay $0x1  }
0x99: {  	s19 =	simm.s32 $_scs_section_size  }
0x9a: {  	s4 =	simm.s32 $_size__tile_overlayer_lowered;
	s5 =	simm.s32 $_tile_overlayer_lowered  }
0x9b: {  	s22 =	simm.s32 $0x1BFF;
	s21 =	sshll.u32 s5, $0x1;
	s2 =	sadd.s32 s19, s18  }
0x9c: {  	s6 =	simm.s32 $0x0;
	s20 =	sshll.u32 s4, $0x1;
	s4 =	sadd.s32 s21, s2  }
0x9d: {  	[timem:s6], [sflag:s22] =	dma.local [hbm:s4], s20  }
0x9e: {  	_ =	swait.ge [sflag:s22], s20  }
0x9f: {  	s3 =	ssub.s32 $0x0, s20;
	[sflag:s22] =	ssyncset.done $0x0  }
0xa0: {  	[sflag:s22] =	ssyncadd.s32 s3;
	_ =	sdelay $0x1  }
0xa1: {  	s23 =	simm.s32 $0x1B8B  }
0xa2: {  	_ =	swait.ge [sflag:s23], $0x1  }
0xa3: {  	[sflag:s23] =	ssyncset.done $0x0  }
0xa4: {  	s25 =	simm.s32 $0x1B8E;
	s24 =	sld [smem:$0x3FFE];
	[sflag:s23] =	ssyncadd.s32 $0xFFFFFFFF  }
0xa5: {  	s26 =	simm.s32 $execute0_lowered;
	[smem:$0x3FD2] =	sst s25  }
0xa6: {  	s4 =	sshll.u32 s26, $0x1;
	_ =	strace $0x80000049;
	[dreg:$0x1] =	wrdreg $0xFFFFFFFF  }
0xa7: {  	s28 =	simm.s32 $_size_execute0_lowered;
	s2 =	sadd.s32 s2, s4;
	[dreg:$0x0] =	wrdreg $0x0  }
0xa8: {  	s4 =	sshll.u32 s28, $0x1;
	[dreg:$0x2] =	wrdreg s2  }
0xa9: {  	[dreg:$0x3] =	wrdreg s4  }
0xaa: {  	[dreg:$0x4] =	wrdreg $0xC0  }
0xab: {  	_ =	task [dreg:s6], $0x5FFFF  }
0xac: {  	[dreg:$0x1] =	wrdreg $0xFFFFFFFF  }
0xad: {  	[dreg:$0x0] =	wrdreg $0x60  }
0xae: {  	[dreg:$0x2] =	wrdreg s24  }
0xaf: {  	[dreg:$0x3] =	wrdreg $0x173A00  }
0xb0: {  	[dreg:$0x4] =	wrdreg $0x1C3A00  }
0xb1: {  	[dreg:$0x5] =	wrdreg $0x9  }
0xb2: {  	_ =	task.clear_ibuf [dreg:s6], $0x6FFFF;
	_ =	strace $0x90000049  }
0xb3: {  	s29 =	simm.s32 $0x9;
	_ =	strace $0x8000004B  }
0xb4: {  	_ =	swait.ge [sflag:s29], $0x1  }
0xb5: {  	[sflag:s29] =	ssyncadd.s32 $0xFFFFFFFF  }
0xb6: {  	_ =	strace $0x9000004B  }
0xb7: {  	_ =	sfence  }
0xb8: {  	s30 =	sld [smem:$0x0];
	_ =	sdelay $0x2  }
0xb9: {  	s31 =	sshll.u32 s1, $0xD;
	s1 =	sshrl.u32 s1, $0x2  }
0xba: {  	s3 =	sand.u32 $0x4000, s31;
	s1 =	sadd.s32 s1, s30  }
0xbb: {  	s0 =	sor.u32 s3, s0;
	s1 =	sshll.u32 s1, $0x11  }
0xbc: {  	s0 =	sor.u32 s1, s0  }
0xbd: {  	s0 =	sadd.s32 $0x8F2B, s0  }
0xbe: {  	[sflag:s0] =	ssyncadd.remote.s32 $0x1  }
0xbf: {  	_ =	sfence.sel $0xFFFF  }
0xc0: {  	[dreg:$0x0] =	wrdreg $0xFFFFFFFF;
	(pc) =	sbr.abs _section_cstart, $3  }
0xc1: {  	[dreg:$0x1] =	wrdreg $0xFFFFFFFF  }
0xc2: {  	_ =	task.clear_ibuf [dreg:s6], $0x2FFFF;
	_ =	strace $0x9FFFFFFF  }
0xc3: {  	(tm) =	ssettm $0x7FFFFFFF  }
tec
execute0_lowered:
.L_overlay_start_1:
0x0: {  	(tag) =	ssettag $0x1  }
0x1: {  	s0 =	rddreg [dreg:$0x0];
	s1 =	srdreg.scid  }
0x2: {  	s2 =	rddreg [dreg:$0x1];
	s13 =	stileid.u32  }
0x3: {  	s3 =	rddreg [dreg:$0x2];
	s5 =	simm.s32 $0x0;
	s4 =	smul.u32 $0x5100, s13  }
0x4: {  	s28 =	simm.s32 $0x14120;
	s29 =	simm.s32 $0x15120;
	s7 =	smul.u32 $0xA000, s13  }
0x5: {  	s30 =	simm.s32 $0x1;
	s31 =	simm.s32 $0x2;
	s9 =	smul.u32 $0x280, s13  }
0x6: {  	s1 =	sand.u32 $0x1, s1;
	[smem:$0x7FF] =	sst s5;
	s13 =	smul.u32 $0x14000, s13  }
0x7: {  	s10 =	sadd.s32 $0x29600, s0;
	s12 =	sadd.s32 $0x29000, s0;
	s6 =	smul.u32 $0x9C40, s1  }
0x8: {  	s8 =	smul.u32 $0xA0000, s1;
	_ =	strace $0x8000004A;
	[dreg:$0x4] =	wrdreg s10  }
0x9: {  	s11 =	smul.u32 $0x2800, s1;
	[dreg:$0x5] =	wrdreg s12;
	s1 =	ssub.s32 $0x2, s1  }
0xa: {  	s21 =	sshrl.u32 s4, $0x3;
	s22 =	sshrl.u32 s1, $0x1;
	s24 =	sshrl.u32 s13, $0x2  }
0xb: {  	s15 =	sadd.s32 s9, s3;
	s6 =	sadd.s32 s6, s0;
	s10 =	sadd.s32 s21, s0  }
0xc: {  	s8 =	sadd.s32 s7, s8;
	s11 =	sadd.s32 s9, s11;
	s1 =	ssub.s32 s1, s22  }
0xd: {  	s7 =	sshrl.u32 s7, $0x1;
	s25 =	sadd.s32 s24, s2;
	s9 =	simm.s32 $0x4E20  }
0xe: {  	s21 =	simm.s32 $0x3;
	s24 =	simm.s32 $0x16120;
	s8 =	sshrl.u32 s8, $0x4  }
0xf: {  	s11 =	sshrl.u32 s11, $0x3;
	s23 =	sadd.s32 $0xB400, s10;
	s10 =	sadd.s32 $0x1200, s10  }
0x10: {  	s26 =	sadd.s32 $0x2000, s25;
	s13 =	sadd.s32 $0x3000, s25;
	s14 =	sadd.s32 $0x4000, s25  }
0x11: {  	s16 =	sadd.s32 $0x15600, s6;
	s19 =	smax.u32 s1, $0x1;
	s1 =	simm.s32 $0x0  }
0x12: {  	s8 =	sadd.s32 s8, s0;
	s0 =	sadd.s32 s11, s0;
	[dreg:$0x6] =	wrdreg s23  }
0x13: {  	[dreg:$0x7] =	wrdreg s10;
	s10 =	sadd.s32 s7, s2;
	s11 =	sadd.s32 $0x1000, s25  }
0x14: {  	[dreg:$0x9] =	wrdreg s26;
	s23 =	simm.s32 $0x2710;
	s26 =	simm.s32 $0x80  }
0x15: {  	v0 =	vimm.bf16 $0.0e+00;
	v1 =	vimm.f32 $0.0e+00;
	[dreg:$0x8] =	wrdreg s11;
	s17 =	sadd.s32 $0x29C00, s8;
	s18 =	sadd.s32 $0x3DC00, s0  }
.LBB2_1:
0x16: {  	s0 =	rddreg [dreg:$0x6]  }
0x17: {  	[tilespmem:s9], [sflag:$0x3] =	stream.linear.gather [hbm4b:s0+s5], $0x5100, $0x38;
	[tilespmem:$0x1C620] =	vst v63  }
0x18: {  	_ =	swait.ge [sflag:s21], $0x5100  }
0x19: {  	[sflag:s21] =	ssyncset.done $0x0  }
0x1a: {  	s6 =	simm.s32 $0x9F20;
	s11 =	rddreg [dreg:$0x7];
	[sflag:s21] =	ssyncadd.s32 $0xFFFFAF00  }
0x1b: {  	[tilespmem:s6], [sflag:$0x3] =	stream.linear.gather [hbm4b:s11+s5], $0x5100, $0x38;
	[tilespmem:$0x1C620] =	vst v63  }
0x1c: {  	_ =	swait.ge [sflag:s21], $0x5100  }
0x1d: {  	[sflag:s21] =	ssyncset.done $0x0  }
0x1e: {  	s12 =	rddreg [dreg:$0x4];
	[sflag:s21] =	ssyncadd.s32 $0xFFFFAF00  }
0x1f: {  	[tilespmem:s5], [sflag:$0x3] =	stream.linear.gather [hbm4b:s12+s5], $0x2710, $0x38;
	[tilespmem:$0x1C620] =	vst v63  }
0x20: {  	_ =	swait.ge [sflag:s21], $0x2710  }
0x21: {  	[sflag:s21] =	ssyncset.done $0x0  }
0x22: {  	s20 =	rddreg [dreg:$0x5];
	[sflag:s21] =	ssyncadd.s32 $0xFFFFD8F0  }
0x23: {  	[tilespmem:s23], [sflag:$0x3] =	stream.linear.gather [hbm4b:s20+s5], $0x2710, $0x38;
	[tilespmem:$0x1C620] =	vst v63  }
0x24: {  	s22 =	sand.u32 $0x3F80, s5;
	s25 =	sand.u32 $0x20, s5;
	_ =	swait.ge [sflag:s21], $0x2710  }
0x25: {  	s0 =	sshrl.u32 s22, $0x2;
	s6 =	sshrl.u32 s25, $0x1;
	[sflag:s21] =	ssyncset.done $0x0  }
0x26: {  	s6 =	sor.u32 s6, s0;
	[sflag:s21] =	ssyncadd.s32 $0xFFFFD8F0  }
0x27: {  	s0 =	simm.s32 $0x40;
	[tilespmem:s6+$0x16120] =	vst v0;
	s6 =	simm.s32 $0x0  }
.LBB2_2:
0x28: {  	p0 =	sne.s32 s0, $0x3FC0  }
.Ltmp0:
0x29: {  	s7 =	sand.u32 $0x3F80, s0;
	s6 =	sadd.s32 $0x20, s6;
	(pc) =	sbr.rel @p0 .LBB2_2-.Ltmp0, $4  }
0x2a: {  	s0 =	sadd.s32 $0x40, s0;
	s8 =	sand.u32 $0x20, s6  }
0x2b: {  	s7 =	sshrl.u32 s7, $0x2;
	s8 =	sshrl.u32 s8, $0x1  }
0x2c: {  	s7 =	sor.u32 s8, s7  }
0x2d: {  	[tilespmem:s7+$0x16120] =	vst v0  }
0x2e: {  	[tilespmem:$0x17120] =	vst v1  }
0x2f: {  	[tilespmem:$0x17130] =	vst v1  }
0x30: {  	[tilespmem:$0x17140] =	vst v1  }
0x31: {  	[tilespmem:$0x17150] =	vst v1  }
0x32: {  	[tilespmem:$0x17160] =	vst v1  }
0x33: {  	[tilespmem:$0x17170] =	vst v1  }
0x34: {  	[tilespmem:$0x17180] =	vst v1  }
0x35: {  	[tilespmem:$0x17190] =	vst v1  }
0x36: {  	[tilespmem:$0x171A0] =	vst v1  }
0x37: {  	[tilespmem:$0x171B0] =	vst v1  }
0x38: {  	[tilespmem:$0x171C0] =	vst v1  }
0x39: {  	[tilespmem:$0x171D0] =	vst v1  }
0x3a: {  	[tilespmem:$0x171E0] =	vst v1  }
0x3b: {  	[tilespmem:$0x171F0] =	vst v1  }
0x3c: {  	[tilespmem:$0x17200] =	vst v1  }
0x3d: {  	[tilespmem:$0x17210] =	vst v1  }
0x3e: {  	[tilespmem:$0x17220] =	vst v1  }
0x3f: {  	[tilespmem:$0x17230] =	vst v1  }
0x40: {  	[tilespmem:$0x17240] =	vst v1  }
0x41: {  	[tilespmem:$0x17250] =	vst v1  }
0x42: {  	[tilespmem:$0x17260] =	vst v1  }
0x43: {  	[tilespmem:$0x17270] =	vst v1  }
0x44: {  	[tilespmem:$0x17280] =	vst v1  }
0x45: {  	[tilespmem:$0x17290] =	vst v1  }
0x46: {  	[tilespmem:$0x172A0] =	vst v1  }
0x47: {  	[tilespmem:$0x172B0] =	vst v1  }
0x48: {  	[tilespmem:$0x172C0] =	vst v1  }
0x49: {  	[tilespmem:$0x172D0] =	vst v1  }
0x4a: {  	[tilespmem:$0x172E0] =	vst v1  }
0x4b: {  	[tilespmem:$0x172F0] =	vst v1  }
0x4c: {  	[tilespmem:$0x17300] =	vst v1  }
0x4d: {  	[tilespmem:$0x17310] =	vst v1  }
0x4e: {  	[tilespmem:$0x17320] =	vst v1  }
0x4f: {  	[tilespmem:$0x17330] =	vst v1  }
0x50: {  	[tilespmem:$0x17340] =	vst v1  }
0x51: {  	[tilespmem:$0x17350] =	vst v1  }
0x52: {  	[tilespmem:$0x17360] =	vst v1  }
0x53: {  	[tilespmem:$0x17370] =	vst v1  }
0x54: {  	[tilespmem:$0x17380] =	vst v1  }
0x55: {  	[tilespmem:$0x17390] =	vst v1  }
0x56: {  	[spmem:s10] =	stream.linear.scatter [tilespmem:s24], [sflag:$0x3], $0x1000, $0x38;
	[tilespmem:$0x1C620] =	vst v63  }
0x57: {  	_ =	swait.ge [sflag:s21], $0x1000  }
0x58: {  	[sflag:s21] =	ssyncset.done $0x0  }
0x59: {  	s0 =	rddreg [dreg:$0x8];
	[sflag:s21] =	ssyncadd.s32 $0xFFFFF000  }
0x5a: {  	[spmem:s0] =	stream.linear.scatter [tilespmem:s24], [sflag:$0x3], $0x1000, $0x38;
	[tilespmem:$0x1C620] =	vst v63  }
0x5b: {  	_ =	swait.ge [sflag:s21], $0x1000  }
0x5c: {  	[sflag:s21] =	ssyncset.done $0x0  }
0x5d: {  	s22 =	rddreg [dreg:$0x9];
	[sflag:s21] =	ssyncadd.s32 $0xFFFFF000  }
0x5e: {  	[spmem:s22] =	stream.linear.scatter [tilespmem:s24], [sflag:$0x3], $0x1000, $0x38;
	[tilespmem:$0x1C620] =	vst v63  }
0x5f: {  	_ =	swait.ge [sflag:s21], $0x1000  }
0x60: {  	[sflag:s21] =	ssyncset.done $0x0  }
0x61: {  	[sflag:s21] =	ssyncadd.s32 $0xFFFFF000  }
0x62: {  	[spmem:s13] =	stream.linear.scatter [tilespmem:s24], [sflag:$0x3], $0x1000, $0x38;
	[tilespmem:$0x1C620] =	vst v63  }
0x63: {  	_ =	swait.ge [sflag:s21], $0x1000  }
0x64: {  	[sflag:s21] =	ssyncset.done $0x0  }
0x65: {  	[sflag:s21] =	ssyncadd.s32 $0xFFFFF000  }
0x66: {  	[spmem:s14] =	stream.linear.scatter [tilespmem:s24], [sflag:$0x3], $0x1000, $0x38;
	[tilespmem:$0x1C620] =	vst v63  }
0x67: {  	_ =	swait.ge [sflag:s21], $0x1000  }
0x68: {  	[sflag:s21] =	ssyncset.done $0x0  }
0x69: {  	s25 =	simm.s32 $0x17120;
	[sflag:s21] =	ssyncadd.s32 $0xFFFFF000  }
0x6a: {  	[spmem:s15] =	stream.linear.scatter [tilespmem:s25], [sflag:$0x3], $0x280, $0x38;
	[tilespmem:$0x1C620] =	vst v63  }
0x6b: {  	_ =	swait.ge [sflag:s21], $0x280  }
0x6c: {  	[sflag:s21] =	ssyncset.done $0x0  }
0x6d: {  	[sflag:s21] =	ssyncadd.s32 $0xFFFFFD80  }
0x6e: {  	s6 =	simm.s32 $0x0;
	[bflag:$0x0] =	sbarrier.arrive $0xFFFF  }
0x6f: {  	v2 =	vld [tilespmem:s6+$0x9F20]  }
0x70: {  	v3 =	vld [tilespmem:s6+$0x4E20];
	_ =	sdelay $0x6  }
0x71: {  	v2 =	vld.idx.msk [tilespmem:v2+s23+$0x0], $0xffff  }
0x72: {  	v3 =	vld.idx.msk [tilespmem:v3+s5+$0x0], $0xffff;
	_ =	sdelay $0x4  }
0x73: {  	v2 =	vadd.f32 v2, v3;
	_ =	sdelay $0x1  }
0x74: {  	v3 =	vmul.f32 $2.000000030e-01, v2  }
0x75: {  	vm0 =	vge.f32 v2, $0.0e+00  }
0x76: {  	v2 =	vsel vm0, v2, v3  }
0x77: {  	v2 =	vmul.f32 $1.442695020e+00, v2;
	_ =	sdelay $0x1  }
0x78: {  	(erf) = vpow2.f32 v2;
	_ =	sdelay $0x2  }
0x79: {  	s0 =	simm.s32 $0x10  }
0x7a: {  	v2 =	vld [tilespmem:s0+$0x9F20]  }
0x7b: {  	v3 =	vld [tilespmem:s0+$0x4E20];
	_ =	sdelay $0x3  }
0x7c: {  	p0 =	slt.u32 s4, $0x50910;
	v4 =	vpop (erf)  }
0x7d: {  	v4 =	vpsel !p0, $0x0, v4  }
0x7e: {  	[tilespmem:s6+$0xF020] =	vst v4  }
0x7f: {  	v2 =	vld.idx.msk [tilespmem:v2+s23+$0x0], $0xffff  }
0x80: {  	v3 =	vld.idx.msk [tilespmem:v3+s5+$0x0], $0xffff;
	_ =	sdelay $0x4  }
0x81: {  	v2 =	vadd.f32 v2, v3;
	_ =	sdelay $0x1  }
0x82: {  	v3 =	vmul.f32 $2.000000030e-01, v2  }
0x83: {  	vm15 =	vge.f32 v2, $0.0e+00  }
0x84: {  	v2 =	vsel vm15, v2, v3  }
0x85: {  	v2 =	vmul.f32 $1.442695020e+00, v2;
	_ =	sdelay $0x1  }
0x86: {  	(erf) = vpow2.f32 v2;
	_ =	sdelay $0x2  }
0x87: {  	s8 =	simm.s32 $0x20  }
0x88: {  	s7 =	simm.s32 $0xC0;
	s6 =	smov.u32 s4;
	v2 =	vld [tilespmem:s8+$0x9F20]  }
.LBB2_4:
0x89: {  	p0 =	sne.s32 s7, $0x143C0;
	v3 =	vld [tilespmem:s8+$0x4E20];
	_ =	sdelay $0x2  }
0x8a: {  	s6 =	sadd.s32 $0x10, s6  }
0x8b: {  	p1 =	slt.u32 s6, $0x50910;
	v4 =	vpop (erf)  }
0x8c: {  	v4 =	vpsel !p1, $0x0, v4  }
0x8d: {  	[tilespmem:s0+$0xF020] =	vst v4;
	s0 =	smov.u32 s8  }
0x8e: {  	v2 =	vld.idx.msk [tilespmem:v2+s23+$0x0], $0xffff  }
0x8f: {  	v3 =	vld.idx.msk [tilespmem:v3+s5+$0x0], $0xffff;
	_ =	sdelay $0x5  }
0x90: {  	v2 =	vadd.f32 v2, v3;
	_ =	sdelay $0x1  }
0x91: {  	v3 =	vmul.f32 $2.000000030e-01, v2  }
0x92: {  	vm0 =	vge.f32 v2, $0.0e+00  }
0x93: {  	v2 =	vsel vm0, v2, v3  }
0x94: {  	v2 =	vmul.f32 $1.442695020e+00, v2;
	_ =	sdelay $0x1  }
.Ltmp1:
0x95: {  	(erf) = vpow2.f32 v2;
	(pc) =	sbr.rel @p0 .LBB2_4-.Ltmp1, $3  }
0x96: {  	_ =	sdelay $0x1  }
0x97: {  	s8 =	sshra.s32 s7, $0x2  }
0x98: {  	s7 =	sadd.s32 $0x40, s7;
	v2 =	vld [tilespmem:s8+$0x9F20]  }
0x99: {  	_ = 	snop  }
0x9a: {  	v3 =	vld [tilespmem:s8+$0x4E20];
	_ =	sdelay $0x2  }
0x9b: {  	s6 =	sadd.s32 $0x10, s6  }
0x9c: {  	p0 =	slt.u32 s6, $0x50910;
	v4 =	vpop (erf)  }
0x9d: {  	v4 =	vpsel !p0, $0x0, v4  }
0x9e: {  	[tilespmem:s0+$0xF020] =	vst v4  }
0x9f: {  	v2 =	vld.idx.msk [tilespmem:v2+s23+$0x0], $0xffff  }
0xa0: {  	v3 =	vld.idx.msk [tilespmem:v3+s5+$0x0], $0xffff;
	_ =	sdelay $0x4  }
0xa1: {  	v2 =	vadd.f32 v2, v3;
	_ =	sdelay $0x1  }
0xa2: {  	v3 =	vmul.f32 $2.000000030e-01, v2  }
0xa3: {  	vm0 =	vge.f32 v2, $0.0e+00  }
0xa4: {  	v2 =	vsel vm0, v2, v3  }
0xa5: {  	v2 =	vmul.f32 $1.442695020e+00, v2;
	_ =	sdelay $0x1  }
0xa6: {  	(erf) = vpow2.f32 v2;
	_ =	sdelay $0x7  }
0xa7: {  	s25 =	sadd.s32 $0x10, s6  }
0xa8: {  	p6 =	slt.u32 s25, $0x50910;
	v2 =	vpop (erf)  }
0xa9: {  	v2 =	vpsel !p6, $0x0, v2  }
0xaa: {  	s22 =	simm.s32 $0x0;
	s25 =	simm.s32 $0xF020;
	s0 =	simm.s32 $0xF0A0;
	[tilespmem:s8+$0xF020] =	vst v2  }
0xab: {  	[tilespmem:s28], [sflag:$0x1] =	stream.indirect.gather [hbm4b:s16+s26], $0x20, s9, s26, $0xb8;
	[tilespmem:$0x1C620] =	vst v63  }
.LBB2_6:
0xac: {  	s7 =	sshll.u32 s22, $0x8  }
0xad: {  	s6 =	sadd.s32 $0x4EA0, s7  }
0xae: {  	[tilespmem:s29], [sflag:$0x2] =	stream.indirect.gather [hbm4b:s16+s26], $0x20, s6, s26, $0xb8;
	[tilespmem:$0x1C620] =	vst v63  }
0xaf: {  	_ =	swait.ge [sflag:s30], $0x1000  }
0xb0: {  	[sflag:s30] =	ssyncset.done $0x0  }
0xb1: {  	s8 =	simm.s32 $0x14220;
	[sflag:s30] =	ssyncadd.s32 $0xFFFFF000  }
0xb2: {  	v6 =	vld [tilespmem:s8+$0x70]  }
0xb3: {  	v4 =	vmov s25;
	v11 =	vld [tilespmem:s8+$0xFFFFFFF0]  }
0xb4: {  	v2 =	vld [tilespmem:s8+$0xE0]  }
0xb5: {  	v5 =	vld [tilespmem:s8+$0xF0]  }
0xb6: {  	v7 =	vld [tilespmem:s8+$0xFFFFFFC0]  }
0xb7: {  	s20 =	simm.s32 $0x0;
	v10 =	vld [tilespmem:s8+$0xFFFFFFB0]  }
0xb8: {  	v3 =	vld.idx.msk [tilespmem:v4+s20+$0x0 ss:$0x1], $0xffff  }
0xb9: {  	v12 =	vld [tilespmem:s8+$0xFFFFFF50]  }
0xba: {  	v15 =	vld [tilespmem:s8+$0xFFFFFF10]  }
0xbb: {  	v16 =	vld [tilespmem:s8+$0xFFFFFF40]  }
0xbc: {  	v14 =	vld [tilespmem:s8+$0xFFFFFF00]  }
0xbd: {  	v19 =	vld [tilespmem:s8+$0x80]  }
0xbe: {  	v13 =	vld [tilespmem:s8+$0xFFFFFFE0];
	v8 =	vbroadcast v3, $0x0;
	v18 =	vbroadcast v3, $0xF  }
0xbf: {  	v9 =	vld [tilespmem:s8+$0x60];
	v21 =	vbroadcast v3, $0x2;
	v23 =	vbroadcast v3, $0xC  }
0xc0: {  	v17 =	vld [tilespmem:s8+$0x90];
	v22 =	vbroadcast v3, $0xE;
	v24 =	vbroadcast v3, $0xB;
	v20 =	vpack.i.f32.bf16 v8, v8  }
0xc1: {  	s9 =	simm.s32 $0x40;
	v8 =	vpack.i.f32.bf16 v18, v18;
	v26 =	vmul.bf16 v14, v20;
	v14 =	vpack.i.f32.bf16 v21, v21;
	v21 =	vld [tilespmem:s8+$0xD0]  }
0xc2: {  	s11 =	simm.s32 $0x14220;
	s6 =	sor.u32 $0x80, s7;
	s20 =	sshll.u32 s22, $0xA;
	v18 =	vbroadcast v3, $0x3;
	v23 =	vpack.i.f32.bf16 v23, v23;
	v25 =	vmul.bf16 v16, v14;
	v16 =	vld [tilespmem:s8+$0xFFFFFF70]  }
.LBB2_7:
0xc3: {  	p0 =	sne.s32 s9, $0x1C0  }
0xc4: {  	[tilespmem:s8+$0xFFFFFF00] =	vst v26;
	v18 =	vpack.i.f32.bf16 v18, v18;
	v26 =	vbroadcast v3, $0x7;
	v19 =	vmul.bf16 v19, v23;
	v27 =	vld [tilespmem:s8+$0xB0];
	s11 =	sadd.s32 $0x200, s11;
	s12 =	smov.u32 s9;
	s9 =	sadd.s32 $0x40, s9  }
0xc5: {  	v28 =	vbroadcast v3, $0xD;
	v22 =	vpack.i.f32.bf16 v22, v22;
	[tilespmem:s8+$0xFFFFFF40] =	vst v25;
	v25 =	vbroadcast v3, $0x4;
	v29 =	vld [tilespmem:s8+$0xC0]  }
0xc6: {  	v15 =	vmul.bf16 v15, v20;
	v20 =	vld [tilespmem:s8+$0xFFFFFF80];
	v26 =	vpack.i.f32.bf16 v26, v26;
	[tilespmem:s8+$0x80] =	vst v19;
	v17 =	vmul.bf16 v17, v23  }
0xc7: {  	v24 =	vpack.i.f32.bf16 v24, v24;
	v23 =	vbroadcast v3, $0x5;
	v19 =	vld [tilespmem:s8+$0xFFFFFF90];
	v21 =	vmul.bf16 v21, v22  }
0xc8: {  	v11 =	vmul.bf16 v11, v26;
	[tilespmem:s8+$0xFFFFFF10] =	vst v15;
	v15 =	vmul.bf16 v16, v18;
	v16 =	vpack.i.f32.bf16 v25, v25;
	v25 =	vld [tilespmem:s8+$0xFFFFFFD0]  }
0xc9: {  	v31 =	vbroadcast v3, $0x9;
	v6 =	vmul.bf16 v6, v24;
	v23 =	vpack.i.f32.bf16 v23, v23;
	v30 =	vld [tilespmem:s8+$0xFFFFFF60];
	[tilespmem:s8+$0xD0] =	vst v21  }
0xca: {  	v28 =	vpack.i.f32.bf16 v28, v28;
	v21 =	vbroadcast v3, $0x6;
	[tilespmem:s8+$0xFFFFFFF0] =	vst v11;
	v11 =	vld [tilespmem:s8+$0x40];
	v22 =	vmul.bf16 v29, v22  }
0xcb: {  	v12 =	vmul.bf16 v12, v14;
	v13 =	vmul.bf16 v13, v26;
	v26 =	vpack.i.f32.bf16 v31, v31;
	v14 =	vld [tilespmem:s8+$0xFFFFFFA0];
	[tilespmem:s8+$0x70] =	vst v6  }
0xcc: {  	v6 =	vmul.bf16 v10, v23;
	v10 =	vpack.i.f32.bf16 v21, v21;
	v19 =	vmul.bf16 v19, v16;
	v21 =	vld [tilespmem:s8+$0x0];
	[tilespmem:s8+$0x90] =	vst v17  }
0xcd: {  	[tilespmem:s8+$0xFFFFFF50] =	vst v12;
	v12 =	vmul.bf16 v20, v16;
	v16 =	vbroadcast v3, $0xA;
	v17 =	vld [tilespmem:s8+$0xA0]  }
0xce: {  	v20 =	vmul.bf16 v25, v10;
	v18 =	vmul.bf16 v30, v18;
	[tilespmem:s8+$0xFFFFFFB0] =	vst v6;
	v25 =	vld [tilespmem:s8+$0x30]  }
0xcf: {  	v9 =	vmul.bf16 v9, v24;
	[tilespmem:s8+$0xFFFFFFE0] =	vst v13;
	v13 =	vbroadcast v3, $0x8;
	v29 =	vld [tilespmem:s8+$0x10];
	v16 =	vpack.i.f32.bf16 v16, v16  }
0xd0: {  	v7 =	vmul.bf16 v7, v10;
	v6 =	vld [tilespmem:s11+$0x70];
	[tilespmem:s8+$0xFFFFFF80] =	vst v12;
	v10 =	vmul.bf16 v11, v16  }
0xd1: {  	v5 =	vmul.bf16 v5, v8;
	v12 =	vmul.bf16 v14, v23;
	v11 =	vld [tilespmem:s8+$0xFFFFFF30];
	[tilespmem:s8+$0xFFFFFF70] =	vst v15;
	v13 =	vpack.i.f32.bf16 v13, v13  }
0xd2: {  	v14 =	vld [tilespmem:s8+$0xFFFFFF20];
	[tilespmem:s8+$0xFFFFFFC0] =	vst v7;
	v7 =	vmul.bf16 v21, v13;
	v15 =	vmul.bf16 v17, v28  }
0xd3: {  	v23 =	vmul.bf16 v27, v28;
	v17 =	vld [tilespmem:s8+$0x20];
	v21 =	vmul.bf16 v25, v26;
	[tilespmem:s8+$0xF0] =	vst v5  }
0xd4: {  	v3 =	vbroadcast v3, $0x1;
	v13 =	vmul.bf16 v29, v13;
	[tilespmem:s8+$0x60] =	vst v9  }
0xd5: {  	v2 =	vmul.bf16 v2, v8;
	[tilespmem:s8+$0x40] =	vst v10  }
0xd6: {  	v3 =	vpack.i.f32.bf16 v3, v3;
	[tilespmem:s8+$0xFFFFFFD0] =	vst v20  }
0xd7: {  	v5 =	vmul.bf16 v14, v3;
	v3 =	vmul.bf16 v11, v3;
	v8 =	vld [tilespmem:s8+$0x50];
	[tilespmem:s8+$0xE0] =	vst v2  }
0xd8: {  	[tilespmem:s8+$0xFFFFFFA0] =	vst v12;
	v9 =	vmul.bf16 v17, v26  }
0xd9: {  	[tilespmem:s8+$0xB0] =	vst v23  }
0xda: {  	[tilespmem:s8+$0xFFFFFF30] =	vst v3  }
0xdb: {  	[tilespmem:s8+$0xC0] =	vst v22  }
0xdc: {  	[tilespmem:s8+$0xFFFFFF20] =	vst v5;
	v3 =	vmul.bf16 v8, v16  }
0xdd: {  	[tilespmem:s8+$0x0] =	vst v7  }
0xde: {  	[tilespmem:s8+$0xA0] =	vst v15  }
0xdf: {  	[tilespmem:s8+$0x30] =	vst v21  }
0xe0: {  	v11 =	vld [tilespmem:s11+$0xFFFFFFF0];
	[tilespmem:s8+$0xFFFFFF60] =	vst v18  }
0xe1: {  	v2 =	vld [tilespmem:s11+$0xE0];
	[tilespmem:s8+$0x20] =	vst v9  }
0xe2: {  	v5 =	vld [tilespmem:s11+$0xF0];
	[tilespmem:s8+$0x10] =	vst v13  }
0xe3: {  	v7 =	vld [tilespmem:s11+$0xFFFFFFC0];
	[tilespmem:s8+$0xFFFFFF90] =	vst v19  }
0xe4: {  	s12 =	sshra.s32 s12, $0x2;
	v10 =	vld [tilespmem:s11+$0xFFFFFFB0];
	[tilespmem:s8+$0x50] =	vst v3;
	s8 =	smov.u32 s11  }
0xe5: {  	v3 =	vld.idx.msk [tilespmem:v4+s12+$0x0 ss:$0x1], $0xffff  }
0xe6: {  	v12 =	vld [tilespmem:s11+$0xFFFFFF50]  }
0xe7: {  	v15 =	vld [tilespmem:s11+$0xFFFFFF10]  }
0xe8: {  	v16 =	vld [tilespmem:s11+$0xFFFFFF40]  }
0xe9: {  	v14 =	vld [tilespmem:s11+$0xFFFFFF00]  }
0xea: {  	v19 =	vld [tilespmem:s11+$0x80]  }
.Ltmp2:
0xeb: {  	v8 =	vbroadcast v3, $0x0;
	v18 =	vbroadcast v3, $0xF;
	v13 =	vld [tilespmem:s11+$0xFFFFFFE0];
	(pc) =	sbr.rel @p0 .LBB2_7-.Ltmp2, $4  }
0xec: {  	v21 =	vbroadcast v3, $0x2;
	v23 =	vbroadcast v3, $0xC;
	v9 =	vld [tilespmem:s11+$0x60]  }
0xed: {  	v22 =	vbroadcast v3, $0xE;
	v20 =	vpack.i.f32.bf16 v8, v8;
	v8 =	vpack.i.f32.bf16 v18, v18;
	v17 =	vld [tilespmem:s11+$0x90]  }
0xee: {  	v18 =	vbroadcast v3, $0x3;
	v26 =	vmul.bf16 v14, v20;
	v14 =	vpack.i.f32.bf16 v21, v21;
	v21 =	vld [tilespmem:s11+$0xD0]  }
0xef: {  	v24 =	vbroadcast v3, $0xB;
	v23 =	vpack.i.f32.bf16 v23, v23;
	v25 =	vmul.bf16 v16, v14;
	v16 =	vld [tilespmem:s11+$0xFFFFFF70]  }
0xf0: {  	[tilespmem:s8+$0xFFFFFF00] =	vst v26;
	v19 =	vmul.bf16 v19, v23  }
0xf1: {  	v15 =	vmul.bf16 v15, v20;
	[tilespmem:s8+$0xFFFFFF40] =	vst v25  }
0xf2: {  	v12 =	vmul.bf16 v12, v14;
	[tilespmem:s8+$0x80] =	vst v19  }
0xf3: {  	v5 =	vmul.bf16 v5, v8;
	[tilespmem:s8+$0xFFFFFF10] =	vst v15  }
0xf4: {  	v2 =	vmul.bf16 v2, v8;
	v24 =	vpack.i.f32.bf16 v24, v24;
	[tilespmem:s8+$0xFFFFFF50] =	vst v12  }
0xf5: {  	v6 =	vmul.bf16 v6, v24;
	[tilespmem:s8+$0xF0] =	vst v5  }
0xf6: {  	v4 =	vbroadcast v3, $0x7;
	v17 =	vmul.bf16 v17, v23;
	[tilespmem:s8+$0xE0] =	vst v2  }
0xf7: {  	v22 =	vpack.i.f32.bf16 v22, v22;
	v15 =	vbroadcast v3, $0x5;
	v9 =	vmul.bf16 v9, v24;
	[tilespmem:s8+$0x70] =	vst v6  }
0xf8: {  	v4 =	vpack.i.f32.bf16 v4, v4;
	v19 =	vmul.bf16 v21, v22;
	v21 =	vld [tilespmem:s8+$0xFFFFFF80];
	[tilespmem:s8+$0x90] =	vst v17  }
0xf9: {  	v11 =	vmul.bf16 v11, v4;
	v15 =	vpack.i.f32.bf16 v15, v15;
	[tilespmem:s8+$0x60] =	vst v9  }
0xfa: {  	v25 =	vld [tilespmem:s8+$0xFFFFFFD0];
	[tilespmem:s8+$0xD0] =	vst v19;
	v19 =	vbroadcast v3, $0x4;
	v10 =	vmul.bf16 v10, v15  }
0xfb: {  	v12 =	vpack.i.f32.bf16 v18, v18;
	v4 =	vmul.bf16 v13, v4;
	v6 =	vld [tilespmem:s8+$0xFFFFFF60];
	v17 =	vbroadcast v3, $0x6;
	[tilespmem:s8+$0xFFFFFFF0] =	vst v11  }
0xfc: {  	v11 =	vld [tilespmem:s8+$0x40];
	v14 =	vpack.i.f32.bf16 v19, v19;
	[tilespmem:s8+$0xFFFFFFB0] =	vst v10;
	v10 =	vmul.bf16 v16, v12  }
0xfd: {  	v9 =	vld [tilespmem:s8+$0xFFFFFF20];
	[tilespmem:s8+$0xFFFFFFE0] =	vst v4;
	v16 =	vpack.i.f32.bf16 v17, v17;
	v18 =	vmul.bf16 v21, v14  }
0xfe: {  	v4 =	vbroadcast v3, $0xA;
	v19 =	vld [tilespmem:s8+$0xFFFFFFA0];
	v7 =	vmul.bf16 v7, v16;
	[tilespmem:s8+$0xFFFFFF70] =	vst v10  }
0xff: {  	v26 =	vld [tilespmem:s8+$0xB0];
	v16 =	vmul.bf16 v25, v16;
	v21 =	vbroadcast v3, $0x1;
	[tilespmem:s8+$0xFFFFFF80] =	vst v18  }
0x100: {  	v8 =	vld [tilespmem:s8+$0xA0];
	v4 =	vpack.i.f32.bf16 v4, v4;
	v6 =	vmul.bf16 v6, v12;
	[tilespmem:s8+$0xFFFFFFC0] =	vst v7  }
0x101: {  	v20 =	vld [tilespmem:s8+$0xC0];
	v5 =	vbroadcast v3, $0xD;
	v7 =	vmul.bf16 v11, v4;
	[tilespmem:s8+$0xFFFFFFD0] =	vst v16;
	v16 =	vpack.i.f32.bf16 v21, v21  }
0x102: {  	v23 =	vld [tilespmem:s8+$0xFFFFFF90];
	v9 =	vmul.bf16 v9, v16;
	[tilespmem:s8+$0xFFFFFF60] =	vst v6  }
0x103: {  	v5 =	vpack.i.f32.bf16 v5, v5;
	v11 =	vld [tilespmem:s8+$0xFFFFFF30];
	[tilespmem:s8+$0x40] =	vst v7;
	v7 =	vmul.bf16 v19, v15  }
0x104: {  	v17 =	vld [tilespmem:s8+$0x30];
	v15 =	vmul.bf16 v26, v5;
	[tilespmem:s8+$0xFFFFFF20] =	vst v9  }
0x105: {  	v2 =	vbroadcast v3, $0x8;
	v18 =	vld [tilespmem:s8+$0x20];
	v5 =	vmul.bf16 v8, v5;
	[tilespmem:s8+$0xFFFFFFA0] =	vst v7  }
0x106: {  	v13 =	vld [tilespmem:s8+$0x0];
	v3 =	vbroadcast v3, $0x9;
	v7 =	vmul.bf16 v20, v22;
	[tilespmem:s8+$0xB0] =	vst v15  }
0x107: {  	v10 =	vld [tilespmem:s8+$0x10];
	[tilespmem:s8+$0xA0] =	vst v5;
	v5 =	vmul.bf16 v23, v14  }
0x108: {  	v3 =	vpack.i.f32.bf16 v3, v3;
	v8 =	vld [tilespmem:s8+$0x50];
	v11 =	vmul.bf16 v11, v16;
	[tilespmem:s8+$0xC0] =	vst v7  }
0x109: {  	v7 =	vmul.bf16 v17, v3;
	[tilespmem:s8+$0xFFFFFF90] =	vst v5  }
0x10a: {  	v2 =	vpack.i.f32.bf16 v2, v2;
	v3 =	vmul.bf16 v18, v3;
	[tilespmem:s8+$0xFFFFFF30] =	vst v11  }
0x10b: {  	v11 =	vmul.bf16 v13, v2;
	[tilespmem:s8+$0x30] =	vst v7  }
0x10c: {  	v2 =	vmul.bf16 v10, v2;
	[tilespmem:s8+$0x20] =	vst v3  }
0x10d: {  	v3 =	vmul.bf16 v8, v4;
	[tilespmem:s8+$0x0] =	vst v11  }
0x10e: {  	[tilespmem:s8+$0x10] =	vst v2  }
0x10f: {  	s11 =	sadd.s32 $0x9F20, s7;
	[tilespmem:s8+$0x50] =	vst v3  }
0x110: {  	[spmem:s2] =	stream.indirect.scatter.add.bf16 [tilespmem:s28], [sflag:$0x3], $0x20, s11, s26, $0xb8;
	[tilespmem:$0x1C620] =	vst v63  }
0x111: {  	_ =	swait.ge [sflag:s21], $0x1000  }
0x112: {  	[sflag:s21] =	ssyncset.done $0x0  }
0x113: {  	s12 =	sadd.s32 $0xF020, s7;
	[sflag:s21] =	ssyncadd.s32 $0xFFFFF000  }
0x114: {  	[spmem:s3] =	stream.indirect.scatter.add.f32 [tilespmem:s12], [sflag:$0x3], $0x1, s11, s26, $0xb8;
	[tilespmem:$0x1C620] =	vst v63  }
0x115: {  	p0 =	seq.s32 s22, $0x50;
	_ =	swait.ge [sflag:s21], $0x80  }
0x116: {  	s7 =	sshrl.u32 @!p0 s20, $0x2;
	s9 =	simm.s32 @!p0 $0x14120;
	[sflag:s21] =	ssyncset.done $0x0  }
0x117: {  	s7 =	sadd.s32 @!p0 $0x4F20, s7;
	s8 =	simm.s32 @!p0 $0x80;
	[sflag:s21] =	ssyncadd.s32 $0xFFFFFF80  }
0x118: {  	[tilespmem:s9], [sflag:$0x1] =	stream.indirect.gather @!p0 [hbm4b:s16+s8], $0x20, s7, s8, $0xb8;
	[tilespmem:$0x1C620] =	vst v63  }
0x119: {  	_ =	swait.ge [sflag:s31], $0x1000  }
0x11a: {  	[sflag:s31] =	ssyncset.done $0x0  }
0x11b: {  	s7 =	simm.s32 $0x15220;
	[sflag:s31] =	ssyncadd.s32 $0xFFFFF000  }
0x11c: {  	v6 =	vld [tilespmem:s7+$0x70]  }
0x11d: {  	v4 =	vmov s0;
	v11 =	vld [tilespmem:s7+$0xFFFFFFF0]  }
0x11e: {  	v2 =	vld [tilespmem:s7+$0xE0]  }
0x11f: {  	v5 =	vld [tilespmem:s7+$0xF0]  }
0x120: {  	v7 =	vld [tilespmem:s7+$0xFFFFFFC0]  }
0x121: {  	s20 =	simm.s32 $0x0;
	v10 =	vld [tilespmem:s7+$0xFFFFFFB0]  }
0x122: {  	v3 =	vld.idx.msk [tilespmem:v4+s20+$0x0 ss:$0x1], $0xffff  }
0x123: {  	v12 =	vld [tilespmem:s7+$0xFFFFFF50]  }
0x124: {  	v15 =	vld [tilespmem:s7+$0xFFFFFF10]  }
0x125: {  	v16 =	vld [tilespmem:s7+$0xFFFFFF40]  }
0x126: {  	v14 =	vld [tilespmem:s7+$0xFFFFFF00]  }
0x127: {  	v19 =	vld [tilespmem:s7+$0x80]  }
0x128: {  	v13 =	vld [tilespmem:s7+$0xFFFFFFE0];
	v8 =	vbroadcast v3, $0x0;
	v18 =	vbroadcast v3, $0xF  }
0x129: {  	v9 =	vld [tilespmem:s7+$0x60];
	v21 =	vbroadcast v3, $0x2;
	v23 =	vbroadcast v3, $0xC  }
0x12a: {  	v17 =	vld [tilespmem:s7+$0x90];
	v22 =	vbroadcast v3, $0xE;
	v24 =	vbroadcast v3, $0xB;
	v20 =	vpack.i.f32.bf16 v8, v8  }
0x12b: {  	v8 =	vpack.i.f32.bf16 v18, v18;
	v26 =	vmul.bf16 v14, v20;
	v14 =	vpack.i.f32.bf16 v21, v21;
	v21 =	vld [tilespmem:s7+$0xD0]  }
0x12c: {  	s11 =	simm.s32 $0x15220;
	s8 =	sadd.s32 $0xF020, s6;
	s9 =	simm.s32 $0x40;
	v18 =	vbroadcast v3, $0x3;
	v23 =	vpack.i.f32.bf16 v23, v23;
	v25 =	vmul.bf16 v16, v14;
	v16 =	vld [tilespmem:s7+$0xFFFFFF70]  }
.LBB2_9:
0x12d: {  	p0 =	sne.s32 s9, $0x1C0  }
0x12e: {  	[tilespmem:s7+$0xFFFFFF00] =	vst v26;
	v18 =	vpack.i.f32.bf16 v18, v18;
	v26 =	vbroadcast v3, $0x7;
	v19 =	vmul.bf16 v19, v23;
	v27 =	vld [tilespmem:s7+$0xB0];
	s11 =	sadd.s32 $0x200, s11;
	s12 =	smov.u32 s9;
	s9 =	sadd.s32 $0x40, s9  }
0x12f: {  	v28 =	vbroadcast v3, $0xD;
	v22 =	vpack.i.f32.bf16 v22, v22;
	[tilespmem:s7+$0xFFFFFF40] =	vst v25;
	v25 =	vbroadcast v3, $0x4;
	v29 =	vld [tilespmem:s7+$0xC0]  }
0x130: {  	v15 =	vmul.bf16 v15, v20;
	v20 =	vld [tilespmem:s7+$0xFFFFFF80];
	v26 =	vpack.i.f32.bf16 v26, v26;
	[tilespmem:s7+$0x80] =	vst v19;
	v17 =	vmul.bf16 v17, v23  }
0x131: {  	v24 =	vpack.i.f32.bf16 v24, v24;
	v23 =	vbroadcast v3, $0x5;
	v19 =	vld [tilespmem:s7+$0xFFFFFF90];
	v21 =	vmul.bf16 v21, v22  }
0x132: {  	v11 =	vmul.bf16 v11, v26;
	[tilespmem:s7+$0xFFFFFF10] =	vst v15;
	v15 =	vmul.bf16 v16, v18;
	v16 =	vpack.i.f32.bf16 v25, v25;
	v25 =	vld [tilespmem:s7+$0xFFFFFFD0]  }
0x133: {  	v31 =	vbroadcast v3, $0x9;
	v6 =	vmul.bf16 v6, v24;
	v23 =	vpack.i.f32.bf16 v23, v23;
	v30 =	vld [tilespmem:s7+$0xFFFFFF60];
	[tilespmem:s7+$0xD0] =	vst v21  }
0x134: {  	v28 =	vpack.i.f32.bf16 v28, v28;
	v21 =	vbroadcast v3, $0x6;
	[tilespmem:s7+$0xFFFFFFF0] =	vst v11;
	v11 =	vld [tilespmem:s7+$0x40];
	v22 =	vmul.bf16 v29, v22  }
0x135: {  	v12 =	vmul.bf16 v12, v14;
	v13 =	vmul.bf16 v13, v26;
	v26 =	vpack.i.f32.bf16 v31, v31;
	v14 =	vld [tilespmem:s7+$0xFFFFFFA0];
	[tilespmem:s7+$0x70] =	vst v6  }
0x136: {  	v6 =	vmul.bf16 v10, v23;
	v10 =	vpack.i.f32.bf16 v21, v21;
	v19 =	vmul.bf16 v19, v16;
	v21 =	vld [tilespmem:s7+$0x0];
	[tilespmem:s7+$0x90] =	vst v17  }
0x137: {  	[tilespmem:s7+$0xFFFFFF50] =	vst v12;
	v12 =	vmul.bf16 v20, v16;
	v16 =	vbroadcast v3, $0xA;
	v17 =	vld [tilespmem:s7+$0xA0]  }
0x138: {  	v20 =	vmul.bf16 v25, v10;
	v18 =	vmul.bf16 v30, v18;
	[tilespmem:s7+$0xFFFFFFB0] =	vst v6;
	v25 =	vld [tilespmem:s7+$0x30]  }
0x139: {  	v9 =	vmul.bf16 v9, v24;
	[tilespmem:s7+$0xFFFFFFE0] =	vst v13;
	v13 =	vbroadcast v3, $0x8;
	v29 =	vld [tilespmem:s7+$0x10];
	v16 =	vpack.i.f32.bf16 v16, v16  }
0x13a: {  	v7 =	vmul.bf16 v7, v10;
	v6 =	vld [tilespmem:s11+$0x70];
	[tilespmem:s7+$0xFFFFFF80] =	vst v12;
	v10 =	vmul.bf16 v11, v16  }
0x13b: {  	v5 =	vmul.bf16 v5, v8;
	v12 =	vmul.bf16 v14, v23;
	v11 =	vld [tilespmem:s7+$0xFFFFFF30];
	[tilespmem:s7+$0xFFFFFF70] =	vst v15;
	v13 =	vpack.i.f32.bf16 v13, v13  }
0x13c: {  	v14 =	vld [tilespmem:s7+$0xFFFFFF20];
	[tilespmem:s7+$0xFFFFFFC0] =	vst v7;
	v7 =	vmul.bf16 v21, v13;
	v15 =	vmul.bf16 v17, v28  }
0x13d: {  	v23 =	vmul.bf16 v27, v28;
	v17 =	vld [tilespmem:s7+$0x20];
	v21 =	vmul.bf16 v25, v26;
	[tilespmem:s7+$0xF0] =	vst v5  }
0x13e: {  	v3 =	vbroadcast v3, $0x1;
	v13 =	vmul.bf16 v29, v13;
	[tilespmem:s7+$0x60] =	vst v9  }
0x13f: {  	v2 =	vmul.bf16 v2, v8;
	[tilespmem:s7+$0x40] =	vst v10  }
0x140: {  	v3 =	vpack.i.f32.bf16 v3, v3;
	[tilespmem:s7+$0xFFFFFFD0] =	vst v20  }
0x141: {  	v5 =	vmul.bf16 v14, v3;
	v3 =	vmul.bf16 v11, v3;
	v8 =	vld [tilespmem:s7+$0x50];
	[tilespmem:s7+$0xE0] =	vst v2  }
0x142: {  	[tilespmem:s7+$0xFFFFFFA0] =	vst v12;
	v9 =	vmul.bf16 v17, v26  }
0x143: {  	[tilespmem:s7+$0xB0] =	vst v23  }
0x144: {  	[tilespmem:s7+$0xFFFFFF30] =	vst v3  }
0x145: {  	[tilespmem:s7+$0xC0] =	vst v22  }
0x146: {  	[tilespmem:s7+$0xFFFFFF20] =	vst v5;
	v3 =	vmul.bf16 v8, v16  }
0x147: {  	[tilespmem:s7+$0x0] =	vst v7  }
0x148: {  	[tilespmem:s7+$0xA0] =	vst v15  }
0x149: {  	[tilespmem:s7+$0x30] =	vst v21  }
0x14a: {  	v11 =	vld [tilespmem:s11+$0xFFFFFFF0];
	[tilespmem:s7+$0xFFFFFF60] =	vst v18  }
0x14b: {  	v2 =	vld [tilespmem:s11+$0xE0];
	[tilespmem:s7+$0x20] =	vst v9  }
0x14c: {  	v5 =	vld [tilespmem:s11+$0xF0];
	[tilespmem:s7+$0x10] =	vst v13  }
0x14d: {  	v7 =	vld [tilespmem:s11+$0xFFFFFFC0];
	[tilespmem:s7+$0xFFFFFF90] =	vst v19  }
0x14e: {  	s12 =	sshra.s32 s12, $0x2;
	v10 =	vld [tilespmem:s11+$0xFFFFFFB0];
	[tilespmem:s7+$0x50] =	vst v3;
	s7 =	smov.u32 s11  }
0x14f: {  	v3 =	vld.idx.msk [tilespmem:v4+s12+$0x0 ss:$0x1], $0xffff  }
0x150: {  	v12 =	vld [tilespmem:s11+$0xFFFFFF50]  }
0x151: {  	v15 =	vld [tilespmem:s11+$0xFFFFFF10]  }
0x152: {  	v16 =	vld [tilespmem:s11+$0xFFFFFF40]  }
0x153: {  	v14 =	vld [tilespmem:s11+$0xFFFFFF00]  }
0x154: {  	v19 =	vld [tilespmem:s11+$0x80]  }
.Ltmp3:
0x155: {  	v8 =	vbroadcast v3, $0x0;
	v18 =	vbroadcast v3, $0xF;
	v13 =	vld [tilespmem:s11+$0xFFFFFFE0];
	(pc) =	sbr.rel @p0 .LBB2_9-.Ltmp3, $4  }
0x156: {  	v21 =	vbroadcast v3, $0x2;
	v23 =	vbroadcast v3, $0xC;
	v9 =	vld [tilespmem:s11+$0x60]  }
0x157: {  	v22 =	vbroadcast v3, $0xE;
	v20 =	vpack.i.f32.bf16 v8, v8;
	v8 =	vpack.i.f32.bf16 v18, v18;
	v17 =	vld [tilespmem:s11+$0x90]  }
0x158: {  	v18 =	vbroadcast v3, $0x3;
	v26 =	vmul.bf16 v14, v20;
	v14 =	vpack.i.f32.bf16 v21, v21;
	v21 =	vld [tilespmem:s11+$0xD0]  }
0x159: {  	v24 =	vbroadcast v3, $0xB;
	v23 =	vpack.i.f32.bf16 v23, v23;
	v25 =	vmul.bf16 v16, v14;
	v16 =	vld [tilespmem:s11+$0xFFFFFF70]  }
0x15a: {  	[tilespmem:s7+$0xFFFFFF00] =	vst v26;
	v19 =	vmul.bf16 v19, v23  }
0x15b: {  	v15 =	vmul.bf16 v15, v20;
	[tilespmem:s7+$0xFFFFFF40] =	vst v25  }
0x15c: {  	v12 =	vmul.bf16 v12, v14;
	[tilespmem:s7+$0x80] =	vst v19  }
0x15d: {  	v5 =	vmul.bf16 v5, v8;
	[tilespmem:s7+$0xFFFFFF10] =	vst v15  }
0x15e: {  	v2 =	vmul.bf16 v2, v8;
	v24 =	vpack.i.f32.bf16 v24, v24;
	[tilespmem:s7+$0xFFFFFF50] =	vst v12  }
0x15f: {  	v6 =	vmul.bf16 v6, v24;
	[tilespmem:s7+$0xF0] =	vst v5  }
0x160: {  	v4 =	vbroadcast v3, $0x7;
	v17 =	vmul.bf16 v17, v23;
	[tilespmem:s7+$0xE0] =	vst v2  }
0x161: {  	v22 =	vpack.i.f32.bf16 v22, v22;
	v32 =	vbroadcast v3, $0x5;
	v9 =	vmul.bf16 v9, v24;
	[tilespmem:s7+$0x70] =	vst v6  }
0x162: {  	v4 =	vpack.i.f32.bf16 v4, v4;
	v30 =	vmul.bf16 v21, v22;
	[tilespmem:s7+$0x90] =	vst v17  }
0x163: {  	v31 =	vld [tilespmem:s7+$0xFFFFFF80];
	v39 =	vbroadcast v3, $0x6;
	v15 =	vpack.i.f32.bf16 v32, v32;
	v11 =	vmul.bf16 v11, v4;
	[tilespmem:s7+$0x60] =	vst v9  }
0x164: {  	v33 =	vld [tilespmem:s7+$0xFFFFFFD0];
	v10 =	vmul.bf16 v10, v15;
	[tilespmem:s7+$0xD0] =	vst v30  }
0x165: {  	v35 =	vbroadcast v3, $0x4;
	v40 =	vld [tilespmem:s7+$0xFFFFFFA0];
	v45 =	vpack.i.f32.bf16 v39, v39;
	v4 =	vmul.bf16 v13, v4;
	[tilespmem:s7+$0xFFFFFFF0] =	vst v11  }
0x166: {  	v28 =	vld [tilespmem:s7+$0xB0];
	v41 =	vpack.i.f32.bf16 v18, v18;
	v7 =	vmul.bf16 v7, v45;
	[tilespmem:s7+$0xFFFFFFB0] =	vst v10  }
0x167: {  	v50 =	vld [tilespmem:s7+$0xFFFFFF30];
	v38 =	vpack.i.f32.bf16 v35, v35;
	v44 =	vmul.bf16 v16, v41;
	[tilespmem:s7+$0xFFFFFFE0] =	vst v4  }
0x168: {  	v29 =	vld [tilespmem:s7+$0xC0];
	v51 =	vbroadcast v3, $0xD;
	v43 =	vmul.bf16 v31, v38;
	[tilespmem:s7+$0xFFFFFFC0] =	vst v7  }
0x169: {  	v53 =	vld [tilespmem:s7+$0xFFFFFF20];
	v54 =	vbroadcast v3, $0x1;
	v16 =	vmul.bf16 v33, v45;
	[tilespmem:s7+$0xFFFFFF70] =	vst v44  }
0x16a: {  	v42 =	vld [tilespmem:s7+$0x0];
	v5 =	vpack.i.f32.bf16 v51, v51;
	v55 =	vmul.bf16 v40, v15;
	[tilespmem:s7+$0xFFFFFF80] =	vst v43  }
0x16b: {  	v56 =	vld [tilespmem:s7+$0xA0];
	v58 =	vpack.i.f32.bf16 v54, v54;
	v57 =	vmul.bf16 v28, v5;
	[tilespmem:s7+$0xFFFFFFD0] =	vst v16  }
0x16c: {  	v47 =	vld [tilespmem:s7+$0x30];
	v2 =	vbroadcast v3, $0x8;
	v11 =	vmul.bf16 v50, v58;
	[tilespmem:s7+$0xFFFFFFA0] =	vst v55  }
0x16d: {  	v37 =	vld [tilespmem:s7+$0xFFFFFF60];
	v46 =	vbroadcast v3, $0xA;
	v59 =	vmul.bf16 v29, v22;
	[tilespmem:s7+$0xB0] =	vst v57  }
0x16e: {  	v52 =	vld [tilespmem:s7+$0x20];
	v3 =	vbroadcast v3, $0x9;
	v2 =	vpack.i.f32.bf16 v2, v2;
	v9 =	vmul.bf16 v53, v58;
	[tilespmem:s7+$0xFFFFFF30] =	vst v11  }
0x16f: {  	v48 =	vld [tilespmem:s7+$0x10];
	v60 =	vmul.bf16 v42, v2;
	[tilespmem:s7+$0xC0] =	vst v59  }
0x170: {  	v36 =	vld [tilespmem:s7+$0xFFFFFF90];
	v3 =	vpack.i.f32.bf16 v3, v3;
	v5 =	vmul.bf16 v56, v5;
	[tilespmem:s7+$0xFFFFFF20] =	vst v9  }
0x171: {  	v34 =	vld [tilespmem:s7+$0x40];
	v61 =	vmul.bf16 v47, v3;
	[tilespmem:s7+$0x0] =	vst v60  }
0x172: {  	v62 =	vld [tilespmem:s7+$0x50];
	v6 =	vmul.bf16 v37, v41;
	[tilespmem:s7+$0xA0] =	vst v5  }
0x173: {  	v3 =	vmul.bf16 v52, v3;
	[tilespmem:s7+$0x30] =	vst v61  }
0x174: {  	v2 =	vmul.bf16 v48, v2;
	[tilespmem:s7+$0xFFFFFF60] =	vst v6  }
0x175: {  	v4 =	vpack.i.f32.bf16 v46, v46;
	v63 =	vmul.bf16 v36, v38;
	[tilespmem:s7+$0x20] =	vst v3  }
0x176: {  	v49 =	vmul.bf16 v34, v4;
	[tilespmem:s7+$0x10] =	vst v2  }
0x177: {  	v3 =	vmul.bf16 v62, v4;
	[tilespmem:s7+$0xFFFFFF90] =	vst v63  }
0x178: {  	[tilespmem:s7+$0x40] =	vst v49  }
0x179: {  	s6 =	sadd.s32 $0x9F20, s6;
	[tilespmem:s7+$0x50] =	vst v3  }
0x17a: {  	[spmem:s2] =	stream.indirect.scatter.add.bf16 [tilespmem:s29], [sflag:$0x3], $0x20, s6, s26, $0xb8;
	[tilespmem:$0x1C620] =	vst v63  }
0x17b: {  	s22 =	sadd.s32 $0x1, s22;
	_ =	swait.ge [sflag:s21], $0x1000  }
0x17c: {  	p0 =	sne.s32 s22, $0x51;
	[sflag:s21] =	ssyncset.done $0x0  }
.Ltmp4:
0x17d: {  	[sflag:s21] =	ssyncadd.s32 $0xFFFFF000;
	(pc) =	sbr.rel @p0 .LBB2_6-.Ltmp4, $4  }
0x17e: {  	[spmem:s3] =	stream.indirect.scatter.add.f32 [tilespmem:s8], [sflag:$0x3], $0x1, s6, s26, $0xb8;
	[tilespmem:$0x1C620] =	vst v63  }
0x17f: {  	_ =	swait.ge [sflag:s21], $0x80  }
0x180: {  	[sflag:s21] =	ssyncset.done $0x0  }
0x181: {  	s25 =	sadd.s32 $0x100, s25;
	s0 =	sadd.s32 $0x100, s0;
	[sflag:s21] =	ssyncadd.s32 $0xFFFFFF80  }
0x182: {  	s0 =	stileid.u32  }
0x183: {  	s0 =	sshll.u32 s0, $0x6  }
0x184: {  	[bflag:$0x0] =	sbarrier.arrive $0xFFFF;
	s6 =	sshrl.u32 s10, $0x3;
	s0 =	sor.u32 $0x1C03, s0  }
0x185: {  	[hbm:s17], [sflag:s0] =	dma.local [spmem:s6], $0xA00  }
0x186: {  	s1 =	sadd.s32 $0x1, s1;
	_ =	swait.ge [sflag:s21], $0xA00  }
0x187: {  	p0 =	sne.s32 s1, s19;
	[sflag:s21] =	ssyncset.done $0x0  }
.Ltmp5:
0x188: {  	s25 =	sshrl.u32 s15, $0x3;
	[sflag:s21] =	ssyncadd.s32 $0xFFFFF600;
	(pc) =	sbr.rel @p0 .LBB2_1-.Ltmp5, $4  }
0x189: {  	[hbm:s18], [sflag:s0] =	dma.local [spmem:s25], $0x50  }
0x18a: {  	_ =	swait.ge [sflag:s21], $0x50  }
0x18b: {  	[sflag:s21] =	ssyncset.done $0x0  }
0x18c: {  	s9 =	simm.s32 $0x4E20;
	[sflag:s21] =	ssyncadd.s32 $0xFFFFFFB0  }
0x18d: {  	_ =	sfence.sel $0x180000  }
0x18e: {  	[bflag:$0x0] =	sbarrier.arrive $0xFFFF  }
0x18f: {  	_ =	strace $0x9000004A  }
0x190: {  	s0 =	stileid.u32;
	[bflag:$0x2] =	sbarrier.arrive $0xFFFF  }
0x191: {  	p0 =	sne.s32 s0, $0x0;
	s0 =	rddreg [dreg:$0x3]  }
0x192: {  	s0 =	sadd.s32 @!p0 $0x100000, s0  }
0x193: {  	[sflag:s0] =	ssyncadd.tile.s32 @!p0 $0x1;
	_ =	shalt  }
.Lfunc_end2:
_tile_overlayer_lowered:
.L_overlay_start_2:
0x194: {  	(tag) =	ssettag $0x2  }
0x195: {  	s0 =	rddreg [dreg:$0x0];
	s2 =	stileid.u32  }
0x196: {  	s1 =	rddreg [dreg:$0x1];
	p0 =	sne.s32 s2, $0x0  }
0x197: {  	s3 =	rddreg [dreg:$0x2];
	[bflag:$0x3] =	sbarrier.arrive $0xFFFF;
	s2 =	simm.s32 @!p0 $0x1C03  }
0x198: {  	[timem:s3], [sflag:s2] =	dma.local @!p0 [hbm:s0], s1  }
0x199: {  	s0 =	simm.s32 @!p0 $0x3  }
0x19a: {  	_ =	swait.ge @!p0 [sflag:s0], s1  }
0x19b: {  	s1 =	ssub.s32 @!p0 $0x0, s1;
	[sflag:s0] =	ssyncset.done @!p0 $0x0  }
0x19c: {  	[sflag:s0] =	ssyncadd.s32 @!p0 s1  }
0x19d: {  	[bflag:$0x3] =	sbarrier.arrive $0xFFFF  }
0x19e: {  	_ =	shalt  }

// kernel: kernel.7.cloned.1.call-start
scs
__scs_entry_jumppad:
0x0: {  	(pc) =	sbr.rel $0x88, $3  }
0x1: {  	(tag) =	ssettag $0x0;
	lr =	simm.s32 $0x1  }
0x2: {  	[smem:$0x3F92] =	sst lr;
	_ =	strace $0xD0000000  }
0x3: {  	_ = 	snop  }
0x4: {  	_ = 	snop  }
0x5: {  	_ = 	snop  }
0x6: {  	_ = 	snop  }
0x7: {  	_ = 	snop  }
__scs_overlays_trampoline_lowered:
0x8: {  	[smem:$0x3FA1] =	sst s0  }
0x9: {  	[smem:$0x3FA2] =	sst s1  }
0xa: {  	[smem:$0x3FA3] =	sst s2  }
0xb: {  	[smem:$0x3FA4] =	sst s3  }
0xc: {  	[smem:$0x3FA5] =	sst s4  }
0xd: {  	[smem:$0x3FA6] =	sst s5  }
0xe: {  	[smem:$0x3FA7] =	sst s6  }
0xf: {  	[smem:$0x3FA8] =	sst s7  }
0x10: {  	[smem:$0x3FA9] =	sst s8  }
0x11: {  	[smem:$0x3FAA] =	sst s9;
	s0 =	simm.s32 @!p0 $0x0  }
0x12: {  	s1 =	sld [smem:$0x3F90];
	s0 =	simm.s32 @p0 $0x1  }
0x13: {  	[smem:$0x3FAB] =	sst s0;
	s0 =	simm.s32 @!p1 $0x0  }
0x14: {  	s2 =	sld [smem:$0x3F8F];
	s0 =	simm.s32 @p1 $0x1  }
0x15: {  	[smem:$0x3FAC] =	sst s0;
	s0 =	simm.s32 @!p2 $0x0  }
0x16: {  	s3 =	sld [smem:$0x3FDB];
	s0 =	simm.s32 @p2 $0x1  }
0x17: {  	s4 =	simm.s32 $0x1BF5;
	[smem:$0x3FAE] =	sst s0  }
0x18: {  	s0 =	sld [smem:$0x3F91];
	_ =	swait.ge [sflag:s4], $0x0  }
0x19: {  	s7 =	sld [smem:$0x3F92]  }
0x1a: {  	s8 =	sadd.s32 $0xFFFFE003, lr  }
0x1b: {  	s9 =	sadd.s32 $0xFFFFFEF7, lr;
	s5 =	simm.s32 $0xFFFFFFFF;
	p2 =	slt.u32 s8, $0xFFFFF086  }
0x1c: {  	p1 =	slt.u32 s9, $0xF7A;
	s5 =	simm.s32 @!p2 $0x0  }
0x1d: {  	s5 =	simm.s32 @p1 $0x1;
	p0 =	seq.s32 s7, s2  }
0x1e: {  	s7 =	smul.u32 @!p0 $0xF7A, s2;
	p2 =	seq.s32 @!p0 s5, $0x0  }
0x1f: {  	s9 =	smul.u32 $0xF7A, s1;
	s8 =	simm.s32 @!p0 $0x1BF5;
	p2 =	por !p2, p0  }
0x20: {  	[sflag:s8] =	ssyncset.s32 @!p0 $0xFFFFF086;
	s6 =	sadd.s32 @!p0 s3, s7;
	s7 =	simm.s32 @!p0 $0x108  }
0x21: {  	s3 =	sadd.s32 s3, s9;
	s6 =	sadd.s32 @!p0 $0x88, s6;
	s7 =	simm.s32 @p2 $0x1082  }
0x22: {  	[simem:s7], [sflag:s8] =	dma.local @!p0 [hbm:s6], $0xF7A  }
0x23: {  	s9 =	sor.u32 $0xD0000000, s2;
	s6 =	simm.s32 $0x108;
	_ =	swait.ge @!p0 [sflag:s8], $0x0  }
0x24: {  	s3 =	sadd.s32 $0x88, s3;
	s6 =	simm.s32 @!p1 $0x1082;
	[sflag:s4] =	ssyncset.s32 $0xFFFFF086  }
0x25: {  	[simem:s6], [sflag:s4] =	dma.local [hbm:s3], $0xF7A  }
0x26: {  	[smem:$0x3F92] =	sst s1;
	(tag) =	ssettag s2;
	_ =	strace s9  }
0x27: {  	s1 =	sld [smem:$0x3FA2]  }
0x28: {  	s2 =	sld [smem:$0x3FA3]  }
0x29: {  	s4 =	sld [smem:$0x3FA5]  }
0x2a: {  	p0 =	seq.s32 s5, $0x0;
	s5 =	sld [smem:$0x3FA6]  }
0x2b: {  	s6 =	sld [smem:$0x3FA7]  }
0x2c: {  	s7 =	sld [smem:$0x3FA8]  }
0x2d: {  	s3 =	simm.s32 $0x108;
	s8 =	sld [smem:$0x3FA9]  }
0x2e: {  	s3 =	simm.s32 @!p0 $0x1082;
	s9 =	sld [smem:$0x3FAA]  }
0x2f: {  	lr =	sadd.s32 s0, s3;
	s0 =	sld [smem:$0x3FA1]  }
0x30: {  	s3 =	sld [smem:$0x3FA4]  }
0x31: {  	[smem:$0x3FAD] =	sst s10  }
0x32: {  	s10 =	sld [smem:$0x3FAB];
	_ =	sdelay $0x3  }
0x33: {  	p0 =	seq.s32 s10, $0x1;
	s10 =	sld [smem:$0x3FAD];
	_ =	sdelay $0x3  }
0x34: {  	[smem:$0x3FAD] =	sst s10  }
0x35: {  	s10 =	sld [smem:$0x3FAC];
	_ =	sdelay $0x3  }
0x36: {  	p1 =	seq.s32 s10, $0x1;
	s10 =	sld [smem:$0x3FAD];
	_ =	sdelay $0x3  }
0x37: {  	[smem:$0x3FAD] =	sst s10  }
0x38: {  	s10 =	sld [smem:$0x3FAE]  }
0x39: {  	_ = 	snop;
	(pc) =	sbr.ind lr, $3  }
0x3a: {  	_ = 	snop  }
0x3b: {  	_ = 	snop  }
0x3c: {  	p2 =	seq.s32 s10, $0x1;
	s10 =	sld [smem:$0x3FAD]  }
0x3d: {  	_ =	shalt  }
0x3e: {  	_ =	shalt  }
0x3f: {  	_ =	shalt  }
0x40: {  	_ =	shalt  }
0x41: {  	_ =	shalt  }
0x42: {  	_ =	shalt  }
0x43: {  	_ =	shalt  }
0x44: {  	_ =	shalt  }
0x45: {  	_ =	shalt  }
0x46: {  	_ =	shalt  }
0x47: {  	_ =	shalt  }
0x48: {  	_ =	shalt  }
0x49: {  	_ =	shalt  }
0x4a: {  	_ =	shalt  }
0x4b: {  	_ =	shalt  }
0x4c: {  	_ =	shalt  }
0x4d: {  	_ =	shalt  }
0x4e: {  	_ =	shalt  }
0x4f: {  	_ =	shalt  }
0x50: {  	_ =	shalt  }
0x51: {  	_ =	shalt  }
0x52: {  	_ =	shalt  }
0x53: {  	_ =	shalt  }
0x54: {  	_ =	shalt  }
0x55: {  	_ =	shalt  }
0x56: {  	_ =	shalt  }
0x57: {  	_ =	shalt  }
0x58: {  	_ =	shalt  }
0x59: {  	_ =	shalt  }
0x5a: {  	_ =	shalt  }
0x5b: {  	_ =	shalt  }
0x5c: {  	_ =	shalt  }
0x5d: {  	_ =	shalt  }
0x5e: {  	_ =	shalt  }
0x5f: {  	_ =	shalt  }
0x60: {  	_ =	shalt  }
0x61: {  	_ =	shalt  }
0x62: {  	_ =	shalt  }
0x63: {  	_ =	shalt  }
0x64: {  	_ =	shalt  }
0x65: {  	_ =	shalt  }
0x66: {  	_ =	shalt  }
0x67: {  	_ =	shalt  }
0x68: {  	_ =	shalt  }
0x69: {  	_ =	shalt  }
0x6a: {  	_ =	shalt  }
0x6b: {  	_ =	shalt  }
0x6c: {  	_ =	shalt  }
0x6d: {  	_ =	shalt  }
0x6e: {  	_ =	shalt  }
0x6f: {  	_ =	shalt  }
0x70: {  	_ =	shalt  }
0x71: {  	_ =	shalt  }
0x72: {  	_ =	shalt  }
0x73: {  	_ =	shalt  }
0x74: {  	_ =	shalt  }
0x75: {  	_ =	shalt  }
0x76: {  	_ =	shalt  }
0x77: {  	_ =	shalt  }
0x78: {  	_ =	shalt  }
0x79: {  	_ =	shalt  }
0x7a: {  	_ =	shalt  }
0x7b: {  	_ =	shalt  }
0x7c: {  	_ =	shalt  }
0x7d: {  	_ =	shalt  }
0x7e: {  	_ =	shalt  }
0x7f: {  	_ =	shalt  }
0x80: {  	_ =	shalt  }
0x81: {  	_ =	shalt  }
0x82: {  	_ =	shalt  }
0x83: {  	_ =	shalt  }
0x84: {  	_ =	shalt  }
0x85: {  	_ =	shalt  }
0x86: {  	_ =	shalt  }
0x87: {  	_ =	shalt  }
.Lfunc_end0:
.L_simem_size_0:
called_computation_lowered:
.L_overlay_start_0:
0x88: {  	s2 =	sld [smem:$0x3FD9]  }
0x89: {  	s3 =	sld [smem:$0x3FFE];
	_ =	sdelay $0x1  }
0x8a: {  	s1 =	srdreg.scid  }
0x8b: {  	s0 =	sand.u32 $0x1, s1  }
0x8c: {  	s16 =	sshll.u32 s0, $0xA;
	s2 =	sadd.s32 s3, s2  }
0x8d: {  	s2 =	sadd.s32 s2, s16  }
0x8e: {  	[smem:$0x3FB9] =	sst s2  }
0x8f: {  	_ = 	snop  }
0x90: {  	(tm) =	ssettm $0x1  }
0x91: {  	s17 =	sld [smem:$0x3FFB];
	_ =	sdelay $0x3  }
0x92: {  	_ =	strace s17  }
0x93: {  	s2 =	sld [smem:$0x3FFC];
	_ =	sdelay $0x3  }
0x94: {  	_ =	strace s2  }
0x95: {  	s2 =	sld [smem:$0x3FFD];
	_ =	sdelay $0x3  }
0x96: {  	_ =	strace s2  }
0x97: {  	_ =	strace $0x8FFFFFFF  }
0x98: {  	s18 =	sld [smem:$0x3FDB];
	_ =	sdelay $0x1  }
0x99: {  	s19 =	simm.s32 $_scs_section_size  }
0x9a: {  	s4 =	simm.s32 $_size__tile_overlayer_lowered;
	s5 =	simm.s32 $_tile_overlayer_lowered  }
0x9b: {  	s22 =	simm.s32 $0x1BFF;
	s21 =	sshll.u32 s5, $0x1;
	s2 =	sadd.s32 s19, s18  }
0x9c: {  	s6 =	simm.s32 $0x0;
	s20 =	sshll.u32 s4, $0x1;
	s4 =	sadd.s32 s21, s2  }
0x9d: {  	[timem:s6], [sflag:s22] =	dma.local [hbm:s4], s20  }
0x9e: {  	_ =	swait.ge [sflag:s22], s20  }
0x9f: {  	s3 =	ssub.s32 $0x0, s20;
	[sflag:s22] =	ssyncset.done $0x0  }
0xa0: {  	[sflag:s22] =	ssyncadd.s32 s3;
	_ =	sdelay $0x1  }
0xa1: {  	s23 =	simm.s32 $0x1B8B  }
0xa2: {  	_ =	swait.ge [sflag:s23], $0x1  }
0xa3: {  	[sflag:s23] =	ssyncset.done $0x0  }
0xa4: {  	s25 =	simm.s32 $0x1B8E;
	s24 =	sld [smem:$0x3FFE];
	[sflag:s23] =	ssyncadd.s32 $0xFFFFFFFF  }
0xa5: {  	s26 =	simm.s32 $execute0_lowered;
	[smem:$0x3FD2] =	sst s25  }
0xa6: {  	s4 =	sshll.u32 s26, $0x1;
	_ =	strace $0x80000046;
	[dreg:$0x1] =	wrdreg $0xFFFFFFFF  }
0xa7: {  	s28 =	simm.s32 $_size_execute0_lowered;
	s2 =	sadd.s32 s2, s4;
	[dreg:$0x0] =	wrdreg $0x0  }
0xa8: {  	s4 =	sshll.u32 s28, $0x1;
	[dreg:$0x2] =	wrdreg s2  }
0xa9: {  	[dreg:$0x3] =	wrdreg s4  }
0xaa: {  	[dreg:$0x4] =	wrdreg $0xC0  }
0xab: {  	_ =	task [dreg:s6], $0x5FFFF  }
0xac: {  	[dreg:$0x1] =	wrdreg $0xFFFFFFFF  }
0xad: {  	[dreg:$0x0] =	wrdreg $0x60  }
0xae: {  	[dreg:$0x2] =	wrdreg s24  }
0xaf: {  	[dreg:$0x3] =	wrdreg $0x173A00  }
0xb0: {  	[dreg:$0x4] =	wrdreg $0x1C3A00  }
0xb1: {  	[dreg:$0x5] =	wrdreg $0x9  }
0xb2: {  	_ =	task.clear_ibuf [dreg:s6], $0x6FFFF;
	_ =	strace $0x90000046  }
0xb3: {  	s29 =	simm.s32 $0x9;
	_ =	strace $0x80000048  }
0xb4: {  	_ =	swait.ge [sflag:s29], $0x1  }
0xb5: {  	[sflag:s29] =	ssyncadd.s32 $0xFFFFFFFF  }
0xb6: {  	_ =	strace $0x90000048  }
0xb7: {  	_ =	sfence  }
0xb8: {  	s30 =	sld [smem:$0x0];
	_ =	sdelay $0x2  }
0xb9: {  	s31 =	sshll.u32 s1, $0xD;
	s1 =	sshrl.u32 s1, $0x2  }
0xba: {  	s3 =	sand.u32 $0x4000, s31;
	s1 =	sadd.s32 s1, s30  }
0xbb: {  	s0 =	sor.u32 s3, s0;
	s1 =	sshll.u32 s1, $0x11  }
0xbc: {  	s0 =	sor.u32 s1, s0  }
0xbd: {  	s0 =	sadd.s32 $0x8F2B, s0  }
0xbe: {  	[sflag:s0] =	ssyncadd.remote.s32 $0x1  }
0xbf: {  	_ =	sfence.sel $0xFFFF  }
0xc0: {  	[dreg:$0x0] =	wrdreg $0xFFFFFFFF;
	(pc) =	sbr.abs _section_cstart, $3  }
0xc1: {  	[dreg:$0x1] =	wrdreg $0xFFFFFFFF  }
0xc2: {  	_ =	task.clear_ibuf [dreg:s6], $0x2FFFF;
	_ =	strace $0x9FFFFFFF  }
0xc3: {  	(tm) =	ssettm $0x7FFFFFFF  }
tec
execute0_lowered:
.L_overlay_start_1:
0x0: {  	(tag) =	ssettag $0x1  }
0x1: {  	s0 =	rddreg [dreg:$0x0];
	s1 =	srdreg.scid  }
0x2: {  	s2 =	rddreg [dreg:$0x1];
	s13 =	stileid.u32  }
0x3: {  	s3 =	rddreg [dreg:$0x2];
	s5 =	simm.s32 $0x0;
	s4 =	smul.u32 $0x5100, s13  }
0x4: {  	s28 =	simm.s32 $0x14120;
	s29 =	simm.s32 $0x15120;
	s7 =	smul.u32 $0xA000, s13  }
0x5: {  	s30 =	simm.s32 $0x1;
	s31 =	simm.s32 $0x2;
	s9 =	smul.u32 $0x280, s13  }
0x6: {  	s1 =	sand.u32 $0x1, s1;
	[smem:$0x7FF] =	sst s5;
	s13 =	smul.u32 $0x14000, s13  }
0x7: {  	s10 =	sadd.s32 $0x29600, s0;
	s12 =	sadd.s32 $0x29000, s0;
	s6 =	smul.u32 $0x9C40, s1  }
0x8: {  	s8 =	smul.u32 $0xA0000, s1;
	_ =	strace $0x80000047;
	[dreg:$0x4] =	wrdreg s10  }
0x9: {  	s11 =	smul.u32 $0x2800, s1;
	[dreg:$0x5] =	wrdreg s12;
	s1 =	ssub.s32 $0x2, s1  }
0xa: {  	s21 =	sshrl.u32 s4, $0x3;
	s22 =	sshrl.u32 s1, $0x1;
	s24 =	sshrl.u32 s13, $0x2  }
0xb: {  	s15 =	sadd.s32 s9, s3;
	s6 =	sadd.s32 s6, s0;
	s10 =	sadd.s32 s21, s0  }
0xc: {  	s8 =	sadd.s32 s7, s8;
	s11 =	sadd.s32 s9, s11;
	s1 =	ssub.s32 s1, s22  }
0xd: {  	s7 =	sshrl.u32 s7, $0x1;
	s25 =	sadd.s32 s24, s2;
	s9 =	simm.s32 $0x4E20  }
0xe: {  	s21 =	simm.s32 $0x3;
	s24 =	simm.s32 $0x16120;
	s8 =	sshrl.u32 s8, $0x4  }
0xf: {  	s11 =	sshrl.u32 s11, $0x3;
	s23 =	sadd.s32 $0xB400, s10;
	s10 =	sadd.s32 $0x1200, s10  }
0x10: {  	s26 =	sadd.s32 $0x2000, s25;
	s13 =	sadd.s32 $0x3000, s25;
	s14 =	sadd.s32 $0x4000, s25  }
0x11: {  	s16 =	sadd.s32 $0x15600, s6;
	s19 =	smax.u32 s1, $0x1;
	s1 =	simm.s32 $0x0  }
0x12: {  	s8 =	sadd.s32 s8, s0;
	s0 =	sadd.s32 s11, s0;
	[dreg:$0x6] =	wrdreg s23  }
0x13: {  	[dreg:$0x7] =	wrdreg s10;
	s10 =	sadd.s32 s7, s2;
	s11 =	sadd.s32 $0x1000, s25  }
0x14: {  	[dreg:$0x9] =	wrdreg s26;
	s23 =	simm.s32 $0x2710;
	s26 =	simm.s32 $0x80  }
0x15: {  	v0 =	vimm.bf16 $0.0e+00;
	v1 =	vimm.f32 $0.0e+00;
	[dreg:$0x8] =	wrdreg s11;
	s17 =	sadd.s32 $0x29C00, s8;
	s18 =	sadd.s32 $0x3DC00, s0  }
.LBB2_1:
0x16: {  	s0 =	rddreg [dreg:$0x6]  }
0x17: {  	[tilespmem:s9], [sflag:$0x3] =	stream.linear.gather [hbm4b:s0+s5], $0x5100, $0x38;
	[tilespmem:$0x1C620] =	vst v63  }
0x18: {  	_ =	swait.ge [sflag:s21], $0x5100  }
0x19: {  	[sflag:s21] =	ssyncset.done $0x0  }
0x1a: {  	s6 =	simm.s32 $0x9F20;
	s11 =	rddreg [dreg:$0x7];
	[sflag:s21] =	ssyncadd.s32 $0xFFFFAF00  }
0x1b: {  	[tilespmem:s6], [sflag:$0x3] =	stream.linear.gather [hbm4b:s11+s5], $0x5100, $0x38;
	[tilespmem:$0x1C620] =	vst v63  }
0x1c: {  	_ =	swait.ge [sflag:s21], $0x5100  }
0x1d: {  	[sflag:s21] =	ssyncset.done $0x0  }
0x1e: {  	s12 =	rddreg [dreg:$0x4];
	[sflag:s21] =	ssyncadd.s32 $0xFFFFAF00  }
0x1f: {  	[tilespmem:s5], [sflag:$0x3] =	stream.linear.gather [hbm4b:s12+s5], $0x2710, $0x38;
	[tilespmem:$0x1C620] =	vst v63  }
0x20: {  	_ =	swait.ge [sflag:s21], $0x2710  }
0x21: {  	[sflag:s21] =	ssyncset.done $0x0  }
0x22: {  	s20 =	rddreg [dreg:$0x5];
	[sflag:s21] =	ssyncadd.s32 $0xFFFFD8F0  }
0x23: {  	[tilespmem:s23], [sflag:$0x3] =	stream.linear.gather [hbm4b:s20+s5], $0x2710, $0x38;
	[tilespmem:$0x1C620] =	vst v63  }
0x24: {  	s22 =	sand.u32 $0x3F80, s5;
	s25 =	sand.u32 $0x20, s5;
	_ =	swait.ge [sflag:s21], $0x2710  }
0x25: {  	s0 =	sshrl.u32 s22, $0x2;
	s6 =	sshrl.u32 s25, $0x1;
	[sflag:s21] =	ssyncset.done $0x0  }
0x26: {  	s6 =	sor.u32 s6, s0;
	[sflag:s21] =	ssyncadd.s32 $0xFFFFD8F0  }
0x27: {  	s0 =	simm.s32 $0x40;
	[tilespmem:s6+$0x16120] =	vst v0;
	s6 =	simm.s32 $0x0  }
.LBB2_2:
0x28: {  	p0 =	sne.s32 s0, $0x3FC0  }
.Ltmp0:
0x29: {  	s7 =	sand.u32 $0x3F80, s0;
	s6 =	sadd.s32 $0x20, s6;
	(pc) =	sbr.rel @p0 .LBB2_2-.Ltmp0, $4  }
0x2a: {  	s0 =	sadd.s32 $0x40, s0;
	s8 =	sand.u32 $0x20, s6  }
0x2b: {  	s7 =	sshrl.u32 s7, $0x2;
	s8 =	sshrl.u32 s8, $0x1  }
0x2c: {  	s7 =	sor.u32 s8, s7  }
0x2d: {  	[tilespmem:s7+$0x16120] =	vst v0  }
0x2e: {  	[tilespmem:$0x17120] =	vst v1  }
0x2f: {  	[tilespmem:$0x17130] =	vst v1  }
0x30: {  	[tilespmem:$0x17140] =	vst v1  }
0x31: {  	[tilespmem:$0x17150] =	vst v1  }
0x32: {  	[tilespmem:$0x17160] =	vst v1  }
0x33: {  	[tilespmem:$0x17170] =	vst v1  }
0x34: {  	[tilespmem:$0x17180] =	vst v1  }
0x35: {  	[tilespmem:$0x17190] =	vst v1  }
0x36: {  	[tilespmem:$0x171A0] =	vst v1  }
0x37: {  	[tilespmem:$0x171B0] =	vst v1  }
0x38: {  	[tilespmem:$0x171C0] =	vst v1  }
0x39: {  	[tilespmem:$0x171D0] =	vst v1  }
0x3a: {  	[tilespmem:$0x171E0] =	vst v1  }
0x3b: {  	[tilespmem:$0x171F0] =	vst v1  }
0x3c: {  	[tilespmem:$0x17200] =	vst v1  }
0x3d: {  	[tilespmem:$0x17210] =	vst v1  }
0x3e: {  	[tilespmem:$0x17220] =	vst v1  }
0x3f: {  	[tilespmem:$0x17230] =	vst v1  }
0x40: {  	[tilespmem:$0x17240] =	vst v1  }
0x41: {  	[tilespmem:$0x17250] =	vst v1  }
0x42: {  	[tilespmem:$0x17260] =	vst v1  }
0x43: {  	[tilespmem:$0x17270] =	vst v1  }
0x44: {  	[tilespmem:$0x17280] =	vst v1  }
0x45: {  	[tilespmem:$0x17290] =	vst v1  }
0x46: {  	[tilespmem:$0x172A0] =	vst v1  }
0x47: {  	[tilespmem:$0x172B0] =	vst v1  }
0x48: {  	[tilespmem:$0x172C0] =	vst v1  }
0x49: {  	[tilespmem:$0x172D0] =	vst v1  }
0x4a: {  	[tilespmem:$0x172E0] =	vst v1  }
0x4b: {  	[tilespmem:$0x172F0] =	vst v1  }
0x4c: {  	[tilespmem:$0x17300] =	vst v1  }
0x4d: {  	[tilespmem:$0x17310] =	vst v1  }
0x4e: {  	[tilespmem:$0x17320] =	vst v1  }
0x4f: {  	[tilespmem:$0x17330] =	vst v1  }
0x50: {  	[tilespmem:$0x17340] =	vst v1  }
0x51: {  	[tilespmem:$0x17350] =	vst v1  }
0x52: {  	[tilespmem:$0x17360] =	vst v1  }
0x53: {  	[tilespmem:$0x17370] =	vst v1  }
0x54: {  	[tilespmem:$0x17380] =	vst v1  }
0x55: {  	[tilespmem:$0x17390] =	vst v1  }
0x56: {  	[spmem:s10] =	stream.linear.scatter [tilespmem:s24], [sflag:$0x3], $0x1000, $0x38;
	[tilespmem:$0x1C620] =	vst v63  }
0x57: {  	_ =	swait.ge [sflag:s21], $0x1000  }
0x58: {  	[sflag:s21] =	ssyncset.done $0x0  }
0x59: {  	s0 =	rddreg [dreg:$0x8];
	[sflag:s21] =	ssyncadd.s32 $0xFFFFF000  }
0x5a: {  	[spmem:s0] =	stream.linear.scatter [tilespmem:s24], [sflag:$0x3], $0x1000, $0x38;
	[tilespmem:$0x1C620] =	vst v63  }
0x5b: {  	_ =	swait.ge [sflag:s21], $0x1000  }
0x5c: {  	[sflag:s21] =	ssyncset.done $0x0  }
0x5d: {  	s22 =	rddreg [dreg:$0x9];
	[sflag:s21] =	ssyncadd.s32 $0xFFFFF000  }
0x5e: {  	[spmem:s22] =	stream.linear.scatter [tilespmem:s24], [sflag:$0x3], $0x1000, $0x38;
	[tilespmem:$0x1C620] =	vst v63  }
0x5f: {  	_ =	swait.ge [sflag:s21], $0x1000  }
0x60: {  	[sflag:s21] =	ssyncset.done $0x0  }
0x61: {  	[sflag:s21] =	ssyncadd.s32 $0xFFFFF000  }
0x62: {  	[spmem:s13] =	stream.linear.scatter [tilespmem:s24], [sflag:$0x3], $0x1000, $0x38;
	[tilespmem:$0x1C620] =	vst v63  }
0x63: {  	_ =	swait.ge [sflag:s21], $0x1000  }
0x64: {  	[sflag:s21] =	ssyncset.done $0x0  }
0x65: {  	[sflag:s21] =	ssyncadd.s32 $0xFFFFF000  }
0x66: {  	[spmem:s14] =	stream.linear.scatter [tilespmem:s24], [sflag:$0x3], $0x1000, $0x38;
	[tilespmem:$0x1C620] =	vst v63  }
0x67: {  	_ =	swait.ge [sflag:s21], $0x1000  }
0x68: {  	[sflag:s21] =	ssyncset.done $0x0  }
0x69: {  	s25 =	simm.s32 $0x17120;
	[sflag:s21] =	ssyncadd.s32 $0xFFFFF000  }
0x6a: {  	[spmem:s15] =	stream.linear.scatter [tilespmem:s25], [sflag:$0x3], $0x280, $0x38;
	[tilespmem:$0x1C620] =	vst v63  }
0x6b: {  	_ =	swait.ge [sflag:s21], $0x280  }
0x6c: {  	[sflag:s21] =	ssyncset.done $0x0  }
0x6d: {  	[sflag:s21] =	ssyncadd.s32 $0xFFFFFD80  }
0x6e: {  	s6 =	simm.s32 $0x0;
	[bflag:$0x0] =	sbarrier.arrive $0xFFFF  }
0x6f: {  	v2 =	vld [tilespmem:s6+$0x9F20]  }
0x70: {  	v3 =	vld [tilespmem:s6+$0x4E20];
	_ =	sdelay $0x6  }
0x71: {  	v2 =	vld.idx.msk [tilespmem:v2+s23+$0x0], $0xffff  }
0x72: {  	v3 =	vld.idx.msk [tilespmem:v3+s5+$0x0], $0xffff;
	_ =	sdelay $0x4  }
0x73: {  	v2 =	vadd.f32 v2, v3;
	_ =	sdelay $0x1  }
0x74: {  	v3 =	vmul.f32 $2.000000030e-01, v2  }
0x75: {  	vm0 =	vge.f32 v2, $0.0e+00  }
0x76: {  	v2 =	vsel vm0, v2, v3  }
0x77: {  	v2 =	vmul.f32 $1.442695020e+00, v2;
	_ =	sdelay $0x1  }
0x78: {  	(erf) = vpow2.f32 v2;
	_ =	sdelay $0x2  }
0x79: {  	s0 =	simm.s32 $0x10  }
0x7a: {  	v2 =	vld [tilespmem:s0+$0x9F20]  }
0x7b: {  	v3 =	vld [tilespmem:s0+$0x4E20];
	_ =	sdelay $0x3  }
0x7c: {  	p0 =	slt.u32 s4, $0x50910;
	v4 =	vpop (erf)  }
0x7d: {  	v4 =	vpsel !p0, $0x0, v4  }
0x7e: {  	[tilespmem:s6+$0xF020] =	vst v4  }
0x7f: {  	v2 =	vld.idx.msk [tilespmem:v2+s23+$0x0], $0xffff  }
0x80: {  	v3 =	vld.idx.msk [tilespmem:v3+s5+$0x0], $0xffff;
	_ =	sdelay $0x4  }
0x81: {  	v2 =	vadd.f32 v2, v3;
	_ =	sdelay $0x1  }
0x82: {  	v3 =	vmul.f32 $2.000000030e-01, v2  }
0x83: {  	vm15 =	vge.f32 v2, $0.0e+00  }
0x84: {  	v2 =	vsel vm15, v2, v3  }
0x85: {  	v2 =	vmul.f32 $1.442695020e+00, v2;
	_ =	sdelay $0x1  }
0x86: {  	(erf) = vpow2.f32 v2;
	_ =	sdelay $0x2  }
0x87: {  	s8 =	simm.s32 $0x20  }
0x88: {  	s7 =	simm.s32 $0xC0;
	s6 =	smov.u32 s4;
	v2 =	vld [tilespmem:s8+$0x9F20]  }
.LBB2_4:
0x89: {  	p0 =	sne.s32 s7, $0x143C0;
	v3 =	vld [tilespmem:s8+$0x4E20];
	_ =	sdelay $0x2  }
0x8a: {  	s6 =	sadd.s32 $0x10, s6  }
0x8b: {  	p1 =	slt.u32 s6, $0x50910;
	v4 =	vpop (erf)  }
0x8c: {  	v4 =	vpsel !p1, $0x0, v4  }
0x8d: {  	[tilespmem:s0+$0xF020] =	vst v4;
	s0 =	smov.u32 s8  }
0x8e: {  	v2 =	vld.idx.msk [tilespmem:v2+s23+$0x0], $0xffff  }
0x8f: {  	v3 =	vld.idx.msk [tilespmem:v3+s5+$0x0], $0xffff;
	_ =	sdelay $0x5  }
0x90: {  	v2 =	vadd.f32 v2, v3;
	_ =	sdelay $0x1  }
0x91: {  	v3 =	vmul.f32 $2.000000030e-01, v2  }
0x92: {  	vm0 =	vge.f32 v2, $0.0e+00  }
0x93: {  	v2 =	vsel vm0, v2, v3  }
0x94: {  	v2 =	vmul.f32 $1.442695020e+00, v2;
	_ =	sdelay $0x1  }
.Ltmp1:
0x95: {  	(erf) = vpow2.f32 v2;
	(pc) =	sbr.rel @p0 .LBB2_4-.Ltmp1, $3  }
0x96: {  	_ =	sdelay $0x1  }
0x97: {  	s8 =	sshra.s32 s7, $0x2  }
0x98: {  	s7 =	sadd.s32 $0x40, s7;
	v2 =	vld [tilespmem:s8+$0x9F20]  }
0x99: {  	_ = 	snop  }
0x9a: {  	v3 =	vld [tilespmem:s8+$0x4E20];
	_ =	sdelay $0x2  }
0x9b: {  	s6 =	sadd.s32 $0x10, s6  }
0x9c: {  	p0 =	slt.u32 s6, $0x50910;
	v4 =	vpop (erf)  }
0x9d: {  	v4 =	vpsel !p0, $0x0, v4  }
0x9e: {  	[tilespmem:s0+$0xF020] =	vst v4  }
0x9f: {  	v2 =	vld.idx.msk [tilespmem:v2+s23+$0x0], $0xffff  }
0xa0: {  	v3 =	vld.idx.msk [tilespmem:v3+s5+$0x0], $0xffff;
	_ =	sdelay $0x4  }
0xa1: {  	v2 =	vadd.f32 v2, v3;
	_ =	sdelay $0x1  }
0xa2: {  	v3 =	vmul.f32 $2.000000030e-01, v2  }
0xa3: {  	vm0 =	vge.f32 v2, $0.0e+00  }
0xa4: {  	v2 =	vsel vm0, v2, v3  }
0xa5: {  	v2 =	vmul.f32 $1.442695020e+00, v2;
	_ =	sdelay $0x1  }
0xa6: {  	(erf) = vpow2.f32 v2;
	_ =	sdelay $0x7  }
0xa7: {  	s25 =	sadd.s32 $0x10, s6  }
0xa8: {  	p6 =	slt.u32 s25, $0x50910;
	v2 =	vpop (erf)  }
0xa9: {  	v2 =	vpsel !p6, $0x0, v2  }
0xaa: {  	s22 =	simm.s32 $0x0;
	s25 =	simm.s32 $0xF020;
	s0 =	simm.s32 $0xF0A0;
	[tilespmem:s8+$0xF020] =	vst v2  }
0xab: {  	[tilespmem:s28], [sflag:$0x1] =	stream.indirect.gather [hbm4b:s16+s26], $0x20, s9, s26, $0xb8;
	[tilespmem:$0x1C620] =	vst v63  }
.LBB2_6:
0xac: {  	s7 =	sshll.u32 s22, $0x8  }
0xad: {  	s6 =	sadd.s32 $0x4EA0, s7  }
0xae: {  	[tilespmem:s29], [sflag:$0x2] =	stream.indirect.gather [hbm4b:s16+s26], $0x20, s6, s26, $0xb8;
	[tilespmem:$0x1C620] =	vst v63  }
0xaf: {  	_ =	swait.ge [sflag:s30], $0x1000  }
0xb0: {  	[sflag:s30] =	ssyncset.done $0x0  }
0xb1: {  	s8 =	simm.s32 $0x14220;
	[sflag:s30] =	ssyncadd.s32 $0xFFFFF000  }
0xb2: {  	v6 =	vld [tilespmem:s8+$0x70]  }
0xb3: {  	v4 =	vmov s25;
	v11 =	vld [tilespmem:s8+$0xFFFFFFF0]  }
0xb4: {  	v2 =	vld [tilespmem:s8+$0xE0]  }
0xb5: {  	v5 =	vld [tilespmem:s8+$0xF0]  }
0xb6: {  	v7 =	vld [tilespmem:s8+$0xFFFFFFC0]  }
0xb7: {  	s20 =	simm.s32 $0x0;
	v10 =	vld [tilespmem:s8+$0xFFFFFFB0]  }
0xb8: {  	v3 =	vld.idx.msk [tilespmem:v4+s20+$0x0 ss:$0x1], $0xffff  }
0xb9: {  	v12 =	vld [tilespmem:s8+$0xFFFFFF50]  }
0xba: {  	v15 =	vld [tilespmem:s8+$0xFFFFFF10]  }
0xbb: {  	v16 =	vld [tilespmem:s8+$0xFFFFFF40]  }
0xbc: {  	v14 =	vld [tilespmem:s8+$0xFFFFFF00]  }
0xbd: {  	v19 =	vld [tilespmem:s8+$0x80]  }
0xbe: {  	v13 =	vld [tilespmem:s8+$0xFFFFFFE0];
	v8 =	vbroadcast v3, $0x0;
	v18 =	vbroadcast v3, $0xF  }
0xbf: {  	v9 =	vld [tilespmem:s8+$0x60];
	v21 =	vbroadcast v3, $0x2;
	v23 =	vbroadcast v3, $0xC  }
0xc0: {  	v17 =	vld [tilespmem:s8+$0x90];
	v22 =	vbroadcast v3, $0xE;
	v24 =	vbroadcast v3, $0xB;
	v20 =	vpack.i.f32.bf16 v8, v8  }
0xc1: {  	s9 =	simm.s32 $0x40;
	v8 =	vpack.i.f32.bf16 v18, v18;
	v26 =	vmul.bf16 v14, v20;
	v14 =	vpack.i.f32.bf16 v21, v21;
	v21 =	vld [tilespmem:s8+$0xD0]  }
0xc2: {  	s11 =	simm.s32 $0x14220;
	s6 =	sor.u32 $0x80, s7;
	s20 =	sshll.u32 s22, $0xA;
	v18 =	vbroadcast v3, $0x3;
	v23 =	vpack.i.f32.bf16 v23, v23;
	v25 =	vmul.bf16 v16, v14;
	v16 =	vld [tilespmem:s8+$0xFFFFFF70]  }
.LBB2_7:
0xc3: {  	p0 =	sne.s32 s9, $0x1C0  }
0xc4: {  	[tilespmem:s8+$0xFFFFFF00] =	vst v26;
	v18 =	vpack.i.f32.bf16 v18, v18;
	v26 =	vbroadcast v3, $0x7;
	v19 =	vmul.bf16 v19, v23;
	v27 =	vld [tilespmem:s8+$0xB0];
	s11 =	sadd.s32 $0x200, s11;
	s12 =	smov.u32 s9;
	s9 =	sadd.s32 $0x40, s9  }
0xc5: {  	v28 =	vbroadcast v3, $0xD;
	v22 =	vpack.i.f32.bf16 v22, v22;
	[tilespmem:s8+$0xFFFFFF40] =	vst v25;
	v25 =	vbroadcast v3, $0x4;
	v29 =	vld [tilespmem:s8+$0xC0]  }
0xc6: {  	v15 =	vmul.bf16 v15, v20;
	v20 =	vld [tilespmem:s8+$0xFFFFFF80];
	v26 =	vpack.i.f32.bf16 v26, v26;
	[tilespmem:s8+$0x80] =	vst v19;
	v17 =	vmul.bf16 v17, v23  }
0xc7: {  	v24 =	vpack.i.f32.bf16 v24, v24;
	v23 =	vbroadcast v3, $0x5;
	v19 =	vld [tilespmem:s8+$0xFFFFFF90];
	v21 =	vmul.bf16 v21, v22  }
0xc8: {  	v11 =	vmul.bf16 v11, v26;
	[tilespmem:s8+$0xFFFFFF10] =	vst v15;
	v15 =	vmul.bf16 v16, v18;
	v16 =	vpack.i.f32.bf16 v25, v25;
	v25 =	vld [tilespmem:s8+$0xFFFFFFD0]  }
0xc9: {  	v31 =	vbroadcast v3, $0x9;
	v6 =	vmul.bf16 v6, v24;
	v23 =	vpack.i.f32.bf16 v23, v23;
	v30 =	vld [tilespmem:s8+$0xFFFFFF60];
	[tilespmem:s8+$0xD0] =	vst v21  }
0xca: {  	v28 =	vpack.i.f32.bf16 v28, v28;
	v21 =	vbroadcast v3, $0x6;
	[tilespmem:s8+$0xFFFFFFF0] =	vst v11;
	v11 =	vld [tilespmem:s8+$0x40];
	v22 =	vmul.bf16 v29, v22  }
0xcb: {  	v12 =	vmul.bf16 v12, v14;
	v13 =	vmul.bf16 v13, v26;
	v26 =	vpack.i.f32.bf16 v31, v31;
	v14 =	vld [tilespmem:s8+$0xFFFFFFA0];
	[tilespmem:s8+$0x70] =	vst v6  }
0xcc: {  	v6 =	vmul.bf16 v10, v23;
	v10 =	vpack.i.f32.bf16 v21, v21;
	v19 =	vmul.bf16 v19, v16;
	v21 =	vld [tilespmem:s8+$0x0];
	[tilespmem:s8+$0x90] =	vst v17  }
0xcd: {  	[tilespmem:s8+$0xFFFFFF50] =	vst v12;
	v12 =	vmul.bf16 v20, v16;
	v16 =	vbroadcast v3, $0xA;
	v17 =	vld [tilespmem:s8+$0xA0]  }
0xce: {  	v20 =	vmul.bf16 v25, v10;
	v18 =	vmul.bf16 v30, v18;
	[tilespmem:s8+$0xFFFFFFB0] =	vst v6;
	v25 =	vld [tilespmem:s8+$0x30]  }
0xcf: {  	v9 =	vmul.bf16 v9, v24;
	[tilespmem:s8+$0xFFFFFFE0] =	vst v13;
	v13 =	vbroadcast v3, $0x8;
	v29 =	vld [tilespmem:s8+$0x10];
	v16 =	vpack.i.f32.bf16 v16, v16  }
0xd0: {  	v7 =	vmul.bf16 v7, v10;
	v6 =	vld [tilespmem:s11+$0x70];
	[tilespmem:s8+$0xFFFFFF80] =	vst v12;
	v10 =	vmul.bf16 v11, v16  }
0xd1: {  	v5 =	vmul.bf16 v5, v8;
	v12 =	vmul.bf16 v14, v23;
	v11 =	vld [tilespmem:s8+$0xFFFFFF30];
	[tilespmem:s8+$0xFFFFFF70] =	vst v15;
	v13 =	vpack.i.f32.bf16 v13, v13  }
0xd2: {  	v14 =	vld [tilespmem:s8+$0xFFFFFF20];
	[tilespmem:s8+$0xFFFFFFC0] =	vst v7;
	v7 =	vmul.bf16 v21, v13;
	v15 =	vmul.bf16 v17, v28  }
0xd3: {  	v23 =	vmul.bf16 v27, v28;
	v17 =	vld [tilespmem:s8+$0x20];
	v21 =	vmul.bf16 v25, v26;
	[tilespmem:s8+$0xF0] =	vst v5  }
0xd4: {  	v3 =	vbroadcast v3, $0x1;
	v13 =	vmul.bf16 v29, v13;
	[tilespmem:s8+$0x60] =	vst v9  }
0xd5: {  	v2 =	vmul.bf16 v2, v8;
	[tilespmem:s8+$0x40] =	vst v10  }
0xd6: {  	v3 =	vpack.i.f32.bf16 v3, v3;
	[tilespmem:s8+$0xFFFFFFD0] =	vst v20  }
0xd7: {  	v5 =	vmul.bf16 v14, v3;
	v3 =	vmul.bf16 v11, v3;
	v8 =	vld [tilespmem:s8+$0x50];
	[tilespmem:s8+$0xE0] =	vst v2  }
0xd8: {  	[tilespmem:s8+$0xFFFFFFA0] =	vst v12;
	v9 =	vmul.bf16 v17, v26  }
0xd9: {  	[tilespmem:s8+$0xB0] =	vst v23  }
0xda: {  	[tilespmem:s8+$0xFFFFFF30] =	vst v3  }
0xdb: {  	[tilespmem:s8+$0xC0] =	vst v22  }
0xdc: {  	[tilespmem:s8+$0xFFFFFF20] =	vst v5;
	v3 =	vmul.bf16 v8, v16  }
0xdd: {  	[tilespmem:s8+$0x0] =	vst v7  }
0xde: {  	[tilespmem:s8+$0xA0] =	vst v15  }
0xdf: {  	[tilespmem:s8+$0x30] =	vst v21  }
0xe0: {  	v11 =	vld [tilespmem:s11+$0xFFFFFFF0];
	[tilespmem:s8+$0xFFFFFF60] =	vst v18  }
0xe1: {  	v2 =	vld [tilespmem:s11+$0xE0];
	[tilespmem:s8+$0x20] =	vst v9  }
0xe2: {  	v5 =	vld [tilespmem:s11+$0xF0];
	[tilespmem:s8+$0x10] =	vst v13  }
0xe3: {  	v7 =	vld [tilespmem:s11+$0xFFFFFFC0];
	[tilespmem:s8+$0xFFFFFF90] =	vst v19  }
0xe4: {  	s12 =	sshra.s32 s12, $0x2;
	v10 =	vld [tilespmem:s11+$0xFFFFFFB0];
	[tilespmem:s8+$0x50] =	vst v3;
	s8 =	smov.u32 s11  }
0xe5: {  	v3 =	vld.idx.msk [tilespmem:v4+s12+$0x0 ss:$0x1], $0xffff  }
0xe6: {  	v12 =	vld [tilespmem:s11+$0xFFFFFF50]  }
0xe7: {  	v15 =	vld [tilespmem:s11+$0xFFFFFF10]  }
0xe8: {  	v16 =	vld [tilespmem:s11+$0xFFFFFF40]  }
0xe9: {  	v14 =	vld [tilespmem:s11+$0xFFFFFF00]  }
0xea: {  	v19 =	vld [tilespmem:s11+$0x80]  }
.Ltmp2:
0xeb: {  	v8 =	vbroadcast v3, $0x0;
	v18 =	vbroadcast v3, $0xF;
	v13 =	vld [tilespmem:s11+$0xFFFFFFE0];
	(pc) =	sbr.rel @p0 .LBB2_7-.Ltmp2, $4  }
0xec: {  	v21 =	vbroadcast v3, $0x2;
	v23 =	vbroadcast v3, $0xC;
	v9 =	vld [tilespmem:s11+$0x60]  }
0xed: {  	v22 =	vbroadcast v3, $0xE;
	v20 =	vpack.i.f32.bf16 v8, v8;
	v8 =	vpack.i.f32.bf16 v18, v18;
	v17 =	vld [tilespmem:s11+$0x90]  }
0xee: {  	v18 =	vbroadcast v3, $0x3;
	v26 =	vmul.bf16 v14, v20;
	v14 =	vpack.i.f32.bf16 v21, v21;
	v21 =	vld [tilespmem:s11+$0xD0]  }
0xef: {  	v24 =	vbroadcast v3, $0xB;
	v23 =	vpack.i.f32.bf16 v23, v23;
	v25 =	vmul.bf16 v16, v14;
	v16 =	vld [tilespmem:s11+$0xFFFFFF70]  }
0xf0: {  	[tilespmem:s8+$0xFFFFFF00] =	vst v26;
	v19 =	vmul.bf16 v19, v23  }
0xf1: {  	v15 =	vmul.bf16 v15, v20;
	[tilespmem:s8+$0xFFFFFF40] =	vst v25  }
0xf2: {  	v12 =	vmul.bf16 v12, v14;
	[tilespmem:s8+$0x80] =	vst v19  }
0xf3: {  	v5 =	vmul.bf16 v5, v8;
	[tilespmem:s8+$0xFFFFFF10] =	vst v15  }
0xf4: {  	v2 =	vmul.bf16 v2, v8;
	v24 =	vpack.i.f32.bf16 v24, v24;
	[tilespmem:s8+$0xFFFFFF50] =	vst v12  }
0xf5: {  	v6 =	vmul.bf16 v6, v24;
	[tilespmem:s8+$0xF0] =	vst v5  }
0xf6: {  	v4 =	vbroadcast v3, $0x7;
	v17 =	vmul.bf16 v17, v23;
	[tilespmem:s8+$0xE0] =	vst v2  }
0xf7: {  	v22 =	vpack.i.f32.bf16 v22, v22;
	v15 =	vbroadcast v3, $0x5;
	v9 =	vmul.bf16 v9, v24;
	[tilespmem:s8+$0x70] =	vst v6  }
0xf8: {  	v4 =	vpack.i.f32.bf16 v4, v4;
	v19 =	vmul.bf16 v21, v22;
	v21 =	vld [tilespmem:s8+$0xFFFFFF80];
	[tilespmem:s8+$0x90] =	vst v17  }
0xf9: {  	v11 =	vmul.bf16 v11, v4;
	v15 =	vpack.i.f32.bf16 v15, v15;
	[tilespmem:s8+$0x60] =	vst v9  }
0xfa: {  	v25 =	vld [tilespmem:s8+$0xFFFFFFD0];
	[tilespmem:s8+$0xD0] =	vst v19;
	v19 =	vbroadcast v3, $0x4;
	v10 =	vmul.bf16 v10, v15  }
0xfb: {  	v12 =	vpack.i.f32.bf16 v18, v18;
	v4 =	vmul.bf16 v13, v4;
	v6 =	vld [tilespmem:s8+$0xFFFFFF60];
	v17 =	vbroadcast v3, $0x6;
	[tilespmem:s8+$0xFFFFFFF0] =	vst v11  }
0xfc: {  	v11 =	vld [tilespmem:s8+$0x40];
	v14 =	vpack.i.f32.bf16 v19, v19;
	[tilespmem:s8+$0xFFFFFFB0] =	vst v10;
	v10 =	vmul.bf16 v16, v12  }
0xfd: {  	v9 =	vld [tilespmem:s8+$0xFFFFFF20];
	[tilespmem:s8+$0xFFFFFFE0] =	vst v4;
	v16 =	vpack.i.f32.bf16 v17, v17;
	v18 =	vmul.bf16 v21, v14  }
0xfe: {  	v4 =	vbroadcast v3, $0xA;
	v19 =	vld [tilespmem:s8+$0xFFFFFFA0];
	v7 =	vmul.bf16 v7, v16;
	[tilespmem:s8+$0xFFFFFF70] =	vst v10  }
0xff: {  	v26 =	vld [tilespmem:s8+$0xB0];
	v16 =	vmul.bf16 v25, v16;
	v21 =	vbroadcast v3, $0x1;
	[tilespmem:s8+$0xFFFFFF80] =	vst v18  }
0x100: {  	v8 =	vld [tilespmem:s8+$0xA0];
	v4 =	vpack.i.f32.bf16 v4, v4;
	v6 =	vmul.bf16 v6, v12;
	[tilespmem:s8+$0xFFFFFFC0] =	vst v7  }
0x101: {  	v20 =	vld [tilespmem:s8+$0xC0];
	v5 =	vbroadcast v3, $0xD;
	v7 =	vmul.bf16 v11, v4;
	[tilespmem:s8+$0xFFFFFFD0] =	vst v16;
	v16 =	vpack.i.f32.bf16 v21, v21  }
0x102: {  	v23 =	vld [tilespmem:s8+$0xFFFFFF90];
	v9 =	vmul.bf16 v9, v16;
	[tilespmem:s8+$0xFFFFFF60] =	vst v6  }
0x103: {  	v5 =	vpack.i.f32.bf16 v5, v5;
	v11 =	vld [tilespmem:s8+$0xFFFFFF30];
	[tilespmem:s8+$0x40] =	vst v7;
	v7 =	vmul.bf16 v19, v15  }
0x104: {  	v17 =	vld [tilespmem:s8+$0x30];
	v15 =	vmul.bf16 v26, v5;
	[tilespmem:s8+$0xFFFFFF20] =	vst v9  }
0x105: {  	v2 =	vbroadcast v3, $0x8;
	v18 =	vld [tilespmem:s8+$0x20];
	v5 =	vmul.bf16 v8, v5;
	[tilespmem:s8+$0xFFFFFFA0] =	vst v7  }
0x106: {  	v13 =	vld [tilespmem:s8+$0x0];
	v3 =	vbroadcast v3, $0x9;
	v7 =	vmul.bf16 v20, v22;
	[tilespmem:s8+$0xB0] =	vst v15  }
0x107: {  	v10 =	vld [tilespmem:s8+$0x10];
	[tilespmem:s8+$0xA0] =	vst v5;
	v5 =	vmul.bf16 v23, v14  }
0x108: {  	v3 =	vpack.i.f32.bf16 v3, v3;
	v8 =	vld [tilespmem:s8+$0x50];
	v11 =	vmul.bf16 v11, v16;
	[tilespmem:s8+$0xC0] =	vst v7  }
0x109: {  	v7 =	vmul.bf16 v17, v3;
	[tilespmem:s8+$0xFFFFFF90] =	vst v5  }
0x10a: {  	v2 =	vpack.i.f32.bf16 v2, v2;
	v3 =	vmul.bf16 v18, v3;
	[tilespmem:s8+$0xFFFFFF30] =	vst v11  }
0x10b: {  	v11 =	vmul.bf16 v13, v2;
	[tilespmem:s8+$0x30] =	vst v7  }
0x10c: {  	v2 =	vmul.bf16 v10, v2;
	[tilespmem:s8+$0x20] =	vst v3  }
0x10d: {  	v3 =	vmul.bf16 v8, v4;
	[tilespmem:s8+$0x0] =	vst v11  }
0x10e: {  	[tilespmem:s8+$0x10] =	vst v2  }
0x10f: {  	s11 =	sadd.s32 $0x9F20, s7;
	[tilespmem:s8+$0x50] =	vst v3  }
0x110: {  	[spmem:s2] =	stream.indirect.scatter.add.bf16 [tilespmem:s28], [sflag:$0x3], $0x20, s11, s26, $0xb8;
	[tilespmem:$0x1C620] =	vst v63  }
0x111: {  	_ =	swait.ge [sflag:s21], $0x1000  }
0x112: {  	[sflag:s21] =	ssyncset.done $0x0  }
0x113: {  	s12 =	sadd.s32 $0xF020, s7;
	[sflag:s21] =	ssyncadd.s32 $0xFFFFF000  }
0x114: {  	[spmem:s3] =	stream.indirect.scatter.add.f32 [tilespmem:s12], [sflag:$0x3], $0x1, s11, s26, $0xb8;
	[tilespmem:$0x1C620] =	vst v63  }
0x115: {  	p0 =	seq.s32 s22, $0x50;
	_ =	swait.ge [sflag:s21], $0x80  }
0x116: {  	s7 =	sshrl.u32 @!p0 s20, $0x2;
	s9 =	simm.s32 @!p0 $0x14120;
	[sflag:s21] =	ssyncset.done $0x0  }
0x117: {  	s7 =	sadd.s32 @!p0 $0x4F20, s7;
	s8 =	simm.s32 @!p0 $0x80;
	[sflag:s21] =	ssyncadd.s32 $0xFFFFFF80  }
0x118: {  	[tilespmem:s9], [sflag:$0x1] =	stream.indirect.gather @!p0 [hbm4b:s16+s8], $0x20, s7, s8, $0xb8;
	[tilespmem:$0x1C620] =	vst v63  }
0x119: {  	_ =	swait.ge [sflag:s31], $0x1000  }
0x11a: {  	[sflag:s31] =	ssyncset.done $0x0  }
0x11b: {  	s7 =	simm.s32 $0x15220;
	[sflag:s31] =	ssyncadd.s32 $0xFFFFF000  }
0x11c: {  	v6 =	vld [tilespmem:s7+$0x70]  }
0x11d: {  	v4 =	vmov s0;
	v11 =	vld [tilespmem:s7+$0xFFFFFFF0]  }
0x11e: {  	v2 =	vld [tilespmem:s7+$0xE0]  }
0x11f: {  	v5 =	vld [tilespmem:s7+$0xF0]  }
0x120: {  	v7 =	vld [tilespmem:s7+$0xFFFFFFC0]  }
0x121: {  	s20 =	simm.s32 $0x0;
	v10 =	vld [tilespmem:s7+$0xFFFFFFB0]  }
0x122: {  	v3 =	vld.idx.msk [tilespmem:v4+s20+$0x0 ss:$0x1], $0xffff  }
0x123: {  	v12 =	vld [tilespmem:s7+$0xFFFFFF50]  }
0x124: {  	v15 =	vld [tilespmem:s7+$0xFFFFFF10]  }
0x125: {  	v16 =	vld [tilespmem:s7+$0xFFFFFF40]  }
0x126: {  	v14 =	vld [tilespmem:s7+$0xFFFFFF00]  }
0x127: {  	v19 =	vld [tilespmem:s7+$0x80]  }
0x128: {  	v13 =	vld [tilespmem:s7+$0xFFFFFFE0];
	v8 =	vbroadcast v3, $0x0;
	v18 =	vbroadcast v3, $0xF  }
0x129: {  	v9 =	vld [tilespmem:s7+$0x60];
	v21 =	vbroadcast v3, $0x2;
	v23 =	vbroadcast v3, $0xC  }
0x12a: {  	v17 =	vld [tilespmem:s7+$0x90];
	v22 =	vbroadcast v3, $0xE;
	v24 =	vbroadcast v3, $0xB;
	v20 =	vpack.i.f32.bf16 v8, v8  }
0x12b: {  	v8 =	vpack.i.f32.bf16 v18, v18;
	v26 =	vmul.bf16 v14, v20;
	v14 =	vpack.i.f32.bf16 v21, v21;
	v21 =	vld [tilespmem:s7+$0xD0]  }
0x12c: {  	s11 =	simm.s32 $0x15220;
	s8 =	sadd.s32 $0xF020, s6;
	s9 =	simm.s32 $0x40;
	v18 =	vbroadcast v3, $0x3;
	v23 =	vpack.i.f32.bf16 v23, v23;
	v25 =	vmul.bf16 v16, v14;
	v16 =	vld [tilespmem:s7+$0xFFFFFF70]  }
.LBB2_9:
0x12d: {  	p0 =	sne.s32 s9, $0x1C0  }
0x12e: {  	[tilespmem:s7+$0xFFFFFF00] =	vst v26;
	v18 =	vpack.i.f32.bf16 v18, v18;
	v26 =	vbroadcast v3, $0x7;
	v19 =	vmul.bf16 v19, v23;
	v27 =	vld [tilespmem:s7+$0xB0];
	s11 =	sadd.s32 $0x200, s11;
	s12 =	smov.u32 s9;
	s9 =	sadd.s32 $0x40, s9  }
0x12f: {  	v28 =	vbroadcast v3, $0xD;
	v22 =	vpack.i.f32.bf16 v22, v22;
	[tilespmem:s7+$0xFFFFFF40] =	vst v25;
	v25 =	vbroadcast v3, $0x4;
	v29 =	vld [tilespmem:s7+$0xC0]  }
0x130: {  	v15 =	vmul.bf16 v15, v20;
	v20 =	vld [tilespmem:s7+$0xFFFFFF80];
	v26 =	vpack.i.f32.bf16 v26, v26;
	[tilespmem:s7+$0x80] =	vst v19;
	v17 =	vmul.bf16 v17, v23  }
0x131: {  	v24 =	vpack.i.f32.bf16 v24, v24;
	v23 =	vbroadcast v3, $0x5;
	v19 =	vld [tilespmem:s7+$0xFFFFFF90];
	v21 =	vmul.bf16 v21, v22  }
0x132: {  	v11 =	vmul.bf16 v11, v26;
	[tilespmem:s7+$0xFFFFFF10] =	vst v15;
	v15 =	vmul.bf16 v16, v18;
	v16 =	vpack.i.f32.bf16 v25, v25;
	v25 =	vld [tilespmem:s7+$0xFFFFFFD0]  }
0x133: {  	v31 =	vbroadcast v3, $0x9;
	v6 =	vmul.bf16 v6, v24;
	v23 =	vpack.i.f32.bf16 v23, v23;
	v30 =	vld [tilespmem:s7+$0xFFFFFF60];
	[tilespmem:s7+$0xD0] =	vst v21  }
0x134: {  	v28 =	vpack.i.f32.bf16 v28, v28;
	v21 =	vbroadcast v3, $0x6;
	[tilespmem:s7+$0xFFFFFFF0] =	vst v11;
	v11 =	vld [tilespmem:s7+$0x40];
	v22 =	vmul.bf16 v29, v22  }
0x135: {  	v12 =	vmul.bf16 v12, v14;
	v13 =	vmul.bf16 v13, v26;
	v26 =	vpack.i.f32.bf16 v31, v31;
	v14 =	vld [tilespmem:s7+$0xFFFFFFA0];
	[tilespmem:s7+$0x70] =	vst v6  }
0x136: {  	v6 =	vmul.bf16 v10, v23;
	v10 =	vpack.i.f32.bf16 v21, v21;
	v19 =	vmul.bf16 v19, v16;
	v21 =	vld [tilespmem:s7+$0x0];
	[tilespmem:s7+$0x90] =	vst v17  }
0x137: {  	[tilespmem:s7+$0xFFFFFF50] =	vst v12;
	v12 =	vmul.bf16 v20, v16;
	v16 =	vbroadcast v3, $0xA;
	v17 =	vld [tilespmem:s7+$0xA0]  }
0x138: {  	v20 =	vmul.bf16 v25, v10;
	v18 =	vmul.bf16 v30, v18;
	[tilespmem:s7+$0xFFFFFFB0] =	vst v6;
	v25 =	vld [tilespmem:s7+$0x30]  }
0x139: {  	v9 =	vmul.bf16 v9, v24;
	[tilespmem:s7+$0xFFFFFFE0] =	vst v13;
	v13 =	vbroadcast v3, $0x8;
	v29 =	vld [tilespmem:s7+$0x10];
	v16 =	vpack.i.f32.bf16 v16, v16  }
0x13a: {  	v7 =	vmul.bf16 v7, v10;
	v6 =	vld [tilespmem:s11+$0x70];
	[tilespmem:s7+$0xFFFFFF80] =	vst v12;
	v10 =	vmul.bf16 v11, v16  }
0x13b: {  	v5 =	vmul.bf16 v5, v8;
	v12 =	vmul.bf16 v14, v23;
	v11 =	vld [tilespmem:s7+$0xFFFFFF30];
	[tilespmem:s7+$0xFFFFFF70] =	vst v15;
	v13 =	vpack.i.f32.bf16 v13, v13  }
0x13c: {  	v14 =	vld [tilespmem:s7+$0xFFFFFF20];
	[tilespmem:s7+$0xFFFFFFC0] =	vst v7;
	v7 =	vmul.bf16 v21, v13;
	v15 =	vmul.bf16 v17, v28  }
0x13d: {  	v23 =	vmul.bf16 v27, v28;
	v17 =	vld [tilespmem:s7+$0x20];
	v21 =	vmul.bf16 v25, v26;
	[tilespmem:s7+$0xF0] =	vst v5  }
0x13e: {  	v3 =	vbroadcast v3, $0x1;
	v13 =	vmul.bf16 v29, v13;
	[tilespmem:s7+$0x60] =	vst v9  }
0x13f: {  	v2 =	vmul.bf16 v2, v8;
	[tilespmem:s7+$0x40] =	vst v10  }
0x140: {  	v3 =	vpack.i.f32.bf16 v3, v3;
	[tilespmem:s7+$0xFFFFFFD0] =	vst v20  }
0x141: {  	v5 =	vmul.bf16 v14, v3;
	v3 =	vmul.bf16 v11, v3;
	v8 =	vld [tilespmem:s7+$0x50];
	[tilespmem:s7+$0xE0] =	vst v2  }
0x142: {  	[tilespmem:s7+$0xFFFFFFA0] =	vst v12;
	v9 =	vmul.bf16 v17, v26  }
0x143: {  	[tilespmem:s7+$0xB0] =	vst v23  }
0x144: {  	[tilespmem:s7+$0xFFFFFF30] =	vst v3  }
0x145: {  	[tilespmem:s7+$0xC0] =	vst v22  }
0x146: {  	[tilespmem:s7+$0xFFFFFF20] =	vst v5;
	v3 =	vmul.bf16 v8, v16  }
0x147: {  	[tilespmem:s7+$0x0] =	vst v7  }
0x148: {  	[tilespmem:s7+$0xA0] =	vst v15  }
0x149: {  	[tilespmem:s7+$0x30] =	vst v21  }
0x14a: {  	v11 =	vld [tilespmem:s11+$0xFFFFFFF0];
	[tilespmem:s7+$0xFFFFFF60] =	vst v18  }
0x14b: {  	v2 =	vld [tilespmem:s11+$0xE0];
	[tilespmem:s7+$0x20] =	vst v9  }
0x14c: {  	v5 =	vld [tilespmem:s11+$0xF0];
	[tilespmem:s7+$0x10] =	vst v13  }
0x14d: {  	v7 =	vld [tilespmem:s11+$0xFFFFFFC0];
	[tilespmem:s7+$0xFFFFFF90] =	vst v19  }
0x14e: {  	s12 =	sshra.s32 s12, $0x2;
	v10 =	vld [tilespmem:s11+$0xFFFFFFB0];
	[tilespmem:s7+$0x50] =	vst v3;
	s7 =	smov.u32 s11  }
0x14f: {  	v3 =	vld.idx.msk [tilespmem:v4+s12+$0x0 ss:$0x1], $0xffff  }
0x150: {  	v12 =	vld [tilespmem:s11+$0xFFFFFF50]  }
0x151: {  	v15 =	vld [tilespmem:s11+$0xFFFFFF10]  }
0x152: {  	v16 =	vld [tilespmem:s11+$0xFFFFFF40]  }
0x153: {  	v14 =	vld [tilespmem:s11+$0xFFFFFF00]  }
0x154: {  	v19 =	vld [tilespmem:s11+$0x80]  }
.Ltmp3:
0x155: {  	v8 =	vbroadcast v3, $0x0;
	v18 =	vbroadcast v3, $0xF;
	v13 =	vld [tilespmem:s11+$0xFFFFFFE0];
	(pc) =	sbr.rel @p0 .LBB2_9-.Ltmp3, $4  }
0x156: {  	v21 =	vbroadcast v3, $0x2;
	v23 =	vbroadcast v3, $0xC;
	v9 =	vld [tilespmem:s11+$0x60]  }
0x157: {  	v22 =	vbroadcast v3, $0xE;
	v20 =	vpack.i.f32.bf16 v8, v8;
	v8 =	vpack.i.f32.bf16 v18, v18;
	v17 =	vld [tilespmem:s11+$0x90]  }
0x158: {  	v18 =	vbroadcast v3, $0x3;
	v26 =	vmul.bf16 v14, v20;
	v14 =	vpack.i.f32.bf16 v21, v21;
	v21 =	vld [tilespmem:s11+$0xD0]  }
0x159: {  	v24 =	vbroadcast v3, $0xB;
	v23 =	vpack.i.f32.bf16 v23, v23;
	v25 =	vmul.bf16 v16, v14;
	v16 =	vld [tilespmem:s11+$0xFFFFFF70]  }
0x15a: {  	[tilespmem:s7+$0xFFFFFF00] =	vst v26;
	v19 =	vmul.bf16 v19, v23  }
0x15b: {  	v15 =	vmul.bf16 v15, v20;
	[tilespmem:s7+$0xFFFFFF40] =	vst v25  }
0x15c: {  	v12 =	vmul.bf16 v12, v14;
	[tilespmem:s7+$0x80] =	vst v19  }
0x15d: {  	v5 =	vmul.bf16 v5, v8;
	[tilespmem:s7+$0xFFFFFF10] =	vst v15  }
0x15e: {  	v2 =	vmul.bf16 v2, v8;
	v24 =	vpack.i.f32.bf16 v24, v24;
	[tilespmem:s7+$0xFFFFFF50] =	vst v12  }
0x15f: {  	v6 =	vmul.bf16 v6, v24;
	[tilespmem:s7+$0xF0] =	vst v5  }
0x160: {  	v4 =	vbroadcast v3, $0x7;
	v17 =	vmul.bf16 v17, v23;
	[tilespmem:s7+$0xE0] =	vst v2  }
0x161: {  	v22 =	vpack.i.f32.bf16 v22, v22;
	v32 =	vbroadcast v3, $0x5;
	v9 =	vmul.bf16 v9, v24;
	[tilespmem:s7+$0x70] =	vst v6  }
0x162: {  	v4 =	vpack.i.f32.bf16 v4, v4;
	v30 =	vmul.bf16 v21, v22;
	[tilespmem:s7+$0x90] =	vst v17  }
0x163: {  	v31 =	vld [tilespmem:s7+$0xFFFFFF80];
	v39 =	vbroadcast v3, $0x6;
	v15 =	vpack.i.f32.bf16 v32, v32;
	v11 =	vmul.bf16 v11, v4;
	[tilespmem:s7+$0x60] =	vst v9  }
0x164: {  	v33 =	vld [tilespmem:s7+$0xFFFFFFD0];
	v10 =	vmul.bf16 v10, v15;
	[tilespmem:s7+$0xD0] =	vst v30  }
0x165: {  	v35 =	vbroadcast v3, $0x4;
	v40 =	vld [tilespmem:s7+$0xFFFFFFA0];
	v45 =	vpack.i.f32.bf16 v39, v39;
	v4 =	vmul.bf16 v13, v4;
	[tilespmem:s7+$0xFFFFFFF0] =	vst v11  }
0x166: {  	v28 =	vld [tilespmem:s7+$0xB0];
	v41 =	vpack.i.f32.bf16 v18, v18;
	v7 =	vmul.bf16 v7, v45;
	[tilespmem:s7+$0xFFFFFFB0] =	vst v10  }
0x167: {  	v50 =	vld [tilespmem:s7+$0xFFFFFF30];
	v38 =	vpack.i.f32.bf16 v35, v35;
	v44 =	vmul.bf16 v16, v41;
	[tilespmem:s7+$0xFFFFFFE0] =	vst v4  }
0x168: {  	v29 =	vld [tilespmem:s7+$0xC0];
	v51 =	vbroadcast v3, $0xD;
	v43 =	vmul.bf16 v31, v38;
	[tilespmem:s7+$0xFFFFFFC0] =	vst v7  }
0x169: {  	v53 =	vld [tilespmem:s7+$0xFFFFFF20];
	v54 =	vbroadcast v3, $0x1;
	v16 =	vmul.bf16 v33, v45;
	[tilespmem:s7+$0xFFFFFF70] =	vst v44  }
0x16a: {  	v42 =	vld [tilespmem:s7+$0x0];
	v5 =	vpack.i.f32.bf16 v51, v51;
	v55 =	vmul.bf16 v40, v15;
	[tilespmem:s7+$0xFFFFFF80] =	vst v43  }
0x16b: {  	v56 =	vld [tilespmem:s7+$0xA0];
	v58 =	vpack.i.f32.bf16 v54, v54;
	v57 =	vmul.bf16 v28, v5;
	[tilespmem:s7+$0xFFFFFFD0] =	vst v16  }
0x16c: {  	v47 =	vld [tilespmem:s7+$0x30];
	v2 =	vbroadcast v3, $0x8;
	v11 =	vmul.bf16 v50, v58;
	[tilespmem:s7+$0xFFFFFFA0] =	vst v55  }
0x16d: {  	v37 =	vld [tilespmem:s7+$0xFFFFFF60];
	v46 =	vbroadcast v3, $0xA;
	v59 =	vmul.bf16 v29, v22;
	[tilespmem:s7+$0xB0] =	vst v57  }
0x16e: {  	v52 =	vld [tilespmem:s7+$0x20];
	v3 =	vbroadcast v3, $0x9;
	v2 =	vpack.i.f32.bf16 v2, v2;
	v9 =	vmul.bf16 v53, v58;
	[tilespmem:s7+$0xFFFFFF30] =	vst v11  }
0x16f: {  	v48 =	vld [tilespmem:s7+$0x10];
	v60 =	vmul.bf16 v42, v2;
	[tilespmem:s7+$0xC0] =	vst v59  }
0x170: {  	v36 =	vld [tilespmem:s7+$0xFFFFFF90];
	v3 =	vpack.i.f32.bf16 v3, v3;
	v5 =	vmul.bf16 v56, v5;
	[tilespmem:s7+$0xFFFFFF20] =	vst v9  }
0x171: {  	v34 =	vld [tilespmem:s7+$0x40];
	v61 =	vmul.bf16 v47, v3;
	[tilespmem:s7+$0x0] =	vst v60  }
0x172: {  	v62 =	vld [tilespmem:s7+$0x50];
	v6 =	vmul.bf16 v37, v41;
	[tilespmem:s7+$0xA0] =	vst v5  }
0x173: {  	v3 =	vmul.bf16 v52, v3;
	[tilespmem:s7+$0x30] =	vst v61  }
0x174: {  	v2 =	vmul.bf16 v48, v2;
	[tilespmem:s7+$0xFFFFFF60] =	vst v6  }
0x175: {  	v4 =	vpack.i.f32.bf16 v46, v46;
	v63 =	vmul.bf16 v36, v38;
	[tilespmem:s7+$0x20] =	vst v3  }
0x176: {  	v49 =	vmul.bf16 v34, v4;
	[tilespmem:s7+$0x10] =	vst v2  }
0x177: {  	v3 =	vmul.bf16 v62, v4;
	[tilespmem:s7+$0xFFFFFF90] =	vst v63  }
0x178: {  	[tilespmem:s7+$0x40] =	vst v49  }
0x179: {  	s6 =	sadd.s32 $0x9F20, s6;
	[tilespmem:s7+$0x50] =	vst v3  }
0x17a: {  	[spmem:s2] =	stream.indirect.scatter.add.bf16 [tilespmem:s29], [sflag:$0x3], $0x20, s6, s26, $0xb8;
	[tilespmem:$0x1C620] =	vst v63  }
0x17b: {  	s22 =	sadd.s32 $0x1, s22;
	_ =	swait.ge [sflag:s21], $0x1000  }
0x17c: {  	p0 =	sne.s32 s22, $0x51;
	[sflag:s21] =	ssyncset.done $0x0  }
.Ltmp4:
0x17d: {  	[sflag:s21] =	ssyncadd.s32 $0xFFFFF000;
	(pc) =	sbr.rel @p0 .LBB2_6-.Ltmp4, $4  }
0x17e: {  	[spmem:s3] =	stream.indirect.scatter.add.f32 [tilespmem:s8], [sflag:$0x3], $0x1, s6, s26, $0xb8;
	[tilespmem:$0x1C620] =	vst v63  }
0x17f: {  	_ =	swait.ge [sflag:s21], $0x80  }
0x180: {  	[sflag:s21] =	ssyncset.done $0x0  }
0x181: {  	s25 =	sadd.s32 $0x100, s25;
	s0 =	sadd.s32 $0x100, s0;
	[sflag:s21] =	ssyncadd.s32 $0xFFFFFF80  }
0x182: {  	s0 =	stileid.u32  }
0x183: {  	s0 =	sshll.u32 s0, $0x6  }
0x184: {  	[bflag:$0x0] =	sbarrier.arrive $0xFFFF;
	s6 =	sshrl.u32 s10, $0x3;
	s0 =	sor.u32 $0x1C03, s0  }
0x185: {  	[hbm:s17], [sflag:s0] =	dma.local [spmem:s6], $0xA00  }
0x186: {  	s1 =	sadd.s32 $0x1, s1;
	_ =	swait.ge [sflag:s21], $0xA00  }
0x187: {  	p0 =	sne.s32 s1, s19;
	[sflag:s21] =	ssyncset.done $0x0  }
.Ltmp5:
0x188: {  	s25 =	sshrl.u32 s15, $0x3;
	[sflag:s21] =	ssyncadd.s32 $0xFFFFF600;
	(pc) =	sbr.rel @p0 .LBB2_1-.Ltmp5, $4  }
0x189: {  	[hbm:s18], [sflag:s0] =	dma.local [spmem:s25], $0x50  }
0x18a: {  	_ =	swait.ge [sflag:s21], $0x50  }
0x18b: {  	[sflag:s21] =	ssyncset.done $0x0  }
0x18c: {  	s9 =	simm.s32 $0x4E20;
	[sflag:s21] =	ssyncadd.s32 $0xFFFFFFB0  }
0x18d: {  	_ =	sfence.sel $0x180000  }
0x18e: {  	[bflag:$0x0] =	sbarrier.arrive $0xFFFF  }
0x18f: {  	_ =	strace $0x90000047  }
0x190: {  	s0 =	stileid.u32;
	[bflag:$0x2] =	sbarrier.arrive $0xFFFF  }
0x191: {  	p0 =	sne.s32 s0, $0x0;
	s0 =	rddreg [dreg:$0x3]  }
0x192: {  	s0 =	sadd.s32 @!p0 $0x100000, s0  }
0x193: {  	[sflag:s0] =	ssyncadd.tile.s32 @!p0 $0x1;
	_ =	shalt  }
.Lfunc_end2:
_tile_overlayer_lowered:
.L_overlay_start_2:
0x194: {  	(tag) =	ssettag $0x2  }
0x195: {  	s0 =	rddreg [dreg:$0x0];
	s2 =	stileid.u32  }
0x196: {  	s1 =	rddreg [dreg:$0x1];
	p0 =	sne.s32 s2, $0x0  }
0x197: {  	s3 =	rddreg [dreg:$0x2];
	[bflag:$0x3] =	sbarrier.arrive $0xFFFF;
	s2 =	simm.s32 @!p0 $0x1C03  }
0x198: {  	[timem:s3], [sflag:s2] =	dma.local @!p0 [hbm:s0], s1  }
0x199: {  	s0 =	simm.s32 @!p0 $0x3  }
0x19a: {  	_ =	swait.ge @!p0 [sflag:s0], s1  }
0x19b: {  	s1 =	ssub.s32 @!p0 $0x0, s1;
	[sflag:s0] =	ssyncset.done @!p0 $0x0  }
0x19c: {  	[sflag:s0] =	ssyncadd.s32 @!p0 s1  }
0x19d: {  	[bflag:$0x3] =	sbarrier.arrive $0xFFFF  }
0x19e: {  	_ =	shalt  }

</sc_bundles>
